<compile_context>
chip_gen: v7x
topology: tpu7x:2x2x1
jax: 0.10.2.dev20260603
libtpu: 0.0.44.dev20260713+nightly
codegen_flags: <defaults>
</compile_context>

<pallas_src>
import functools

import jax
import jax.numpy as jnp
from jax import lax
from jax.experimental import pallas as pl
from jax.experimental.pallas import tpu as pltpu
from jax.experimental.pallas import tpu_sc as plsc

_NC = 2
_NS = 16
_L = 16

_N = 50000
_E = 800000
_H = 64
_HH = 32
_NPAD = 50048
_JUNK = 50000
_EPAD = 802816
_ER = 6272
_RPT = 392
_CH = 8
_NCHUNK = 49
_DEG_CH = 2048
_DEG_PT = 25088
_TB = 400


def _sc_mesh():
    return plsc.VectorSubcoreMesh(
        core_axis_name="c", subcore_axis_name="s",
        num_cores=_NC, num_subcores=_NS)


def _sc_deg_cnt(srcp, dstp, ni16):
    @functools.partial(
        pl.kernel,
        out_type=(
            jax.ShapeDtypeStruct((_NC * _NS * _NPAD,), jnp.float32),
            jax.ShapeDtypeStruct((_NC * _NS * _NPAD,), jnp.float32),
        ),
        mesh=_sc_mesh(),
        compiler_params=pltpu.CompilerParams(needs_layout_passes=False),
        scratch_types=[
            pltpu.VMEM((_NPAD,), jnp.float32),
            pltpu.VMEM((_NPAD,), jnp.float32),
            pltpu.VMEM((_DEG_CH,), jnp.int32),
            pltpu.VMEM((_DEG_CH,), jnp.int32),
            pltpu.VMEM((_L,), jnp.int32),
        ],
    )
    def k(src_h, dst_h, ni_h, deg_o, cnt_o, degp, cntp, sbuf, dbuf, nibuf):
        c = lax.axis_index("c")
        s = lax.axis_index("s")
        t = c * _NS + s
        pltpu.sync_copy(ni_h, nibuf)
        niv = nibuf[...]
        zeros = jnp.zeros((_L,), jnp.float32)
        ones = jnp.ones((_L,), jnp.float32)

        def zero_body(i, _):
            degp[pl.ds(i * _L, _L)] = zeros
            cntp[pl.ds(i * _L, _L)] = zeros
            return 0
        lax.fori_loop(0, _NPAD // _L, zero_body, 0)

        ebase = t * _DEG_PT

        def accum(nvec):
            def body(j, _):
                sv = sbuf[pl.ds(j * _L, _L)]
                dv = dbuf[pl.ds(j * _L, _L)]
                plsc.addupdate_scatter(degp, [dv], ones)
                cv = jnp.where(dv == niv, 1.0, 0.0).astype(jnp.float32)
                plsc.addupdate_scatter(cntp, [sv], cv)
                return 0
            lax.fori_loop(0, nvec, body, 0)

        nfull = _DEG_PT // _DEG_CH
        tail = _DEG_PT - nfull * _DEG_CH

        def chunk(kk, _):
            off = ebase + kk * _DEG_CH
            pltpu.sync_copy(src_h.at[pl.ds(off, _DEG_CH)], sbuf)
            pltpu.sync_copy(dst_h.at[pl.ds(off, _DEG_CH)], dbuf)
            accum(_DEG_CH // _L)
            return 0
        lax.fori_loop(0, nfull, chunk, 0)

        off = ebase + nfull * _DEG_CH
        pltpu.sync_copy(src_h.at[pl.ds(off, tail)], sbuf.at[pl.ds(0, tail)])
        pltpu.sync_copy(dst_h.at[pl.ds(off, tail)], dbuf.at[pl.ds(0, tail)])
        accum(tail // _L)

        pltpu.sync_copy(degp, deg_o.at[pl.ds(t * _NPAD, _NPAD)])
        pltpu.sync_copy(cntp, cnt_o.at[pl.ds(t * _NPAD, _NPAD)])

    return k(srcp, dstp, ni16)


def _sc_aggregate(src2, dst2, xs_lo, xs_hi):
    @functools.partial(
        pl.kernel,
        out_type=jax.ShapeDtypeStruct((_NC, _NPAD, _HH), jnp.float32),
        mesh=_sc_mesh(),
        compiler_params=pltpu.CompilerParams(use_tc_tiling_on_sc=False),
        scratch_types=[
            pltpu.VMEM((_CH, 128), jnp.int32),
            pltpu.VMEM((_CH, 128), jnp.int32),
            pltpu.VMEM((4, 128, _HH), jnp.float32),
            pltpu.VMEM_SHARED((_NPAD, _HH), jnp.float32),
            pltpu.SemaphoreType.DMA,
            pltpu.SemaphoreType.DMA,
        ],
    )
    def k(src_h, dst_h, xlo_h, xhi_h, out_h,
          sidx, didx, rows, acc, gsem, ssem):
        c = lax.axis_index("c")
        s = lax.axis_index("s")

        zeros = jnp.zeros((_L,), jnp.float32)
        for g in range(4):
            def zb(i, _):
                rows[g, i, pl.ds(0, _L)] = zeros
                rows[g, i, pl.ds(_L, _L)] = zeros
                return 0
            lax.fori_loop(0, 128, zb, 0)
        zrow = s * (_NPAD // _NS)

        def za(i, _):
            pltpu.sync_copy(rows.at[0], acc.at[pl.ds(zrow + i * 128, 128)])
            return 0
        lax.fori_loop(0, 24, za, 0)
        pltpu.sync_copy(rows.at[0].at[pl.ds(0, 56)],
                        acc.at[pl.ds(zrow + 3072, 56)])
        plsc.subcore_barrier()

        def edge_pass(xs_ref):
            rbase = s * _RPT

            def half(lo):
                def fg(g, _):
                    pltpu.async_copy(
                        xs_ref.at[sidx.at[lo + g]], rows.at[g], gsem)
                    return 0
                lax.fori_loop(0, 4, fg, 0)

                def dg(g, _):
                    pltpu.make_async_copy(
                        xs_ref.at[sidx.at[lo + g]], rows.at[g], gsem).wait()
                    return 0
                lax.fori_loop(0, 4, dg, 0)

                def fs(g, _):
                    pltpu.async_copy(
                        rows.at[g], acc.at[didx.at[lo + g]], ssem, add=True)
                    return 0
                lax.fori_loop(0, 4, fs, 0)

                def dr(g, _):
                    pltpu.make_async_copy(
                        rows.at[g], acc.at[didx.at[lo + g]], ssem).wait()
                    return 0
                lax.fori_loop(0, 4, dr, 0)

            def chunk(kk, _):
                off = rbase + kk * _CH
                pltpu.sync_copy(src_h.at[pl.ds(off, _CH)], sidx)
                pltpu.sync_copy(dst_h.at[pl.ds(off, _CH)], didx)
                half(0)
                half(4)
                return 0

            lax.fori_loop(0, _NCHUNK, chunk, 0)

        @pl.when(c == 0)
        def _():
            edge_pass(xlo_h)

        @pl.when(c == 1)
        def _():
            edge_pass(xhi_h)

        plsc.subcore_barrier()

        wrow = s * (_NPAD // _NS)

        @pl.when(c == 0)
        def _():
            pltpu.sync_copy(acc.at[pl.ds(wrow, _NPAD // _NS)],
                            out_h.at[0].at[pl.ds(wrow, _NPAD // _NS)])

        @pl.when(c == 1)
        def _():
            pltpu.sync_copy(acc.at[pl.ds(wrow, _NPAD // _NS)],
                            out_h.at[1].at[pl.ds(wrow, _NPAD // _NS)])

    return k(src2, dst2, xs_lo, xs_hi)


def _tc1(deg_pt, cnt_pt, xp, w1p):
    def body(deg_r, cnt_r, x_r, w_r, dinv_r, ap_r, lo_r, hi_r):
        deg = jnp.sum(deg_r[...], axis=1, keepdims=True) + 1.0
        dinv2 = lax.rsqrt(jnp.maximum(deg, 1.0))
        cnt = jnp.sum(cnt_r[...], axis=1, keepdims=True)
        dinv_r[...] = dinv2
        ap_r[...] = cnt * dinv2
        xw = jnp.dot(x_r[...], w_r[...], preferred_element_type=jnp.float32)
        xs = xw * dinv2
        lo_r[...] = xs[:, :_HH]
        hi_r[...] = xs[:, _HH:]

    grid = _N // _TB
    return pl.pallas_call(
        body,
        grid=(grid,),
        in_specs=[
            pl.BlockSpec((_TB, _NC * _NS), lambda i: (i, 0)),
            pl.BlockSpec((_TB, _NC * _NS), lambda i: (i, 0)),
            pl.BlockSpec((_TB, 128), lambda i: (i, 0)),
            pl.BlockSpec((128, _H), lambda i: (0, 0)),
        ],
        out_specs=[
            pl.BlockSpec((_TB, 1), lambda i: (i, 0)),
            pl.BlockSpec((_TB, 1), lambda i: (i, 0)),
            pl.BlockSpec((_TB, _HH), lambda i: (i, 0)),
            pl.BlockSpec((_TB, _HH), lambda i: (i, 0)),
        ],
        out_shape=(
            jax.ShapeDtypeStruct((_N, 1), jnp.float32),
            jax.ShapeDtypeStruct((_N, 1), jnp.float32),
            jax.ShapeDtypeStruct((_N, _HH), jnp.float32),
            jax.ShapeDtypeStruct((_N, _HH), jnp.float32),
        ),
    )(deg_pt, cnt_pt, xp, w1p)


def _tc2(agg1, xs_lo, xs_hi, dinv, w2, b1):
    def body(a_r, lo_r, hi_r, dinv_r, w_r, b_r, olo_r, ohi_r):
        t = jnp.concatenate([a_r[0] + lo_r[...], a_r[1] + hi_r[...]], axis=1)
        dinv2 = dinv_r[...]
        h1 = jnp.maximum(dinv2 * t + b_r[...], 0.0)
        y2 = jnp.dot(h1, w_r[...], preferred_element_type=jnp.float32)
        y2s = dinv2 * y2
        olo_r[...] = y2s[:, :_HH]
        ohi_r[...] = y2s[:, _HH:]

    grid = _N // _TB
    return pl.pallas_call(
        body,
        grid=(grid,),
        in_specs=[
            pl.BlockSpec((_NC, _TB, _HH), lambda i: (0, i, 0)),
            pl.BlockSpec((_TB, _HH), lambda i: (i, 0)),
            pl.BlockSpec((_TB, _HH), lambda i: (i, 0)),
            pl.BlockSpec((_TB, 1), lambda i: (i, 0)),
            pl.BlockSpec((_H, _H), lambda i: (0, 0)),
            pl.BlockSpec((1, _H), lambda i: (0, 0)),
        ],
        out_specs=[
            pl.BlockSpec((_TB, _HH), lambda i: (i, 0)),
            pl.BlockSpec((_TB, _HH), lambda i: (i, 0)),
        ],
        out_shape=(
            jax.ShapeDtypeStruct((_N, _HH), jnp.float32),
            jax.ShapeDtypeStruct((_N, _HH), jnp.float32),
        ),
    )(agg1, xs_lo, xs_hi, dinv, w2, b1)


def _tc3(agg2, y2s_lo, y2s_hi, dinv, ap, ni_arr, b2, w3, b3, wp, bp, wh, bh):
    grid = _N // _TB

    def body(ni_r, a_r, lo_r, hi_r, dinv_r, ap_r, b2_r, w3_r, b3_r,
             wp_r, bp_r, wh_r, bh_r, out_r, s1_acc, hni_acc, dni_acc):
        i = pl.program_id(0)

        @pl.when(i == 0)
        def _():
            s1_acc[...] = jnp.zeros_like(s1_acc)
            hni_acc[...] = jnp.zeros_like(hni_acc)
            dni_acc[...] = jnp.zeros_like(dni_acc)

        t = jnp.concatenate([a_r[0] + lo_r[...], a_r[1] + hi_r[...]], axis=1)
        dinv2 = dinv_r[...]
        h2 = jnp.maximum(dinv2 * t + b2_r[...], 0.0)
        s1_acc[...] += jnp.sum(ap_r[...] * h2, axis=0, keepdims=True)

        ni = ni_r[0]
        rows = i * _TB + lax.broadcasted_iota(jnp.int32, (_TB, 1), 0)
        msel = rows == ni
        dni_acc[...] += jnp.sum(jnp.where(msel, dinv2, 0.0),
                                axis=0, keepdims=True)
        hni_acc[...] += jnp.sum(jnp.where(msel, h2, 0.0),
                                axis=0, keepdims=True)

        @pl.when(i == grid - 1)
        def _():
            dni = dni_acc[0, 0]
            u = dni * (s1_acc[...] + dni * hni_acc[...])
            u8 = jnp.broadcast_to(u, (8, _H))
            h3 = jnp.maximum(
                jnp.dot(u8, w3_r[...], preferred_element_type=jnp.float32)
                + b3_r[...], 0.0)
            nd = jnp.maximum(
                jnp.dot(h3, wp_r[...], preferred_element_type=jnp.float32)
                + bp_r[...], 0.0)
            out_r[...] = (jnp.dot(nd, wh_r[...],
                                  preferred_element_type=jnp.float32)
                          + bh_r[...])

    return pl.pallas_call(
        body,
        grid=(grid,),
        in_specs=[
            pl.BlockSpec(memory_space=pltpu.SMEM),
            pl.BlockSpec((_NC, _TB, _HH), lambda i: (0, i, 0)),
            pl.BlockSpec((_TB, _HH), lambda i: (i, 0)),
            pl.BlockSpec((_TB, _HH), lambda i: (i, 0)),
            pl.BlockSpec((_TB, 1), lambda i: (i, 0)),
            pl.BlockSpec((_TB, 1), lambda i: (i, 0)),
            pl.BlockSpec((1, _H), lambda i: (0, 0)),
            pl.BlockSpec((_H, _H), lambda i: (0, 0)),
            pl.BlockSpec((1, _H), lambda i: (0, 0)),
            pl.BlockSpec((_H, _H), lambda i: (0, 0)),
            pl.BlockSpec((1, _H), lambda i: (0, 0)),
            pl.BlockSpec((_H, 128), lambda i: (0, 0)),
            pl.BlockSpec((1, 128), lambda i: (0, 0)),
        ],
        out_specs=pl.BlockSpec((8, 128), lambda i: (0, 0)),
        out_shape=jax.ShapeDtypeStruct((8, 128), jnp.float32),
        scratch_shapes=[
            pltpu.VMEM((1, _H), jnp.float32),
            pltpu.VMEM((1, _H), jnp.float32),
            pltpu.VMEM((1, 1), jnp.float32),
        ],
    )(ni_arr, agg2, y2s_lo, y2s_hi, dinv, ap, b2, w3, b3, wp, bp, wh, bh)


def kernel(x, edge_index, node_index, W1, b1, W2, b2, W3, b3,
           Wp, bp, Wa, ba, Wm, bm, Wg, bg, Wt, bt):
    ni = jnp.asarray(node_index, jnp.int32)

    ei = edge_index.astype(jnp.int32)
    src = jnp.concatenate(
        [ei[0], jnp.zeros((_EPAD - _E,), jnp.int32)])
    dst = jnp.concatenate(
        [ei[1], jnp.full((_EPAD - _E,), _JUNK, jnp.int32)])
    src2 = src.reshape(_ER, 128)
    dst2 = dst.reshape(_ER, 128)
    ni16 = jnp.full((_L,), ni, jnp.int32)

    deg_p, cnt_p = _sc_deg_cnt(src, dst, ni16)

    xp = jnp.pad(x, ((0, 0), (0, 128 - x.shape[1])))
    w1p = jnp.pad(W1, ((0, 128 - W1.shape[0]), (0, 0)))
    dinv, ap, xs_lo, xs_hi = _tc1(deg_p.reshape(_NC * _NS, _NPAD).T,
                                  cnt_p.reshape(_NC * _NS, _NPAD).T, xp, w1p)

    agg1 = _sc_aggregate(src2, dst2, xs_lo, xs_hi)
    y2s_lo, y2s_hi = _tc2(agg1, xs_lo, xs_hi, dinv, W2, b1.reshape(1, _H))

    agg2 = _sc_aggregate(src2, dst2, y2s_lo, y2s_hi)

    wh = jnp.pad(jnp.concatenate([Wa, Wm, Wg, Wt], axis=1),
                 ((0, 0), (0, 128 - 31)))
    bh = jnp.pad(jnp.concatenate([ba, bm, bg, bt]), (0, 128 - 31))
    out = _tc3(agg2, y2s_lo, y2s_hi, dinv, ap, ni.reshape(1),
               b2.reshape(1, _H), W3, b3.reshape(1, _H),
               Wp, bp.reshape(1, _H), wh, bh.reshape(1, 128))

    o = out[0]
    return (o[:6], o[6:8], o[8:11], o[11:31])

# --- scband reference (transcript-rebuilt; emitter-appended) ---
"""Pipeline reference for scband-hunter-model-12927851561511 (READ-ONLY COPY).

The authoritative reference and input builder live on the scoring server;
editing this copy changes nothing except your own understanding.
"""

import jax, jax.numpy as jnp
import numpy as np

N = 50000
E = 800000
IN = 4
H = 64
N_ACTION = 6
N_TARGET = 20


def _gcn_conv(x, edge_index, W, b):
    n = x.shape[0]
    loop = jnp.arange(n, dtype=edge_index.dtype)
    src = jnp.concatenate([edge_index[0], loop])
    dst = jnp.concatenate([edge_index[1], loop])
    deg = jnp.zeros((n,), dtype=x.dtype).at[dst].add(1.0)
    dinv = jax.lax.rsqrt(jnp.maximum(deg, 1.0))
    xw = x @ W
    norm = (dinv[src] * dinv[dst])[:, None]
    msg = jnp.take(xw, src, axis=0) * norm
    out = jnp.zeros((n, W.shape[1]), dtype=x.dtype).at[dst].add(msg)
    return out + b


def setup_inputs(seed: int = 0) -> dict:
    key = jax.random.key(seed)
    ks = jax.random.split(key, 20)
    x = jax.random.normal(ks[0], (N, IN), dtype=jnp.float32)
    edge_index = jax.random.randint(ks[1], (2, E), 0, N, dtype=jnp.int32).astype(jnp.int64)
    s = 0.1
    W1 = jax.random.normal(ks[2], (IN, H), dtype=jnp.float32) * s
    b1 = jnp.zeros((H,), dtype=jnp.float32)
    W2 = jax.random.normal(ks[3], (H, H), dtype=jnp.float32) * s
    b2 = jnp.zeros((H,), dtype=jnp.float32)
    W3 = jax.random.normal(ks[4], (H, H), dtype=jnp.float32) * s
    b3 = jnp.zeros((H,), dtype=jnp.float32)
    Wp = jax.random.normal(ks[5], (H, H), dtype=jnp.float32) * s
    bp = jnp.zeros((H,), dtype=jnp.float32)
    Wa = jax.random.normal(ks[6], (H, N_ACTION), dtype=jnp.float32) * s
    ba = jnp.zeros((N_ACTION,), dtype=jnp.float32)
    Wm = jax.random.normal(ks[7], (H, 2), dtype=jnp.float32) * s
    bm = jnp.zeros((2,), dtype=jnp.float32)
    Wg = jax.random.normal(ks[8], (H, 3), dtype=jnp.float32) * s
    bg = jnp.zeros((3,), dtype=jnp.float32)
    Wt = jax.random.normal(ks[9], (H, N_TARGET), dtype=jnp.float32) * s
    bt = jnp.zeros((N_TARGET,), dtype=jnp.float32)
    return {"x": x, "edge_index": edge_index, "node_index": 0,
            "W1": W1, "b1": b1, "W2": W2, "b2": b2, "W3": W3, "b3": b3,
            "Wp": Wp, "bp": bp, "Wa": Wa, "ba": ba, "Wm": Wm, "bm": bm,
            "Wg": Wg, "bg": bg, "Wt": Wt, "bt": bt}


def reference(x, edge_index, node_index, W1, b1, W2, b2, W3, b3, Wp, bp, Wa, ba, Wm, bm, Wg, bg, Wt, bt):
    h = jax.nn.relu(_gcn_conv(x, edge_index, W1, b1))
    h = jax.nn.relu(_gcn_conv(h, edge_index, W2, b2))
    h = jax.nn.relu(_gcn_conv(h, edge_index, W3, b3))
    node = jax.nn.relu(h[node_index] @ Wp + bp)
    return (node @ Wa + ba, node @ Wm + bm, node @ Wg + bg, node @ Wt + bt)

if __name__ == "__main__":
    import jax
    _d = setup_inputs()
    print(jax.jit(kernel)(*tuple(_d.values())))

</pallas_src>

<mosaic_0001>
#map = affine_map<(d0, d1) -> (0, 0)>
#map1 = affine_map<(d0, d1) -> (0, 0, 0)>
module attributes {stable_mosaic.version = 14 : i64} {
  func.func @k(%arg0: i32, %arg1: i32, %arg2: memref<6272x128xi32, #tpu.memory_space<hbm>>, %arg3: memref<6272x128xi32, #tpu.memory_space<hbm>>, %arg4: memref<50000x32xf32, #tpu.memory_space<hbm>>, %arg5: memref<50000x32xf32, #tpu.memory_space<hbm>>, %arg6: memref<2x50048x32xf32, #tpu.memory_space<hbm>>, %arg7: memref<8x128xi32, #tpu.memory_space<vmem>>, %arg8: memref<8x128xi32, #tpu.memory_space<vmem>>, %arg9: memref<4x128x32xf32, #tpu.memory_space<vmem>>, %arg10: memref<50048x32xf32, #tpu.memory_space<vmem_shared>>, %arg11: memref<!tpu.dma_semaphore, #tpu.memory_space<semaphore_mem>>, %arg12: memref<!tpu.dma_semaphore, #tpu.memory_space<semaphore_mem>>) attributes {dimension_semantics = [#tpu.dimension_semantics<core_parallel>, #tpu.dimension_semantics<subcore_parallel>], iteration_bounds = array<i64: 2, 16>, scalar_prefetch = 0 : i64, scratch_operands = 6 : i64, tpu.core_type = #tpu.core_type<sc_vector_subcore>, window_params = [{transform_indices = #map}, {transform_indices = #map}, {transform_indices = #map}, {transform_indices = #map}, {transform_indices = #map1}]} {
    %broadcast_in_dim3A = arith.constant 0.000000e+00 : f32
    %broadcast_in_dim3A_0 = vector.broadcast %broadcast_in_dim3A : f32 to vector<16xf32>
    %scan3A = arith.constant 0 : i32
    %scan3A_1 = arith.constant 0 : i32
    %scan3A_2 = arith.constant 128 : i32
    %scan3A_3 = arith.addi %scan3A_1, %scan3A_2 : i32
    %scan3A_4 = arith.constant 1 : i32
    %scan3A_5 = scf.for %scan3A_57 = %scan3A_1 to %scan3A_3 step %scan3A_4 iter_args(%scan3A_58 = %scan3A) -> (i32)  : i32 {
      %swap3A = arith.constant 0 : i32
      %swap3A_59 = arith.index_cast %swap3A : i32 to index
      %swap3A_60 = arith.index_cast %scan3A_57 : i32 to index
      %swap3A_61 = arith.constant 0 : index
      %swap3A_62 = tpu.vector_load %arg9[%swap3A_59, %swap3A_60, %swap3A_61] {strides = array<i32>} : memref<4x128x32xf32, #tpu.memory_space<vmem>>, vector<1x1x16xf32>,
      %swap3A_63 = vector.shape_cast %swap3A_62 : vector<1x1x16xf32> to vector<16xf32>
      %swap3A_64 = vector.shape_cast %broadcast_in_dim3A_0 : vector<16xf32> to vector<1x1x16xf32>
      tpu.vector_store %arg9[%swap3A_59, %swap3A_60, %swap3A_61], %swap3A_64 {strides = array<i32>} : memref<4x128x32xf32, #tpu.memory_space<vmem>>, vector<1x1x16xf32>,
      %swap3A_65 = arith.constant 0 : i32
      %swap3A_66 = arith.index_cast %swap3A_65 : i32 to index
      %swap3A_67 = arith.index_cast %scan3A_57 : i32 to index
      %swap3A_68 = arith.constant 16 : index
      %swap3A_69 = tpu.vector_load %arg9[%swap3A_66, %swap3A_67, %swap3A_68] {strides = array<i32>} : memref<4x128x32xf32, #tpu.memory_space<vmem>>, vector<1x1x16xf32>,
      %swap3A_70 = vector.shape_cast %swap3A_69 : vector<1x1x16xf32> to vector<16xf32>
      %swap3A_71 = vector.shape_cast %broadcast_in_dim3A_0 : vector<16xf32> to vector<1x1x16xf32>
      tpu.vector_store %arg9[%swap3A_66, %swap3A_67, %swap3A_68], %swap3A_71 {strides = array<i32>} : memref<4x128x32xf32, #tpu.memory_space<vmem>>, vector<1x1x16xf32>,
      %scan3A_72 = arith.constant 0 : i32
      scf.yield %scan3A_72 : i32
    }
    %scan3A_6 = arith.constant 128 : i32
    %scan3A_7 = arith.constant 0 : i32
    %scan3A_8 = arith.constant 0 : i32
    %scan3A_9 = arith.constant 128 : i32
    %scan3A_10 = arith.addi %scan3A_8, %scan3A_9 : i32
    %scan3A_11 = arith.constant 1 : i32
    %scan3A_12 = scf.for %scan3A_57 = %scan3A_8 to %scan3A_10 step %scan3A_11 iter_args(%scan3A_58 = %scan3A_7) -> (i32)  : i32 {
      %swap3A = arith.constant 1 : i32
      %swap3A_59 = arith.index_cast %swap3A : i32 to index
      %swap3A_60 = arith.index_cast %scan3A_57 : i32 to index
      %swap3A_61 = arith.constant 0 : index
      %swap3A_62 = tpu.vector_load %arg9[%swap3A_59, %swap3A_60, %swap3A_61] {strides = array<i32>} : memref<4x128x32xf32, #tpu.memory_space<vmem>>, vector<1x1x16xf32>,
      %swap3A_63 = vector.shape_cast %swap3A_62 : vector<1x1x16xf32> to vector<16xf32>
      %swap3A_64 = vector.shape_cast %broadcast_in_dim3A_0 : vector<16xf32> to vector<1x1x16xf32>
      tpu.vector_store %arg9[%swap3A_59, %swap3A_60, %swap3A_61], %swap3A_64 {strides = array<i32>} : memref<4x128x32xf32, #tpu.memory_space<vmem>>, vector<1x1x16xf32>,
      %swap3A_65 = arith.constant 1 : i32
      %swap3A_66 = arith.index_cast %swap3A_65 : i32 to index
      %swap3A_67 = arith.index_cast %scan3A_57 : i32 to index
      %swap3A_68 = arith.constant 16 : index
      %swap3A_69 = tpu.vector_load %arg9[%swap3A_66, %swap3A_67, %swap3A_68] {strides = array<i32>} : memref<4x128x32xf32, #tpu.memory_space<vmem>>, vector<1x1x16xf32>,
      %swap3A_70 = vector.shape_cast %swap3A_69 : vector<1x1x16xf32> to vector<16xf32>
      %swap3A_71 = vector.shape_cast %broadcast_in_dim3A_0 : vector<16xf32> to vector<1x1x16xf32>
      tpu.vector_store %arg9[%swap3A_66, %swap3A_67, %swap3A_68], %swap3A_71 {strides = array<i32>} : memref<4x128x32xf32, #tpu.memory_space<vmem>>, vector<1x1x16xf32>,
      %scan3A_72 = arith.constant 0 : i32
      scf.yield %scan3A_72 : i32
    }
    %scan3A_13 = arith.constant 128 : i32
    %scan3A_14 = arith.constant 0 : i32
    %scan3A_15 = arith.constant 0 : i32
    %scan3A_16 = arith.constant 128 : i32
    %scan3A_17 = arith.addi %scan3A_15, %scan3A_16 : i32
    %scan3A_18 = arith.constant 1 : i32
    %scan3A_19 = scf.for %scan3A_57 = %scan3A_15 to %scan3A_17 step %scan3A_18 iter_args(%scan3A_58 = %scan3A_14) -> (i32)  : i32 {
      %swap3A = arith.constant 2 : i32
      %swap3A_59 = arith.index_cast %swap3A : i32 to index
      %swap3A_60 = arith.index_cast %scan3A_57 : i32 to index
      %swap3A_61 = arith.constant 0 : index
      %swap3A_62 = tpu.vector_load %arg9[%swap3A_59, %swap3A_60, %swap3A_61] {strides = array<i32>} : memref<4x128x32xf32, #tpu.memory_space<vmem>>, vector<1x1x16xf32>,
      %swap3A_63 = vector.shape_cast %swap3A_62 : vector<1x1x16xf32> to vector<16xf32>
      %swap3A_64 = vector.shape_cast %broadcast_in_dim3A_0 : vector<16xf32> to vector<1x1x16xf32>
      tpu.vector_store %arg9[%swap3A_59, %swap3A_60, %swap3A_61], %swap3A_64 {strides = array<i32>} : memref<4x128x32xf32, #tpu.memory_space<vmem>>, vector<1x1x16xf32>,
      %swap3A_65 = arith.constant 2 : i32
      %swap3A_66 = arith.index_cast %swap3A_65 : i32 to index
      %swap3A_67 = arith.index_cast %scan3A_57 : i32 to index
      %swap3A_68 = arith.constant 16 : index
      %swap3A_69 = tpu.vector_load %arg9[%swap3A_66, %swap3A_67, %swap3A_68] {strides = array<i32>} : memref<4x128x32xf32, #tpu.memory_space<vmem>>, vector<1x1x16xf32>,
      %swap3A_70 = vector.shape_cast %swap3A_69 : vector<1x1x16xf32> to vector<16xf32>
      %swap3A_71 = vector.shape_cast %broadcast_in_dim3A_0 : vector<16xf32> to vector<1x1x16xf32>
      tpu.vector_store %arg9[%swap3A_66, %swap3A_67, %swap3A_68], %swap3A_71 {strides = array<i32>} : memref<4x128x32xf32, #tpu.memory_space<vmem>>, vector<1x1x16xf32>,
      %scan3A_72 = arith.constant 0 : i32
      scf.yield %scan3A_72 : i32
    }
    %scan3A_20 = arith.constant 128 : i32
    %scan3A_21 = arith.constant 0 : i32
    %scan3A_22 = arith.constant 0 : i32
    %scan3A_23 = arith.constant 128 : i32
    %scan3A_24 = arith.addi %scan3A_22, %scan3A_23 : i32
    %scan3A_25 = arith.constant 1 : i32
    %scan3A_26 = scf.for %scan3A_57 = %scan3A_22 to %scan3A_24 step %scan3A_25 iter_args(%scan3A_58 = %scan3A_21) -> (i32)  : i32 {
      %swap3A = arith.constant 3 : i32
      %swap3A_59 = arith.index_cast %swap3A : i32 to index
      %swap3A_60 = arith.index_cast %scan3A_57 : i32 to index
      %swap3A_61 = arith.constant 0 : index
      %swap3A_62 = tpu.vector_load %arg9[%swap3A_59, %swap3A_60, %swap3A_61] {strides = array<i32>} : memref<4x128x32xf32, #tpu.memory_space<vmem>>, vector<1x1x16xf32>,
      %swap3A_63 = vector.shape_cast %swap3A_62 : vector<1x1x16xf32> to vector<16xf32>
      %swap3A_64 = vector.shape_cast %broadcast_in_dim3A_0 : vector<16xf32> to vector<1x1x16xf32>
      tpu.vector_store %arg9[%swap3A_59, %swap3A_60, %swap3A_61], %swap3A_64 {strides = array<i32>} : memref<4x128x32xf32, #tpu.memory_space<vmem>>, vector<1x1x16xf32>,
      %swap3A_65 = arith.constant 3 : i32
      %swap3A_66 = arith.index_cast %swap3A_65 : i32 to index
      %swap3A_67 = arith.index_cast %scan3A_57 : i32 to index
      %swap3A_68 = arith.constant 16 : index
      %swap3A_69 = tpu.vector_load %arg9[%swap3A_66, %swap3A_67, %swap3A_68] {strides = array<i32>} : memref<4x128x32xf32, #tpu.memory_space<vmem>>, vector<1x1x16xf32>,
      %swap3A_70 = vector.shape_cast %swap3A_69 : vector<1x1x16xf32> to vector<16xf32>
      %swap3A_71 = vector.shape_cast %broadcast_in_dim3A_0 : vector<16xf32> to vector<1x1x16xf32>
      tpu.vector_store %arg9[%swap3A_66, %swap3A_67, %swap3A_68], %swap3A_71 {strides = array<i32>} : memref<4x128x32xf32, #tpu.memory_space<vmem>>, vector<1x1x16xf32>,
      %scan3A_72 = arith.constant 0 : i32
      scf.yield %scan3A_72 : i32
    }
    %scan3A_27 = arith.constant 128 : i32
    %mul3A = arith.constant 3128 : i32
    %mul3A_28 = arith.muli %arg1, %mul3A : i32
    %scan3A_29 = arith.constant 0 : i32
    %scan3A_30 = arith.constant 0 : i32
    %scan3A_31 = arith.constant 24 : i32
    %scan3A_32 = arith.addi %scan3A_30, %scan3A_31 : i32
    %scan3A_33 = arith.constant 1 : i32
    %scan3A_34 = scf.for %scan3A_57 = %scan3A_30 to %scan3A_32 step %scan3A_33 iter_args(%scan3A_58 = %scan3A_29) -> (i32)  : i32 {
      %mul3A_59 = arith.constant 128 : i32
      %mul3A_60 = arith.muli %scan3A_57, %mul3A_59 : i32
      %add3A_61 = arith.addi %mul3A_28, %mul3A_60 : i32
      %run_scoped3A_62 = arith.constant 0 : i32
      "tpu.region"() ({
        %run_scoped3A_64 = tpu.sem_alloc : memref<!tpu.dma_semaphore, #tpu.memory_space<semaphore_mem>>
        %dma_start3A = arith.constant 0 : i32
        %dma_start3A_65 = arith.constant 0 : i32
        %dma_start3A_66 = tpu.memref_slice %arg9[%run_scoped3A_62, %dma_start3A, %dma_start3A_65] : memref<4x128x32xf32, #tpu.memory_space<vmem>> -> memref<1x128x32xf32, #tpu.memory_space<vmem>>
        %dma_start3A_67 = tpu.memref_squeeze %dma_start3A_66 : memref<1x128x32xf32, #tpu.memory_space<vmem>> -> memref<128x32xf32, #tpu.memory_space<vmem>>
        %dma_start3A_68 = arith.constant 0 : i32
        %dma_start3A_69 = tpu.memref_slice %arg10[%add3A_61, %dma_start3A_68] : memref<50048x32xf32, #tpu.memory_space<vmem_shared>> -> memref<128x32xf32, #tpu.memory_space<vmem_shared>>
        %dma_start3A_70 = arith.constant 0 : i32
        %dma_start3A_71 = tpu.memref_slice %arg10[%add3A_61, %dma_start3A_70] : memref<50048x32xf32, #tpu.memory_space<vmem_shared>> -> memref<128x32xf32, #tpu.memory_space<vmem_shared>>
        %dma_start3A_72 = arith.constant 0 : i32
        %dma_start3A_73 = arith.constant 0 : i32
        %dma_start3A_74 = tpu.memref_slice %arg9[%run_scoped3A_62, %dma_start3A_72, %dma_start3A_73] : memref<4x128x32xf32, #tpu.memory_space<vmem>> -> memref<1x128x32xf32, #tpu.memory_space<vmem>>
        %dma_start3A_75 = tpu.memref_squeeze %dma_start3A_74 : memref<1x128x32xf32, #tpu.memory_space<vmem>> -> memref<128x32xf32, #tpu.memory_space<vmem>>
        tpu.enqueue_dma source(%dma_start3A_75 : memref<128x32xf32, #tpu.memory_space<vmem>>) target(%dma_start3A_71 : memref<128x32xf32, #tpu.memory_space<vmem_shared>>) target_semaphore(%run_scoped3A_64 : memref<!tpu.dma_semaphore, #tpu.memory_space<semaphore_mem>>)
        %dma_wait3A = arith.constant 0 : i32
        %dma_wait3A_76 = arith.constant 0 : i32
        %dma_wait3A_77 = tpu.memref_slice %arg9[%run_scoped3A_62, %dma_wait3A, %dma_wait3A_76] : memref<4x128x32xf32, #tpu.memory_space<vmem>> -> memref<1x128x32xf32, #tpu.memory_space<vmem>>
        %dma_wait3A_78 = tpu.memref_squeeze %dma_wait3A_77 : memref<1x128x32xf32, #tpu.memory_space<vmem>> -> memref<128x32xf32, #tpu.memory_space<vmem>>
        %dma_wait3A_79 = arith.constant 0 : i32
        %dma_wait3A_80 = tpu.memref_slice %arg10[%add3A_61, %dma_wait3A_79] : memref<50048x32xf32, #tpu.memory_space<vmem_shared>> -> memref<128x32xf32, #tpu.memory_space<vmem_shared>>
        %dma_wait3A_81 = arith.constant 0 : i32
        %dma_wait3A_82 = tpu.memref_slice %arg10[%add3A_61, %dma_wait3A_81] : memref<50048x32xf32, #tpu.memory_space<vmem_shared>> -> memref<128x32xf32, #tpu.memory_space<vmem_shared>>
        %dma_wait3A_83 = arith.constant 0 : i32
        %dma_wait3A_84 = arith.constant 0 : i32
        %dma_wait3A_85 = tpu.memref_slice %arg9[%run_scoped3A_62, %dma_wait3A_83, %dma_wait3A_84] : memref<4x128x32xf32, #tpu.memory_space<vmem>> -> memref<1x128x32xf32, #tpu.memory_space<vmem>>
        %dma_wait3A_86 = tpu.memref_squeeze %dma_wait3A_85 : memref<1x128x32xf32, #tpu.memory_space<vmem>> -> memref<128x32xf32, #tpu.memory_space<vmem>>
        tpu.wait_dma2 semaphore(%run_scoped3A_64 : memref<!tpu.dma_semaphore, #tpu.memory_space<semaphore_mem>>) src(%dma_wait3A_86 : memref<128x32xf32, #tpu.memory_space<vmem>>) dst(%dma_wait3A_82 : memref<128x32xf32, #tpu.memory_space<vmem_shared>>)
        tpu.yield
      }) : () -> ()
      %scan3A_63 = arith.constant 0 : i32
      scf.yield %scan3A_63 : i32
    }
    %scan3A_35 = arith.constant 24 : i32
    %add3A = arith.constant 3072 : i32
    %add3A_36 = arith.addi %mul3A_28, %add3A : i32
    %run_scoped3A = arith.constant 0 : i32
    "tpu.region"() ({
      %run_scoped3A_57 = tpu.sem_alloc : memref<!tpu.dma_semaphore, #tpu.memory_space<semaphore_mem>>
      %dma_start3A = arith.constant 0 : i32
      %dma_start3A_58 = arith.constant 0 : i32
      %dma_start3A_59 = tpu.memref_slice %arg9[%run_scoped3A, %dma_start3A, %dma_start3A_58] : memref<4x128x32xf32, #tpu.memory_space<vmem>> -> memref<1x128x32xf32, #tpu.memory_space<vmem>>
      %dma_start3A_60 = tpu.memref_squeeze %dma_start3A_59 : memref<1x128x32xf32, #tpu.memory_space<vmem>> -> memref<128x32xf32, #tpu.memory_space<vmem>>
      %dma_start3A_61 = arith.constant 0 : i32
      %dma_start3A_62 = arith.constant 0 : i32
      %dma_start3A_63 = tpu.memref_slice %dma_start3A_60[%dma_start3A_61, %dma_start3A_62] : memref<128x32xf32, #tpu.memory_space<vmem>> -> memref<56x32xf32, #tpu.memory_space<vmem>>
      %dma_start3A_64 = arith.constant 0 : i32
      %dma_start3A_65 = tpu.memref_slice %arg10[%add3A_36, %dma_start3A_64] : memref<50048x32xf32, #tpu.memory_space<vmem_shared>> -> memref<56x32xf32, #tpu.memory_space<vmem_shared>>
      %dma_start3A_66 = arith.constant 0 : i32
      %dma_start3A_67 = tpu.memref_slice %arg10[%add3A_36, %dma_start3A_66] : memref<50048x32xf32, #tpu.memory_space<vmem_shared>> -> memref<56x32xf32, #tpu.memory_space<vmem_shared>>
      %dma_start3A_68 = arith.constant 0 : i32
      %dma_start3A_69 = arith.constant 0 : i32
      %dma_start3A_70 = tpu.memref_slice %arg9[%run_scoped3A, %dma_start3A_68, %dma_start3A_69] : memref<4x128x32xf32, #tpu.memory_space<vmem>> -> memref<1x128x32xf32, #tpu.memory_space<vmem>>
      %dma_start3A_71 = tpu.memref_squeeze %dma_start3A_70 : memref<1x128x32xf32, #tpu.memory_space<vmem>> -> memref<128x32xf32, #tpu.memory_space<vmem>>
      %dma_start3A_72 = arith.constant 0 : i32
      %dma_start3A_73 = arith.constant 0 : i32
      %dma_start3A_74 = tpu.memref_slice %dma_start3A_71[%dma_start3A_72, %dma_start3A_73] : memref<128x32xf32, #tpu.memory_space<vmem>> -> memref<56x32xf32, #tpu.memory_space<vmem>>
      tpu.enqueue_dma source(%dma_start3A_74 : memref<56x32xf32, #tpu.memory_space<vmem>>) target(%dma_start3A_67 : memref<56x32xf32, #tpu.memory_space<vmem_shared>>) target_semaphore(%run_scoped3A_57 : memref<!tpu.dma_semaphore, #tpu.memory_space<semaphore_mem>>)
      %dma_wait3A = arith.constant 0 : i32
      %dma_wait3A_75 = arith.constant 0 : i32
      %dma_wait3A_76 = tpu.memref_slice %arg9[%run_scoped3A, %dma_wait3A, %dma_wait3A_75] : memref<4x128x32xf32, #tpu.memory_space<vmem>> -> memref<1x128x32xf32, #tpu.memory_space<vmem>>
      %dma_wait3A_77 = tpu.memref_squeeze %dma_wait3A_76 : memref<1x128x32xf32, #tpu.memory_space<vmem>> -> memref<128x32xf32, #tpu.memory_space<vmem>>
      %dma_wait3A_78 = arith.constant 0 : i32
      %dma_wait3A_79 = arith.constant 0 : i32
      %dma_wait3A_80 = tpu.memref_slice %dma_wait3A_77[%dma_wait3A_78, %dma_wait3A_79] : memref<128x32xf32, #tpu.memory_space<vmem>> -> memref<56x32xf32, #tpu.memory_space<vmem>>
      %dma_wait3A_81 = arith.constant 0 : i32
      %dma_wait3A_82 = tpu.memref_slice %arg10[%add3A_36, %dma_wait3A_81] : memref<50048x32xf32, #tpu.memory_space<vmem_shared>> -> memref<56x32xf32, #tpu.memory_space<vmem_shared>>
      %dma_wait3A_83 = arith.constant 0 : i32
      %dma_wait3A_84 = tpu.memref_slice %arg10[%add3A_36, %dma_wait3A_83] : memref<50048x32xf32, #tpu.memory_space<vmem_shared>> -> memref<56x32xf32, #tpu.memory_space<vmem_shared>>
      %dma_wait3A_85 = arith.constant 0 : i32
      %dma_wait3A_86 = arith.constant 0 : i32
      %dma_wait3A_87 = tpu.memref_slice %arg9[%run_scoped3A, %dma_wait3A_85, %dma_wait3A_86] : memref<4x128x32xf32, #tpu.memory_space<vmem>> -> memref<1x128x32xf32, #tpu.memory_space<vmem>>
      %dma_wait3A_88 = tpu.memref_squeeze %dma_wait3A_87 : memref<1x128x32xf32, #tpu.memory_space<vmem>> -> memref<128x32xf32, #tpu.memory_space<vmem>>
      %dma_wait3A_89 = arith.constant 0 : i32
      %dma_wait3A_90 = arith.constant 0 : i32
      %dma_wait3A_91 = tpu.memref_slice %dma_wait3A_88[%dma_wait3A_89, %dma_wait3A_90] : memref<128x32xf32, #tpu.memory_space<vmem>> -> memref<56x32xf32, #tpu.memory_space<vmem>>
      tpu.wait_dma2 semaphore(%run_scoped3A_57 : memref<!tpu.dma_semaphore, #tpu.memory_space<semaphore_mem>>) src(%dma_wait3A_91 : memref<56x32xf32, #tpu.memory_space<vmem>>) dst(%dma_wait3A_84 : memref<56x32xf32, #tpu.memory_space<vmem_shared>>)
      tpu.yield
    }) : () -> ()
    %barrier3A = arith.constant 0 : index
    tpu.barrier barrier_id(%barrier3A)
    %eq3A = arith.constant 0 : i32
    %eq3A_37 = arith.cmpi eq, %arg0, %eq3A : i32
    %convert_element_type3A = arith.extui %eq3A_37 : i1 to i32
    %cond3A = arith.constant 0 : i32
    %cond3A_38 = arith.cmpi ne, %convert_element_type3A, %cond3A : i32
    scf.if %cond3A_38 {
      %mul3A_57 = arith.constant 392 : i32
      %mul3A_58 = arith.muli %arg1, %mul3A_57 : i32
      %scan3A_59 = arith.constant 0 : i32
      %scan3A_60 = arith.constant 0 : i32
      %scan3A_61 = arith.constant 49 : i32
      %scan3A_62 = arith.addi %scan3A_60, %scan3A_61 : i32
      %scan3A_63 = arith.constant 1 : i32
      %scan3A_64 = scf.for %scan3A_66 = %scan3A_60 to %scan3A_62 step %scan3A_63 iter_args(%scan3A_67 = %scan3A_59) -> (i32)  : i32 {
        %mul3A_68 = arith.constant 8 : i32
        %mul3A_69 = arith.muli %scan3A_66, %mul3A_68 : i32
        %add3A_70 = arith.addi %mul3A_58, %mul3A_69 : i32
        "tpu.region"() ({
          %run_scoped3A_128 = tpu.sem_alloc : memref<!tpu.dma_semaphore, #tpu.memory_space<semaphore_mem>>
          %dma_start3A = arith.constant 0 : i32
          %dma_start3A_129 = tpu.memref_slice %arg2[%add3A_70, %dma_start3A] : memref<6272x128xi32, #tpu.memory_space<hbm>> -> memref<8x128xi32, #tpu.memory_space<hbm>>
          %dma_start3A_130 = arith.constant 0 : i32
          %dma_start3A_131 = tpu.memref_slice %arg2[%add3A_70, %dma_start3A_130] : memref<6272x128xi32, #tpu.memory_space<hbm>> -> memref<8x128xi32, #tpu.memory_space<hbm>>
          tpu.enqueue_dma source(%dma_start3A_131 : memref<8x128xi32, #tpu.memory_space<hbm>>) target(%arg7 : memref<8x128xi32, #tpu.memory_space<vmem>>) target_semaphore(%run_scoped3A_128 : memref<!tpu.dma_semaphore, #tpu.memory_space<semaphore_mem>>)
          %dma_wait3A = arith.constant 0 : i32
          %dma_wait3A_132 = tpu.memref_slice %arg2[%add3A_70, %dma_wait3A] : memref<6272x128xi32, #tpu.memory_space<hbm>> -> memref<8x128xi32, #tpu.memory_space<hbm>>
          %dma_wait3A_133 = arith.constant 0 : i32
          %dma_wait3A_134 = tpu.memref_slice %arg2[%add3A_70, %dma_wait3A_133] : memref<6272x128xi32, #tpu.memory_space<hbm>> -> memref<8x128xi32, #tpu.memory_space<hbm>>
          tpu.wait_dma2 semaphore(%run_scoped3A_128 : memref<!tpu.dma_semaphore, #tpu.memory_space<semaphore_mem>>) src(%dma_wait3A_134 : memref<8x128xi32, #tpu.memory_space<hbm>>) dst(%arg7 : memref<8x128xi32, #tpu.memory_space<vmem>>)
          tpu.yield
        }) : () -> ()
        "tpu.region"() ({
          %run_scoped3A_128 = tpu.sem_alloc : memref<!tpu.dma_semaphore, #tpu.memory_space<semaphore_mem>>
          %dma_start3A = arith.constant 0 : i32
          %dma_start3A_129 = tpu.memref_slice %arg3[%add3A_70, %dma_start3A] : memref<6272x128xi32, #tpu.memory_space<hbm>> -> memref<8x128xi32, #tpu.memory_space<hbm>>
          %dma_start3A_130 = arith.constant 0 : i32
          %dma_start3A_131 = tpu.memref_slice %arg3[%add3A_70, %dma_start3A_130] : memref<6272x128xi32, #tpu.memory_space<hbm>> -> memref<8x128xi32, #tpu.memory_space<hbm>>
          tpu.enqueue_dma source(%dma_start3A_131 : memref<8x128xi32, #tpu.memory_space<hbm>>) target(%arg8 : memref<8x128xi32, #tpu.memory_space<vmem>>) target_semaphore(%run_scoped3A_128 : memref<!tpu.dma_semaphore, #tpu.memory_space<semaphore_mem>>)
          %dma_wait3A = arith.constant 0 : i32
          %dma_wait3A_132 = tpu.memref_slice %arg3[%add3A_70, %dma_wait3A] : memref<6272x128xi32, #tpu.memory_space<hbm>> -> memref<8x128xi32, #tpu.memory_space<hbm>>
          %dma_wait3A_133 = arith.constant 0 : i32
          %dma_wait3A_134 = tpu.memref_slice %arg3[%add3A_70, %dma_wait3A_133] : memref<6272x128xi32, #tpu.memory_space<hbm>> -> memref<8x128xi32, #tpu.memory_space<hbm>>
          tpu.wait_dma2 semaphore(%run_scoped3A_128 : memref<!tpu.dma_semaphore, #tpu.memory_space<semaphore_mem>>) src(%dma_wait3A_134 : memref<8x128xi32, #tpu.memory_space<hbm>>) dst(%arg8 : memref<8x128xi32, #tpu.memory_space<vmem>>)
          tpu.yield
        }) : () -> ()
        %scan3A_71 = arith.constant 0 : i32
        %scan3A_72 = arith.constant 0 : i32
        %scan3A_73 = arith.constant 4 : i32
        %scan3A_74 = arith.addi %scan3A_72, %scan3A_73 : i32
        %scan3A_75 = arith.constant 1 : i32
        %scan3A_76 = scf.for %scan3A_128 = %scan3A_72 to %scan3A_74 step %scan3A_75 iter_args(%scan3A_129 = %scan3A_71) -> (i32)  : i32 {
          %add3A_130 = arith.constant 0 : i32
          %add3A_131 = arith.addi %add3A_130, %scan3A_128 : i32
          %dma_start3A = arith.constant 0 : i32
          %dma_start3A_132 = arith.constant 0 : i32
          %dma_start3A_133 = tpu.memref_slice %arg9[%scan3A_128, %dma_start3A, %dma_start3A_132] : memref<4x128x32xf32, #tpu.memory_space<vmem>> -> memref<1x128x32xf32, #tpu.memory_space<vmem>>
          %dma_start3A_134 = tpu.memref_squeeze %dma_start3A_133 : memref<1x128x32xf32, #tpu.memory_space<vmem>> -> memref<128x32xf32, #tpu.memory_space<vmem>>
          %dma_start3A_135 = arith.constant 0 : i32
          %dma_start3A_136 = tpu.memref_slice %arg7[%add3A_131, %dma_start3A_135] : memref<8x128xi32, #tpu.memory_space<vmem>> -> memref<1x128xi32, #tpu.memory_space<vmem>>
          %dma_start3A_137 = tpu.memref_squeeze %dma_start3A_136 : memref<1x128xi32, #tpu.memory_space<vmem>> -> memref<128xi32, #tpu.memory_space<vmem>>
          %dma_start3A_138 = arith.constant 0 : i32
          %dma_start3A_139 = arith.constant 0 : i32
          %dma_start3A_140 = tpu.memref_slice %arg4[%dma_start3A_138, %dma_start3A_139] : memref<50000x32xf32, #tpu.memory_space<hbm>> -> memref<50000x32xf32, #tpu.memory_space<hbm>>
          tpu.enqueue_indirect_dma source(%dma_start3A_140 : memref<50000x32xf32, #tpu.memory_space<hbm>>) target(%dma_start3A_134 : memref<128x32xf32, #tpu.memory_space<vmem>>) offsets(%dma_start3A_137 : memref<128xi32, #tpu.memory_space<vmem>>) semaphore(%arg11 : memref<!tpu.dma_semaphore, #tpu.memory_space<semaphore_mem>>)
          %scan3A_141 = arith.constant 0 : i32
          scf.yield %scan3A_141 : i32
        }
        %scan3A_77 = arith.constant 4 : i32
        %scan3A_78 = arith.constant 0 : i32
        %scan3A_79 = arith.constant 0 : i32
        %scan3A_80 = arith.constant 4 : i32
        %scan3A_81 = arith.addi %scan3A_79, %scan3A_80 : i32
        %scan3A_82 = arith.constant 1 : i32
        %scan3A_83 = scf.for %scan3A_128 = %scan3A_79 to %scan3A_81 step %scan3A_82 iter_args(%scan3A_129 = %scan3A_78) -> (i32)  : i32 {
          %add3A_130 = arith.constant 0 : i32
          %add3A_131 = arith.addi %add3A_130, %scan3A_128 : i32
          %dma_wait3A = arith.constant 0 : i32
          %dma_wait3A_132 = arith.constant 0 : i32
          %dma_wait3A_133 = tpu.memref_slice %arg9[%scan3A_128, %dma_wait3A, %dma_wait3A_132] : memref<4x128x32xf32, #tpu.memory_space<vmem>> -> memref<1x128x32xf32, #tpu.memory_space<vmem>>
          %dma_wait3A_134 = tpu.memref_squeeze %dma_wait3A_133 : memref<1x128x32xf32, #tpu.memory_space<vmem>> -> memref<128x32xf32, #tpu.memory_space<vmem>>
          %dma_wait3A_135 = arith.constant 0 : i32
          %dma_wait3A_136 = tpu.memref_slice %arg7[%add3A_131, %dma_wait3A_135] : memref<8x128xi32, #tpu.memory_space<vmem>> -> memref<1x128xi32, #tpu.memory_space<vmem>>
          %dma_wait3A_137 = tpu.memref_squeeze %dma_wait3A_136 : memref<1x128xi32, #tpu.memory_space<vmem>> -> memref<128xi32, #tpu.memory_space<vmem>>
          %dma_wait3A_138 = arith.constant 0 : i32
          %dma_wait3A_139 = arith.constant 0 : i32
          %dma_wait3A_140 = tpu.memref_slice %arg4[%dma_wait3A_138, %dma_wait3A_139] : memref<50000x32xf32, #tpu.memory_space<hbm>> -> memref<50000x32xf32, #tpu.memory_space<hbm>>
          tpu.wait_indirect_dma semaphore(%arg11 : memref<!tpu.dma_semaphore, #tpu.memory_space<semaphore_mem>>) src(%dma_wait3A_140 : memref<50000x32xf32, #tpu.memory_space<hbm>>) dst(%dma_wait3A_134 : memref<128x32xf32, #tpu.memory_space<vmem>>)
          %scan3A_141 = arith.constant 0 : i32
          scf.yield %scan3A_141 : i32
        }
        %scan3A_84 = arith.constant 4 : i32
        %scan3A_85 = arith.constant 0 : i32
        %scan3A_86 = arith.constant 0 : i32
        %scan3A_87 = arith.constant 4 : i32
        %scan3A_88 = arith.addi %scan3A_86, %scan3A_87 : i32
        %scan3A_89 = arith.constant 1 : i32
        %scan3A_90 = scf.for %scan3A_128 = %scan3A_86 to %scan3A_88 step %scan3A_89 iter_args(%scan3A_129 = %scan3A_85) -> (i32)  : i32 {
          %add3A_130 = arith.constant 0 : i32
          %add3A_131 = arith.addi %add3A_130, %scan3A_128 : i32
          %dma_start3A = arith.constant 0 : i32
          %dma_start3A_132 = arith.constant 0 : i32
          %dma_start3A_133 = tpu.memref_slice %arg9[%scan3A_128, %dma_start3A, %dma_start3A_132] : memref<4x128x32xf32, #tpu.memory_space<vmem>> -> memref<1x128x32xf32, #tpu.memory_space<vmem>>
          %dma_start3A_134 = tpu.memref_squeeze %dma_start3A_133 : memref<1x128x32xf32, #tpu.memory_space<vmem>> -> memref<128x32xf32, #tpu.memory_space<vmem>>
          %dma_start3A_135 = arith.constant 0 : i32
          %dma_start3A_136 = tpu.memref_slice %arg8[%add3A_131, %dma_start3A_135] : memref<8x128xi32, #tpu.memory_space<vmem>> -> memref<1x128xi32, #tpu.memory_space<vmem>>
          %dma_start3A_137 = tpu.memref_squeeze %dma_start3A_136 : memref<1x128xi32, #tpu.memory_space<vmem>> -> memref<128xi32, #tpu.memory_space<vmem>>
          %dma_start3A_138 = arith.constant 0 : i32
          %dma_start3A_139 = arith.constant 0 : i32
          %dma_start3A_140 = tpu.memref_slice %arg10[%dma_start3A_138, %dma_start3A_139] : memref<50048x32xf32, #tpu.memory_space<vmem_shared>> -> memref<50048x32xf32, #tpu.memory_space<vmem_shared>>
          tpu.enqueue_indirect_dma source(%dma_start3A_134 : memref<128x32xf32, #tpu.memory_space<vmem>>) target(%dma_start3A_140 : memref<50048x32xf32, #tpu.memory_space<vmem_shared>>) offsets(%dma_start3A_137 : memref<128xi32, #tpu.memory_space<vmem>>) semaphore(%arg12 : memref<!tpu.dma_semaphore, #tpu.memory_space<semaphore_mem>>) {add = true}
          %scan3A_141 = arith.constant 0 : i32
          scf.yield %scan3A_141 : i32
        }
        %scan3A_91 = arith.constant 4 : i32
        %scan3A_92 = arith.constant 0 : i32
        %scan3A_93 = arith.constant 0 : i32
        %scan3A_94 = arith.constant 4 : i32
        %scan3A_95 = arith.addi %scan3A_93, %scan3A_94 : i32
        %scan3A_96 = arith.constant 1 : i32
        %scan3A_97 = scf.for %scan3A_128 = %scan3A_93 to %scan3A_95 step %scan3A_96 iter_args(%scan3A_129 = %scan3A_92) -> (i32)  : i32 {
          %add3A_130 = arith.constant 0 : i32
          %add3A_131 = arith.addi %add3A_130, %scan3A_128 : i32
          %dma_wait3A = arith.constant 0 : i32
          %dma_wait3A_132 = arith.constant 0 : i32
          %dma_wait3A_133 = tpu.memref_slice %arg9[%scan3A_128, %dma_wait3A, %dma_wait3A_132] : memref<4x128x32xf32, #tpu.memory_space<vmem>> -> memref<1x128x32xf32, #tpu.memory_space<vmem>>
          %dma_wait3A_134 = tpu.memref_squeeze %dma_wait3A_133 : memref<1x128x32xf32, #tpu.memory_space<vmem>> -> memref<128x32xf32, #tpu.memory_space<vmem>>
          %dma_wait3A_135 = arith.constant 0 : i32
          %dma_wait3A_136 = tpu.memref_slice %arg8[%add3A_131, %dma_wait3A_135] : memref<8x128xi32, #tpu.memory_space<vmem>> -> memref<1x128xi32, #tpu.memory_space<vmem>>
          %dma_wait3A_137 = tpu.memref_squeeze %dma_wait3A_136 : memref<1x128xi32, #tpu.memory_space<vmem>> -> memref<128xi32, #tpu.memory_space<vmem>>
          %dma_wait3A_138 = arith.constant 0 : i32
          %dma_wait3A_139 = arith.constant 0 : i32
          %dma_wait3A_140 = tpu.memref_slice %arg10[%dma_wait3A_138, %dma_wait3A_139] : memref<50048x32xf32, #tpu.memory_space<vmem_shared>> -> memref<50048x32xf32, #tpu.memory_space<vmem_shared>>
          tpu.wait_indirect_dma semaphore(%arg12 : memref<!tpu.dma_semaphore, #tpu.memory_space<semaphore_mem>>) src(%dma_wait3A_134 : memref<128x32xf32, #tpu.memory_space<vmem>>) dst(%dma_wait3A_140 : memref<50048x32xf32, #tpu.memory_space<vmem_shared>>)
          %scan3A_141 = arith.constant 0 : i32
          scf.yield %scan3A_141 : i32
        }
        %scan3A_98 = arith.constant 4 : i32
        %scan3A_99 = arith.constant 0 : i32
        %scan3A_100 = arith.constant 0 : i32
        %scan3A_101 = arith.constant 4 : i32
        %scan3A_102 = arith.addi %scan3A_100, %scan3A_101 : i32
        %scan3A_103 = arith.constant 1 : i32
        %scan3A_104 = scf.for %scan3A_128 = %scan3A_100 to %scan3A_102 step %scan3A_103 iter_args(%scan3A_129 = %scan3A_99) -> (i32)  : i32 {
          %add3A_130 = arith.constant 4 : i32
          %add3A_131 = arith.addi %add3A_130, %scan3A_128 : i32
          %dma_start3A = arith.constant 0 : i32
          %dma_start3A_132 = arith.constant 0 : i32
          %dma_start3A_133 = tpu.memref_slice %arg9[%scan3A_128, %dma_start3A, %dma_start3A_132] : memref<4x128x32xf32, #tpu.memory_space<vmem>> -> memref<1x128x32xf32, #tpu.memory_space<vmem>>
          %dma_start3A_134 = tpu.memref_squeeze %dma_start3A_133 : memref<1x128x32xf32, #tpu.memory_space<vmem>> -> memref<128x32xf32, #tpu.memory_space<vmem>>
          %dma_start3A_135 = arith.constant 0 : i32
          %dma_start3A_136 = tpu.memref_slice %arg7[%add3A_131, %dma_start3A_135] : memref<8x128xi32, #tpu.memory_space<vmem>> -> memref<1x128xi32, #tpu.memory_space<vmem>>
          %dma_start3A_137 = tpu.memref_squeeze %dma_start3A_136 : memref<1x128xi32, #tpu.memory_space<vmem>> -> memref<128xi32, #tpu.memory_space<vmem>>
          %dma_start3A_138 = arith.constant 0 : i32
          %dma_start3A_139 = arith.constant 0 : i32
          %dma_start3A_140 = tpu.memref_slice %arg4[%dma_start3A_138, %dma_start3A_139] : memref<50000x32xf32, #tpu.memory_space<hbm>> -> memref<50000x32xf32, #tpu.memory_space<hbm>>
          tpu.enqueue_indirect_dma source(%dma_start3A_140 : memref<50000x32xf32, #tpu.memory_space<hbm>>) target(%dma_start3A_134 : memref<128x32xf32, #tpu.memory_space<vmem>>) offsets(%dma_start3A_137 : memref<128xi32, #tpu.memory_space<vmem>>) semaphore(%arg11 : memref<!tpu.dma_semaphore, #tpu.memory_space<semaphore_mem>>)
          %scan3A_141 = arith.constant 0 : i32
          scf.yield %scan3A_141 : i32
        }
        %scan3A_105 = arith.constant 4 : i32
        %scan3A_106 = arith.constant 0 : i32
        %scan3A_107 = arith.constant 0 : i32
        %scan3A_108 = arith.constant 4 : i32
        %scan3A_109 = arith.addi %scan3A_107, %scan3A_108 : i32
        %scan3A_110 = arith.constant 1 : i32
        %scan3A_111 = scf.for %scan3A_128 = %scan3A_107 to %scan3A_109 step %scan3A_110 iter_args(%scan3A_129 = %scan3A_106) -> (i32)  : i32 {
          %add3A_130 = arith.constant 4 : i32
          %add3A_131 = arith.addi %add3A_130, %scan3A_128 : i32
          %dma_wait3A = arith.constant 0 : i32
          %dma_wait3A_132 = arith.constant 0 : i32
          %dma_wait3A_133 = tpu.memref_slice %arg9[%scan3A_128, %dma_wait3A, %dma_wait3A_132] : memref<4x128x32xf32, #tpu.memory_space<vmem>> -> memref<1x128x32xf32, #tpu.memory_space<vmem>>
          %dma_wait3A_134 = tpu.memref_squeeze %dma_wait3A_133 : memref<1x128x32xf32, #tpu.memory_space<vmem>> -> memref<128x32xf32, #tpu.memory_space<vmem>>
          %dma_wait3A_135 = arith.constant 0 : i32
          %dma_wait3A_136 = tpu.memref_slice %arg7[%add3A_131, %dma_wait3A_135] : memref<8x128xi32, #tpu.memory_space<vmem>> -> memref<1x128xi32, #tpu.memory_space<vmem>>
          %dma_wait3A_137 = tpu.memref_squeeze %dma_wait3A_136 : memref<1x128xi32, #tpu.memory_space<vmem>> -> memref<128xi32, #tpu.memory_space<vmem>>
          %dma_wait3A_138 = arith.constant 0 : i32
          %dma_wait3A_139 = arith.constant 0 : i32
          %dma_wait3A_140 = tpu.memref_slice %arg4[%dma_wait3A_138, %dma_wait3A_139] : memref<50000x32xf32, #tpu.memory_space<hbm>> -> memref<50000x32xf32, #tpu.memory_space<hbm>>
          tpu.wait_indirect_dma semaphore(%arg11 : memref<!tpu.dma_semaphore, #tpu.memory_space<semaphore_mem>>) src(%dma_wait3A_140 : memref<50000x32xf32, #tpu.memory_space<hbm>>) dst(%dma_wait3A_134 : memref<128x32xf32, #tpu.memory_space<vmem>>)
          %scan3A_141 = arith.constant 0 : i32
          scf.yield %scan3A_141 : i32
        }
        %scan3A_112 = arith.constant 4 : i32
        %scan3A_113 = arith.constant 0 : i32
        %scan3A_114 = arith.constant 0 : i32
        %scan3A_115 = arith.constant 4 : i32
        %scan3A_116 = arith.addi %scan3A_114, %scan3A_115 : i32
        %scan3A_117 = arith.constant 1 : i32
        %scan3A_118 = scf.for %scan3A_128 = %scan3A_114 to %scan3A_116 step %scan3A_117 iter_args(%scan3A_129 = %scan3A_113) -> (i32)  : i32 {
          %add3A_130 = arith.constant 4 : i32
          %add3A_131 = arith.addi %add3A_130, %scan3A_128 : i32
          %dma_start3A = arith.constant 0 : i32
          %dma_start3A_132 = arith.constant 0 : i32
          %dma_start3A_133 = tpu.memref_slice %arg9[%scan3A_128, %dma_start3A, %dma_start3A_132] : memref<4x128x32xf32, #tpu.memory_space<vmem>> -> memref<1x128x32xf32, #tpu.memory_space<vmem>>
          %dma_start3A_134 = tpu.memref_squeeze %dma_start3A_133 : memref<1x128x32xf32, #tpu.memory_space<vmem>> -> memref<128x32xf32, #tpu.memory_space<vmem>>
          %dma_start3A_135 = arith.constant 0 : i32
          %dma_start3A_136 = tpu.memref_slice %arg8[%add3A_131, %dma_start3A_135] : memref<8x128xi32, #tpu.memory_space<vmem>> -> memref<1x128xi32, #tpu.memory_space<vmem>>
          %dma_start3A_137 = tpu.memref_squeeze %dma_start3A_136 : memref<1x128xi32, #tpu.memory_space<vmem>> -> memref<128xi32, #tpu.memory_space<vmem>>
          %dma_start3A_138 = arith.constant 0 : i32
          %dma_start3A_139 = arith.constant 0 : i32
          %dma_start3A_140 = tpu.memref_slice %arg10[%dma_start3A_138, %dma_start3A_139] : memref<50048x32xf32, #tpu.memory_space<vmem_shared>> -> memref<50048x32xf32, #tpu.memory_space<vmem_shared>>
          tpu.enqueue_indirect_dma source(%dma_start3A_134 : memref<128x32xf32, #tpu.memory_space<vmem>>) target(%dma_start3A_140 : memref<50048x32xf32, #tpu.memory_space<vmem_shared>>) offsets(%dma_start3A_137 : memref<128xi32, #tpu.memory_space<vmem>>) semaphore(%arg12 : memref<!tpu.dma_semaphore, #tpu.memory_space<semaphore_mem>>) {add = true}
          %scan3A_141 = arith.constant 0 : i32
          scf.yield %scan3A_141 : i32
        }
        %scan3A_119 = arith.constant 4 : i32
        %scan3A_120 = arith.constant 0 : i32
        %scan3A_121 = arith.constant 0 : i32
        %scan3A_122 = arith.constant 4 : i32
        %scan3A_123 = arith.addi %scan3A_121, %scan3A_122 : i32
        %scan3A_124 = arith.constant 1 : i32
        %scan3A_125 = scf.for %scan3A_128 = %scan3A_121 to %scan3A_123 step %scan3A_124 iter_args(%scan3A_129 = %scan3A_120) -> (i32)  : i32 {
          %add3A_130 = arith.constant 4 : i32
          %add3A_131 = arith.addi %add3A_130, %scan3A_128 : i32
          %dma_wait3A = arith.constant 0 : i32
          %dma_wait3A_132 = arith.constant 0 : i32
          %dma_wait3A_133 = tpu.memref_slice %arg9[%scan3A_128, %dma_wait3A, %dma_wait3A_132] : memref<4x128x32xf32, #tpu.memory_space<vmem>> -> memref<1x128x32xf32, #tpu.memory_space<vmem>>
          %dma_wait3A_134 = tpu.memref_squeeze %dma_wait3A_133 : memref<1x128x32xf32, #tpu.memory_space<vmem>> -> memref<128x32xf32, #tpu.memory_space<vmem>>
          %dma_wait3A_135 = arith.constant 0 : i32
          %dma_wait3A_136 = tpu.memref_slice %arg8[%add3A_131, %dma_wait3A_135] : memref<8x128xi32, #tpu.memory_space<vmem>> -> memref<1x128xi32, #tpu.memory_space<vmem>>
          %dma_wait3A_137 = tpu.memref_squeeze %dma_wait3A_136 : memref<1x128xi32, #tpu.memory_space<vmem>> -> memref<128xi32, #tpu.memory_space<vmem>>
          %dma_wait3A_138 = arith.constant 0 : i32
          %dma_wait3A_139 = arith.constant 0 : i32
          %dma_wait3A_140 = tpu.memref_slice %arg10[%dma_wait3A_138, %dma_wait3A_139] : memref<50048x32xf32, #tpu.memory_space<vmem_shared>> -> memref<50048x32xf32, #tpu.memory_space<vmem_shared>>
          tpu.wait_indirect_dma semaphore(%arg12 : memref<!tpu.dma_semaphore, #tpu.memory_space<semaphore_mem>>) src(%dma_wait3A_134 : memref<128x32xf32, #tpu.memory_space<vmem>>) dst(%dma_wait3A_140 : memref<50048x32xf32, #tpu.memory_space<vmem_shared>>)
          %scan3A_141 = arith.constant 0 : i32
          scf.yield %scan3A_141 : i32
        }
        %scan3A_126 = arith.constant 4 : i32
        %scan3A_127 = arith.constant 0 : i32
        scf.yield %scan3A_127 : i32
      }
      %scan3A_65 = arith.constant 49 : i32
    } else {
    }
    %eq3A_39 = arith.constant 1 : i32
    %eq3A_40 = arith.cmpi eq, %arg0, %eq3A_39 : i32
    %convert_element_type3A_41 = arith.extui %eq3A_40 : i1 to i32
    %cond3A_42 = arith.constant 0 : i32
    %cond3A_43 = arith.cmpi ne, %convert_element_type3A_41, %cond3A_42 : i32
    scf.if %cond3A_43 {
      %mul3A_57 = arith.constant 392 : i32
      %mul3A_58 = arith.muli %arg1, %mul3A_57 : i32
      %scan3A_59 = arith.constant 0 : i32
      %scan3A_60 = arith.constant 0 : i32
      %scan3A_61 = arith.constant 49 : i32
      %scan3A_62 = arith.addi %scan3A_60, %scan3A_61 : i32
      %scan3A_63 = arith.constant 1 : i32
      %scan3A_64 = scf.for %scan3A_66 = %scan3A_60 to %scan3A_62 step %scan3A_63 iter_args(%scan3A_67 = %scan3A_59) -> (i32)  : i32 {
        %mul3A_68 = arith.constant 8 : i32
        %mul3A_69 = arith.muli %scan3A_66, %mul3A_68 : i32
        %add3A_70 = arith.addi %mul3A_58, %mul3A_69 : i32
        "tpu.region"() ({
          %run_scoped3A_128 = tpu.sem_alloc : memref<!tpu.dma_semaphore, #tpu.memory_space<semaphore_mem>>
          %dma_start3A = arith.constant 0 : i32
          %dma_start3A_129 = tpu.memref_slice %arg2[%add3A_70, %dma_start3A] : memref<6272x128xi32, #tpu.memory_space<hbm>> -> memref<8x128xi32, #tpu.memory_space<hbm>>
          %dma_start3A_130 = arith.constant 0 : i32
          %dma_start3A_131 = tpu.memref_slice %arg2[%add3A_70, %dma_start3A_130] : memref<6272x128xi32, #tpu.memory_space<hbm>> -> memref<8x128xi32, #tpu.memory_space<hbm>>
          tpu.enqueue_dma source(%dma_start3A_131 : memref<8x128xi32, #tpu.memory_space<hbm>>) target(%arg7 : memref<8x128xi32, #tpu.memory_space<vmem>>) target_semaphore(%run_scoped3A_128 : memref<!tpu.dma_semaphore, #tpu.memory_space<semaphore_mem>>)
          %dma_wait3A = arith.constant 0 : i32
          %dma_wait3A_132 = tpu.memref_slice %arg2[%add3A_70, %dma_wait3A] : memref<6272x128xi32, #tpu.memory_space<hbm>> -> memref<8x128xi32, #tpu.memory_space<hbm>>
          %dma_wait3A_133 = arith.constant 0 : i32
          %dma_wait3A_134 = tpu.memref_slice %arg2[%add3A_70, %dma_wait3A_133] : memref<6272x128xi32, #tpu.memory_space<hbm>> -> memref<8x128xi32, #tpu.memory_space<hbm>>
          tpu.wait_dma2 semaphore(%run_scoped3A_128 : memref<!tpu.dma_semaphore, #tpu.memory_space<semaphore_mem>>) src(%dma_wait3A_134 : memref<8x128xi32, #tpu.memory_space<hbm>>) dst(%arg7 : memref<8x128xi32, #tpu.memory_space<vmem>>)
          tpu.yield
        }) : () -> ()
        "tpu.region"() ({
          %run_scoped3A_128 = tpu.sem_alloc : memref<!tpu.dma_semaphore, #tpu.memory_space<semaphore_mem>>
          %dma_start3A = arith.constant 0 : i32
          %dma_start3A_129 = tpu.memref_slice %arg3[%add3A_70, %dma_start3A] : memref<6272x128xi32, #tpu.memory_space<hbm>> -> memref<8x128xi32, #tpu.memory_space<hbm>>
          %dma_start3A_130 = arith.constant 0 : i32
          %dma_start3A_131 = tpu.memref_slice %arg3[%add3A_70, %dma_start3A_130] : memref<6272x128xi32, #tpu.memory_space<hbm>> -> memref<8x128xi32, #tpu.memory_space<hbm>>
          tpu.enqueue_dma source(%dma_start3A_131 : memref<8x128xi32, #tpu.memory_space<hbm>>) target(%arg8 : memref<8x128xi32, #tpu.memory_space<vmem>>) target_semaphore(%run_scoped3A_128 : memref<!tpu.dma_semaphore, #tpu.memory_space<semaphore_mem>>)
          %dma_wait3A = arith.constant 0 : i32
          %dma_wait3A_132 = tpu.memref_slice %arg3[%add3A_70, %dma_wait3A] : memref<6272x128xi32, #tpu.memory_space<hbm>> -> memref<8x128xi32, #tpu.memory_space<hbm>>
          %dma_wait3A_133 = arith.constant 0 : i32
          %dma_wait3A_134 = tpu.memref_slice %arg3[%add3A_70, %dma_wait3A_133] : memref<6272x128xi32, #tpu.memory_space<hbm>> -> memref<8x128xi32, #tpu.memory_space<hbm>>
          tpu.wait_dma2 semaphore(%run_scoped3A_128 : memref<!tpu.dma_semaphore, #tpu.memory_space<semaphore_mem>>) src(%dma_wait3A_134 : memref<8x128xi32, #tpu.memory_space<hbm>>) dst(%arg8 : memref<8x128xi32, #tpu.memory_space<vmem>>)
          tpu.yield
        }) : () -> ()
        %scan3A_71 = arith.constant 0 : i32
        %scan3A_72 = arith.constant 0 : i32
        %scan3A_73 = arith.constant 4 : i32
        %scan3A_74 = arith.addi %scan3A_72, %scan3A_73 : i32
        %scan3A_75 = arith.constant 1 : i32
        %scan3A_76 = scf.for %scan3A_128 = %scan3A_72 to %scan3A_74 step %scan3A_75 iter_args(%scan3A_129 = %scan3A_71) -> (i32)  : i32 {
          %add3A_130 = arith.constant 0 : i32
          %add3A_131 = arith.addi %add3A_130, %scan3A_128 : i32
          %dma_start3A = arith.constant 0 : i32
          %dma_start3A_132 = arith.constant 0 : i32
          %dma_start3A_133 = tpu.memref_slice %arg9[%scan3A_128, %dma_start3A, %dma_start3A_132] : memref<4x128x32xf32, #tpu.memory_space<vmem>> -> memref<1x128x32xf32, #tpu.memory_space<vmem>>
          %dma_start3A_134 = tpu.memref_squeeze %dma_start3A_133 : memref<1x128x32xf32, #tpu.memory_space<vmem>> -> memref<128x32xf32, #tpu.memory_space<vmem>>
          %dma_start3A_135 = arith.constant 0 : i32
          %dma_start3A_136 = tpu.memref_slice %arg7[%add3A_131, %dma_start3A_135] : memref<8x128xi32, #tpu.memory_space<vmem>> -> memref<1x128xi32, #tpu.memory_space<vmem>>
          %dma_start3A_137 = tpu.memref_squeeze %dma_start3A_136 : memref<1x128xi32, #tpu.memory_space<vmem>> -> memref<128xi32, #tpu.memory_space<vmem>>
          %dma_start3A_138 = arith.constant 0 : i32
          %dma_start3A_139 = arith.constant 0 : i32
          %dma_start3A_140 = tpu.memref_slice %arg5[%dma_start3A_138, %dma_start3A_139] : memref<50000x32xf32, #tpu.memory_space<hbm>> -> memref<50000x32xf32, #tpu.memory_space<hbm>>
          tpu.enqueue_indirect_dma source(%dma_start3A_140 : memref<50000x32xf32, #tpu.memory_space<hbm>>) target(%dma_start3A_134 : memref<128x32xf32, #tpu.memory_space<vmem>>) offsets(%dma_start3A_137 : memref<128xi32, #tpu.memory_space<vmem>>) semaphore(%arg11 : memref<!tpu.dma_semaphore, #tpu.memory_space<semaphore_mem>>)
          %scan3A_141 = arith.constant 0 : i32
          scf.yield %scan3A_141 : i32
        }
        %scan3A_77 = arith.constant 4 : i32
        %scan3A_78 = arith.constant 0 : i32
        %scan3A_79 = arith.constant 0 : i32
        %scan3A_80 = arith.constant 4 : i32
        %scan3A_81 = arith.addi %scan3A_79, %scan3A_80 : i32
        %scan3A_82 = arith.constant 1 : i32
        %scan3A_83 = scf.for %scan3A_128 = %scan3A_79 to %scan3A_81 step %scan3A_82 iter_args(%scan3A_129 = %scan3A_78) -> (i32)  : i32 {
          %add3A_130 = arith.constant 0 : i32
          %add3A_131 = arith.addi %add3A_130, %scan3A_128 : i32
          %dma_wait3A = arith.constant 0 : i32
          %dma_wait3A_132 = arith.constant 0 : i32
          %dma_wait3A_133 = tpu.memref_slice %arg9[%scan3A_128, %dma_wait3A, %dma_wait3A_132] : memref<4x128x32xf32, #tpu.memory_space<vmem>> -> memref<1x128x32xf32, #tpu.memory_space<vmem>>
          %dma_wait3A_134 = tpu.memref_squeeze %dma_wait3A_133 : memref<1x128x32xf32, #tpu.memory_space<vmem>> -> memref<128x32xf32, #tpu.memory_space<vmem>>
          %dma_wait3A_135 = arith.constant 0 : i32
          %dma_wait3A_136 = tpu.memref_slice %arg7[%add3A_131, %dma_wait3A_135] : memref<8x128xi32, #tpu.memory_space<vmem>> -> memref<1x128xi32, #tpu.memory_space<vmem>>
          %dma_wait3A_137 = tpu.memref_squeeze %dma_wait3A_136 : memref<1x128xi32, #tpu.memory_space<vmem>> -> memref<128xi32, #tpu.memory_space<vmem>>
          %dma_wait3A_138 = arith.constant 0 : i32
          %dma_wait3A_139 = arith.constant 0 : i32
          %dma_wait3A_140 = tpu.memref_slice %arg5[%dma_wait3A_138, %dma_wait3A_139] : memref<50000x32xf32, #tpu.memory_space<hbm>> -> memref<50000x32xf32, #tpu.memory_space<hbm>>
          tpu.wait_indirect_dma semaphore(%arg11 : memref<!tpu.dma_semaphore, #tpu.memory_space<semaphore_mem>>) src(%dma_wait3A_140 : memref<50000x32xf32, #tpu.memory_space<hbm>>) dst(%dma_wait3A_134 : memref<128x32xf32, #tpu.memory_space<vmem>>)
          %scan3A_141 = arith.constant 0 : i32
          scf.yield %scan3A_141 : i32
        }
        %scan3A_84 = arith.constant 4 : i32
        %scan3A_85 = arith.constant 0 : i32
        %scan3A_86 = arith.constant 0 : i32
        %scan3A_87 = arith.constant 4 : i32
        %scan3A_88 = arith.addi %scan3A_86, %scan3A_87 : i32
        %scan3A_89 = arith.constant 1 : i32
        %scan3A_90 = scf.for %scan3A_128 = %scan3A_86 to %scan3A_88 step %scan3A_89 iter_args(%scan3A_129 = %scan3A_85) -> (i32)  : i32 {
          %add3A_130 = arith.constant 0 : i32
          %add3A_131 = arith.addi %add3A_130, %scan3A_128 : i32
          %dma_start3A = arith.constant 0 : i32
          %dma_start3A_132 = arith.constant 0 : i32
          %dma_start3A_133 = tpu.memref_slice %arg9[%scan3A_128, %dma_start3A, %dma_start3A_132] : memref<4x128x32xf32, #tpu.memory_space<vmem>> -> memref<1x128x32xf32, #tpu.memory_space<vmem>>
          %dma_start3A_134 = tpu.memref_squeeze %dma_start3A_133 : memref<1x128x32xf32, #tpu.memory_space<vmem>> -> memref<128x32xf32, #tpu.memory_space<vmem>>
          %dma_start3A_135 = arith.constant 0 : i32
          %dma_start3A_136 = tpu.memref_slice %arg8[%add3A_131, %dma_start3A_135] : memref<8x128xi32, #tpu.memory_space<vmem>> -> memref<1x128xi32, #tpu.memory_space<vmem>>
          %dma_start3A_137 = tpu.memref_squeeze %dma_start3A_136 : memref<1x128xi32, #tpu.memory_space<vmem>> -> memref<128xi32, #tpu.memory_space<vmem>>
          %dma_start3A_138 = arith.constant 0 : i32
          %dma_start3A_139 = arith.constant 0 : i32
          %dma_start3A_140 = tpu.memref_slice %arg10[%dma_start3A_138, %dma_start3A_139] : memref<50048x32xf32, #tpu.memory_space<vmem_shared>> -> memref<50048x32xf32, #tpu.memory_space<vmem_shared>>
          tpu.enqueue_indirect_dma source(%dma_start3A_134 : memref<128x32xf32, #tpu.memory_space<vmem>>) target(%dma_start3A_140 : memref<50048x32xf32, #tpu.memory_space<vmem_shared>>) offsets(%dma_start3A_137 : memref<128xi32, #tpu.memory_space<vmem>>) semaphore(%arg12 : memref<!tpu.dma_semaphore, #tpu.memory_space<semaphore_mem>>) {add = true}
          %scan3A_141 = arith.constant 0 : i32
          scf.yield %scan3A_141 : i32
        }
        %scan3A_91 = arith.constant 4 : i32
        %scan3A_92 = arith.constant 0 : i32
        %scan3A_93 = arith.constant 0 : i32
        %scan3A_94 = arith.constant 4 : i32
        %scan3A_95 = arith.addi %scan3A_93, %scan3A_94 : i32
        %scan3A_96 = arith.constant 1 : i32
        %scan3A_97 = scf.for %scan3A_128 = %scan3A_93 to %scan3A_95 step %scan3A_96 iter_args(%scan3A_129 = %scan3A_92) -> (i32)  : i32 {
          %add3A_130 = arith.constant 0 : i32
          %add3A_131 = arith.addi %add3A_130, %scan3A_128 : i32
          %dma_wait3A = arith.constant 0 : i32
          %dma_wait3A_132 = arith.constant 0 : i32
          %dma_wait3A_133 = tpu.memref_slice %arg9[%scan3A_128, %dma_wait3A, %dma_wait3A_132] : memref<4x128x32xf32, #tpu.memory_space<vmem>> -> memref<1x128x32xf32, #tpu.memory_space<vmem>>
          %dma_wait3A_134 = tpu.memref_squeeze %dma_wait3A_133 : memref<1x128x32xf32, #tpu.memory_space<vmem>> -> memref<128x32xf32, #tpu.memory_space<vmem>>
          %dma_wait3A_135 = arith.constant 0 : i32
          %dma_wait3A_136 = tpu.memref_slice %arg8[%add3A_131, %dma_wait3A_135] : memref<8x128xi32, #tpu.memory_space<vmem>> -> memref<1x128xi32, #tpu.memory_space<vmem>>
          %dma_wait3A_137 = tpu.memref_squeeze %dma_wait3A_136 : memref<1x128xi32, #tpu.memory_space<vmem>> -> memref<128xi32, #tpu.memory_space<vmem>>
          %dma_wait3A_138 = arith.constant 0 : i32
          %dma_wait3A_139 = arith.constant 0 : i32
          %dma_wait3A_140 = tpu.memref_slice %arg10[%dma_wait3A_138, %dma_wait3A_139] : memref<50048x32xf32, #tpu.memory_space<vmem_shared>> -> memref<50048x32xf32, #tpu.memory_space<vmem_shared>>
          tpu.wait_indirect_dma semaphore(%arg12 : memref<!tpu.dma_semaphore, #tpu.memory_space<semaphore_mem>>) src(%dma_wait3A_134 : memref<128x32xf32, #tpu.memory_space<vmem>>) dst(%dma_wait3A_140 : memref<50048x32xf32, #tpu.memory_space<vmem_shared>>)
          %scan3A_141 = arith.constant 0 : i32
          scf.yield %scan3A_141 : i32
        }
        %scan3A_98 = arith.constant 4 : i32
        %scan3A_99 = arith.constant 0 : i32
        %scan3A_100 = arith.constant 0 : i32
        %scan3A_101 = arith.constant 4 : i32
        %scan3A_102 = arith.addi %scan3A_100, %scan3A_101 : i32
        %scan3A_103 = arith.constant 1 : i32
        %scan3A_104 = scf.for %scan3A_128 = %scan3A_100 to %scan3A_102 step %scan3A_103 iter_args(%scan3A_129 = %scan3A_99) -> (i32)  : i32 {
          %add3A_130 = arith.constant 4 : i32
          %add3A_131 = arith.addi %add3A_130, %scan3A_128 : i32
          %dma_start3A = arith.constant 0 : i32
          %dma_start3A_132 = arith.constant 0 : i32
          %dma_start3A_133 = tpu.memref_slice %arg9[%scan3A_128, %dma_start3A, %dma_start3A_132] : memref<4x128x32xf32, #tpu.memory_space<vmem>> -> memref<1x128x32xf32, #tpu.memory_space<vmem>>
          %dma_start3A_134 = tpu.memref_squeeze %dma_start3A_133 : memref<1x128x32xf32, #tpu.memory_space<vmem>> -> memref<128x32xf32, #tpu.memory_space<vmem>>
          %dma_start3A_135 = arith.constant 0 : i32
          %dma_start3A_136 = tpu.memref_slice %arg7[%add3A_131, %dma_start3A_135] : memref<8x128xi32, #tpu.memory_space<vmem>> -> memref<1x128xi32, #tpu.memory_space<vmem>>
          %dma_start3A_137 = tpu.memref_squeeze %dma_start3A_136 : memref<1x128xi32, #tpu.memory_space<vmem>> -> memref<128xi32, #tpu.memory_space<vmem>>
          %dma_start3A_138 = arith.constant 0 : i32
          %dma_start3A_139 = arith.constant 0 : i32
          %dma_start3A_140 = tpu.memref_slice %arg5[%dma_start3A_138, %dma_start3A_139] : memref<50000x32xf32, #tpu.memory_space<hbm>> -> memref<50000x32xf32, #tpu.memory_space<hbm>>
          tpu.enqueue_indirect_dma source(%dma_start3A_140 : memref<50000x32xf32, #tpu.memory_space<hbm>>) target(%dma_start3A_134 : memref<128x32xf32, #tpu.memory_space<vmem>>) offsets(%dma_start3A_137 : memref<128xi32, #tpu.memory_space<vmem>>) semaphore(%arg11 : memref<!tpu.dma_semaphore, #tpu.memory_space<semaphore_mem>>)
          %scan3A_141 = arith.constant 0 : i32
          scf.yield %scan3A_141 : i32
        }
        %scan3A_105 = arith.constant 4 : i32
        %scan3A_106 = arith.constant 0 : i32
        %scan3A_107 = arith.constant 0 : i32
        %scan3A_108 = arith.constant 4 : i32
        %scan3A_109 = arith.addi %scan3A_107, %scan3A_108 : i32
        %scan3A_110 = arith.constant 1 : i32
        %scan3A_111 = scf.for %scan3A_128 = %scan3A_107 to %scan3A_109 step %scan3A_110 iter_args(%scan3A_129 = %scan3A_106) -> (i32)  : i32 {
          %add3A_130 = arith.constant 4 : i32
          %add3A_131 = arith.addi %add3A_130, %scan3A_128 : i32
          %dma_wait3A = arith.constant 0 : i32
          %dma_wait3A_132 = arith.constant 0 : i32
          %dma_wait3A_133 = tpu.memref_slice %arg9[%scan3A_128, %dma_wait3A, %dma_wait3A_132] : memref<4x128x32xf32, #tpu.memory_space<vmem>> -> memref<1x128x32xf32, #tpu.memory_space<vmem>>
          %dma_wait3A_134 = tpu.memref_squeeze %dma_wait3A_133 : memref<1x128x32xf32, #tpu.memory_space<vmem>> -> memref<128x32xf32, #tpu.memory_space<vmem>>
          %dma_wait3A_135 = arith.constant 0 : i32
          %dma_wait3A_136 = tpu.memref_slice %arg7[%add3A_131, %dma_wait3A_135] : memref<8x128xi32, #tpu.memory_space<vmem>> -> memref<1x128xi32, #tpu.memory_space<vmem>>
          %dma_wait3A_137 = tpu.memref_squeeze %dma_wait3A_136 : memref<1x128xi32, #tpu.memory_space<vmem>> -> memref<128xi32, #tpu.memory_space<vmem>>
          %dma_wait3A_138 = arith.constant 0 : i32
          %dma_wait3A_139 = arith.constant 0 : i32
          %dma_wait3A_140 = tpu.memref_slice %arg5[%dma_wait3A_138, %dma_wait3A_139] : memref<50000x32xf32, #tpu.memory_space<hbm>> -> memref<50000x32xf32, #tpu.memory_space<hbm>>
          tpu.wait_indirect_dma semaphore(%arg11 : memref<!tpu.dma_semaphore, #tpu.memory_space<semaphore_mem>>) src(%dma_wait3A_140 : memref<50000x32xf32, #tpu.memory_space<hbm>>) dst(%dma_wait3A_134 : memref<128x32xf32, #tpu.memory_space<vmem>>)
          %scan3A_141 = arith.constant 0 : i32
          scf.yield %scan3A_141 : i32
        }
        %scan3A_112 = arith.constant 4 : i32
        %scan3A_113 = arith.constant 0 : i32
        %scan3A_114 = arith.constant 0 : i32
        %scan3A_115 = arith.constant 4 : i32
        %scan3A_116 = arith.addi %scan3A_114, %scan3A_115 : i32
        %scan3A_117 = arith.constant 1 : i32
        %scan3A_118 = scf.for %scan3A_128 = %scan3A_114 to %scan3A_116 step %scan3A_117 iter_args(%scan3A_129 = %scan3A_113) -> (i32)  : i32 {
          %add3A_130 = arith.constant 4 : i32
          %add3A_131 = arith.addi %add3A_130, %scan3A_128 : i32
          %dma_start3A = arith.constant 0 : i32
          %dma_start3A_132 = arith.constant 0 : i32
          %dma_start3A_133 = tpu.memref_slice %arg9[%scan3A_128, %dma_start3A, %dma_start3A_132] : memref<4x128x32xf32, #tpu.memory_space<vmem>> -> memref<1x128x32xf32, #tpu.memory_space<vmem>>
          %dma_start3A_134 = tpu.memref_squeeze %dma_start3A_133 : memref<1x128x32xf32, #tpu.memory_space<vmem>> -> memref<128x32xf32, #tpu.memory_space<vmem>>
          %dma_start3A_135 = arith.constant 0 : i32
          %dma_start3A_136 = tpu.memref_slice %arg8[%add3A_131, %dma_start3A_135] : memref<8x128xi32, #tpu.memory_space<vmem>> -> memref<1x128xi32, #tpu.memory_space<vmem>>
          %dma_start3A_137 = tpu.memref_squeeze %dma_start3A_136 : memref<1x128xi32, #tpu.memory_space<vmem>> -> memref<128xi32, #tpu.memory_space<vmem>>
          %dma_start3A_138 = arith.constant 0 : i32
          %dma_start3A_139 = arith.constant 0 : i32
          %dma_start3A_140 = tpu.memref_slice %arg10[%dma_start3A_138, %dma_start3A_139] : memref<50048x32xf32, #tpu.memory_space<vmem_shared>> -> memref<50048x32xf32, #tpu.memory_space<vmem_shared>>
          tpu.enqueue_indirect_dma source(%dma_start3A_134 : memref<128x32xf32, #tpu.memory_space<vmem>>) target(%dma_start3A_140 : memref<50048x32xf32, #tpu.memory_space<vmem_shared>>) offsets(%dma_start3A_137 : memref<128xi32, #tpu.memory_space<vmem>>) semaphore(%arg12 : memref<!tpu.dma_semaphore, #tpu.memory_space<semaphore_mem>>) {add = true}
          %scan3A_141 = arith.constant 0 : i32
          scf.yield %scan3A_141 : i32
        }
        %scan3A_119 = arith.constant 4 : i32
        %scan3A_120 = arith.constant 0 : i32
        %scan3A_121 = arith.constant 0 : i32
        %scan3A_122 = arith.constant 4 : i32
        %scan3A_123 = arith.addi %scan3A_121, %scan3A_122 : i32
        %scan3A_124 = arith.constant 1 : i32
        %scan3A_125 = scf.for %scan3A_128 = %scan3A_121 to %scan3A_123 step %scan3A_124 iter_args(%scan3A_129 = %scan3A_120) -> (i32)  : i32 {
          %add3A_130 = arith.constant 4 : i32
          %add3A_131 = arith.addi %add3A_130, %scan3A_128 : i32
          %dma_wait3A = arith.constant 0 : i32
          %dma_wait3A_132 = arith.constant 0 : i32
          %dma_wait3A_133 = tpu.memref_slice %arg9[%scan3A_128, %dma_wait3A, %dma_wait3A_132] : memref<4x128x32xf32, #tpu.memory_space<vmem>> -> memref<1x128x32xf32, #tpu.memory_space<vmem>>
          %dma_wait3A_134 = tpu.memref_squeeze %dma_wait3A_133 : memref<1x128x32xf32, #tpu.memory_space<vmem>> -> memref<128x32xf32, #tpu.memory_space<vmem>>
          %dma_wait3A_135 = arith.constant 0 : i32
          %dma_wait3A_136 = tpu.memref_slice %arg8[%add3A_131, %dma_wait3A_135] : memref<8x128xi32, #tpu.memory_space<vmem>> -> memref<1x128xi32, #tpu.memory_space<vmem>>
          %dma_wait3A_137 = tpu.memref_squeeze %dma_wait3A_136 : memref<1x128xi32, #tpu.memory_space<vmem>> -> memref<128xi32, #tpu.memory_space<vmem>>
          %dma_wait3A_138 = arith.constant 0 : i32
          %dma_wait3A_139 = arith.constant 0 : i32
          %dma_wait3A_140 = tpu.memref_slice %arg10[%dma_wait3A_138, %dma_wait3A_139] : memref<50048x32xf32, #tpu.memory_space<vmem_shared>> -> memref<50048x32xf32, #tpu.memory_space<vmem_shared>>
          tpu.wait_indirect_dma semaphore(%arg12 : memref<!tpu.dma_semaphore, #tpu.memory_space<semaphore_mem>>) src(%dma_wait3A_134 : memref<128x32xf32, #tpu.memory_space<vmem>>) dst(%dma_wait3A_140 : memref<50048x32xf32, #tpu.memory_space<vmem_shared>>)
          %scan3A_141 = arith.constant 0 : i32
          scf.yield %scan3A_141 : i32
        }
        %scan3A_126 = arith.constant 4 : i32
        %scan3A_127 = arith.constant 0 : i32
        scf.yield %scan3A_127 : i32
      }
      %scan3A_65 = arith.constant 49 : i32
    } else {
    }
    %barrier3A_44 = arith.constant 0 : index
    tpu.barrier barrier_id(%barrier3A_44)
    %mul3A_45 = arith.constant 3128 : i32
    %mul3A_46 = arith.muli %arg1, %mul3A_45 : i32
    %eq3A_47 = arith.constant 0 : i32
    %eq3A_48 = arith.cmpi eq, %arg0, %eq3A_47 : i32
    %convert_element_type3A_49 = arith.extui %eq3A_48 : i1 to i32
    %cond3A_50 = arith.constant 0 : i32
    %cond3A_51 = arith.cmpi ne, %convert_element_type3A_49, %cond3A_50 : i32
    scf.if %cond3A_51 {
      %run_scoped3A_57 = arith.constant 0 : i32
      "tpu.region"() ({
        %run_scoped3A_58 = tpu.sem_alloc : memref<!tpu.dma_semaphore, #tpu.memory_space<semaphore_mem>>
        %dma_start3A = arith.constant 0 : i32
        %dma_start3A_59 = arith.constant 0 : i32
        %dma_start3A_60 = tpu.memref_slice %arg6[%run_scoped3A_57, %dma_start3A, %dma_start3A_59] : memref<2x50048x32xf32, #tpu.memory_space<hbm>> -> memref<1x50048x32xf32, #tpu.memory_space<hbm>>
        %dma_start3A_61 = tpu.memref_squeeze %dma_start3A_60 : memref<1x50048x32xf32, #tpu.memory_space<hbm>> -> memref<50048x32xf32, #tpu.memory_space<hbm>>
        %dma_start3A_62 = arith.constant 0 : i32
        %dma_start3A_63 = tpu.memref_slice %dma_start3A_61[%mul3A_46, %dma_start3A_62] : memref<50048x32xf32, #tpu.memory_space<hbm>> -> memref<3128x32xf32, #tpu.memory_space<hbm>>
        %dma_start3A_64 = arith.constant 0 : i32
        %dma_start3A_65 = tpu.memref_slice %arg10[%mul3A_46, %dma_start3A_64] : memref<50048x32xf32, #tpu.memory_space<vmem_shared>> -> memref<3128x32xf32, #tpu.memory_space<vmem_shared>>
        tpu.enqueue_dma source(%dma_start3A_65 : memref<3128x32xf32, #tpu.memory_space<vmem_shared>>) target(%dma_start3A_63 : memref<3128x32xf32, #tpu.memory_space<hbm>>) target_semaphore(%run_scoped3A_58 : memref<!tpu.dma_semaphore, #tpu.memory_space<semaphore_mem>>)
        %dma_wait3A = arith.constant 0 : i32
        %dma_wait3A_66 = arith.constant 0 : i32
        %dma_wait3A_67 = tpu.memref_slice %arg6[%run_scoped3A_57, %dma_wait3A, %dma_wait3A_66] : memref<2x50048x32xf32, #tpu.memory_space<hbm>> -> memref<1x50048x32xf32, #tpu.memory_space<hbm>>
        %dma_wait3A_68 = tpu.memref_squeeze %dma_wait3A_67 : memref<1x50048x32xf32, #tpu.memory_space<hbm>> -> memref<50048x32xf32, #tpu.memory_space<hbm>>
        %dma_wait3A_69 = arith.constant 0 : i32
        %dma_wait3A_70 = tpu.memref_slice %dma_wait3A_68[%mul3A_46, %dma_wait3A_69] : memref<50048x32xf32, #tpu.memory_space<hbm>> -> memref<3128x32xf32, #tpu.memory_space<hbm>>
        %dma_wait3A_71 = arith.constant 0 : i32
        %dma_wait3A_72 = tpu.memref_slice %arg10[%mul3A_46, %dma_wait3A_71] : memref<50048x32xf32, #tpu.memory_space<vmem_shared>> -> memref<3128x32xf32, #tpu.memory_space<vmem_shared>>
        tpu.wait_dma2 semaphore(%run_scoped3A_58 : memref<!tpu.dma_semaphore, #tpu.memory_space<semaphore_mem>>) src(%dma_wait3A_72 : memref<3128x32xf32, #tpu.memory_space<vmem_shared>>) dst(%dma_wait3A_70 : memref<3128x32xf32, #tpu.memory_space<hbm>>)
        tpu.yield
      }) : () -> ()
    } else {
    }
    %eq3A_52 = arith.constant 1 : i32
    %eq3A_53 = arith.cmpi eq, %arg0, %eq3A_52 : i32
    %convert_element_type3A_54 = arith.extui %eq3A_53 : i1 to i32
    %cond3A_55 = arith.constant 0 : i32
    %cond3A_56 = arith.cmpi ne, %convert_element_type3A_54, %cond3A_55 : i32
    scf.if %cond3A_56 {
      %run_scoped3A_57 = arith.constant 1 : i32
      "tpu.region"() ({
        %run_scoped3A_58 = tpu.sem_alloc : memref<!tpu.dma_semaphore, #tpu.memory_space<semaphore_mem>>
        %dma_start3A = arith.constant 0 : i32
        %dma_start3A_59 = arith.constant 0 : i32
        %dma_start3A_60 = tpu.memref_slice %arg6[%run_scoped3A_57, %dma_start3A, %dma_start3A_59] : memref<2x50048x32xf32, #tpu.memory_space<hbm>> -> memref<1x50048x32xf32, #tpu.memory_space<hbm>>
        %dma_start3A_61 = tpu.memref_squeeze %dma_start3A_60 : memref<1x50048x32xf32, #tpu.memory_space<hbm>> -> memref<50048x32xf32, #tpu.memory_space<hbm>>
        %dma_start3A_62 = arith.constant 0 : i32
        %dma_start3A_63 = tpu.memref_slice %dma_start3A_61[%mul3A_46, %dma_start3A_62] : memref<50048x32xf32, #tpu.memory_space<hbm>> -> memref<3128x32xf32, #tpu.memory_space<hbm>>
        %dma_start3A_64 = arith.constant 0 : i32
        %dma_start3A_65 = tpu.memref_slice %arg10[%mul3A_46, %dma_start3A_64] : memref<50048x32xf32, #tpu.memory_space<vmem_shared>> -> memref<3128x32xf32, #tpu.memory_space<vmem_shared>>
        tpu.enqueue_dma source(%dma_start3A_65 : memref<3128x32xf32, #tpu.memory_space<vmem_shared>>) target(%dma_start3A_63 : memref<3128x32xf32, #tpu.memory_space<hbm>>) target_semaphore(%run_scoped3A_58 : memref<!tpu.dma_semaphore, #tpu.memory_space<semaphore_mem>>)
        %dma_wait3A = arith.constant 0 : i32
        %dma_wait3A_66 = arith.constant 0 : i32
        %dma_wait3A_67 = tpu.memref_slice %arg6[%run_scoped3A_57, %dma_wait3A, %dma_wait3A_66] : memref<2x50048x32xf32, #tpu.memory_space<hbm>> -> memref<1x50048x32xf32, #tpu.memory_space<hbm>>
        %dma_wait3A_68 = tpu.memref_squeeze %dma_wait3A_67 : memref<1x50048x32xf32, #tpu.memory_space<hbm>> -> memref<50048x32xf32, #tpu.memory_space<hbm>>
        %dma_wait3A_69 = arith.constant 0 : i32
        %dma_wait3A_70 = tpu.memref_slice %dma_wait3A_68[%mul3A_46, %dma_wait3A_69] : memref<50048x32xf32, #tpu.memory_space<hbm>> -> memref<3128x32xf32, #tpu.memory_space<hbm>>
        %dma_wait3A_71 = arith.constant 0 : i32
        %dma_wait3A_72 = tpu.memref_slice %arg10[%mul3A_46, %dma_wait3A_71] : memref<50048x32xf32, #tpu.memory_space<vmem_shared>> -> memref<3128x32xf32, #tpu.memory_space<vmem_shared>>
        tpu.wait_dma2 semaphore(%run_scoped3A_58 : memref<!tpu.dma_semaphore, #tpu.memory_space<semaphore_mem>>) src(%dma_wait3A_72 : memref<3128x32xf32, #tpu.memory_space<vmem_shared>>) dst(%dma_wait3A_70 : memref<3128x32xf32, #tpu.memory_space<hbm>>)
        tpu.yield
      }) : () -> ()
    } else {
    }
    return
  }
}

#map = affine_map<(d0, d1) -> (0)>
module attributes {stable_mosaic.version = 14 : i64} {
  func.func @k(%arg0: i32, %arg1: i32, %arg2: memref<802816xi32, #tpu.memory_space<hbm>>, %arg3: memref<802816xi32, #tpu.memory_space<hbm>>, %arg4: memref<16xi32, #tpu.memory_space<hbm>>, %arg5: memref<1601536xf32, #tpu.memory_space<hbm>>, %arg6: memref<1601536xf32, #tpu.memory_space<hbm>>, %arg7: memref<50048xf32, #tpu.memory_space<vmem>>, %arg8: memref<50048xf32, #tpu.memory_space<vmem>>, %arg9: memref<2048xi32, #tpu.memory_space<vmem>>, %arg10: memref<2048xi32, #tpu.memory_space<vmem>>, %arg11: memref<16xi32, #tpu.memory_space<vmem>>) attributes {dimension_semantics = [#tpu.dimension_semantics<core_parallel>, #tpu.dimension_semantics<subcore_parallel>], iteration_bounds = array<i64: 2, 16>, scalar_prefetch = 0 : i64, scratch_operands = 5 : i64, tpu.core_type = #tpu.core_type<sc_vector_subcore>, window_params = [{transform_indices = #map}, {transform_indices = #map}, {transform_indices = #map}, {transform_indices = #map}, {transform_indices = #map}]} {
    %mul3A = arith.constant 16 : i32
    %mul3A_0 = arith.muli %arg0, %mul3A : i32
    %add3A = arith.addi %mul3A_0, %arg1 : i32
    "tpu.region"() ({
      %run_scoped3A = tpu.sem_alloc : memref<!tpu.dma_semaphore, #tpu.memory_space<semaphore_mem>>
      tpu.enqueue_dma source(%arg4 : memref<16xi32, #tpu.memory_space<hbm>>) target(%arg11 : memref<16xi32, #tpu.memory_space<vmem>>) target_semaphore(%run_scoped3A : memref<!tpu.dma_semaphore, #tpu.memory_space<semaphore_mem>>)
      tpu.wait_dma2 semaphore(%run_scoped3A : memref<!tpu.dma_semaphore, #tpu.memory_space<semaphore_mem>>) src(%arg4 : memref<16xi32, #tpu.memory_space<hbm>>) dst(%arg11 : memref<16xi32, #tpu.memory_space<vmem>>)
      tpu.yield
    }) : () -> ()
    %get3A = arith.constant 0 : index
    %get3A_1 = tpu.vector_load %arg11[%get3A] {strides = array<i32>} : memref<16xi32, #tpu.memory_space<vmem>>, vector<16xi32>,
    %broadcast_in_dim3A = arith.constant 0.000000e+00 : f32
    %broadcast_in_dim3A_2 = vector.broadcast %broadcast_in_dim3A : f32 to vector<16xf32>
    %broadcast_in_dim3A_3 = arith.constant 1.000000e+00 : f32
    %broadcast_in_dim3A_4 = vector.broadcast %broadcast_in_dim3A_3 : f32 to vector<16xf32>
    %scan3A = arith.constant 0 : i32
    %scan3A_5 = arith.constant 0 : i32
    %scan3A_6 = arith.constant 3128 : i32
    %scan3A_7 = arith.addi %scan3A_5, %scan3A_6 : i32
    %scan3A_8 = arith.constant 1 : i32
    %scan3A_9 = scf.for %scan3A_33 = %scan3A_5 to %scan3A_7 step %scan3A_8 iter_args(%scan3A_34 = %scan3A) -> (i32)  : i32 {
      %mul3A_35 = arith.constant 16 : i32
      %mul3A_36 = arith.muli %scan3A_33, %mul3A_35 : i32
      %swap3A = arith.index_cast %mul3A_36 : i32 to index
      %swap3A_37 = tpu.vector_load %arg7[%swap3A] {strides = array<i32>} : memref<50048xf32, #tpu.memory_space<vmem>>, vector<16xf32>,
      tpu.vector_store %arg7[%swap3A], %broadcast_in_dim3A_2 {strides = array<i32>} : memref<50048xf32, #tpu.memory_space<vmem>>, vector<16xf32>,
      %mul3A_38 = arith.constant 16 : i32
      %mul3A_39 = arith.muli %scan3A_33, %mul3A_38 : i32
      %swap3A_40 = arith.index_cast %mul3A_39 : i32 to index
      %swap3A_41 = tpu.vector_load %arg8[%swap3A_40] {strides = array<i32>} : memref<50048xf32, #tpu.memory_space<vmem>>, vector<16xf32>,
      tpu.vector_store %arg8[%swap3A_40], %broadcast_in_dim3A_2 {strides = array<i32>} : memref<50048xf32, #tpu.memory_space<vmem>>, vector<16xf32>,
      %scan3A_42 = arith.constant 0 : i32
      scf.yield %scan3A_42 : i32
    }
    %scan3A_10 = arith.constant 3128 : i32
    %mul3A_11 = arith.constant 25088 : i32
    %mul3A_12 = arith.muli %add3A, %mul3A_11 : i32
    %scan3A_13 = arith.constant 0 : i32
    %scan3A_14 = arith.constant 0 : i32
    %scan3A_15 = arith.constant 12 : i32
    %scan3A_16 = arith.addi %scan3A_14, %scan3A_15 : i32
    %scan3A_17 = arith.constant 1 : i32
    %scan3A_18 = scf.for %scan3A_33 = %scan3A_14 to %scan3A_16 step %scan3A_17 iter_args(%scan3A_34 = %scan3A_13) -> (i32)  : i32 {
      %mul3A_35 = arith.constant 2048 : i32
      %mul3A_36 = arith.muli %scan3A_33, %mul3A_35 : i32
      %add3A_37 = arith.addi %mul3A_12, %mul3A_36 : i32
      "tpu.region"() ({
        %run_scoped3A = tpu.sem_alloc : memref<!tpu.dma_semaphore, #tpu.memory_space<semaphore_mem>>
        %dma_start3A = tpu.memref_slice %arg2[%add3A_37] : memref<802816xi32, #tpu.memory_space<hbm>> -> memref<2048xi32, #tpu.memory_space<hbm>>
        %dma_start3A_46 = tpu.memref_slice %arg2[%add3A_37] : memref<802816xi32, #tpu.memory_space<hbm>> -> memref<2048xi32, #tpu.memory_space<hbm>>
        tpu.enqueue_dma source(%dma_start3A_46 : memref<2048xi32, #tpu.memory_space<hbm>>) target(%arg9 : memref<2048xi32, #tpu.memory_space<vmem>>) target_semaphore(%run_scoped3A : memref<!tpu.dma_semaphore, #tpu.memory_space<semaphore_mem>>)
        %dma_wait3A = tpu.memref_slice %arg2[%add3A_37] : memref<802816xi32, #tpu.memory_space<hbm>> -> memref<2048xi32, #tpu.memory_space<hbm>>
        %dma_wait3A_47 = tpu.memref_slice %arg2[%add3A_37] : memref<802816xi32, #tpu.memory_space<hbm>> -> memref<2048xi32, #tpu.memory_space<hbm>>
        tpu.wait_dma2 semaphore(%run_scoped3A : memref<!tpu.dma_semaphore, #tpu.memory_space<semaphore_mem>>) src(%dma_wait3A_47 : memref<2048xi32, #tpu.memory_space<hbm>>) dst(%arg9 : memref<2048xi32, #tpu.memory_space<vmem>>)
        tpu.yield
      }) : () -> ()
      "tpu.region"() ({
        %run_scoped3A = tpu.sem_alloc : memref<!tpu.dma_semaphore, #tpu.memory_space<semaphore_mem>>
        %dma_start3A = tpu.memref_slice %arg3[%add3A_37] : memref<802816xi32, #tpu.memory_space<hbm>> -> memref<2048xi32, #tpu.memory_space<hbm>>
        %dma_start3A_46 = tpu.memref_slice %arg3[%add3A_37] : memref<802816xi32, #tpu.memory_space<hbm>> -> memref<2048xi32, #tpu.memory_space<hbm>>
        tpu.enqueue_dma source(%dma_start3A_46 : memref<2048xi32, #tpu.memory_space<hbm>>) target(%arg10 : memref<2048xi32, #tpu.memory_space<vmem>>) target_semaphore(%run_scoped3A : memref<!tpu.dma_semaphore, #tpu.memory_space<semaphore_mem>>)
        %dma_wait3A = tpu.memref_slice %arg3[%add3A_37] : memref<802816xi32, #tpu.memory_space<hbm>> -> memref<2048xi32, #tpu.memory_space<hbm>>
        %dma_wait3A_47 = tpu.memref_slice %arg3[%add3A_37] : memref<802816xi32, #tpu.memory_space<hbm>> -> memref<2048xi32, #tpu.memory_space<hbm>>
        tpu.wait_dma2 semaphore(%run_scoped3A : memref<!tpu.dma_semaphore, #tpu.memory_space<semaphore_mem>>) src(%dma_wait3A_47 : memref<2048xi32, #tpu.memory_space<hbm>>) dst(%arg10 : memref<2048xi32, #tpu.memory_space<vmem>>)
        tpu.yield
      }) : () -> ()
      %scan3A_38 = arith.constant 0 : i32
      %scan3A_39 = arith.constant 0 : i32
      %scan3A_40 = arith.constant 128 : i32
      %scan3A_41 = arith.addi %scan3A_39, %scan3A_40 : i32
      %scan3A_42 = arith.constant 1 : i32
      %scan3A_43 = scf.for %scan3A_46 = %scan3A_39 to %scan3A_41 step %scan3A_42 iter_args(%scan3A_47 = %scan3A_38) -> (i32)  : i32 {
        %mul3A_48 = arith.constant 16 : i32
        %mul3A_49 = arith.muli %scan3A_46, %mul3A_48 : i32
        %get3A_50 = arith.index_cast %mul3A_49 : i32 to index
        %get3A_51 = tpu.vector_load %arg9[%get3A_50] {strides = array<i32>} : memref<2048xi32, #tpu.memory_space<vmem>>, vector<16xi32>,
        %mul3A_52 = arith.constant 16 : i32
        %mul3A_53 = arith.muli %scan3A_46, %mul3A_52 : i32
        %get3A_54 = arith.index_cast %mul3A_53 : i32 to index
        %get3A_55 = tpu.vector_load %arg10[%get3A_54] {strides = array<i32>} : memref<2048xi32, #tpu.memory_space<vmem>>, vector<16xi32>,
        tpu.vector_store_idx %arg7[%get3A_55], %broadcast_in_dim3A_4 {add = true} : memref<50048xf32, #tpu.memory_space<vmem>>[vector<16xi32>], vector<16xf32>,
        %eq3A = arith.cmpi eq, %get3A_55, %get3A_1 : vector<16xi32>
        %jit3A = arith.constant 1.000000e+00 : f32
        %jit3A_56 = arith.constant 0.000000e+00 : f32
        %broadcast_in_dim3A_57 = vector.broadcast %jit3A : f32 to vector<16xf32>
        %broadcast_in_dim3A_58 = vector.broadcast %jit3A_56 : f32 to vector<16xf32>
        %select_n3A = arith.select %eq3A, %broadcast_in_dim3A_57, %broadcast_in_dim3A_58 : vector<16xi1>, vector<16xf32>
        tpu.vector_store_idx %arg8[%get3A_51], %select_n3A {add = true} : memref<50048xf32, #tpu.memory_space<vmem>>[vector<16xi32>], vector<16xf32>,
        %scan3A_59 = arith.constant 0 : i32
        scf.yield %scan3A_59 : i32
      }
      %scan3A_44 = arith.constant 128 : i32
      %scan3A_45 = arith.constant 0 : i32
      scf.yield %scan3A_45 : i32
    }
    %scan3A_19 = arith.constant 12 : i32
    %add3A_20 = arith.constant 24576 : i32
    %add3A_21 = arith.addi %mul3A_12, %add3A_20 : i32
    "tpu.region"() ({
      %run_scoped3A = tpu.sem_alloc : memref<!tpu.dma_semaphore, #tpu.memory_space<semaphore_mem>>
      %dma_start3A = arith.constant 0 : i32
      %dma_start3A_33 = tpu.memref_slice %arg9[%dma_start3A] : memref<2048xi32, #tpu.memory_space<vmem>> -> memref<512xi32, #tpu.memory_space<vmem>>
      %dma_start3A_34 = tpu.memref_slice %arg2[%add3A_21] : memref<802816xi32, #tpu.memory_space<hbm>> -> memref<512xi32, #tpu.memory_space<hbm>>
      %dma_start3A_35 = arith.constant 0 : i32
      %dma_start3A_36 = tpu.memref_slice %arg9[%dma_start3A_35] : memref<2048xi32, #tpu.memory_space<vmem>> -> memref<512xi32, #tpu.memory_space<vmem>>
      %dma_start3A_37 = tpu.memref_slice %arg2[%add3A_21] : memref<802816xi32, #tpu.memory_space<hbm>> -> memref<512xi32, #tpu.memory_space<hbm>>
      tpu.enqueue_dma source(%dma_start3A_37 : memref<512xi32, #tpu.memory_space<hbm>>) target(%dma_start3A_36 : memref<512xi32, #tpu.memory_space<vmem>>) target_semaphore(%run_scoped3A : memref<!tpu.dma_semaphore, #tpu.memory_space<semaphore_mem>>)
      %dma_wait3A = arith.constant 0 : i32
      %dma_wait3A_38 = tpu.memref_slice %arg9[%dma_wait3A] : memref<2048xi32, #tpu.memory_space<vmem>> -> memref<512xi32, #tpu.memory_space<vmem>>
      %dma_wait3A_39 = tpu.memref_slice %arg2[%add3A_21] : memref<802816xi32, #tpu.memory_space<hbm>> -> memref<512xi32, #tpu.memory_space<hbm>>
      %dma_wait3A_40 = arith.constant 0 : i32
      %dma_wait3A_41 = tpu.memref_slice %arg9[%dma_wait3A_40] : memref<2048xi32, #tpu.memory_space<vmem>> -> memref<512xi32, #tpu.memory_space<vmem>>
      %dma_wait3A_42 = tpu.memref_slice %arg2[%add3A_21] : memref<802816xi32, #tpu.memory_space<hbm>> -> memref<512xi32, #tpu.memory_space<hbm>>
      tpu.wait_dma2 semaphore(%run_scoped3A : memref<!tpu.dma_semaphore, #tpu.memory_space<semaphore_mem>>) src(%dma_wait3A_42 : memref<512xi32, #tpu.memory_space<hbm>>) dst(%dma_wait3A_41 : memref<512xi32, #tpu.memory_space<vmem>>)
      tpu.yield
    }) : () -> ()
    "tpu.region"() ({
      %run_scoped3A = tpu.sem_alloc : memref<!tpu.dma_semaphore, #tpu.memory_space<semaphore_mem>>
      %dma_start3A = arith.constant 0 : i32
      %dma_start3A_33 = tpu.memref_slice %arg10[%dma_start3A] : memref<2048xi32, #tpu.memory_space<vmem>> -> memref<512xi32, #tpu.memory_space<vmem>>
      %dma_start3A_34 = tpu.memref_slice %arg3[%add3A_21] : memref<802816xi32, #tpu.memory_space<hbm>> -> memref<512xi32, #tpu.memory_space<hbm>>
      %dma_start3A_35 = arith.constant 0 : i32
      %dma_start3A_36 = tpu.memref_slice %arg10[%dma_start3A_35] : memref<2048xi32, #tpu.memory_space<vmem>> -> memref<512xi32, #tpu.memory_space<vmem>>
      %dma_start3A_37 = tpu.memref_slice %arg3[%add3A_21] : memref<802816xi32, #tpu.memory_space<hbm>> -> memref<512xi32, #tpu.memory_space<hbm>>
      tpu.enqueue_dma source(%dma_start3A_37 : memref<512xi32, #tpu.memory_space<hbm>>) target(%dma_start3A_36 : memref<512xi32, #tpu.memory_space<vmem>>) target_semaphore(%run_scoped3A : memref<!tpu.dma_semaphore, #tpu.memory_space<semaphore_mem>>)
      %dma_wait3A = arith.constant 0 : i32
      %dma_wait3A_38 = tpu.memref_slice %arg10[%dma_wait3A] : memref<2048xi32, #tpu.memory_space<vmem>> -> memref<512xi32, #tpu.memory_space<vmem>>
      %dma_wait3A_39 = tpu.memref_slice %arg3[%add3A_21] : memref<802816xi32, #tpu.memory_space<hbm>> -> memref<512xi32, #tpu.memory_space<hbm>>
      %dma_wait3A_40 = arith.constant 0 : i32
      %dma_wait3A_41 = tpu.memref_slice %arg10[%dma_wait3A_40] : memref<2048xi32, #tpu.memory_space<vmem>> -> memref<512xi32, #tpu.memory_space<vmem>>
      %dma_wait3A_42 = tpu.memref_slice %arg3[%add3A_21] : memref<802816xi32, #tpu.memory_space<hbm>> -> memref<512xi32, #tpu.memory_space<hbm>>
      tpu.wait_dma2 semaphore(%run_scoped3A : memref<!tpu.dma_semaphore, #tpu.memory_space<semaphore_mem>>) src(%dma_wait3A_42 : memref<512xi32, #tpu.memory_space<hbm>>) dst(%dma_wait3A_41 : memref<512xi32, #tpu.memory_space<vmem>>)
      tpu.yield
    }) : () -> ()
    %scan3A_22 = arith.constant 0 : i32
    %scan3A_23 = arith.constant 0 : i32
    %scan3A_24 = arith.constant 32 : i32
    %scan3A_25 = arith.addi %scan3A_23, %scan3A_24 : i32
    %scan3A_26 = arith.constant 1 : i32
    %scan3A_27 = scf.for %scan3A_33 = %scan3A_23 to %scan3A_25 step %scan3A_26 iter_args(%scan3A_34 = %scan3A_22) -> (i32)  : i32 {
      %mul3A_35 = arith.constant 16 : i32
      %mul3A_36 = arith.muli %scan3A_33, %mul3A_35 : i32
      %get3A_37 = arith.index_cast %mul3A_36 : i32 to index
      %get3A_38 = tpu.vector_load %arg9[%get3A_37] {strides = array<i32>} : memref<2048xi32, #tpu.memory_space<vmem>>, vector<16xi32>,
      %mul3A_39 = arith.constant 16 : i32
      %mul3A_40 = arith.muli %scan3A_33, %mul3A_39 : i32
      %get3A_41 = arith.index_cast %mul3A_40 : i32 to index
      %get3A_42 = tpu.vector_load %arg10[%get3A_41] {strides = array<i32>} : memref<2048xi32, #tpu.memory_space<vmem>>, vector<16xi32>,
      tpu.vector_store_idx %arg7[%get3A_42], %broadcast_in_dim3A_4 {add = true} : memref<50048xf32, #tpu.memory_space<vmem>>[vector<16xi32>], vector<16xf32>,
      %eq3A = arith.cmpi eq, %get3A_42, %get3A_1 : vector<16xi32>
      %jit3A = arith.constant 1.000000e+00 : f32
      %jit3A_43 = arith.constant 0.000000e+00 : f32
      %broadcast_in_dim3A_44 = vector.broadcast %jit3A : f32 to vector<16xf32>
      %broadcast_in_dim3A_45 = vector.broadcast %jit3A_43 : f32 to vector<16xf32>
      %select_n3A = arith.select %eq3A, %broadcast_in_dim3A_44, %broadcast_in_dim3A_45 : vector<16xi1>, vector<16xf32>
      tpu.vector_store_idx %arg8[%get3A_38], %select_n3A {add = true} : memref<50048xf32, #tpu.memory_space<vmem>>[vector<16xi32>], vector<16xf32>,
      %scan3A_46 = arith.constant 0 : i32
      scf.yield %scan3A_46 : i32
    }
    %scan3A_28 = arith.constant 32 : i32
    %mul3A_29 = arith.constant 50048 : i32
    %mul3A_30 = arith.muli %add3A, %mul3A_29 : i32
    "tpu.region"() ({
      %run_scoped3A = tpu.sem_alloc : memref<!tpu.dma_semaphore, #tpu.memory_space<semaphore_mem>>
      %dma_start3A = tpu.memref_slice %arg5[%mul3A_30] : memref<1601536xf32, #tpu.memory_space<hbm>> -> memref<50048xf32, #tpu.memory_space<hbm>>
      %dma_start3A_33 = tpu.memref_slice %arg5[%mul3A_30] : memref<1601536xf32, #tpu.memory_space<hbm>> -> memref<50048xf32, #tpu.memory_space<hbm>>
      tpu.enqueue_dma source(%arg7 : memref<50048xf32, #tpu.memory_space<vmem>>) target(%dma_start3A_33 : memref<50048xf32, #tpu.memory_space<hbm>>) target_semaphore(%run_scoped3A : memref<!tpu.dma_semaphore, #tpu.memory_space<semaphore_mem>>)
      %dma_wait3A = tpu.memref_slice %arg5[%mul3A_30] : memref<1601536xf32, #tpu.memory_space<hbm>> -> memref<50048xf32, #tpu.memory_space<hbm>>
      %dma_wait3A_34 = tpu.memref_slice %arg5[%mul3A_30] : memref<1601536xf32, #tpu.memory_space<hbm>> -> memref<50048xf32, #tpu.memory_space<hbm>>
      tpu.wait_dma2 semaphore(%run_scoped3A : memref<!tpu.dma_semaphore, #tpu.memory_space<semaphore_mem>>) src(%arg7 : memref<50048xf32, #tpu.memory_space<vmem>>) dst(%dma_wait3A_34 : memref<50048xf32, #tpu.memory_space<hbm>>)
      tpu.yield
    }) : () -> ()
    %mul3A_31 = arith.constant 50048 : i32
    %mul3A_32 = arith.muli %add3A, %mul3A_31 : i32
    "tpu.region"() ({
      %run_scoped3A = tpu.sem_alloc : memref<!tpu.dma_semaphore, #tpu.memory_space<semaphore_mem>>
      %dma_start3A = tpu.memref_slice %arg6[%mul3A_32] : memref<1601536xf32, #tpu.memory_space<hbm>> -> memref<50048xf32, #tpu.memory_space<hbm>>
      %dma_start3A_33 = tpu.memref_slice %arg6[%mul3A_32] : memref<1601536xf32, #tpu.memory_space<hbm>> -> memref<50048xf32, #tpu.memory_space<hbm>>
      tpu.enqueue_dma source(%arg8 : memref<50048xf32, #tpu.memory_space<vmem>>) target(%dma_start3A_33 : memref<50048xf32, #tpu.memory_space<hbm>>) target_semaphore(%run_scoped3A : memref<!tpu.dma_semaphore, #tpu.memory_space<semaphore_mem>>)
      %dma_wait3A = tpu.memref_slice %arg6[%mul3A_32] : memref<1601536xf32, #tpu.memory_space<hbm>> -> memref<50048xf32, #tpu.memory_space<hbm>>
      %dma_wait3A_34 = tpu.memref_slice %arg6[%mul3A_32] : memref<1601536xf32, #tpu.memory_space<hbm>> -> memref<50048xf32, #tpu.memory_space<hbm>>
      tpu.wait_dma2 semaphore(%run_scoped3A : memref<!tpu.dma_semaphore, #tpu.memory_space<semaphore_mem>>) src(%arg8 : memref<50048xf32, #tpu.memory_space<vmem>>) dst(%dma_wait3A_34 : memref<50048xf32, #tpu.memory_space<hbm>>)
      tpu.yield
    }) : () -> ()
    return
  }
}

#map = affine_map<(d0, d1) -> (0, 0)>
#map1 = affine_map<(d0, d1) -> (0, 0, 0)>
module attributes {stable_mosaic.version = 14 : i64} {
  func.func @k(%arg0: i32, %arg1: i32, %arg2: memref<6272x128xi32, #tpu.memory_space<hbm>>, %arg3: memref<6272x128xi32, #tpu.memory_space<hbm>>, %arg4: memref<50000x32xf32, #tpu.memory_space<hbm>>, %arg5: memref<50000x32xf32, #tpu.memory_space<hbm>>, %arg6: memref<2x50048x32xf32, #tpu.memory_space<hbm>>, %arg7: memref<8x128xi32, #tpu.memory_space<vmem>>, %arg8: memref<8x128xi32, #tpu.memory_space<vmem>>, %arg9: memref<4x128x32xf32, #tpu.memory_space<vmem>>, %arg10: memref<50048x32xf32, #tpu.memory_space<vmem_shared>>, %arg11: memref<!tpu.dma_semaphore, #tpu.memory_space<semaphore_mem>>, %arg12: memref<!tpu.dma_semaphore, #tpu.memory_space<semaphore_mem>>) attributes {dimension_semantics = [#tpu.dimension_semantics<core_parallel>, #tpu.dimension_semantics<subcore_parallel>], iteration_bounds = array<i64: 2, 16>, scalar_prefetch = 0 : i64, scratch_operands = 6 : i64, tpu.core_type = #tpu.core_type<sc_vector_subcore>, window_params = [{transform_indices = #map}, {transform_indices = #map}, {transform_indices = #map}, {transform_indices = #map}, {transform_indices = #map1}]} {
    %broadcast_in_dim3A = arith.constant 0.000000e+00 : f32
    %broadcast_in_dim3A_0 = vector.broadcast %broadcast_in_dim3A : f32 to vector<16xf32>
    %scan3A = arith.constant 0 : i32
    %scan3A_1 = arith.constant 0 : i32
    %scan3A_2 = arith.constant 128 : i32
    %scan3A_3 = arith.addi %scan3A_1, %scan3A_2 : i32
    %scan3A_4 = arith.constant 1 : i32
    %scan3A_5 = scf.for %scan3A_57 = %scan3A_1 to %scan3A_3 step %scan3A_4 iter_args(%scan3A_58 = %scan3A) -> (i32)  : i32 {
      %swap3A = arith.constant 0 : i32
      %swap3A_59 = arith.index_cast %swap3A : i32 to index
      %swap3A_60 = arith.index_cast %scan3A_57 : i32 to index
      %swap3A_61 = arith.constant 0 : index
      %swap3A_62 = tpu.vector_load %arg9[%swap3A_59, %swap3A_60, %swap3A_61] {strides = array<i32>} : memref<4x128x32xf32, #tpu.memory_space<vmem>>, vector<1x1x16xf32>,
      %swap3A_63 = vector.shape_cast %swap3A_62 : vector<1x1x16xf32> to vector<16xf32>
      %swap3A_64 = vector.shape_cast %broadcast_in_dim3A_0 : vector<16xf32> to vector<1x1x16xf32>
      tpu.vector_store %arg9[%swap3A_59, %swap3A_60, %swap3A_61], %swap3A_64 {strides = array<i32>} : memref<4x128x32xf32, #tpu.memory_space<vmem>>, vector<1x1x16xf32>,
      %swap3A_65 = arith.constant 0 : i32
      %swap3A_66 = arith.index_cast %swap3A_65 : i32 to index
      %swap3A_67 = arith.index_cast %scan3A_57 : i32 to index
      %swap3A_68 = arith.constant 16 : index
      %swap3A_69 = tpu.vector_load %arg9[%swap3A_66, %swap3A_67, %swap3A_68] {strides = array<i32>} : memref<4x128x32xf32, #tpu.memory_space<vmem>>, vector<1x1x16xf32>,
      %swap3A_70 = vector.shape_cast %swap3A_69 : vector<1x1x16xf32> to vector<16xf32>
      %swap3A_71 = vector.shape_cast %broadcast_in_dim3A_0 : vector<16xf32> to vector<1x1x16xf32>
      tpu.vector_store %arg9[%swap3A_66, %swap3A_67, %swap3A_68], %swap3A_71 {strides = array<i32>} : memref<4x128x32xf32, #tpu.memory_space<vmem>>, vector<1x1x16xf32>,
      %scan3A_72 = arith.constant 0 : i32
      scf.yield %scan3A_72 : i32
    }
    %scan3A_6 = arith.constant 128 : i32
    %scan3A_7 = arith.constant 0 : i32
    %scan3A_8 = arith.constant 0 : i32
    %scan3A_9 = arith.constant 128 : i32
    %scan3A_10 = arith.addi %scan3A_8, %scan3A_9 : i32
    %scan3A_11 = arith.constant 1 : i32
    %scan3A_12 = scf.for %scan3A_57 = %scan3A_8 to %scan3A_10 step %scan3A_11 iter_args(%scan3A_58 = %scan3A_7) -> (i32)  : i32 {
      %swap3A = arith.constant 1 : i32
      %swap3A_59 = arith.index_cast %swap3A : i32 to index
      %swap3A_60 = arith.index_cast %scan3A_57 : i32 to index
      %swap3A_61 = arith.constant 0 : index
      %swap3A_62 = tpu.vector_load %arg9[%swap3A_59, %swap3A_60, %swap3A_61] {strides = array<i32>} : memref<4x128x32xf32, #tpu.memory_space<vmem>>, vector<1x1x16xf32>,
      %swap3A_63 = vector.shape_cast %swap3A_62 : vector<1x1x16xf32> to vector<16xf32>
      %swap3A_64 = vector.shape_cast %broadcast_in_dim3A_0 : vector<16xf32> to vector<1x1x16xf32>
      tpu.vector_store %arg9[%swap3A_59, %swap3A_60, %swap3A_61], %swap3A_64 {strides = array<i32>} : memref<4x128x32xf32, #tpu.memory_space<vmem>>, vector<1x1x16xf32>,
      %swap3A_65 = arith.constant 1 : i32
      %swap3A_66 = arith.index_cast %swap3A_65 : i32 to index
      %swap3A_67 = arith.index_cast %scan3A_57 : i32 to index
      %swap3A_68 = arith.constant 16 : index
      %swap3A_69 = tpu.vector_load %arg9[%swap3A_66, %swap3A_67, %swap3A_68] {strides = array<i32>} : memref<4x128x32xf32, #tpu.memory_space<vmem>>, vector<1x1x16xf32>,
      %swap3A_70 = vector.shape_cast %swap3A_69 : vector<1x1x16xf32> to vector<16xf32>
      %swap3A_71 = vector.shape_cast %broadcast_in_dim3A_0 : vector<16xf32> to vector<1x1x16xf32>
      tpu.vector_store %arg9[%swap3A_66, %swap3A_67, %swap3A_68], %swap3A_71 {strides = array<i32>} : memref<4x128x32xf32, #tpu.memory_space<vmem>>, vector<1x1x16xf32>,
      %scan3A_72 = arith.constant 0 : i32
      scf.yield %scan3A_72 : i32
    }
    %scan3A_13 = arith.constant 128 : i32
    %scan3A_14 = arith.constant 0 : i32
    %scan3A_15 = arith.constant 0 : i32
    %scan3A_16 = arith.constant 128 : i32
    %scan3A_17 = arith.addi %scan3A_15, %scan3A_16 : i32
    %scan3A_18 = arith.constant 1 : i32
    %scan3A_19 = scf.for %scan3A_57 = %scan3A_15 to %scan3A_17 step %scan3A_18 iter_args(%scan3A_58 = %scan3A_14) -> (i32)  : i32 {
      %swap3A = arith.constant 2 : i32
      %swap3A_59 = arith.index_cast %swap3A : i32 to index
      %swap3A_60 = arith.index_cast %scan3A_57 : i32 to index
      %swap3A_61 = arith.constant 0 : index
      %swap3A_62 = tpu.vector_load %arg9[%swap3A_59, %swap3A_60, %swap3A_61] {strides = array<i32>} : memref<4x128x32xf32, #tpu.memory_space<vmem>>, vector<1x1x16xf32>,
      %swap3A_63 = vector.shape_cast %swap3A_62 : vector<1x1x16xf32> to vector<16xf32>
      %swap3A_64 = vector.shape_cast %broadcast_in_dim3A_0 : vector<16xf32> to vector<1x1x16xf32>
      tpu.vector_store %arg9[%swap3A_59, %swap3A_60, %swap3A_61], %swap3A_64 {strides = array<i32>} : memref<4x128x32xf32, #tpu.memory_space<vmem>>, vector<1x1x16xf32>,
      %swap3A_65 = arith.constant 2 : i32
      %swap3A_66 = arith.index_cast %swap3A_65 : i32 to index
      %swap3A_67 = arith.index_cast %scan3A_57 : i32 to index
      %swap3A_68 = arith.constant 16 : index
      %swap3A_69 = tpu.vector_load %arg9[%swap3A_66, %swap3A_67, %swap3A_68] {strides = array<i32>} : memref<4x128x32xf32, #tpu.memory_space<vmem>>, vector<1x1x16xf32>,
      %swap3A_70 = vector.shape_cast %swap3A_69 : vector<1x1x16xf32> to vector<16xf32>
      %swap3A_71 = vector.shape_cast %broadcast_in_dim3A_0 : vector<16xf32> to vector<1x1x16xf32>
      tpu.vector_store %arg9[%swap3A_66, %swap3A_67, %swap3A_68], %swap3A_71 {strides = array<i32>} : memref<4x128x32xf32, #tpu.memory_space<vmem>>, vector<1x1x16xf32>,
      %scan3A_72 = arith.constant 0 : i32
      scf.yield %scan3A_72 : i32
    }
    %scan3A_20 = arith.constant 128 : i32
    %scan3A_21 = arith.constant 0 : i32
    %scan3A_22 = arith.constant 0 : i32
    %scan3A_23 = arith.constant 128 : i32
    %scan3A_24 = arith.addi %scan3A_22, %scan3A_23 : i32
    %scan3A_25 = arith.constant 1 : i32
    %scan3A_26 = scf.for %scan3A_57 = %scan3A_22 to %scan3A_24 step %scan3A_25 iter_args(%scan3A_58 = %scan3A_21) -> (i32)  : i32 {
      %swap3A = arith.constant 3 : i32
      %swap3A_59 = arith.index_cast %swap3A : i32 to index
      %swap3A_60 = arith.index_cast %scan3A_57 : i32 to index
      %swap3A_61 = arith.constant 0 : index
      %swap3A_62 = tpu.vector_load %arg9[%swap3A_59, %swap3A_60, %swap3A_61] {strides = array<i32>} : memref<4x128x32xf32, #tpu.memory_space<vmem>>, vector<1x1x16xf32>,
      %swap3A_63 = vector.shape_cast %swap3A_62 : vector<1x1x16xf32> to vector<16xf32>
      %swap3A_64 = vector.shape_cast %broadcast_in_dim3A_0 : vector<16xf32> to vector<1x1x16xf32>
      tpu.vector_store %arg9[%swap3A_59, %swap3A_60, %swap3A_61], %swap3A_64 {strides = array<i32>} : memref<4x128x32xf32, #tpu.memory_space<vmem>>, vector<1x1x16xf32>,
      %swap3A_65 = arith.constant 3 : i32
      %swap3A_66 = arith.index_cast %swap3A_65 : i32 to index
      %swap3A_67 = arith.index_cast %scan3A_57 : i32 to index
      %swap3A_68 = arith.constant 16 : index
      %swap3A_69 = tpu.vector_load %arg9[%swap3A_66, %swap3A_67, %swap3A_68] {strides = array<i32>} : memref<4x128x32xf32, #tpu.memory_space<vmem>>, vector<1x1x16xf32>,
      %swap3A_70 = vector.shape_cast %swap3A_69 : vector<1x1x16xf32> to vector<16xf32>
      %swap3A_71 = vector.shape_cast %broadcast_in_dim3A_0 : vector<16xf32> to vector<1x1x16xf32>
      tpu.vector_store %arg9[%swap3A_66, %swap3A_67, %swap3A_68], %swap3A_71 {strides = array<i32>} : memref<4x128x32xf32, #tpu.memory_space<vmem>>, vector<1x1x16xf32>,
      %scan3A_72 = arith.constant 0 : i32
      scf.yield %scan3A_72 : i32
    }
    %scan3A_27 = arith.constant 128 : i32
    %mul3A = arith.constant 3128 : i32
    %mul3A_28 = arith.muli %arg1, %mul3A : i32
    %scan3A_29 = arith.constant 0 : i32
    %scan3A_30 = arith.constant 0 : i32
    %scan3A_31 = arith.constant 24 : i32
    %scan3A_32 = arith.addi %scan3A_30, %scan3A_31 : i32
    %scan3A_33 = arith.constant 1 : i32
    %scan3A_34 = scf.for %scan3A_57 = %scan3A_30 to %scan3A_32 step %scan3A_33 iter_args(%scan3A_58 = %scan3A_29) -> (i32)  : i32 {
      %mul3A_59 = arith.constant 128 : i32
      %mul3A_60 = arith.muli %scan3A_57, %mul3A_59 : i32
      %add3A_61 = arith.addi %mul3A_28, %mul3A_60 : i32
      %run_scoped3A_62 = arith.constant 0 : i32
      "tpu.region"() ({
        %run_scoped3A_64 = tpu.sem_alloc : memref<!tpu.dma_semaphore, #tpu.memory_space<semaphore_mem>>
        %dma_start3A = arith.constant 0 : i32
        %dma_start3A_65 = arith.constant 0 : i32
        %dma_start3A_66 = tpu.memref_slice %arg9[%run_scoped3A_62, %dma_start3A, %dma_start3A_65] : memref<4x128x32xf32, #tpu.memory_space<vmem>> -> memref<1x128x32xf32, #tpu.memory_space<vmem>>
        %dma_start3A_67 = tpu.memref_squeeze %dma_start3A_66 : memref<1x128x32xf32, #tpu.memory_space<vmem>> -> memref<128x32xf32, #tpu.memory_space<vmem>>
        %dma_start3A_68 = arith.constant 0 : i32
        %dma_start3A_69 = tpu.memref_slice %arg10[%add3A_61, %dma_start3A_68] : memref<50048x32xf32, #tpu.memory_space<vmem_shared>> -> memref<128x32xf32, #tpu.memory_space<vmem_shared>>
        %dma_start3A_70 = arith.constant 0 : i32
        %dma_start3A_71 = tpu.memref_slice %arg10[%add3A_61, %dma_start3A_70] : memref<50048x32xf32, #tpu.memory_space<vmem_shared>> -> memref<128x32xf32, #tpu.memory_space<vmem_shared>>
        %dma_start3A_72 = arith.constant 0 : i32
        %dma_start3A_73 = arith.constant 0 : i32
        %dma_start3A_74 = tpu.memref_slice %arg9[%run_scoped3A_62, %dma_start3A_72, %dma_start3A_73] : memref<4x128x32xf32, #tpu.memory_space<vmem>> -> memref<1x128x32xf32, #tpu.memory_space<vmem>>
        %dma_start3A_75 = tpu.memref_squeeze %dma_start3A_74 : memref<1x128x32xf32, #tpu.memory_space<vmem>> -> memref<128x32xf32, #tpu.memory_space<vmem>>
        tpu.enqueue_dma source(%dma_start3A_75 : memref<128x32xf32, #tpu.memory_space<vmem>>) target(%dma_start3A_71 : memref<128x32xf32, #tpu.memory_space<vmem_shared>>) target_semaphore(%run_scoped3A_64 : memref<!tpu.dma_semaphore, #tpu.memory_space<semaphore_mem>>)
        %dma_wait3A = arith.constant 0 : i32
        %dma_wait3A_76 = arith.constant 0 : i32
        %dma_wait3A_77 = tpu.memref_slice %arg9[%run_scoped3A_62, %dma_wait3A, %dma_wait3A_76] : memref<4x128x32xf32, #tpu.memory_space<vmem>> -> memref<1x128x32xf32, #tpu.memory_space<vmem>>
        %dma_wait3A_78 = tpu.memref_squeeze %dma_wait3A_77 : memref<1x128x32xf32, #tpu.memory_space<vmem>> -> memref<128x32xf32, #tpu.memory_space<vmem>>
        %dma_wait3A_79 = arith.constant 0 : i32
        %dma_wait3A_80 = tpu.memref_slice %arg10[%add3A_61, %dma_wait3A_79] : memref<50048x32xf32, #tpu.memory_space<vmem_shared>> -> memref<128x32xf32, #tpu.memory_space<vmem_shared>>
        %dma_wait3A_81 = arith.constant 0 : i32
        %dma_wait3A_82 = tpu.memref_slice %arg10[%add3A_61, %dma_wait3A_81] : memref<50048x32xf32, #tpu.memory_space<vmem_shared>> -> memref<128x32xf32, #tpu.memory_space<vmem_shared>>
        %dma_wait3A_83 = arith.constant 0 : i32
        %dma_wait3A_84 = arith.constant 0 : i32
        %dma_wait3A_85 = tpu.memref_slice %arg9[%run_scoped3A_62, %dma_wait3A_83, %dma_wait3A_84] : memref<4x128x32xf32, #tpu.memory_space<vmem>> -> memref<1x128x32xf32, #tpu.memory_space<vmem>>
        %dma_wait3A_86 = tpu.memref_squeeze %dma_wait3A_85 : memref<1x128x32xf32, #tpu.memory_space<vmem>> -> memref<128x32xf32, #tpu.memory_space<vmem>>
        tpu.wait_dma2 semaphore(%run_scoped3A_64 : memref<!tpu.dma_semaphore, #tpu.memory_space<semaphore_mem>>) src(%dma_wait3A_86 : memref<128x32xf32, #tpu.memory_space<vmem>>) dst(%dma_wait3A_82 : memref<128x32xf32, #tpu.memory_space<vmem_shared>>)
        tpu.yield
      }) : () -> ()
      %scan3A_63 = arith.constant 0 : i32
      scf.yield %scan3A_63 : i32
    }
    %scan3A_35 = arith.constant 24 : i32
    %add3A = arith.constant 3072 : i32
    %add3A_36 = arith.addi %mul3A_28, %add3A : i32
    %run_scoped3A = arith.constant 0 : i32
    "tpu.region"() ({
      %run_scoped3A_57 = tpu.sem_alloc : memref<!tpu.dma_semaphore, #tpu.memory_space<semaphore_mem>>
      %dma_start3A = arith.constant 0 : i32
      %dma_start3A_58 = arith.constant 0 : i32
      %dma_start3A_59 = tpu.memref_slice %arg9[%run_scoped3A, %dma_start3A, %dma_start3A_58] : memref<4x128x32xf32, #tpu.memory_space<vmem>> -> memref<1x128x32xf32, #tpu.memory_space<vmem>>
      %dma_start3A_60 = tpu.memref_squeeze %dma_start3A_59 : memref<1x128x32xf32, #tpu.memory_space<vmem>> -> memref<128x32xf32, #tpu.memory_space<vmem>>
      %dma_start3A_61 = arith.constant 0 : i32
      %dma_start3A_62 = arith.constant 0 : i32
      %dma_start3A_63 = tpu.memref_slice %dma_start3A_60[%dma_start3A_61, %dma_start3A_62] : memref<128x32xf32, #tpu.memory_space<vmem>> -> memref<56x32xf32, #tpu.memory_space<vmem>>
      %dma_start3A_64 = arith.constant 0 : i32
      %dma_start3A_65 = tpu.memref_slice %arg10[%add3A_36, %dma_start3A_64] : memref<50048x32xf32, #tpu.memory_space<vmem_shared>> -> memref<56x32xf32, #tpu.memory_space<vmem_shared>>
      %dma_start3A_66 = arith.constant 0 : i32
      %dma_start3A_67 = tpu.memref_slice %arg10[%add3A_36, %dma_start3A_66] : memref<50048x32xf32, #tpu.memory_space<vmem_shared>> -> memref<56x32xf32, #tpu.memory_space<vmem_shared>>
      %dma_start3A_68 = arith.constant 0 : i32
      %dma_start3A_69 = arith.constant 0 : i32
      %dma_start3A_70 = tpu.memref_slice %arg9[%run_scoped3A, %dma_start3A_68, %dma_start3A_69] : memref<4x128x32xf32, #tpu.memory_space<vmem>> -> memref<1x128x32xf32, #tpu.memory_space<vmem>>
      %dma_start3A_71 = tpu.memref_squeeze %dma_start3A_70 : memref<1x128x32xf32, #tpu.memory_space<vmem>> -> memref<128x32xf32, #tpu.memory_space<vmem>>
      %dma_start3A_72 = arith.constant 0 : i32
      %dma_start3A_73 = arith.constant 0 : i32
      %dma_start3A_74 = tpu.memref_slice %dma_start3A_71[%dma_start3A_72, %dma_start3A_73] : memref<128x32xf32, #tpu.memory_space<vmem>> -> memref<56x32xf32, #tpu.memory_space<vmem>>
      tpu.enqueue_dma source(%dma_start3A_74 : memref<56x32xf32, #tpu.memory_space<vmem>>) target(%dma_start3A_67 : memref<56x32xf32, #tpu.memory_space<vmem_shared>>) target_semaphore(%run_scoped3A_57 : memref<!tpu.dma_semaphore, #tpu.memory_space<semaphore_mem>>)
      %dma_wait3A = arith.constant 0 : i32
      %dma_wait3A_75 = arith.constant 0 : i32
      %dma_wait3A_76 = tpu.memref_slice %arg9[%run_scoped3A, %dma_wait3A, %dma_wait3A_75] : memref<4x128x32xf32, #tpu.memory_space<vmem>> -> memref<1x128x32xf32, #tpu.memory_space<vmem>>
      %dma_wait3A_77 = tpu.memref_squeeze %dma_wait3A_76 : memref<1x128x32xf32, #tpu.memory_space<vmem>> -> memref<128x32xf32, #tpu.memory_space<vmem>>
      %dma_wait3A_78 = arith.constant 0 : i32
      %dma_wait3A_79 = arith.constant 0 : i32
      %dma_wait3A_80 = tpu.memref_slice %dma_wait3A_77[%dma_wait3A_78, %dma_wait3A_79] : memref<128x32xf32, #tpu.memory_space<vmem>> -> memref<56x32xf32, #tpu.memory_space<vmem>>
      %dma_wait3A_81 = arith.constant 0 : i32
      %dma_wait3A_82 = tpu.memref_slice %arg10[%add3A_36, %dma_wait3A_81] : memref<50048x32xf32, #tpu.memory_space<vmem_shared>> -> memref<56x32xf32, #tpu.memory_space<vmem_shared>>
      %dma_wait3A_83 = arith.constant 0 : i32
      %dma_wait3A_84 = tpu.memref_slice %arg10[%add3A_36, %dma_wait3A_83] : memref<50048x32xf32, #tpu.memory_space<vmem_shared>> -> memref<56x32xf32, #tpu.memory_space<vmem_shared>>
      %dma_wait3A_85 = arith.constant 0 : i32
      %dma_wait3A_86 = arith.constant 0 : i32
      %dma_wait3A_87 = tpu.memref_slice %arg9[%run_scoped3A, %dma_wait3A_85, %dma_wait3A_86] : memref<4x128x32xf32, #tpu.memory_space<vmem>> -> memref<1x128x32xf32, #tpu.memory_space<vmem>>
      %dma_wait3A_88 = tpu.memref_squeeze %dma_wait3A_87 : memref<1x128x32xf32, #tpu.memory_space<vmem>> -> memref<128x32xf32, #tpu.memory_space<vmem>>
      %dma_wait3A_89 = arith.constant 0 : i32
      %dma_wait3A_90 = arith.constant 0 : i32
      %dma_wait3A_91 = tpu.memref_slice %dma_wait3A_88[%dma_wait3A_89, %dma_wait3A_90] : memref<128x32xf32, #tpu.memory_space<vmem>> -> memref<56x32xf32, #tpu.memory_space<vmem>>
      tpu.wait_dma2 semaphore(%run_scoped3A_57 : memref<!tpu.dma_semaphore, #tpu.memory_space<semaphore_mem>>) src(%dma_wait3A_91 : memref<56x32xf32, #tpu.memory_space<vmem>>) dst(%dma_wait3A_84 : memref<56x32xf32, #tpu.memory_space<vmem_shared>>)
      tpu.yield
    }) : () -> ()
    %barrier3A = arith.constant 0 : index
    tpu.barrier barrier_id(%barrier3A)
    %eq3A = arith.constant 0 : i32
    %eq3A_37 = arith.cmpi eq, %arg0, %eq3A : i32
    %convert_element_type3A = arith.extui %eq3A_37 : i1 to i32
    %cond3A = arith.constant 0 : i32
    %cond3A_38 = arith.cmpi ne, %convert_element_type3A, %cond3A : i32
    scf.if %cond3A_38 {
      %mul3A_57 = arith.constant 392 : i32
      %mul3A_58 = arith.muli %arg1, %mul3A_57 : i32
      %scan3A_59 = arith.constant 0 : i32
      %scan3A_60 = arith.constant 0 : i32
      %scan3A_61 = arith.constant 49 : i32
      %scan3A_62 = arith.addi %scan3A_60, %scan3A_61 : i32
      %scan3A_63 = arith.constant 1 : i32
      %scan3A_64 = scf.for %scan3A_66 = %scan3A_60 to %scan3A_62 step %scan3A_63 iter_args(%scan3A_67 = %scan3A_59) -> (i32)  : i32 {
        %mul3A_68 = arith.constant 8 : i32
        %mul3A_69 = arith.muli %scan3A_66, %mul3A_68 : i32
        %add3A_70 = arith.addi %mul3A_58, %mul3A_69 : i32
        "tpu.region"() ({
          %run_scoped3A_128 = tpu.sem_alloc : memref<!tpu.dma_semaphore, #tpu.memory_space<semaphore_mem>>
          %dma_start3A = arith.constant 0 : i32
          %dma_start3A_129 = tpu.memref_slice %arg2[%add3A_70, %dma_start3A] : memref<6272x128xi32, #tpu.memory_space<hbm>> -> memref<8x128xi32, #tpu.memory_space<hbm>>
          %dma_start3A_130 = arith.constant 0 : i32
          %dma_start3A_131 = tpu.memref_slice %arg2[%add3A_70, %dma_start3A_130] : memref<6272x128xi32, #tpu.memory_space<hbm>> -> memref<8x128xi32, #tpu.memory_space<hbm>>
          tpu.enqueue_dma source(%dma_start3A_131 : memref<8x128xi32, #tpu.memory_space<hbm>>) target(%arg7 : memref<8x128xi32, #tpu.memory_space<vmem>>) target_semaphore(%run_scoped3A_128 : memref<!tpu.dma_semaphore, #tpu.memory_space<semaphore_mem>>)
          %dma_wait3A = arith.constant 0 : i32
          %dma_wait3A_132 = tpu.memref_slice %arg2[%add3A_70, %dma_wait3A] : memref<6272x128xi32, #tpu.memory_space<hbm>> -> memref<8x128xi32, #tpu.memory_space<hbm>>
          %dma_wait3A_133 = arith.constant 0 : i32
          %dma_wait3A_134 = tpu.memref_slice %arg2[%add3A_70, %dma_wait3A_133] : memref<6272x128xi32, #tpu.memory_space<hbm>> -> memref<8x128xi32, #tpu.memory_space<hbm>>
          tpu.wait_dma2 semaphore(%run_scoped3A_128 : memref<!tpu.dma_semaphore, #tpu.memory_space<semaphore_mem>>) src(%dma_wait3A_134 : memref<8x128xi32, #tpu.memory_space<hbm>>) dst(%arg7 : memref<8x128xi32, #tpu.memory_space<vmem>>)
          tpu.yield
        }) : () -> ()
        "tpu.region"() ({
          %run_scoped3A_128 = tpu.sem_alloc : memref<!tpu.dma_semaphore, #tpu.memory_space<semaphore_mem>>
          %dma_start3A = arith.constant 0 : i32
          %dma_start3A_129 = tpu.memref_slice %arg3[%add3A_70, %dma_start3A] : memref<6272x128xi32, #tpu.memory_space<hbm>> -> memref<8x128xi32, #tpu.memory_space<hbm>>
          %dma_start3A_130 = arith.constant 0 : i32
          %dma_start3A_131 = tpu.memref_slice %arg3[%add3A_70, %dma_start3A_130] : memref<6272x128xi32, #tpu.memory_space<hbm>> -> memref<8x128xi32, #tpu.memory_space<hbm>>
          tpu.enqueue_dma source(%dma_start3A_131 : memref<8x128xi32, #tpu.memory_space<hbm>>) target(%arg8 : memref<8x128xi32, #tpu.memory_space<vmem>>) target_semaphore(%run_scoped3A_128 : memref<!tpu.dma_semaphore, #tpu.memory_space<semaphore_mem>>)
          %dma_wait3A = arith.constant 0 : i32
          %dma_wait3A_132 = tpu.memref_slice %arg3[%add3A_70, %dma_wait3A] : memref<6272x128xi32, #tpu.memory_space<hbm>> -> memref<8x128xi32, #tpu.memory_space<hbm>>
          %dma_wait3A_133 = arith.constant 0 : i32
          %dma_wait3A_134 = tpu.memref_slice %arg3[%add3A_70, %dma_wait3A_133] : memref<6272x128xi32, #tpu.memory_space<hbm>> -> memref<8x128xi32, #tpu.memory_space<hbm>>
          tpu.wait_dma2 semaphore(%run_scoped3A_128 : memref<!tpu.dma_semaphore, #tpu.memory_space<semaphore_mem>>) src(%dma_wait3A_134 : memref<8x128xi32, #tpu.memory_space<hbm>>) dst(%arg8 : memref<8x128xi32, #tpu.memory_space<vmem>>)
          tpu.yield
        }) : () -> ()
        %scan3A_71 = arith.constant 0 : i32
        %scan3A_72 = arith.constant 0 : i32
        %scan3A_73 = arith.constant 4 : i32
        %scan3A_74 = arith.addi %scan3A_72, %scan3A_73 : i32
        %scan3A_75 = arith.constant 1 : i32
        %scan3A_76 = scf.for %scan3A_128 = %scan3A_72 to %scan3A_74 step %scan3A_75 iter_args(%scan3A_129 = %scan3A_71) -> (i32)  : i32 {
          %add3A_130 = arith.constant 0 : i32
          %add3A_131 = arith.addi %add3A_130, %scan3A_128 : i32
          %dma_start3A = arith.constant 0 : i32
          %dma_start3A_132 = arith.constant 0 : i32
          %dma_start3A_133 = tpu.memref_slice %arg9[%scan3A_128, %dma_start3A, %dma_start3A_132] : memref<4x128x32xf32, #tpu.memory_space<vmem>> -> memref<1x128x32xf32, #tpu.memory_space<vmem>>
          %dma_start3A_134 = tpu.memref_squeeze %dma_start3A_133 : memref<1x128x32xf32, #tpu.memory_space<vmem>> -> memref<128x32xf32, #tpu.memory_space<vmem>>
          %dma_start3A_135 = arith.constant 0 : i32
          %dma_start3A_136 = tpu.memref_slice %arg7[%add3A_131, %dma_start3A_135] : memref<8x128xi32, #tpu.memory_space<vmem>> -> memref<1x128xi32, #tpu.memory_space<vmem>>
          %dma_start3A_137 = tpu.memref_squeeze %dma_start3A_136 : memref<1x128xi32, #tpu.memory_space<vmem>> -> memref<128xi32, #tpu.memory_space<vmem>>
          %dma_start3A_138 = arith.constant 0 : i32
          %dma_start3A_139 = arith.constant 0 : i32
          %dma_start3A_140 = tpu.memref_slice %arg4[%dma_start3A_138, %dma_start3A_139] : memref<50000x32xf32, #tpu.memory_space<hbm>> -> memref<50000x32xf32, #tpu.memory_space<hbm>>
          tpu.enqueue_indirect_dma source(%dma_start3A_140 : memref<50000x32xf32, #tpu.memory_space<hbm>>) target(%dma_start3A_134 : memref<128x32xf32, #tpu.memory_space<vmem>>) offsets(%dma_start3A_137 : memref<128xi32, #tpu.memory_space<vmem>>) semaphore(%arg11 : memref<!tpu.dma_semaphore, #tpu.memory_space<semaphore_mem>>)
          %scan3A_141 = arith.constant 0 : i32
          scf.yield %scan3A_141 : i32
        }
        %scan3A_77 = arith.constant 4 : i32
        %scan3A_78 = arith.constant 0 : i32
        %scan3A_79 = arith.constant 0 : i32
        %scan3A_80 = arith.constant 4 : i32
        %scan3A_81 = arith.addi %scan3A_79, %scan3A_80 : i32
        %scan3A_82 = arith.constant 1 : i32
        %scan3A_83 = scf.for %scan3A_128 = %scan3A_79 to %scan3A_81 step %scan3A_82 iter_args(%scan3A_129 = %scan3A_78) -> (i32)  : i32 {
          %add3A_130 = arith.constant 0 : i32
          %add3A_131 = arith.addi %add3A_130, %scan3A_128 : i32
          %dma_wait3A = arith.constant 0 : i32
          %dma_wait3A_132 = arith.constant 0 : i32
          %dma_wait3A_133 = tpu.memref_slice %arg9[%scan3A_128, %dma_wait3A, %dma_wait3A_132] : memref<4x128x32xf32, #tpu.memory_space<vmem>> -> memref<1x128x32xf32, #tpu.memory_space<vmem>>
          %dma_wait3A_134 = tpu.memref_squeeze %dma_wait3A_133 : memref<1x128x32xf32, #tpu.memory_space<vmem>> -> memref<128x32xf32, #tpu.memory_space<vmem>>
          %dma_wait3A_135 = arith.constant 0 : i32
          %dma_wait3A_136 = tpu.memref_slice %arg7[%add3A_131, %dma_wait3A_135] : memref<8x128xi32, #tpu.memory_space<vmem>> -> memref<1x128xi32, #tpu.memory_space<vmem>>
          %dma_wait3A_137 = tpu.memref_squeeze %dma_wait3A_136 : memref<1x128xi32, #tpu.memory_space<vmem>> -> memref<128xi32, #tpu.memory_space<vmem>>
          %dma_wait3A_138 = arith.constant 0 : i32
          %dma_wait3A_139 = arith.constant 0 : i32
          %dma_wait3A_140 = tpu.memref_slice %arg4[%dma_wait3A_138, %dma_wait3A_139] : memref<50000x32xf32, #tpu.memory_space<hbm>> -> memref<50000x32xf32, #tpu.memory_space<hbm>>
          tpu.wait_indirect_dma semaphore(%arg11 : memref<!tpu.dma_semaphore, #tpu.memory_space<semaphore_mem>>) src(%dma_wait3A_140 : memref<50000x32xf32, #tpu.memory_space<hbm>>) dst(%dma_wait3A_134 : memref<128x32xf32, #tpu.memory_space<vmem>>)
          %scan3A_141 = arith.constant 0 : i32
          scf.yield %scan3A_141 : i32
        }
        %scan3A_84 = arith.constant 4 : i32
        %scan3A_85 = arith.constant 0 : i32
        %scan3A_86 = arith.constant 0 : i32
        %scan3A_87 = arith.constant 4 : i32
        %scan3A_88 = arith.addi %scan3A_86, %scan3A_87 : i32
        %scan3A_89 = arith.constant 1 : i32
        %scan3A_90 = scf.for %scan3A_128 = %scan3A_86 to %scan3A_88 step %scan3A_89 iter_args(%scan3A_129 = %scan3A_85) -> (i32)  : i32 {
          %add3A_130 = arith.constant 0 : i32
          %add3A_131 = arith.addi %add3A_130, %scan3A_128 : i32
          %dma_start3A = arith.constant 0 : i32
          %dma_start3A_132 = arith.constant 0 : i32
          %dma_start3A_133 = tpu.memref_slice %arg9[%scan3A_128, %dma_start3A, %dma_start3A_132] : memref<4x128x32xf32, #tpu.memory_space<vmem>> -> memref<1x128x32xf32, #tpu.memory_space<vmem>>
          %dma_start3A_134 = tpu.memref_squeeze %dma_start3A_133 : memref<1x128x32xf32, #tpu.memory_space<vmem>> -> memref<128x32xf32, #tpu.memory_space<vmem>>
          %dma_start3A_135 = arith.constant 0 : i32
          %dma_start3A_136 = tpu.memref_slice %arg8[%add3A_131, %dma_start3A_135] : memref<8x128xi32, #tpu.memory_space<vmem>> -> memref<1x128xi32, #tpu.memory_space<vmem>>
          %dma_start3A_137 = tpu.memref_squeeze %dma_start3A_136 : memref<1x128xi32, #tpu.memory_space<vmem>> -> memref<128xi32, #tpu.memory_space<vmem>>
          %dma_start3A_138 = arith.constant 0 : i32
          %dma_start3A_139 = arith.constant 0 : i32
          %dma_start3A_140 = tpu.memref_slice %arg10[%dma_start3A_138, %dma_start3A_139] : memref<50048x32xf32, #tpu.memory_space<vmem_shared>> -> memref<50048x32xf32, #tpu.memory_space<vmem_shared>>
          tpu.enqueue_indirect_dma source(%dma_start3A_134 : memref<128x32xf32, #tpu.memory_space<vmem>>) target(%dma_start3A_140 : memref<50048x32xf32, #tpu.memory_space<vmem_shared>>) offsets(%dma_start3A_137 : memref<128xi32, #tpu.memory_space<vmem>>) semaphore(%arg12 : memref<!tpu.dma_semaphore, #tpu.memory_space<semaphore_mem>>) {add = true}
          %scan3A_141 = arith.constant 0 : i32
          scf.yield %scan3A_141 : i32
        }
        %scan3A_91 = arith.constant 4 : i32
        %scan3A_92 = arith.constant 0 : i32
        %scan3A_93 = arith.constant 0 : i32
        %scan3A_94 = arith.constant 4 : i32
        %scan3A_95 = arith.addi %scan3A_93, %scan3A_94 : i32
        %scan3A_96 = arith.constant 1 : i32
        %scan3A_97 = scf.for %scan3A_128 = %scan3A_93 to %scan3A_95 step %scan3A_96 iter_args(%scan3A_129 = %scan3A_92) -> (i32)  : i32 {
          %add3A_130 = arith.constant 0 : i32
          %add3A_131 = arith.addi %add3A_130, %scan3A_128 : i32
          %dma_wait3A = arith.constant 0 : i32
          %dma_wait3A_132 = arith.constant 0 : i32
          %dma_wait3A_133 = tpu.memref_slice %arg9[%scan3A_128, %dma_wait3A, %dma_wait3A_132] : memref<4x128x32xf32, #tpu.memory_space<vmem>> -> memref<1x128x32xf32, #tpu.memory_space<vmem>>
          %dma_wait3A_134 = tpu.memref_squeeze %dma_wait3A_133 : memref<1x128x32xf32, #tpu.memory_space<vmem>> -> memref<128x32xf32, #tpu.memory_space<vmem>>
          %dma_wait3A_135 = arith.constant 0 : i32
          %dma_wait3A_136 = tpu.memref_slice %arg8[%add3A_131, %dma_wait3A_135] : memref<8x128xi32, #tpu.memory_space<vmem>> -> memref<1x128xi32, #tpu.memory_space<vmem>>
          %dma_wait3A_137 = tpu.memref_squeeze %dma_wait3A_136 : memref<1x128xi32, #tpu.memory_space<vmem>> -> memref<128xi32, #tpu.memory_space<vmem>>
          %dma_wait3A_138 = arith.constant 0 : i32
          %dma_wait3A_139 = arith.constant 0 : i32
          %dma_wait3A_140 = tpu.memref_slice %arg10[%dma_wait3A_138, %dma_wait3A_139] : memref<50048x32xf32, #tpu.memory_space<vmem_shared>> -> memref<50048x32xf32, #tpu.memory_space<vmem_shared>>
          tpu.wait_indirect_dma semaphore(%arg12 : memref<!tpu.dma_semaphore, #tpu.memory_space<semaphore_mem>>) src(%dma_wait3A_134 : memref<128x32xf32, #tpu.memory_space<vmem>>) dst(%dma_wait3A_140 : memref<50048x32xf32, #tpu.memory_space<vmem_shared>>)
          %scan3A_141 = arith.constant 0 : i32
          scf.yield %scan3A_141 : i32
        }
        %scan3A_98 = arith.constant 4 : i32
        %scan3A_99 = arith.constant 0 : i32
        %scan3A_100 = arith.constant 0 : i32
        %scan3A_101 = arith.constant 4 : i32
        %scan3A_102 = arith.addi %scan3A_100, %scan3A_101 : i32
        %scan3A_103 = arith.constant 1 : i32
        %scan3A_104 = scf.for %scan3A_128 = %scan3A_100 to %scan3A_102 step %scan3A_103 iter_args(%scan3A_129 = %scan3A_99) -> (i32)  : i32 {
          %add3A_130 = arith.constant 4 : i32
          %add3A_131 = arith.addi %add3A_130, %scan3A_128 : i32
          %dma_start3A = arith.constant 0 : i32
          %dma_start3A_132 = arith.constant 0 : i32
          %dma_start3A_133 = tpu.memref_slice %arg9[%scan3A_128, %dma_start3A, %dma_start3A_132] : memref<4x128x32xf32, #tpu.memory_space<vmem>> -> memref<1x128x32xf32, #tpu.memory_space<vmem>>
          %dma_start3A_134 = tpu.memref_squeeze %dma_start3A_133 : memref<1x128x32xf32, #tpu.memory_space<vmem>> -> memref<128x32xf32, #tpu.memory_space<vmem>>
          %dma_start3A_135 = arith.constant 0 : i32
          %dma_start3A_136 = tpu.memref_slice %arg7[%add3A_131, %dma_start3A_135] : memref<8x128xi32, #tpu.memory_space<vmem>> -> memref<1x128xi32, #tpu.memory_space<vmem>>
          %dma_start3A_137 = tpu.memref_squeeze %dma_start3A_136 : memref<1x128xi32, #tpu.memory_space<vmem>> -> memref<128xi32, #tpu.memory_space<vmem>>
          %dma_start3A_138 = arith.constant 0 : i32
          %dma_start3A_139 = arith.constant 0 : i32
          %dma_start3A_140 = tpu.memref_slice %arg4[%dma_start3A_138, %dma_start3A_139] : memref<50000x32xf32, #tpu.memory_space<hbm>> -> memref<50000x32xf32, #tpu.memory_space<hbm>>
          tpu.enqueue_indirect_dma source(%dma_start3A_140 : memref<50000x32xf32, #tpu.memory_space<hbm>>) target(%dma_start3A_134 : memref<128x32xf32, #tpu.memory_space<vmem>>) offsets(%dma_start3A_137 : memref<128xi32, #tpu.memory_space<vmem>>) semaphore(%arg11 : memref<!tpu.dma_semaphore, #tpu.memory_space<semaphore_mem>>)
          %scan3A_141 = arith.constant 0 : i32
          scf.yield %scan3A_141 : i32
        }
        %scan3A_105 = arith.constant 4 : i32
        %scan3A_106 = arith.constant 0 : i32
        %scan3A_107 = arith.constant 0 : i32
        %scan3A_108 = arith.constant 4 : i32
        %scan3A_109 = arith.addi %scan3A_107, %scan3A_108 : i32
        %scan3A_110 = arith.constant 1 : i32
        %scan3A_111 = scf.for %scan3A_128 = %scan3A_107 to %scan3A_109 step %scan3A_110 iter_args(%scan3A_129 = %scan3A_106) -> (i32)  : i32 {
          %add3A_130 = arith.constant 4 : i32
          %add3A_131 = arith.addi %add3A_130, %scan3A_128 : i32
          %dma_wait3A = arith.constant 0 : i32
          %dma_wait3A_132 = arith.constant 0 : i32
          %dma_wait3A_133 = tpu.memref_slice %arg9[%scan3A_128, %dma_wait3A, %dma_wait3A_132] : memref<4x128x32xf32, #tpu.memory_space<vmem>> -> memref<1x128x32xf32, #tpu.memory_space<vmem>>
          %dma_wait3A_134 = tpu.memref_squeeze %dma_wait3A_133 : memref<1x128x32xf32, #tpu.memory_space<vmem>> -> memref<128x32xf32, #tpu.memory_space<vmem>>
          %dma_wait3A_135 = arith.constant 0 : i32
          %dma_wait3A_136 = tpu.memref_slice %arg7[%add3A_131, %dma_wait3A_135] : memref<8x128xi32, #tpu.memory_space<vmem>> -> memref<1x128xi32, #tpu.memory_space<vmem>>
          %dma_wait3A_137 = tpu.memref_squeeze %dma_wait3A_136 : memref<1x128xi32, #tpu.memory_space<vmem>> -> memref<128xi32, #tpu.memory_space<vmem>>
          %dma_wait3A_138 = arith.constant 0 : i32
          %dma_wait3A_139 = arith.constant 0 : i32
          %dma_wait3A_140 = tpu.memref_slice %arg4[%dma_wait3A_138, %dma_wait3A_139] : memref<50000x32xf32, #tpu.memory_space<hbm>> -> memref<50000x32xf32, #tpu.memory_space<hbm>>
          tpu.wait_indirect_dma semaphore(%arg11 : memref<!tpu.dma_semaphore, #tpu.memory_space<semaphore_mem>>) src(%dma_wait3A_140 : memref<50000x32xf32, #tpu.memory_space<hbm>>) dst(%dma_wait3A_134 : memref<128x32xf32, #tpu.memory_space<vmem>>)
          %scan3A_141 = arith.constant 0 : i32
          scf.yield %scan3A_141 : i32
        }
        %scan3A_112 = arith.constant 4 : i32
        %scan3A_113 = arith.constant 0 : i32
        %scan3A_114 = arith.constant 0 : i32
        %scan3A_115 = arith.constant 4 : i32
        %scan3A_116 = arith.addi %scan3A_114, %scan3A_115 : i32
        %scan3A_117 = arith.constant 1 : i32
        %scan3A_118 = scf.for %scan3A_128 = %scan3A_114 to %scan3A_116 step %scan3A_117 iter_args(%scan3A_129 = %scan3A_113) -> (i32)  : i32 {
          %add3A_130 = arith.constant 4 : i32
          %add3A_131 = arith.addi %add3A_130, %scan3A_128 : i32
          %dma_start3A = arith.constant 0 : i32
          %dma_start3A_132 = arith.constant 0 : i32
          %dma_start3A_133 = tpu.memref_slice %arg9[%scan3A_128, %dma_start3A, %dma_start3A_132] : memref<4x128x32xf32, #tpu.memory_space<vmem>> -> memref<1x128x32xf32, #tpu.memory_space<vmem>>
          %dma_start3A_134 = tpu.memref_squeeze %dma_start3A_133 : memref<1x128x32xf32, #tpu.memory_space<vmem>> -> memref<128x32xf32, #tpu.memory_space<vmem>>
          %dma_start3A_135 = arith.constant 0 : i32
          %dma_start3A_136 = tpu.memref_slice %arg8[%add3A_131, %dma_start3A_135] : memref<8x128xi32, #tpu.memory_space<vmem>> -> memref<1x128xi32, #tpu.memory_space<vmem>>
          %dma_start3A_137 = tpu.memref_squeeze %dma_start3A_136 : memref<1x128xi32, #tpu.memory_space<vmem>> -> memref<128xi32, #tpu.memory_space<vmem>>
          %dma_start3A_138 = arith.constant 0 : i32
          %dma_start3A_139 = arith.constant 0 : i32
          %dma_start3A_140 = tpu.memref_slice %arg10[%dma_start3A_138, %dma_start3A_139] : memref<50048x32xf32, #tpu.memory_space<vmem_shared>> -> memref<50048x32xf32, #tpu.memory_space<vmem_shared>>
          tpu.enqueue_indirect_dma source(%dma_start3A_134 : memref<128x32xf32, #tpu.memory_space<vmem>>) target(%dma_start3A_140 : memref<50048x32xf32, #tpu.memory_space<vmem_shared>>) offsets(%dma_start3A_137 : memref<128xi32, #tpu.memory_space<vmem>>) semaphore(%arg12 : memref<!tpu.dma_semaphore, #tpu.memory_space<semaphore_mem>>) {add = true}
          %scan3A_141 = arith.constant 0 : i32
          scf.yield %scan3A_141 : i32
        }
        %scan3A_119 = arith.constant 4 : i32
        %scan3A_120 = arith.constant 0 : i32
        %scan3A_121 = arith.constant 0 : i32
        %scan3A_122 = arith.constant 4 : i32
        %scan3A_123 = arith.addi %scan3A_121, %scan3A_122 : i32
        %scan3A_124 = arith.constant 1 : i32
        %scan3A_125 = scf.for %scan3A_128 = %scan3A_121 to %scan3A_123 step %scan3A_124 iter_args(%scan3A_129 = %scan3A_120) -> (i32)  : i32 {
          %add3A_130 = arith.constant 4 : i32
          %add3A_131 = arith.addi %add3A_130, %scan3A_128 : i32
          %dma_wait3A = arith.constant 0 : i32
          %dma_wait3A_132 = arith.constant 0 : i32
          %dma_wait3A_133 = tpu.memref_slice %arg9[%scan3A_128, %dma_wait3A, %dma_wait3A_132] : memref<4x128x32xf32, #tpu.memory_space<vmem>> -> memref<1x128x32xf32, #tpu.memory_space<vmem>>
          %dma_wait3A_134 = tpu.memref_squeeze %dma_wait3A_133 : memref<1x128x32xf32, #tpu.memory_space<vmem>> -> memref<128x32xf32, #tpu.memory_space<vmem>>
          %dma_wait3A_135 = arith.constant 0 : i32
          %dma_wait3A_136 = tpu.memref_slice %arg8[%add3A_131, %dma_wait3A_135] : memref<8x128xi32, #tpu.memory_space<vmem>> -> memref<1x128xi32, #tpu.memory_space<vmem>>
          %dma_wait3A_137 = tpu.memref_squeeze %dma_wait3A_136 : memref<1x128xi32, #tpu.memory_space<vmem>> -> memref<128xi32, #tpu.memory_space<vmem>>
          %dma_wait3A_138 = arith.constant 0 : i32
          %dma_wait3A_139 = arith.constant 0 : i32
          %dma_wait3A_140 = tpu.memref_slice %arg10[%dma_wait3A_138, %dma_wait3A_139] : memref<50048x32xf32, #tpu.memory_space<vmem_shared>> -> memref<50048x32xf32, #tpu.memory_space<vmem_shared>>
          tpu.wait_indirect_dma semaphore(%arg12 : memref<!tpu.dma_semaphore, #tpu.memory_space<semaphore_mem>>) src(%dma_wait3A_134 : memref<128x32xf32, #tpu.memory_space<vmem>>) dst(%dma_wait3A_140 : memref<50048x32xf32, #tpu.memory_space<vmem_shared>>)
          %scan3A_141 = arith.constant 0 : i32
          scf.yield %scan3A_141 : i32
        }
        %scan3A_126 = arith.constant 4 : i32
        %scan3A_127 = arith.constant 0 : i32
        scf.yield %scan3A_127 : i32
      }
      %scan3A_65 = arith.constant 49 : i32
    } else {
    }
    %eq3A_39 = arith.constant 1 : i32
    %eq3A_40 = arith.cmpi eq, %arg0, %eq3A_39 : i32
    %convert_element_type3A_41 = arith.extui %eq3A_40 : i1 to i32
    %cond3A_42 = arith.constant 0 : i32
    %cond3A_43 = arith.cmpi ne, %convert_element_type3A_41, %cond3A_42 : i32
    scf.if %cond3A_43 {
      %mul3A_57 = arith.constant 392 : i32
      %mul3A_58 = arith.muli %arg1, %mul3A_57 : i32
      %scan3A_59 = arith.constant 0 : i32
      %scan3A_60 = arith.constant 0 : i32
      %scan3A_61 = arith.constant 49 : i32
      %scan3A_62 = arith.addi %scan3A_60, %scan3A_61 : i32
      %scan3A_63 = arith.constant 1 : i32
      %scan3A_64 = scf.for %scan3A_66 = %scan3A_60 to %scan3A_62 step %scan3A_63 iter_args(%scan3A_67 = %scan3A_59) -> (i32)  : i32 {
        %mul3A_68 = arith.constant 8 : i32
        %mul3A_69 = arith.muli %scan3A_66, %mul3A_68 : i32
        %add3A_70 = arith.addi %mul3A_58, %mul3A_69 : i32
        "tpu.region"() ({
          %run_scoped3A_128 = tpu.sem_alloc : memref<!tpu.dma_semaphore, #tpu.memory_space<semaphore_mem>>
          %dma_start3A = arith.constant 0 : i32
          %dma_start3A_129 = tpu.memref_slice %arg2[%add3A_70, %dma_start3A] : memref<6272x128xi32, #tpu.memory_space<hbm>> -> memref<8x128xi32, #tpu.memory_space<hbm>>
          %dma_start3A_130 = arith.constant 0 : i32
          %dma_start3A_131 = tpu.memref_slice %arg2[%add3A_70, %dma_start3A_130] : memref<6272x128xi32, #tpu.memory_space<hbm>> -> memref<8x128xi32, #tpu.memory_space<hbm>>
          tpu.enqueue_dma source(%dma_start3A_131 : memref<8x128xi32, #tpu.memory_space<hbm>>) target(%arg7 : memref<8x128xi32, #tpu.memory_space<vmem>>) target_semaphore(%run_scoped3A_128 : memref<!tpu.dma_semaphore, #tpu.memory_space<semaphore_mem>>)
          %dma_wait3A = arith.constant 0 : i32
          %dma_wait3A_132 = tpu.memref_slice %arg2[%add3A_70, %dma_wait3A] : memref<6272x128xi32, #tpu.memory_space<hbm>> -> memref<8x128xi32, #tpu.memory_space<hbm>>
          %dma_wait3A_133 = arith.constant 0 : i32
          %dma_wait3A_134 = tpu.memref_slice %arg2[%add3A_70, %dma_wait3A_133] : memref<6272x128xi32, #tpu.memory_space<hbm>> -> memref<8x128xi32, #tpu.memory_space<hbm>>
          tpu.wait_dma2 semaphore(%run_scoped3A_128 : memref<!tpu.dma_semaphore, #tpu.memory_space<semaphore_mem>>) src(%dma_wait3A_134 : memref<8x128xi32, #tpu.memory_space<hbm>>) dst(%arg7 : memref<8x128xi32, #tpu.memory_space<vmem>>)
          tpu.yield
        }) : () -> ()
        "tpu.region"() ({
          %run_scoped3A_128 = tpu.sem_alloc : memref<!tpu.dma_semaphore, #tpu.memory_space<semaphore_mem>>
          %dma_start3A = arith.constant 0 : i32
          %dma_start3A_129 = tpu.memref_slice %arg3[%add3A_70, %dma_start3A] : memref<6272x128xi32, #tpu.memory_space<hbm>> -> memref<8x128xi32, #tpu.memory_space<hbm>>
          %dma_start3A_130 = arith.constant 0 : i32
          %dma_start3A_131 = tpu.memref_slice %arg3[%add3A_70, %dma_start3A_130] : memref<6272x128xi32, #tpu.memory_space<hbm>> -> memref<8x128xi32, #tpu.memory_space<hbm>>
          tpu.enqueue_dma source(%dma_start3A_131 : memref<8x128xi32, #tpu.memory_space<hbm>>) target(%arg8 : memref<8x128xi32, #tpu.memory_space<vmem>>) target_semaphore(%run_scoped3A_128 : memref<!tpu.dma_semaphore, #tpu.memory_space<semaphore_mem>>)
          %dma_wait3A = arith.constant 0 : i32
          %dma_wait3A_132 = tpu.memref_slice %arg3[%add3A_70, %dma_wait3A] : memref<6272x128xi32, #tpu.memory_space<hbm>> -> memref<8x128xi32, #tpu.memory_space<hbm>>
          %dma_wait3A_133 = arith.constant 0 : i32
          %dma_wait3A_134 = tpu.memref_slice %arg3[%add3A_70, %dma_wait3A_133] : memref<6272x128xi32, #tpu.memory_space<hbm>> -> memref<8x128xi32, #tpu.memory_space<hbm>>
          tpu.wait_dma2 semaphore(%run_scoped3A_128 : memref<!tpu.dma_semaphore, #tpu.memory_space<semaphore_mem>>) src(%dma_wait3A_134 : memref<8x128xi32, #tpu.memory_space<hbm>>) dst(%arg8 : memref<8x128xi32, #tpu.memory_space<vmem>>)
          tpu.yield
        }) : () -> ()
        %scan3A_71 = arith.constant 0 : i32
        %scan3A_72 = arith.constant 0 : i32
        %scan3A_73 = arith.constant 4 : i32
        %scan3A_74 = arith.addi %scan3A_72, %scan3A_73 : i32
        %scan3A_75 = arith.constant 1 : i32
        %scan3A_76 = scf.for %scan3A_128 = %scan3A_72 to %scan3A_74 step %scan3A_75 iter_args(%scan3A_129 = %scan3A_71) -> (i32)  : i32 {
          %add3A_130 = arith.constant 0 : i32
          %add3A_131 = arith.addi %add3A_130, %scan3A_128 : i32
          %dma_start3A = arith.constant 0 : i32
          %dma_start3A_132 = arith.constant 0 : i32
          %dma_start3A_133 = tpu.memref_slice %arg9[%scan3A_128, %dma_start3A, %dma_start3A_132] : memref<4x128x32xf32, #tpu.memory_space<vmem>> -> memref<1x128x32xf32, #tpu.memory_space<vmem>>
          %dma_start3A_134 = tpu.memref_squeeze %dma_start3A_133 : memref<1x128x32xf32, #tpu.memory_space<vmem>> -> memref<128x32xf32, #tpu.memory_space<vmem>>
          %dma_start3A_135 = arith.constant 0 : i32
          %dma_start3A_136 = tpu.memref_slice %arg7[%add3A_131, %dma_start3A_135] : memref<8x128xi32, #tpu.memory_space<vmem>> -> memref<1x128xi32, #tpu.memory_space<vmem>>
          %dma_start3A_137 = tpu.memref_squeeze %dma_start3A_136 : memref<1x128xi32, #tpu.memory_space<vmem>> -> memref<128xi32, #tpu.memory_space<vmem>>
          %dma_start3A_138 = arith.constant 0 : i32
          %dma_start3A_139 = arith.constant 0 : i32
          %dma_start3A_140 = tpu.memref_slice %arg5[%dma_start3A_138, %dma_start3A_139] : memref<50000x32xf32, #tpu.memory_space<hbm>> -> memref<50000x32xf32, #tpu.memory_space<hbm>>
          tpu.enqueue_indirect_dma source(%dma_start3A_140 : memref<50000x32xf32, #tpu.memory_space<hbm>>) target(%dma_start3A_134 : memref<128x32xf32, #tpu.memory_space<vmem>>) offsets(%dma_start3A_137 : memref<128xi32, #tpu.memory_space<vmem>>) semaphore(%arg11 : memref<!tpu.dma_semaphore, #tpu.memory_space<semaphore_mem>>)
          %scan3A_141 = arith.constant 0 : i32
          scf.yield %scan3A_141 : i32
        }
        %scan3A_77 = arith.constant 4 : i32
        %scan3A_78 = arith.constant 0 : i32
        %scan3A_79 = arith.constant 0 : i32
        %scan3A_80 = arith.constant 4 : i32
        %scan3A_81 = arith.addi %scan3A_79, %scan3A_80 : i32
        %scan3A_82 = arith.constant 1 : i32
        %scan3A_83 = scf.for %scan3A_128 = %scan3A_79 to %scan3A_81 step %scan3A_82 iter_args(%scan3A_129 = %scan3A_78) -> (i32)  : i32 {
          %add3A_130 = arith.constant 0 : i32
          %add3A_131 = arith.addi %add3A_130, %scan3A_128 : i32
          %dma_wait3A = arith.constant 0 : i32
          %dma_wait3A_132 = arith.constant 0 : i32
          %dma_wait3A_133 = tpu.memref_slice %arg9[%scan3A_128, %dma_wait3A, %dma_wait3A_132] : memref<4x128x32xf32, #tpu.memory_space<vmem>> -> memref<1x128x32xf32, #tpu.memory_space<vmem>>
          %dma_wait3A_134 = tpu.memref_squeeze %dma_wait3A_133 : memref<1x128x32xf32, #tpu.memory_space<vmem>> -> memref<128x32xf32, #tpu.memory_space<vmem>>
          %dma_wait3A_135 = arith.constant 0 : i32
          %dma_wait3A_136 = tpu.memref_slice %arg7[%add3A_131, %dma_wait3A_135] : memref<8x128xi32, #tpu.memory_space<vmem>> -> memref<1x128xi32, #tpu.memory_space<vmem>>
          %dma_wait3A_137 = tpu.memref_squeeze %dma_wait3A_136 : memref<1x128xi32, #tpu.memory_space<vmem>> -> memref<128xi32, #tpu.memory_space<vmem>>
          %dma_wait3A_138 = arith.constant 0 : i32
          %dma_wait3A_139 = arith.constant 0 : i32
          %dma_wait3A_140 = tpu.memref_slice %arg5[%dma_wait3A_138, %dma_wait3A_139] : memref<50000x32xf32, #tpu.memory_space<hbm>> -> memref<50000x32xf32, #tpu.memory_space<hbm>>
          tpu.wait_indirect_dma semaphore(%arg11 : memref<!tpu.dma_semaphore, #tpu.memory_space<semaphore_mem>>) src(%dma_wait3A_140 : memref<50000x32xf32, #tpu.memory_space<hbm>>) dst(%dma_wait3A_134 : memref<128x32xf32, #tpu.memory_space<vmem>>)
          %scan3A_141 = arith.constant 0 : i32
          scf.yield %scan3A_141 : i32
        }
        %scan3A_84 = arith.constant 4 : i32
        %scan3A_85 = arith.constant 0 : i32
        %scan3A_86 = arith.constant 0 : i32
        %scan3A_87 = arith.constant 4 : i32
        %scan3A_88 = arith.addi %scan3A_86, %scan3A_87 : i32
        %scan3A_89 = arith.constant 1 : i32
        %scan3A_90 = scf.for %scan3A_128 = %scan3A_86 to %scan3A_88 step %scan3A_89 iter_args(%scan3A_129 = %scan3A_85) -> (i32)  : i32 {
          %add3A_130 = arith.constant 0 : i32
          %add3A_131 = arith.addi %add3A_130, %scan3A_128 : i32
          %dma_start3A = arith.constant 0 : i32
          %dma_start3A_132 = arith.constant 0 : i32
          %dma_start3A_133 = tpu.memref_slice %arg9[%scan3A_128, %dma_start3A, %dma_start3A_132] : memref<4x128x32xf32, #tpu.memory_space<vmem>> -> memref<1x128x32xf32, #tpu.memory_space<vmem>>
          %dma_start3A_134 = tpu.memref_squeeze %dma_start3A_133 : memref<1x128x32xf32, #tpu.memory_space<vmem>> -> memref<128x32xf32, #tpu.memory_space<vmem>>
          %dma_start3A_135 = arith.constant 0 : i32
          %dma_start3A_136 = tpu.memref_slice %arg8[%add3A_131, %dma_start3A_135] : memref<8x128xi32, #tpu.memory_space<vmem>> -> memref<1x128xi32, #tpu.memory_space<vmem>>
          %dma_start3A_137 = tpu.memref_squeeze %dma_start3A_136 : memref<1x128xi32, #tpu.memory_space<vmem>> -> memref<128xi32, #tpu.memory_space<vmem>>
          %dma_start3A_138 = arith.constant 0 : i32
          %dma_start3A_139 = arith.constant 0 : i32
          %dma_start3A_140 = tpu.memref_slice %arg10[%dma_start3A_138, %dma_start3A_139] : memref<50048x32xf32, #tpu.memory_space<vmem_shared>> -> memref<50048x32xf32, #tpu.memory_space<vmem_shared>>
          tpu.enqueue_indirect_dma source(%dma_start3A_134 : memref<128x32xf32, #tpu.memory_space<vmem>>) target(%dma_start3A_140 : memref<50048x32xf32, #tpu.memory_space<vmem_shared>>) offsets(%dma_start3A_137 : memref<128xi32, #tpu.memory_space<vmem>>) semaphore(%arg12 : memref<!tpu.dma_semaphore, #tpu.memory_space<semaphore_mem>>) {add = true}
          %scan3A_141 = arith.constant 0 : i32
          scf.yield %scan3A_141 : i32
        }
        %scan3A_91 = arith.constant 4 : i32
        %scan3A_92 = arith.constant 0 : i32
        %scan3A_93 = arith.constant 0 : i32
        %scan3A_94 = arith.constant 4 : i32
        %scan3A_95 = arith.addi %scan3A_93, %scan3A_94 : i32
        %scan3A_96 = arith.constant 1 : i32
        %scan3A_97 = scf.for %scan3A_128 = %scan3A_93 to %scan3A_95 step %scan3A_96 iter_args(%scan3A_129 = %scan3A_92) -> (i32)  : i32 {
          %add3A_130 = arith.constant 0 : i32
          %add3A_131 = arith.addi %add3A_130, %scan3A_128 : i32
          %dma_wait3A = arith.constant 0 : i32
          %dma_wait3A_132 = arith.constant 0 : i32
          %dma_wait3A_133 = tpu.memref_slice %arg9[%scan3A_128, %dma_wait3A, %dma_wait3A_132] : memref<4x128x32xf32, #tpu.memory_space<vmem>> -> memref<1x128x32xf32, #tpu.memory_space<vmem>>
          %dma_wait3A_134 = tpu.memref_squeeze %dma_wait3A_133 : memref<1x128x32xf32, #tpu.memory_space<vmem>> -> memref<128x32xf32, #tpu.memory_space<vmem>>
          %dma_wait3A_135 = arith.constant 0 : i32
          %dma_wait3A_136 = tpu.memref_slice %arg8[%add3A_131, %dma_wait3A_135] : memref<8x128xi32, #tpu.memory_space<vmem>> -> memref<1x128xi32, #tpu.memory_space<vmem>>
          %dma_wait3A_137 = tpu.memref_squeeze %dma_wait3A_136 : memref<1x128xi32, #tpu.memory_space<vmem>> -> memref<128xi32, #tpu.memory_space<vmem>>
          %dma_wait3A_138 = arith.constant 0 : i32
          %dma_wait3A_139 = arith.constant 0 : i32
          %dma_wait3A_140 = tpu.memref_slice %arg10[%dma_wait3A_138, %dma_wait3A_139] : memref<50048x32xf32, #tpu.memory_space<vmem_shared>> -> memref<50048x32xf32, #tpu.memory_space<vmem_shared>>
          tpu.wait_indirect_dma semaphore(%arg12 : memref<!tpu.dma_semaphore, #tpu.memory_space<semaphore_mem>>) src(%dma_wait3A_134 : memref<128x32xf32, #tpu.memory_space<vmem>>) dst(%dma_wait3A_140 : memref<50048x32xf32, #tpu.memory_space<vmem_shared>>)
          %scan3A_141 = arith.constant 0 : i32
          scf.yield %scan3A_141 : i32
        }
        %scan3A_98 = arith.constant 4 : i32
        %scan3A_99 = arith.constant 0 : i32
        %scan3A_100 = arith.constant 0 : i32
        %scan3A_101 = arith.constant 4 : i32
        %scan3A_102 = arith.addi %scan3A_100, %scan3A_101 : i32
        %scan3A_103 = arith.constant 1 : i32
        %scan3A_104 = scf.for %scan3A_128 = %scan3A_100 to %scan3A_102 step %scan3A_103 iter_args(%scan3A_129 = %scan3A_99) -> (i32)  : i32 {
          %add3A_130 = arith.constant 4 : i32
          %add3A_131 = arith.addi %add3A_130, %scan3A_128 : i32
          %dma_start3A = arith.constant 0 : i32
          %dma_start3A_132 = arith.constant 0 : i32
          %dma_start3A_133 = tpu.memref_slice %arg9[%scan3A_128, %dma_start3A, %dma_start3A_132] : memref<4x128x32xf32, #tpu.memory_space<vmem>> -> memref<1x128x32xf32, #tpu.memory_space<vmem>>
          %dma_start3A_134 = tpu.memref_squeeze %dma_start3A_133 : memref<1x128x32xf32, #tpu.memory_space<vmem>> -> memref<128x32xf32, #tpu.memory_space<vmem>>
          %dma_start3A_135 = arith.constant 0 : i32
          %dma_start3A_136 = tpu.memref_slice %arg7[%add3A_131, %dma_start3A_135] : memref<8x128xi32, #tpu.memory_space<vmem>> -> memref<1x128xi32, #tpu.memory_space<vmem>>
          %dma_start3A_137 = tpu.memref_squeeze %dma_start3A_136 : memref<1x128xi32, #tpu.memory_space<vmem>> -> memref<128xi32, #tpu.memory_space<vmem>>
          %dma_start3A_138 = arith.constant 0 : i32
          %dma_start3A_139 = arith.constant 0 : i32
          %dma_start3A_140 = tpu.memref_slice %arg5[%dma_start3A_138, %dma_start3A_139] : memref<50000x32xf32, #tpu.memory_space<hbm>> -> memref<50000x32xf32, #tpu.memory_space<hbm>>
          tpu.enqueue_indirect_dma source(%dma_start3A_140 : memref<50000x32xf32, #tpu.memory_space<hbm>>) target(%dma_start3A_134 : memref<128x32xf32, #tpu.memory_space<vmem>>) offsets(%dma_start3A_137 : memref<128xi32, #tpu.memory_space<vmem>>) semaphore(%arg11 : memref<!tpu.dma_semaphore, #tpu.memory_space<semaphore_mem>>)
          %scan3A_141 = arith.constant 0 : i32
          scf.yield %scan3A_141 : i32
        }
        %scan3A_105 = arith.constant 4 : i32
        %scan3A_106 = arith.constant 0 : i32
        %scan3A_107 = arith.constant 0 : i32
        %scan3A_108 = arith.constant 4 : i32
        %scan3A_109 = arith.addi %scan3A_107, %scan3A_108 : i32
        %scan3A_110 = arith.constant 1 : i32
        %scan3A_111 = scf.for %scan3A_128 = %scan3A_107 to %scan3A_109 step %scan3A_110 iter_args(%scan3A_129 = %scan3A_106) -> (i32)  : i32 {
          %add3A_130 = arith.constant 4 : i32
          %add3A_131 = arith.addi %add3A_130, %scan3A_128 : i32
          %dma_wait3A = arith.constant 0 : i32
          %dma_wait3A_132 = arith.constant 0 : i32
          %dma_wait3A_133 = tpu.memref_slice %arg9[%scan3A_128, %dma_wait3A, %dma_wait3A_132] : memref<4x128x32xf32, #tpu.memory_space<vmem>> -> memref<1x128x32xf32, #tpu.memory_space<vmem>>
          %dma_wait3A_134 = tpu.memref_squeeze %dma_wait3A_133 : memref<1x128x32xf32, #tpu.memory_space<vmem>> -> memref<128x32xf32, #tpu.memory_space<vmem>>
          %dma_wait3A_135 = arith.constant 0 : i32
          %dma_wait3A_136 = tpu.memref_slice %arg7[%add3A_131, %dma_wait3A_135] : memref<8x128xi32, #tpu.memory_space<vmem>> -> memref<1x128xi32, #tpu.memory_space<vmem>>
          %dma_wait3A_137 = tpu.memref_squeeze %dma_wait3A_136 : memref<1x128xi32, #tpu.memory_space<vmem>> -> memref<128xi32, #tpu.memory_space<vmem>>
          %dma_wait3A_138 = arith.constant 0 : i32
          %dma_wait3A_139 = arith.constant 0 : i32
          %dma_wait3A_140 = tpu.memref_slice %arg5[%dma_wait3A_138, %dma_wait3A_139] : memref<50000x32xf32, #tpu.memory_space<hbm>> -> memref<50000x32xf32, #tpu.memory_space<hbm>>
          tpu.wait_indirect_dma semaphore(%arg11 : memref<!tpu.dma_semaphore, #tpu.memory_space<semaphore_mem>>) src(%dma_wait3A_140 : memref<50000x32xf32, #tpu.memory_space<hbm>>) dst(%dma_wait3A_134 : memref<128x32xf32, #tpu.memory_space<vmem>>)
          %scan3A_141 = arith.constant 0 : i32
          scf.yield %scan3A_141 : i32
        }
        %scan3A_112 = arith.constant 4 : i32
        %scan3A_113 = arith.constant 0 : i32
        %scan3A_114 = arith.constant 0 : i32
        %scan3A_115 = arith.constant 4 : i32
        %scan3A_116 = arith.addi %scan3A_114, %scan3A_115 : i32
        %scan3A_117 = arith.constant 1 : i32
        %scan3A_118 = scf.for %scan3A_128 = %scan3A_114 to %scan3A_116 step %scan3A_117 iter_args(%scan3A_129 = %scan3A_113) -> (i32)  : i32 {
          %add3A_130 = arith.constant 4 : i32
          %add3A_131 = arith.addi %add3A_130, %scan3A_128 : i32
          %dma_start3A = arith.constant 0 : i32
          %dma_start3A_132 = arith.constant 0 : i32
          %dma_start3A_133 = tpu.memref_slice %arg9[%scan3A_128, %dma_start3A, %dma_start3A_132] : memref<4x128x32xf32, #tpu.memory_space<vmem>> -> memref<1x128x32xf32, #tpu.memory_space<vmem>>
          %dma_start3A_134 = tpu.memref_squeeze %dma_start3A_133 : memref<1x128x32xf32, #tpu.memory_space<vmem>> -> memref<128x32xf32, #tpu.memory_space<vmem>>
          %dma_start3A_135 = arith.constant 0 : i32
          %dma_start3A_136 = tpu.memref_slice %arg8[%add3A_131, %dma_start3A_135] : memref<8x128xi32, #tpu.memory_space<vmem>> -> memref<1x128xi32, #tpu.memory_space<vmem>>
          %dma_start3A_137 = tpu.memref_squeeze %dma_start3A_136 : memref<1x128xi32, #tpu.memory_space<vmem>> -> memref<128xi32, #tpu.memory_space<vmem>>
          %dma_start3A_138 = arith.constant 0 : i32
          %dma_start3A_139 = arith.constant 0 : i32
          %dma_start3A_140 = tpu.memref_slice %arg10[%dma_start3A_138, %dma_start3A_139] : memref<50048x32xf32, #tpu.memory_space<vmem_shared>> -> memref<50048x32xf32, #tpu.memory_space<vmem_shared>>
          tpu.enqueue_indirect_dma source(%dma_start3A_134 : memref<128x32xf32, #tpu.memory_space<vmem>>) target(%dma_start3A_140 : memref<50048x32xf32, #tpu.memory_space<vmem_shared>>) offsets(%dma_start3A_137 : memref<128xi32, #tpu.memory_space<vmem>>) semaphore(%arg12 : memref<!tpu.dma_semaphore, #tpu.memory_space<semaphore_mem>>) {add = true}
          %scan3A_141 = arith.constant 0 : i32
          scf.yield %scan3A_141 : i32
        }
        %scan3A_119 = arith.constant 4 : i32
        %scan3A_120 = arith.constant 0 : i32
        %scan3A_121 = arith.constant 0 : i32
        %scan3A_122 = arith.constant 4 : i32
        %scan3A_123 = arith.addi %scan3A_121, %scan3A_122 : i32
        %scan3A_124 = arith.constant 1 : i32
        %scan3A_125 = scf.for %scan3A_128 = %scan3A_121 to %scan3A_123 step %scan3A_124 iter_args(%scan3A_129 = %scan3A_120) -> (i32)  : i32 {
          %add3A_130 = arith.constant 4 : i32
          %add3A_131 = arith.addi %add3A_130, %scan3A_128 : i32
          %dma_wait3A = arith.constant 0 : i32
          %dma_wait3A_132 = arith.constant 0 : i32
          %dma_wait3A_133 = tpu.memref_slice %arg9[%scan3A_128, %dma_wait3A, %dma_wait3A_132] : memref<4x128x32xf32, #tpu.memory_space<vmem>> -> memref<1x128x32xf32, #tpu.memory_space<vmem>>
          %dma_wait3A_134 = tpu.memref_squeeze %dma_wait3A_133 : memref<1x128x32xf32, #tpu.memory_space<vmem>> -> memref<128x32xf32, #tpu.memory_space<vmem>>
          %dma_wait3A_135 = arith.constant 0 : i32
          %dma_wait3A_136 = tpu.memref_slice %arg8[%add3A_131, %dma_wait3A_135] : memref<8x128xi32, #tpu.memory_space<vmem>> -> memref<1x128xi32, #tpu.memory_space<vmem>>
          %dma_wait3A_137 = tpu.memref_squeeze %dma_wait3A_136 : memref<1x128xi32, #tpu.memory_space<vmem>> -> memref<128xi32, #tpu.memory_space<vmem>>
          %dma_wait3A_138 = arith.constant 0 : i32
          %dma_wait3A_139 = arith.constant 0 : i32
          %dma_wait3A_140 = tpu.memref_slice %arg10[%dma_wait3A_138, %dma_wait3A_139] : memref<50048x32xf32, #tpu.memory_space<vmem_shared>> -> memref<50048x32xf32, #tpu.memory_space<vmem_shared>>
          tpu.wait_indirect_dma semaphore(%arg12 : memref<!tpu.dma_semaphore, #tpu.memory_space<semaphore_mem>>) src(%dma_wait3A_134 : memref<128x32xf32, #tpu.memory_space<vmem>>) dst(%dma_wait3A_140 : memref<50048x32xf32, #tpu.memory_space<vmem_shared>>)
          %scan3A_141 = arith.constant 0 : i32
          scf.yield %scan3A_141 : i32
        }
        %scan3A_126 = arith.constant 4 : i32
        %scan3A_127 = arith.constant 0 : i32
        scf.yield %scan3A_127 : i32
      }
      %scan3A_65 = arith.constant 49 : i32
    } else {
    }
    %barrier3A_44 = arith.constant 0 : index
    tpu.barrier barrier_id(%barrier3A_44)
    %mul3A_45 = arith.constant 3128 : i32
    %mul3A_46 = arith.muli %arg1, %mul3A_45 : i32
    %eq3A_47 = arith.constant 0 : i32
    %eq3A_48 = arith.cmpi eq, %arg0, %eq3A_47 : i32
    %convert_element_type3A_49 = arith.extui %eq3A_48 : i1 to i32
    %cond3A_50 = arith.constant 0 : i32
    %cond3A_51 = arith.cmpi ne, %convert_element_type3A_49, %cond3A_50 : i32
    scf.if %cond3A_51 {
      %run_scoped3A_57 = arith.constant 0 : i32
      "tpu.region"() ({
        %run_scoped3A_58 = tpu.sem_alloc : memref<!tpu.dma_semaphore, #tpu.memory_space<semaphore_mem>>
        %dma_start3A = arith.constant 0 : i32
        %dma_start3A_59 = arith.constant 0 : i32
        %dma_start3A_60 = tpu.memref_slice %arg6[%run_scoped3A_57, %dma_start3A, %dma_start3A_59] : memref<2x50048x32xf32, #tpu.memory_space<hbm>> -> memref<1x50048x32xf32, #tpu.memory_space<hbm>>
        %dma_start3A_61 = tpu.memref_squeeze %dma_start3A_60 : memref<1x50048x32xf32, #tpu.memory_space<hbm>> -> memref<50048x32xf32, #tpu.memory_space<hbm>>
        %dma_start3A_62 = arith.constant 0 : i32
        %dma_start3A_63 = tpu.memref_slice %dma_start3A_61[%mul3A_46, %dma_start3A_62] : memref<50048x32xf32, #tpu.memory_space<hbm>> -> memref<3128x32xf32, #tpu.memory_space<hbm>>
        %dma_start3A_64 = arith.constant 0 : i32
        %dma_start3A_65 = tpu.memref_slice %arg10[%mul3A_46, %dma_start3A_64] : memref<50048x32xf32, #tpu.memory_space<vmem_shared>> -> memref<3128x32xf32, #tpu.memory_space<vmem_shared>>
        tpu.enqueue_dma source(%dma_start3A_65 : memref<3128x32xf32, #tpu.memory_space<vmem_shared>>) target(%dma_start3A_63 : memref<3128x32xf32, #tpu.memory_space<hbm>>) target_semaphore(%run_scoped3A_58 : memref<!tpu.dma_semaphore, #tpu.memory_space<semaphore_mem>>)
        %dma_wait3A = arith.constant 0 : i32
        %dma_wait3A_66 = arith.constant 0 : i32
        %dma_wait3A_67 = tpu.memref_slice %arg6[%run_scoped3A_57, %dma_wait3A, %dma_wait3A_66] : memref<2x50048x32xf32, #tpu.memory_space<hbm>> -> memref<1x50048x32xf32, #tpu.memory_space<hbm>>
        %dma_wait3A_68 = tpu.memref_squeeze %dma_wait3A_67 : memref<1x50048x32xf32, #tpu.memory_space<hbm>> -> memref<50048x32xf32, #tpu.memory_space<hbm>>
        %dma_wait3A_69 = arith.constant 0 : i32
        %dma_wait3A_70 = tpu.memref_slice %dma_wait3A_68[%mul3A_46, %dma_wait3A_69] : memref<50048x32xf32, #tpu.memory_space<hbm>> -> memref<3128x32xf32, #tpu.memory_space<hbm>>
        %dma_wait3A_71 = arith.constant 0 : i32
        %dma_wait3A_72 = tpu.memref_slice %arg10[%mul3A_46, %dma_wait3A_71] : memref<50048x32xf32, #tpu.memory_space<vmem_shared>> -> memref<3128x32xf32, #tpu.memory_space<vmem_shared>>
        tpu.wait_dma2 semaphore(%run_scoped3A_58 : memref<!tpu.dma_semaphore, #tpu.memory_space<semaphore_mem>>) src(%dma_wait3A_72 : memref<3128x32xf32, #tpu.memory_space<vmem_shared>>) dst(%dma_wait3A_70 : memref<3128x32xf32, #tpu.memory_space<hbm>>)
        tpu.yield
      }) : () -> ()
    } else {
    }
    %eq3A_52 = arith.constant 1 : i32
    %eq3A_53 = arith.cmpi eq, %arg0, %eq3A_52 : i32
    %convert_element_type3A_54 = arith.extui %eq3A_53 : i1 to i32
    %cond3A_55 = arith.constant 0 : i32
    %cond3A_56 = arith.cmpi ne, %convert_element_type3A_54, %cond3A_55 : i32
    scf.if %cond3A_56 {
      %run_scoped3A_57 = arith.constant 1 : i32
      "tpu.region"() ({
        %run_scoped3A_58 = tpu.sem_alloc : memref<!tpu.dma_semaphore, #tpu.memory_space<semaphore_mem>>
        %dma_start3A = arith.constant 0 : i32
        %dma_start3A_59 = arith.constant 0 : i32
        %dma_start3A_60 = tpu.memref_slice %arg6[%run_scoped3A_57, %dma_start3A, %dma_start3A_59] : memref<2x50048x32xf32, #tpu.memory_space<hbm>> -> memref<1x50048x32xf32, #tpu.memory_space<hbm>>
        %dma_start3A_61 = tpu.memref_squeeze %dma_start3A_60 : memref<1x50048x32xf32, #tpu.memory_space<hbm>> -> memref<50048x32xf32, #tpu.memory_space<hbm>>
        %dma_start3A_62 = arith.constant 0 : i32
        %dma_start3A_63 = tpu.memref_slice %dma_start3A_61[%mul3A_46, %dma_start3A_62] : memref<50048x32xf32, #tpu.memory_space<hbm>> -> memref<3128x32xf32, #tpu.memory_space<hbm>>
        %dma_start3A_64 = arith.constant 0 : i32
        %dma_start3A_65 = tpu.memref_slice %arg10[%mul3A_46, %dma_start3A_64] : memref<50048x32xf32, #tpu.memory_space<vmem_shared>> -> memref<3128x32xf32, #tpu.memory_space<vmem_shared>>
        tpu.enqueue_dma source(%dma_start3A_65 : memref<3128x32xf32, #tpu.memory_space<vmem_shared>>) target(%dma_start3A_63 : memref<3128x32xf32, #tpu.memory_space<hbm>>) target_semaphore(%run_scoped3A_58 : memref<!tpu.dma_semaphore, #tpu.memory_space<semaphore_mem>>)
        %dma_wait3A = arith.constant 0 : i32
        %dma_wait3A_66 = arith.constant 0 : i32
        %dma_wait3A_67 = tpu.memref_slice %arg6[%run_scoped3A_57, %dma_wait3A, %dma_wait3A_66] : memref<2x50048x32xf32, #tpu.memory_space<hbm>> -> memref<1x50048x32xf32, #tpu.memory_space<hbm>>
        %dma_wait3A_68 = tpu.memref_squeeze %dma_wait3A_67 : memref<1x50048x32xf32, #tpu.memory_space<hbm>> -> memref<50048x32xf32, #tpu.memory_space<hbm>>
        %dma_wait3A_69 = arith.constant 0 : i32
        %dma_wait3A_70 = tpu.memref_slice %dma_wait3A_68[%mul3A_46, %dma_wait3A_69] : memref<50048x32xf32, #tpu.memory_space<hbm>> -> memref<3128x32xf32, #tpu.memory_space<hbm>>
        %dma_wait3A_71 = arith.constant 0 : i32
        %dma_wait3A_72 = tpu.memref_slice %arg10[%mul3A_46, %dma_wait3A_71] : memref<50048x32xf32, #tpu.memory_space<vmem_shared>> -> memref<3128x32xf32, #tpu.memory_space<vmem_shared>>
        tpu.wait_dma2 semaphore(%run_scoped3A_58 : memref<!tpu.dma_semaphore, #tpu.memory_space<semaphore_mem>>) src(%dma_wait3A_72 : memref<3128x32xf32, #tpu.memory_space<vmem_shared>>) dst(%dma_wait3A_70 : memref<3128x32xf32, #tpu.memory_space<hbm>>)
        tpu.yield
      }) : () -> ()
    } else {
    }
    return
  }
}

module attributes {stable_mosaic.version = 14 : i64} {
  func.func @body(%arg0: i32, %arg1: memref<400x32xf32, #tpu.memory_space<vmem>>, %arg2: memref<400x32xf32, #tpu.memory_space<vmem>>, %arg3: memref<400x128xf32, #tpu.memory_space<vmem>>, %arg4: memref<128x64xf32, #tpu.memory_space<vmem>>, %arg5: memref<400x1xf32, #tpu.memory_space<vmem>>, %arg6: memref<400x1xf32, #tpu.memory_space<vmem>>, %arg7: memref<400x32xf32, #tpu.memory_space<vmem>>, %arg8: memref<400x32xf32, #tpu.memory_space<vmem>>) attributes {dimension_semantics = [#tpu.dimension_semantics<arbitrary>], iteration_bounds = array<i64: 125>, scalar_prefetch = 0 : i64, scratch_operands = 0 : i64, tpu.core_type = #tpu.core_type<tc>, window_params = [{transform_indices = @transform_0, window_bounds = array<i64: 400, 32>}, {transform_indices = @transform_1, window_bounds = array<i64: 400, 32>}, {transform_indices = @transform_2, window_bounds = array<i64: 400, 128>}, {pipeline_mode = #tpu.pipeline_mode<synchronous>, transform_indices = @transform_3, window_bounds = array<i64: 128, 64>}, {transform_indices = @transform_4, window_bounds = array<i64: 400, 1>}, {transform_indices = @transform_5, window_bounds = array<i64: 400, 1>}, {transform_indices = @transform_6, window_bounds = array<i64: 400, 32>}, {transform_indices = @transform_7, window_bounds = array<i64: 400, 32>}]} {
    %get3A = arith.constant 0 : index
    %get3A_0 = arith.constant 0 : index
    %get3A_1 = vector.load %arg1[%get3A, %get3A_0] : memref<400x32xf32, #tpu.memory_space<vmem>>, vector<400x32xf32>
    %reduce_sum3A = arith.constant dense<0.000000e+00> : vector<400xf32>
    %reduce_sum3A_2 = vector.multi_reduction <add>, %get3A_1, %reduce_sum3A [1] : vector<400x32xf32> to vector<400xf32>
    %broadcast_in_dim3A = vector.shape_cast %reduce_sum3A_2 : vector<400xf32> to vector<400x1xf32>
    %add3A = arith.constant 1.000000e+00 : f32
    %add3A_3 = vector.broadcast %add3A : f32 to vector<400x1xf32>
    %add3A_4 = arith.addf %broadcast_in_dim3A, %add3A_3 : vector<400x1xf32>
    %max3A = arith.constant 1.000000e+00 : f32
    %max3A_5 = vector.broadcast %max3A : f32 to vector<400x1xf32>
    %max3A_6 = arith.maximumf %add3A_4, %max3A_5 : vector<400x1xf32>
    %rsqrt3A = math.rsqrt %max3A_6 : vector<400x1xf32>
    %get3A_7 = arith.constant 0 : index
    %get3A_8 = arith.constant 0 : index
    %get3A_9 = vector.load %arg2[%get3A_7, %get3A_8] : memref<400x32xf32, #tpu.memory_space<vmem>>, vector<400x32xf32>
    %reduce_sum3A_10 = arith.constant dense<0.000000e+00> : vector<400xf32>
    %reduce_sum3A_11 = vector.multi_reduction <add>, %get3A_9, %reduce_sum3A_10 [1] : vector<400x32xf32> to vector<400xf32>
    %broadcast_in_dim3A_12 = vector.shape_cast %reduce_sum3A_11 : vector<400xf32> to vector<400x1xf32>
    %swap3A = arith.constant 0 : index
    %swap3A_13 = arith.constant 0 : index
    %swap3A_14 = vector.load %arg5[%swap3A, %swap3A_13] : memref<400x1xf32, #tpu.memory_space<vmem>>, vector<400x1xf32>
    tpu.vector_store %arg5[%swap3A, %swap3A_13], %rsqrt3A {strides = array<i32>} : memref<400x1xf32, #tpu.memory_space<vmem>>, vector<400x1xf32>,
    %mul3A = arith.mulf %broadcast_in_dim3A_12, %rsqrt3A : vector<400x1xf32>
    %swap3A_15 = arith.constant 0 : index
    %swap3A_16 = arith.constant 0 : index
    %swap3A_17 = vector.load %arg6[%swap3A_15, %swap3A_16] : memref<400x1xf32, #tpu.memory_space<vmem>>, vector<400x1xf32>
    tpu.vector_store %arg6[%swap3A_15, %swap3A_16], %mul3A {strides = array<i32>} : memref<400x1xf32, #tpu.memory_space<vmem>>, vector<400x1xf32>,
    %get3A_18 = arith.constant 0 : index
    %get3A_19 = arith.constant 0 : index
    %get3A_20 = vector.load %arg3[%get3A_18, %get3A_19] : memref<400x128xf32, #tpu.memory_space<vmem>>, vector<400x128xf32>
    %get3A_21 = arith.constant 0 : index
    %get3A_22 = arith.constant 0 : index
    %get3A_23 = vector.load %arg4[%get3A_21, %get3A_22] : memref<128x64xf32, #tpu.memory_space<vmem>>, vector<128x64xf32>
    %dot_general3A = arith.constant dense<0.000000e+00> : vector<400x64xf32>
    %dot_general3A_24 = tpu.matmul %get3A_20, %get3A_23, %dot_general3A {dimension_numbers = #tpu.dot_dimension_numbers<[1], [0], [0], [1], [0, 0, 1, 1], [], []>, transpose_lhs_hint = false} : vector<400x128xf32>, vector<128x64xf32>, vector<400x64xf32> -> vector<400x64xf32>
    %mul3A_25 = vector.broadcast %rsqrt3A : vector<400x1xf32> to vector<400x64xf32>
    %mul3A_26 = arith.mulf %dot_general3A_24, %mul3A_25 : vector<400x64xf32>
    %slice3A = vector.extract_strided_slice %mul3A_26 {offsets = [0, 0], sizes = [400, 32], strides = [1, 1]} : vector<400x64xf32> to vector<400x32xf32>
    %swap3A_27 = arith.constant 0 : index
    %swap3A_28 = arith.constant 0 : index
    %swap3A_29 = vector.load %arg7[%swap3A_27, %swap3A_28] : memref<400x32xf32, #tpu.memory_space<vmem>>, vector<400x32xf32>
    tpu.vector_store %arg7[%swap3A_27, %swap3A_28], %slice3A {strides = array<i32>} : memref<400x32xf32, #tpu.memory_space<vmem>>, vector<400x32xf32>,
    %slice3A_30 = vector.extract_strided_slice %mul3A_26 {offsets = [0, 32], sizes = [400, 32], strides = [1, 1]} : vector<400x64xf32> to vector<400x32xf32>
    %swap3A_31 = arith.constant 0 : index
    %swap3A_32 = arith.constant 0 : index
    %swap3A_33 = vector.load %arg8[%swap3A_31, %swap3A_32] : memref<400x32xf32, #tpu.memory_space<vmem>>, vector<400x32xf32>
    tpu.vector_store %arg8[%swap3A_31, %swap3A_32], %slice3A_30 {strides = array<i32>} : memref<400x32xf32, #tpu.memory_space<vmem>>, vector<400x32xf32>,
    return
  }
  func.func @transform_0(%arg0: i32) -> (i32, i32) {
    %c0_i32 = arith.constant 0 : i32
    %c0_i32_0 = arith.constant 0 : i32
    return %arg0, %c0_i32 : i32, i32
  }
  func.func @transform_1(%arg0: i32) -> (i32, i32) {
    %c0_i32 = arith.constant 0 : i32
    %c0_i32_0 = arith.constant 0 : i32
    return %arg0, %c0_i32 : i32, i32
  }
  func.func @transform_2(%arg0: i32) -> (i32, i32) {
    %c0_i32 = arith.constant 0 : i32
    %c0_i32_0 = arith.constant 0 : i32
    return %arg0, %c0_i32 : i32, i32
  }
  func.func @transform_3(%arg0: i32) -> (i32, i32) {
    %c0_i32 = arith.constant 0 : i32
    %c0_i32_0 = arith.constant 0 : i32
    %c0_i32_1 = arith.constant 0 : i32
    return %c0_i32, %c0_i32_0 : i32, i32
  }
  func.func @transform_4(%arg0: i32) -> (i32, i32) {
    %c0_i32 = arith.constant 0 : i32
    %c0_i32_0 = arith.constant 0 : i32
    return %arg0, %c0_i32 : i32, i32
  }
  func.func @transform_5(%arg0: i32) -> (i32, i32) {
    %c0_i32 = arith.constant 0 : i32
    %c0_i32_0 = arith.constant 0 : i32
    return %arg0, %c0_i32 : i32, i32
  }
  func.func @transform_6(%arg0: i32) -> (i32, i32) {
    %c0_i32 = arith.constant 0 : i32
    %c0_i32_0 = arith.constant 0 : i32
    return %arg0, %c0_i32 : i32, i32
  }
  func.func @transform_7(%arg0: i32) -> (i32, i32) {
    %c0_i32 = arith.constant 0 : i32
    %c0_i32_0 = arith.constant 0 : i32
    return %arg0, %c0_i32 : i32, i32
  }
}

module attributes {stable_mosaic.version = 14 : i64} {
  func.func @body(%arg0: i32, %arg1: memref<2x400x32xf32, #tpu.memory_space<vmem>>, %arg2: memref<400x32xf32, #tpu.memory_space<vmem>>, %arg3: memref<400x32xf32, #tpu.memory_space<vmem>>, %arg4: memref<400x1xf32, #tpu.memory_space<vmem>>, %arg5: memref<64x64xf32, #tpu.memory_space<vmem>>, %arg6: memref<1x64xf32, #tpu.memory_space<vmem>>, %arg7: memref<400x32xf32, #tpu.memory_space<vmem>>, %arg8: memref<400x32xf32, #tpu.memory_space<vmem>>) attributes {dimension_semantics = [#tpu.dimension_semantics<arbitrary>], iteration_bounds = array<i64: 125>, scalar_prefetch = 0 : i64, scratch_operands = 0 : i64, tpu.core_type = #tpu.core_type<tc>, window_params = [{transform_indices = @transform_0, window_bounds = array<i64: 2, 400, 32>}, {transform_indices = @transform_1, window_bounds = array<i64: 400, 32>}, {transform_indices = @transform_2, window_bounds = array<i64: 400, 32>}, {transform_indices = @transform_3, window_bounds = array<i64: 400, 1>}, {pipeline_mode = #tpu.pipeline_mode<synchronous>, transform_indices = @transform_4, window_bounds = array<i64: 64, 64>}, {pipeline_mode = #tpu.pipeline_mode<synchronous>, transform_indices = @transform_5, window_bounds = array<i64: 1, 64>}, {transform_indices = @transform_6, window_bounds = array<i64: 400, 32>}, {transform_indices = @transform_7, window_bounds = array<i64: 400, 32>}]} {
    %get3A = arith.constant 0 : index
    %get3A_0 = arith.constant 0 : index
    %get3A_1 = arith.constant 0 : index
    %get3A_2 = vector.load %arg1[%get3A, %get3A_0, %get3A_1] : memref<2x400x32xf32, #tpu.memory_space<vmem>>, vector<1x400x32xf32>
    %get3A_3 = vector.shape_cast %get3A_2 : vector<1x400x32xf32> to vector<400x32xf32>
    %get3A_4 = arith.constant 0 : index
    %get3A_5 = arith.constant 0 : index
    %get3A_6 = vector.load %arg2[%get3A_4, %get3A_5] : memref<400x32xf32, #tpu.memory_space<vmem>>, vector<400x32xf32>
    %add3A = arith.addf %get3A_3, %get3A_6 : vector<400x32xf32>
    %get3A_7 = arith.constant 1 : index
    %get3A_8 = arith.constant 0 : index
    %get3A_9 = arith.constant 0 : index
    %get3A_10 = vector.load %arg1[%get3A_7, %get3A_8, %get3A_9] : memref<2x400x32xf32, #tpu.memory_space<vmem>>, vector<1x400x32xf32>
    %get3A_11 = vector.shape_cast %get3A_10 : vector<1x400x32xf32> to vector<400x32xf32>
    %get3A_12 = arith.constant 0 : index
    %get3A_13 = arith.constant 0 : index
    %get3A_14 = vector.load %arg3[%get3A_12, %get3A_13] : memref<400x32xf32, #tpu.memory_space<vmem>>, vector<400x32xf32>
    %add3A_15 = arith.addf %get3A_11, %get3A_14 : vector<400x32xf32>
    %concatenate3A = tpu.concatenate %add3A, %add3A_15 in 1 : vector<400x32xf32>, vector<400x32xf32> -> vector<400x64xf32>
    %get3A_16 = arith.constant 0 : index
    %get3A_17 = arith.constant 0 : index
    %get3A_18 = vector.load %arg4[%get3A_16, %get3A_17] : memref<400x1xf32, #tpu.memory_space<vmem>>, vector<400x1xf32>
    %mul3A = vector.broadcast %get3A_18 : vector<400x1xf32> to vector<400x64xf32>
    %mul3A_19 = arith.mulf %mul3A, %concatenate3A : vector<400x64xf32>
    %get3A_20 = arith.constant 0 : index
    %get3A_21 = arith.constant 0 : index
    %get3A_22 = vector.load %arg6[%get3A_20, %get3A_21] : memref<1x64xf32, #tpu.memory_space<vmem>>, vector<1x64xf32>
    %add3A_23 = vector.broadcast %get3A_22 : vector<1x64xf32> to vector<400x64xf32>
    %add3A_24 = arith.addf %mul3A_19, %add3A_23 : vector<400x64xf32>
    %max3A = arith.constant 0.000000e+00 : f32
    %max3A_25 = vector.broadcast %max3A : f32 to vector<400x64xf32>
    %max3A_26 = arith.maximumf %add3A_24, %max3A_25 : vector<400x64xf32>
    %get3A_27 = arith.constant 0 : index
    %get3A_28 = arith.constant 0 : index
    %get3A_29 = vector.load %arg5[%get3A_27, %get3A_28] : memref<64x64xf32, #tpu.memory_space<vmem>>, vector<64x64xf32>
    %dot_general3A = arith.constant dense<0.000000e+00> : vector<400x64xf32>
    %dot_general3A_30 = tpu.matmul %max3A_26, %get3A_29, %dot_general3A {dimension_numbers = #tpu.dot_dimension_numbers<[1], [0], [0], [1], [0, 0, 1, 1], [], []>, transpose_lhs_hint = false} : vector<400x64xf32>, vector<64x64xf32>, vector<400x64xf32> -> vector<400x64xf32>
    %mul3A_31 = vector.broadcast %get3A_18 : vector<400x1xf32> to vector<400x64xf32>
    %mul3A_32 = arith.mulf %mul3A_31, %dot_general3A_30 : vector<400x64xf32>
    %slice3A = vector.extract_strided_slice %mul3A_32 {offsets = [0, 0], sizes = [400, 32], strides = [1, 1]} : vector<400x64xf32> to vector<400x32xf32>
    %swap3A = arith.constant 0 : index
    %swap3A_33 = arith.constant 0 : index
    %swap3A_34 = vector.load %arg7[%swap3A, %swap3A_33] : memref<400x32xf32, #tpu.memory_space<vmem>>, vector<400x32xf32>
    tpu.vector_store %arg7[%swap3A, %swap3A_33], %slice3A {strides = array<i32>} : memref<400x32xf32, #tpu.memory_space<vmem>>, vector<400x32xf32>,
    %slice3A_35 = vector.extract_strided_slice %mul3A_32 {offsets = [0, 32], sizes = [400, 32], strides = [1, 1]} : vector<400x64xf32> to vector<400x32xf32>
    %swap3A_36 = arith.constant 0 : index
    %swap3A_37 = arith.constant 0 : index
    %swap3A_38 = vector.load %arg8[%swap3A_36, %swap3A_37] : memref<400x32xf32, #tpu.memory_space<vmem>>, vector<400x32xf32>
    tpu.vector_store %arg8[%swap3A_36, %swap3A_37], %slice3A_35 {strides = array<i32>} : memref<400x32xf32, #tpu.memory_space<vmem>>, vector<400x32xf32>,
    return
  }
  func.func @transform_0(%arg0: i32) -> (i32, i32, i32) {
    %c0_i32 = arith.constant 0 : i32
    %c0_i32_0 = arith.constant 0 : i32
    %c0_i32_1 = arith.constant 0 : i32
    return %c0_i32, %arg0, %c0_i32_0 : i32, i32, i32
  }
  func.func @transform_1(%arg0: i32) -> (i32, i32) {
    %c0_i32 = arith.constant 0 : i32
    %c0_i32_0 = arith.constant 0 : i32
    return %arg0, %c0_i32 : i32, i32
  }
  func.func @transform_2(%arg0: i32) -> (i32, i32) {
    %c0_i32 = arith.constant 0 : i32
    %c0_i32_0 = arith.constant 0 : i32
    return %arg0, %c0_i32 : i32, i32
  }
  func.func @transform_3(%arg0: i32) -> (i32, i32) {
    %c0_i32 = arith.constant 0 : i32
    %c0_i32_0 = arith.constant 0 : i32
    return %arg0, %c0_i32 : i32, i32
  }
  func.func @transform_4(%arg0: i32) -> (i32, i32) {
    %c0_i32 = arith.constant 0 : i32
    %c0_i32_0 = arith.constant 0 : i32
    %c0_i32_1 = arith.constant 0 : i32
    return %c0_i32, %c0_i32_0 : i32, i32
  }
  func.func @transform_5(%arg0: i32) -> (i32, i32) {
    %c0_i32 = arith.constant 0 : i32
    %c0_i32_0 = arith.constant 0 : i32
    %c0_i32_1 = arith.constant 0 : i32
    return %c0_i32, %c0_i32_0 : i32, i32
  }
  func.func @transform_6(%arg0: i32) -> (i32, i32) {
    %c0_i32 = arith.constant 0 : i32
    %c0_i32_0 = arith.constant 0 : i32
    return %arg0, %c0_i32 : i32, i32
  }
  func.func @transform_7(%arg0: i32) -> (i32, i32) {
    %c0_i32 = arith.constant 0 : i32
    %c0_i32_0 = arith.constant 0 : i32
    return %arg0, %c0_i32 : i32, i32
  }
}

module attributes {stable_mosaic.version = 14 : i64} {
  func.func @body(%arg0: i32, %arg1: memref<1xi32, #tpu.memory_space<smem>>, %arg2: memref<2x400x32xf32, #tpu.memory_space<vmem>>, %arg3: memref<400x32xf32, #tpu.memory_space<vmem>>, %arg4: memref<400x32xf32, #tpu.memory_space<vmem>>, %arg5: memref<400x1xf32, #tpu.memory_space<vmem>>, %arg6: memref<400x1xf32, #tpu.memory_space<vmem>>, %arg7: memref<1x64xf32, #tpu.memory_space<vmem>>, %arg8: memref<64x64xf32, #tpu.memory_space<vmem>>, %arg9: memref<1x64xf32, #tpu.memory_space<vmem>>, %arg10: memref<64x64xf32, #tpu.memory_space<vmem>>, %arg11: memref<1x64xf32, #tpu.memory_space<vmem>>, %arg12: memref<64x128xf32, #tpu.memory_space<vmem>>, %arg13: memref<1x128xf32, #tpu.memory_space<vmem>>, %arg14: memref<8x128xf32, #tpu.memory_space<vmem>>, %arg15: memref<1x64xf32, #tpu.memory_space<vmem>>, %arg16: memref<1x64xf32, #tpu.memory_space<vmem>>, %arg17: memref<1x1xf32, #tpu.memory_space<vmem>>) attributes {dimension_semantics = [#tpu.dimension_semantics<arbitrary>], iteration_bounds = array<i64: 125>, scalar_prefetch = 0 : i64, scratch_operands = 3 : i64, tpu.core_type = #tpu.core_type<tc>, window_params = [{transform_indices = @transform_0, window_bounds = array<i64: 1>}, {transform_indices = @transform_1, window_bounds = array<i64: 2, 400, 32>}, {transform_indices = @transform_2, window_bounds = array<i64: 400, 32>}, {transform_indices = @transform_3, window_bounds = array<i64: 400, 32>}, {transform_indices = @transform_4, window_bounds = array<i64: 400, 1>}, {transform_indices = @transform_5, window_bounds = array<i64: 400, 1>}, {pipeline_mode = #tpu.pipeline_mode<synchronous>, transform_indices = @transform_6, window_bounds = array<i64: 1, 64>}, {pipeline_mode = #tpu.pipeline_mode<synchronous>, transform_indices = @transform_7, window_bounds = array<i64: 64, 64>}, {pipeline_mode = #tpu.pipeline_mode<synchronous>, transform_indices = @transform_8, window_bounds = array<i64: 1, 64>}, {pipeline_mode = #tpu.pipeline_mode<synchronous>, transform_indices = @transform_9, window_bounds = array<i64: 64, 64>}, {pipeline_mode = #tpu.pipeline_mode<synchronous>, transform_indices = @transform_10, window_bounds = array<i64: 1, 64>}, {pipeline_mode = #tpu.pipeline_mode<synchronous>, transform_indices = @transform_11, window_bounds = array<i64: 64, 128>}, {pipeline_mode = #tpu.pipeline_mode<synchronous>, transform_indices = @transform_12, window_bounds = array<i64: 1, 128>}, {pipeline_mode = #tpu.pipeline_mode<synchronous>, transform_indices = @transform_13, window_bounds = array<i64: 8, 128>}]} {
    %eq3A = arith.constant 0 : i32
    %eq3A_0 = arith.cmpi eq, %arg0, %eq3A : i32
    %convert_element_type3A = arith.extui %eq3A_0 : i1 to i32
    %cond3A = arith.constant 0 : i32
    %cond3A_1 = arith.cmpi ne, %convert_element_type3A, %cond3A : i32
    scf.if %cond3A_1 {
      %broadcast_in_dim3A_80 = arith.constant 0.000000e+00 : f32
      %broadcast_in_dim3A_81 = vector.broadcast %broadcast_in_dim3A_80 : f32 to vector<1x64xf32>
      %swap3A_82 = arith.constant 0 : index
      %swap3A_83 = arith.constant 0 : index
      %swap3A_84 = vector.load %arg15[%swap3A_82, %swap3A_83] : memref<1x64xf32, #tpu.memory_space<vmem>>, vector<1x64xf32>
      tpu.vector_store %arg15[%swap3A_82, %swap3A_83], %broadcast_in_dim3A_81 {strides = array<i32>} : memref<1x64xf32, #tpu.memory_space<vmem>>, vector<1x64xf32>,
      %broadcast_in_dim3A_85 = arith.constant 0.000000e+00 : f32
      %broadcast_in_dim3A_86 = vector.broadcast %broadcast_in_dim3A_85 : f32 to vector<1x64xf32>
      %swap3A_87 = arith.constant 0 : index
      %swap3A_88 = arith.constant 0 : index
      %swap3A_89 = vector.load %arg16[%swap3A_87, %swap3A_88] : memref<1x64xf32, #tpu.memory_space<vmem>>, vector<1x64xf32>
      tpu.vector_store %arg16[%swap3A_87, %swap3A_88], %broadcast_in_dim3A_86 {strides = array<i32>} : memref<1x64xf32, #tpu.memory_space<vmem>>, vector<1x64xf32>,
      %broadcast_in_dim3A_90 = arith.constant 0.000000e+00 : f32
      %broadcast_in_dim3A_91 = vector.broadcast %broadcast_in_dim3A_90 : f32 to vector<1x1xf32>
      %swap3A_92 = arith.constant 0 : index
      %swap3A_93 = arith.constant 0 : index
      %swap3A_94 = vector.load %arg17[%swap3A_92, %swap3A_93] : memref<1x1xf32, #tpu.memory_space<vmem>>, vector<1x1xf32>
      tpu.vector_store %arg17[%swap3A_92, %swap3A_93], %broadcast_in_dim3A_91 {strides = array<i32>} : memref<1x1xf32, #tpu.memory_space<vmem>>, vector<1x1xf32>,
    } else {
    }
    %get3A = arith.constant 0 : index
    %get3A_2 = arith.constant 0 : index
    %get3A_3 = arith.constant 0 : index
    %get3A_4 = vector.load %arg2[%get3A, %get3A_2, %get3A_3] : memref<2x400x32xf32, #tpu.memory_space<vmem>>, vector<1x400x32xf32>
    %get3A_5 = vector.shape_cast %get3A_4 : vector<1x400x32xf32> to vector<400x32xf32>
    %get3A_6 = arith.constant 0 : index
    %get3A_7 = arith.constant 0 : index
    %get3A_8 = vector.load %arg3[%get3A_6, %get3A_7] : memref<400x32xf32, #tpu.memory_space<vmem>>, vector<400x32xf32>
    %add3A = arith.addf %get3A_5, %get3A_8 : vector<400x32xf32>
    %get3A_9 = arith.constant 1 : index
    %get3A_10 = arith.constant 0 : index
    %get3A_11 = arith.constant 0 : index
    %get3A_12 = vector.load %arg2[%get3A_9, %get3A_10, %get3A_11] : memref<2x400x32xf32, #tpu.memory_space<vmem>>, vector<1x400x32xf32>
    %get3A_13 = vector.shape_cast %get3A_12 : vector<1x400x32xf32> to vector<400x32xf32>
    %get3A_14 = arith.constant 0 : index
    %get3A_15 = arith.constant 0 : index
    %get3A_16 = vector.load %arg4[%get3A_14, %get3A_15] : memref<400x32xf32, #tpu.memory_space<vmem>>, vector<400x32xf32>
    %add3A_17 = arith.addf %get3A_13, %get3A_16 : vector<400x32xf32>
    %concatenate3A = tpu.concatenate %add3A, %add3A_17 in 1 : vector<400x32xf32>, vector<400x32xf32> -> vector<400x64xf32>
    %get3A_18 = arith.constant 0 : index
    %get3A_19 = arith.constant 0 : index
    %get3A_20 = vector.load %arg5[%get3A_18, %get3A_19] : memref<400x1xf32, #tpu.memory_space<vmem>>, vector<400x1xf32>
    %mul3A = vector.broadcast %get3A_20 : vector<400x1xf32> to vector<400x64xf32>
    %mul3A_21 = arith.mulf %mul3A, %concatenate3A : vector<400x64xf32>
    %get3A_22 = arith.constant 0 : index
    %get3A_23 = arith.constant 0 : index
    %get3A_24 = vector.load %arg7[%get3A_22, %get3A_23] : memref<1x64xf32, #tpu.memory_space<vmem>>, vector<1x64xf32>
    %add3A_25 = vector.broadcast %get3A_24 : vector<1x64xf32> to vector<400x64xf32>
    %add3A_26 = arith.addf %mul3A_21, %add3A_25 : vector<400x64xf32>
    %max3A = arith.constant 0.000000e+00 : f32
    %max3A_27 = vector.broadcast %max3A : f32 to vector<400x64xf32>
    %max3A_28 = arith.maximumf %add3A_26, %max3A_27 : vector<400x64xf32>
    %get3A_29 = arith.constant 0 : index
    %get3A_30 = arith.constant 0 : index
    %get3A_31 = vector.load %arg15[%get3A_29, %get3A_30] : memref<1x64xf32, #tpu.memory_space<vmem>>, vector<1x64xf32>
    %get3A_32 = arith.constant 0 : index
    %get3A_33 = arith.constant 0 : index
    %get3A_34 = vector.load %arg6[%get3A_32, %get3A_33] : memref<400x1xf32, #tpu.memory_space<vmem>>, vector<400x1xf32>
    %mul3A_35 = vector.broadcast %get3A_34 : vector<400x1xf32> to vector<400x64xf32>
    %mul3A_36 = arith.mulf %mul3A_35, %max3A_28 : vector<400x64xf32>
    %reduce_sum3A = arith.constant dense<0.000000e+00> : vector<64xf32>
    %reduce_sum3A_37 = vector.multi_reduction <add>, %mul3A_36, %reduce_sum3A [0] : vector<400x64xf32> to vector<64xf32>
    %broadcast_in_dim3A = vector.shape_cast %reduce_sum3A_37 : vector<64xf32> to vector<1x64xf32>
    %add3A_38 = arith.addf %get3A_31, %broadcast_in_dim3A : vector<1x64xf32>
    %swap3A = arith.constant 0 : index
    %swap3A_39 = arith.constant 0 : index
    %swap3A_40 = vector.load %arg15[%swap3A, %swap3A_39] : memref<1x64xf32, #tpu.memory_space<vmem>>, vector<1x64xf32>
    tpu.vector_store %arg15[%swap3A, %swap3A_39], %add3A_38 {strides = array<i32>} : memref<1x64xf32, #tpu.memory_space<vmem>>, vector<1x64xf32>,
    %get3A_41 = arith.constant 0 : index
    %get3A_42 = memref.load %arg1[%get3A_41] : memref<1xi32, #tpu.memory_space<smem>>
    %mul3A_43 = arith.constant 400 : i32
    %mul3A_44 = arith.muli %arg0, %mul3A_43 : i32
    %iota3A = tpu.iota {dimensions = array<i32: 0>} : vector<400x1xi32>
    %add3A_45 = vector.broadcast %mul3A_44 : i32 to vector<400x1xi32>
    %add3A_46 = arith.addi %add3A_45, %iota3A : vector<400x1xi32>
    %eq3A_47 = vector.broadcast %get3A_42 : i32 to vector<400x1xi32>
    %eq3A_48 = arith.cmpi eq, %add3A_46, %eq3A_47 : vector<400x1xi32>
    %get3A_49 = arith.constant 0 : index
    %get3A_50 = arith.constant 0 : index
    %get3A_51 = vector.load %arg17[%get3A_49, %get3A_50] : memref<1x1xf32, #tpu.memory_space<vmem>>, vector<1x1xf32>
    %jit3A = arith.constant 0.000000e+00 : f32
    %broadcast_in_dim3A_52 = vector.broadcast %jit3A : f32 to vector<400x1xf32>
    %select_n3A = arith.select %eq3A_48, %get3A_20, %broadcast_in_dim3A_52 : vector<400x1xi1>, vector<400x1xf32>
    %reduce_sum3A_53 = arith.constant dense<0.000000e+00> : vector<1xf32>
    %reduce_sum3A_54 = vector.multi_reduction <add>, %select_n3A, %reduce_sum3A_53 [0] : vector<400x1xf32> to vector<1xf32>
    %broadcast_in_dim3A_55 = vector.shape_cast %reduce_sum3A_54 : vector<1xf32> to vector<1x1xf32>
    %add3A_56 = arith.addf %get3A_51, %broadcast_in_dim3A_55 : vector<1x1xf32>
    %swap3A_57 = arith.constant 0 : index
    %swap3A_58 = arith.constant 0 : index
    %swap3A_59 = vector.load %arg17[%swap3A_57, %swap3A_58] : memref<1x1xf32, #tpu.memory_space<vmem>>, vector<1x1xf32>
    tpu.vector_store %arg17[%swap3A_57, %swap3A_58], %add3A_56 {strides = array<i32>} : memref<1x1xf32, #tpu.memory_space<vmem>>, vector<1x1xf32>,
    %get3A_60 = arith.constant 0 : index
    %get3A_61 = arith.constant 0 : index
    %get3A_62 = vector.load %arg16[%get3A_60, %get3A_61] : memref<1x64xf32, #tpu.memory_space<vmem>>, vector<1x64xf32>
    %jit3A_63 = arith.constant 0.000000e+00 : f32
    %broadcast_in_dim3A_64 = vector.shape_cast %eq3A_48 : vector<400x1xi1> to vector<400x1xi1>
    %broadcast_in_dim3A_65 = vector.broadcast %broadcast_in_dim3A_64 : vector<400x1xi1> to vector<400x64xi1>
    %broadcast_in_dim3A_66 = vector.broadcast %jit3A_63 : f32 to vector<400x64xf32>
    %select_n3A_67 = arith.select %broadcast_in_dim3A_65, %max3A_28, %broadcast_in_dim3A_66 : vector<400x64xi1>, vector<400x64xf32>
    %reduce_sum3A_68 = arith.constant dense<0.000000e+00> : vector<64xf32>
    %reduce_sum3A_69 = vector.multi_reduction <add>, %select_n3A_67, %reduce_sum3A_68 [0] : vector<400x64xf32> to vector<64xf32>
    %broadcast_in_dim3A_70 = vector.shape_cast %reduce_sum3A_69 : vector<64xf32> to vector<1x64xf32>
    %add3A_71 = arith.addf %get3A_62, %broadcast_in_dim3A_70 : vector<1x64xf32>
    %swap3A_72 = arith.constant 0 : index
    %swap3A_73 = arith.constant 0 : index
    %swap3A_74 = vector.load %arg16[%swap3A_72, %swap3A_73] : memref<1x64xf32, #tpu.memory_space<vmem>>, vector<1x64xf32>
    tpu.vector_store %arg16[%swap3A_72, %swap3A_73], %add3A_71 {strides = array<i32>} : memref<1x64xf32, #tpu.memory_space<vmem>>, vector<1x64xf32>,
    %eq3A_75 = arith.constant 124 : i32
    %eq3A_76 = arith.cmpi eq, %arg0, %eq3A_75 : i32
    %convert_element_type3A_77 = arith.extui %eq3A_76 : i1 to i32
    %cond3A_78 = arith.constant 0 : i32
    %cond3A_79 = arith.cmpi ne, %convert_element_type3A_77, %cond3A_78 : i32
    scf.if %cond3A_79 {
      %get3A_80 = arith.constant 0 : index
      %get3A_81 = arith.constant 0 : index
      %get3A_82 = vector.load %arg17[%get3A_80, %get3A_81] : memref<1x1xf32, #tpu.memory_space<vmem>>, vector<1x1xf32>
      %get3A_83 = vector.extract %get3A_82[0, 0] : f32 from vector<1x1xf32>
      %get3A_84 = arith.constant 0 : index
      %get3A_85 = arith.constant 0 : index
      %get3A_86 = vector.load %arg15[%get3A_84, %get3A_85] : memref<1x64xf32, #tpu.memory_space<vmem>>, vector<1x64xf32>
      %get3A_87 = arith.constant 0 : index
      %get3A_88 = arith.constant 0 : index
      %get3A_89 = vector.load %arg16[%get3A_87, %get3A_88] : memref<1x64xf32, #tpu.memory_space<vmem>>, vector<1x64xf32>
      %mul3A_90 = vector.broadcast %get3A_83 : f32 to vector<1x64xf32>
      %mul3A_91 = arith.mulf %mul3A_90, %get3A_89 : vector<1x64xf32>
      %add3A_92 = arith.addf %get3A_86, %mul3A_91 : vector<1x64xf32>
      %mul3A_93 = vector.broadcast %get3A_83 : f32 to vector<1x64xf32>
      %mul3A_94 = arith.mulf %mul3A_93, %add3A_92 : vector<1x64xf32>
      %broadcast_in_dim3A_95 = vector.shape_cast %mul3A_94 : vector<1x64xf32> to vector<1x64xf32>
      %broadcast_in_dim3A_96 = vector.broadcast %broadcast_in_dim3A_95 : vector<1x64xf32> to vector<8x64xf32>
      %get3A_97 = arith.constant 0 : index
      %get3A_98 = arith.constant 0 : index
      %get3A_99 = vector.load %arg8[%get3A_97, %get3A_98] : memref<64x64xf32, #tpu.memory_space<vmem>>, vector<64x64xf32>
      %dot_general3A = arith.constant dense<0.000000e+00> : vector<8x64xf32>
      %dot_general3A_100 = tpu.matmul %broadcast_in_dim3A_96, %get3A_99, %dot_general3A {dimension_numbers = #tpu.dot_dimension_numbers<[1], [0], [0], [1], [0, 0, 1, 1], [], []>, transpose_lhs_hint = false} : vector<8x64xf32>, vector<64x64xf32>, vector<8x64xf32> -> vector<8x64xf32>
      %get3A_101 = arith.constant 0 : index
      %get3A_102 = arith.constant 0 : index
      %get3A_103 = vector.load %arg9[%get3A_101, %get3A_102] : memref<1x64xf32, #tpu.memory_space<vmem>>, vector<1x64xf32>
      %add3A_104 = vector.broadcast %get3A_103 : vector<1x64xf32> to vector<8x64xf32>
      %add3A_105 = arith.addf %dot_general3A_100, %add3A_104 : vector<8x64xf32>
      %max3A_106 = arith.constant 0.000000e+00 : f32
      %max3A_107 = vector.broadcast %max3A_106 : f32 to vector<8x64xf32>
      %max3A_108 = arith.maximumf %add3A_105, %max3A_107 : vector<8x64xf32>
      %get3A_109 = arith.constant 0 : index
      %get3A_110 = arith.constant 0 : index
      %get3A_111 = vector.load %arg10[%get3A_109, %get3A_110] : memref<64x64xf32, #tpu.memory_space<vmem>>, vector<64x64xf32>
      %dot_general3A_112 = arith.constant dense<0.000000e+00> : vector<8x64xf32>
      %dot_general3A_113 = tpu.matmul %max3A_108, %get3A_111, %dot_general3A_112 {dimension_numbers = #tpu.dot_dimension_numbers<[1], [0], [0], [1], [0, 0, 1, 1], [], []>, transpose_lhs_hint = false} : vector<8x64xf32>, vector<64x64xf32>, vector<8x64xf32> -> vector<8x64xf32>
      %get3A_114 = arith.constant 0 : index
      %get3A_115 = arith.constant 0 : index
      %get3A_116 = vector.load %arg11[%get3A_114, %get3A_115] : memref<1x64xf32, #tpu.memory_space<vmem>>, vector<1x64xf32>
      %add3A_117 = vector.broadcast %get3A_116 : vector<1x64xf32> to vector<8x64xf32>
      %add3A_118 = arith.addf %dot_general3A_113, %add3A_117 : vector<8x64xf32>
      %max3A_119 = arith.constant 0.000000e+00 : f32
      %max3A_120 = vector.broadcast %max3A_119 : f32 to vector<8x64xf32>
      %max3A_121 = arith.maximumf %add3A_118, %max3A_120 : vector<8x64xf32>
      %get3A_122 = arith.constant 0 : index
      %get3A_123 = arith.constant 0 : index
      %get3A_124 = vector.load %arg12[%get3A_122, %get3A_123] : memref<64x128xf32, #tpu.memory_space<vmem>>, vector<64x128xf32>
      %dot_general3A_125 = arith.constant dense<0.000000e+00> : vector<8x128xf32>
      %dot_general3A_126 = tpu.matmul %max3A_121, %get3A_124, %dot_general3A_125 {dimension_numbers = #tpu.dot_dimension_numbers<[1], [0], [0], [1], [0, 0, 1, 1], [], []>, transpose_lhs_hint = false} : vector<8x64xf32>, vector<64x128xf32>, vector<8x128xf32> -> vector<8x128xf32>
      %get3A_127 = arith.constant 0 : index
      %get3A_128 = arith.constant 0 : index
      %get3A_129 = vector.load %arg13[%get3A_127, %get3A_128] : memref<1x128xf32, #tpu.memory_space<vmem>>, vector<1x128xf32>
      %add3A_130 = vector.broadcast %get3A_129 : vector<1x128xf32> to vector<8x128xf32>
      %add3A_131 = arith.addf %dot_general3A_126, %add3A_130 : vector<8x128xf32>
      %swap3A_132 = arith.constant 0 : index
      %swap3A_133 = arith.constant 0 : index
      %swap3A_134 = vector.load %arg14[%swap3A_132, %swap3A_133] : memref<8x128xf32, #tpu.memory_space<vmem>>, vector<8x128xf32>
      tpu.vector_store %arg14[%swap3A_132, %swap3A_133], %add3A_131 {strides = array<i32>} : memref<8x128xf32, #tpu.memory_space<vmem>>, vector<8x128xf32>,
    } else {
    }
    return
  }
  func.func @transform_0(%arg0: i32) -> i32 {
    %c0_i32 = arith.constant 0 : i32
    %c0_i32_0 = arith.constant 0 : i32
    return %c0_i32 : i32
  }
  func.func @transform_1(%arg0: i32) -> (i32, i32, i32) {
    %c0_i32 = arith.constant 0 : i32
    %c0_i32_0 = arith.constant 0 : i32
    %c0_i32_1 = arith.constant 0 : i32
    return %c0_i32, %arg0, %c0_i32_0 : i32, i32, i32
  }
  func.func @transform_2(%arg0: i32) -> (i32, i32) {
    %c0_i32 = arith.constant 0 : i32
    %c0_i32_0 = arith.constant 0 : i32
    return %arg0, %c0_i32 : i32, i32
  }
  func.func @transform_3(%arg0: i32) -> (i32, i32) {
    %c0_i32 = arith.constant 0 : i32
    %c0_i32_0 = arith.constant 0 : i32
    return %arg0, %c0_i32 : i32, i32
  }
  func.func @transform_4(%arg0: i32) -> (i32, i32) {
    %c0_i32 = arith.constant 0 : i32
    %c0_i32_0 = arith.constant 0 : i32
    return %arg0, %c0_i32 : i32, i32
  }
  func.func @transform_5(%arg0: i32) -> (i32, i32) {
    %c0_i32 = arith.constant 0 : i32
    %c0_i32_0 = arith.constant 0 : i32
    return %arg0, %c0_i32 : i32, i32
  }
  func.func @transform_6(%arg0: i32) -> (i32, i32) {
    %c0_i32 = arith.constant 0 : i32
    %c0_i32_0 = arith.constant 0 : i32
    %c0_i32_1 = arith.constant 0 : i32
    return %c0_i32, %c0_i32_0 : i32, i32
  }
  func.func @transform_7(%arg0: i32) -> (i32, i32) {
    %c0_i32 = arith.constant 0 : i32
    %c0_i32_0 = arith.constant 0 : i32
    %c0_i32_1 = arith.constant 0 : i32
    return %c0_i32, %c0_i32_0 : i32, i32
  }
  func.func @transform_8(%arg0: i32) -> (i32, i32) {
    %c0_i32 = arith.constant 0 : i32
    %c0_i32_0 = arith.constant 0 : i32
    %c0_i32_1 = arith.constant 0 : i32
    return %c0_i32, %c0_i32_0 : i32, i32
  }
  func.func @transform_9(%arg0: i32) -> (i32, i32) {
    %c0_i32 = arith.constant 0 : i32
    %c0_i32_0 = arith.constant 0 : i32
    %c0_i32_1 = arith.constant 0 : i32
    return %c0_i32, %c0_i32_0 : i32, i32
  }
  func.func @transform_10(%arg0: i32) -> (i32, i32) {
    %c0_i32 = arith.constant 0 : i32
    %c0_i32_0 = arith.constant 0 : i32
    %c0_i32_1 = arith.constant 0 : i32
    return %c0_i32, %c0_i32_0 : i32, i32
  }
  func.func @transform_11(%arg0: i32) -> (i32, i32) {
    %c0_i32 = arith.constant 0 : i32
    %c0_i32_0 = arith.constant 0 : i32
    %c0_i32_1 = arith.constant 0 : i32
    return %c0_i32, %c0_i32_0 : i32, i32
  }
  func.func @transform_12(%arg0: i32) -> (i32, i32) {
    %c0_i32 = arith.constant 0 : i32
    %c0_i32_0 = arith.constant 0 : i32
    %c0_i32_1 = arith.constant 0 : i32
    return %c0_i32, %c0_i32_0 : i32, i32
  }
  func.func @transform_13(%arg0: i32) -> (i32, i32) {
    %c0_i32 = arith.constant 0 : i32
    %c0_i32_0 = arith.constant 0 : i32
    %c0_i32_1 = arith.constant 0 : i32
    return %c0_i32, %c0_i32_0 : i32, i32
  }
}

</mosaic_0001>

<sc_bundles>
// kernel: kernel.11.cloned.1.call-start
scs
__scs_entry_jumppad:
0x0: {  	(pc) =	sbr.rel $0x88, $3  }
0x1: {  	(tag) =	ssettag $0x0;
	lr =	simm.s32 $0x1  }
0x2: {  	[smem:$0x3F8E] =	sst lr;
	_ =	strace $0xD0000000  }
0x3: {  	_ = 	snop  }
0x4: {  	_ = 	snop  }
0x5: {  	_ = 	snop  }
0x6: {  	_ = 	snop  }
0x7: {  	_ = 	snop  }
__scs_overlays_trampoline_lowered:
0x8: {  	[smem:$0x3F9D] =	sst s0  }
0x9: {  	[smem:$0x3F9E] =	sst s1  }
0xa: {  	[smem:$0x3F9F] =	sst s2  }
0xb: {  	[smem:$0x3FA0] =	sst s3  }
0xc: {  	[smem:$0x3FA1] =	sst s4  }
0xd: {  	[smem:$0x3FA2] =	sst s5  }
0xe: {  	[smem:$0x3FA3] =	sst s6  }
0xf: {  	[smem:$0x3FA4] =	sst s7  }
0x10: {  	[smem:$0x3FA5] =	sst s8  }
0x11: {  	[smem:$0x3FA6] =	sst s9;
	s0 =	simm.s32 @!p0 $0x0  }
0x12: {  	s1 =	sld [smem:$0x3F8C];
	s0 =	simm.s32 @p0 $0x1  }
0x13: {  	[smem:$0x3FA7] =	sst s0;
	s0 =	simm.s32 @!p1 $0x0  }
0x14: {  	s2 =	sld [smem:$0x3F8B];
	s0 =	simm.s32 @p1 $0x1  }
0x15: {  	[smem:$0x3FA8] =	sst s0;
	s0 =	simm.s32 @!p2 $0x0  }
0x16: {  	s3 =	sld [smem:$0x3FDB];
	s0 =	simm.s32 @p2 $0x1  }
0x17: {  	s4 =	simm.s32 $0x1BF5;
	[smem:$0x3FAA] =	sst s0  }
0x18: {  	s0 =	sld [smem:$0x3F8D];
	_ =	swait.ge [sflag:s4], $0x0  }
0x19: {  	s7 =	sld [smem:$0x3F8E]  }
0x1a: {  	s8 =	sadd.s32 $0xFFFFE003, lr  }
0x1b: {  	s9 =	sadd.s32 $0xFFFFFEF7, lr;
	s5 =	simm.s32 $0xFFFFFFFF;
	p2 =	slt.u32 s8, $0xFFFFF086  }
0x1c: {  	p1 =	slt.u32 s9, $0xF7A;
	s5 =	simm.s32 @!p2 $0x0  }
0x1d: {  	s5 =	simm.s32 @p1 $0x1;
	p0 =	seq.s32 s7, s2  }
0x1e: {  	s7 =	smul.u32 @!p0 $0xF7A, s2;
	p2 =	seq.s32 @!p0 s5, $0x0  }
0x1f: {  	s9 =	smul.u32 $0xF7A, s1;
	s8 =	simm.s32 @!p0 $0x1BF5;
	p2 =	por !p2, p0  }
0x20: {  	[sflag:s8] =	ssyncset.s32 @!p0 $0xFFFFF086;
	s6 =	sadd.s32 @!p0 s3, s7;
	s7 =	simm.s32 @!p0 $0x108  }
0x21: {  	s3 =	sadd.s32 s3, s9;
	s6 =	sadd.s32 @!p0 $0x88, s6;
	s7 =	simm.s32 @p2 $0x1082  }
0x22: {  	[simem:s7], [sflag:s8] =	dma.local @!p0 [hbm:s6], $0xF7A  }
0x23: {  	s9 =	sor.u32 $0xD0000000, s2;
	s6 =	simm.s32 $0x108;
	_ =	swait.ge @!p0 [sflag:s8], $0x0  }
0x24: {  	s3 =	sadd.s32 $0x88, s3;
	s6 =	simm.s32 @!p1 $0x1082;
	[sflag:s4] =	ssyncset.s32 $0xFFFFF086  }
0x25: {  	[simem:s6], [sflag:s4] =	dma.local [hbm:s3], $0xF7A  }
0x26: {  	[smem:$0x3F8E] =	sst s1;
	(tag) =	ssettag s2;
	_ =	strace s9  }
0x27: {  	s1 =	sld [smem:$0x3F9E]  }
0x28: {  	s2 =	sld [smem:$0x3F9F]  }
0x29: {  	s4 =	sld [smem:$0x3FA1]  }
0x2a: {  	p0 =	seq.s32 s5, $0x0;
	s5 =	sld [smem:$0x3FA2]  }
0x2b: {  	s6 =	sld [smem:$0x3FA3]  }
0x2c: {  	s7 =	sld [smem:$0x3FA4]  }
0x2d: {  	s3 =	simm.s32 $0x108;
	s8 =	sld [smem:$0x3FA5]  }
0x2e: {  	s3 =	simm.s32 @!p0 $0x1082;
	s9 =	sld [smem:$0x3FA6]  }
0x2f: {  	lr =	sadd.s32 s0, s3;
	s0 =	sld [smem:$0x3F9D]  }
0x30: {  	s3 =	sld [smem:$0x3FA0]  }
0x31: {  	[smem:$0x3FA9] =	sst s10  }
0x32: {  	s10 =	sld [smem:$0x3FA7];
	_ =	sdelay $0x3  }
0x33: {  	p0 =	seq.s32 s10, $0x1;
	s10 =	sld [smem:$0x3FA9];
	_ =	sdelay $0x3  }
0x34: {  	[smem:$0x3FA9] =	sst s10  }
0x35: {  	s10 =	sld [smem:$0x3FA8];
	_ =	sdelay $0x3  }
0x36: {  	p1 =	seq.s32 s10, $0x1;
	s10 =	sld [smem:$0x3FA9];
	_ =	sdelay $0x3  }
0x37: {  	[smem:$0x3FA9] =	sst s10  }
0x38: {  	s10 =	sld [smem:$0x3FAA]  }
0x39: {  	_ = 	snop;
	(pc) =	sbr.ind lr, $3  }
0x3a: {  	_ = 	snop  }
0x3b: {  	_ = 	snop  }
0x3c: {  	p2 =	seq.s32 s10, $0x1;
	s10 =	sld [smem:$0x3FA9]  }
0x3d: {  	_ =	shalt  }
0x3e: {  	_ =	shalt  }
0x3f: {  	_ =	shalt  }
0x40: {  	_ =	shalt  }
0x41: {  	_ =	shalt  }
0x42: {  	_ =	shalt  }
0x43: {  	_ =	shalt  }
0x44: {  	_ =	shalt  }
0x45: {  	_ =	shalt  }
0x46: {  	_ =	shalt  }
0x47: {  	_ =	shalt  }
0x48: {  	_ =	shalt  }
0x49: {  	_ =	shalt  }
0x4a: {  	_ =	shalt  }
0x4b: {  	_ =	shalt  }
0x4c: {  	_ =	shalt  }
0x4d: {  	_ =	shalt  }
0x4e: {  	_ =	shalt  }
0x4f: {  	_ =	shalt  }
0x50: {  	_ =	shalt  }
0x51: {  	_ =	shalt  }
0x52: {  	_ =	shalt  }
0x53: {  	_ =	shalt  }
0x54: {  	_ =	shalt  }
0x55: {  	_ =	shalt  }
0x56: {  	_ =	shalt  }
0x57: {  	_ =	shalt  }
0x58: {  	_ =	shalt  }
0x59: {  	_ =	shalt  }
0x5a: {  	_ =	shalt  }
0x5b: {  	_ =	shalt  }
0x5c: {  	_ =	shalt  }
0x5d: {  	_ =	shalt  }
0x5e: {  	_ =	shalt  }
0x5f: {  	_ =	shalt  }
0x60: {  	_ =	shalt  }
0x61: {  	_ =	shalt  }
0x62: {  	_ =	shalt  }
0x63: {  	_ =	shalt  }
0x64: {  	_ =	shalt  }
0x65: {  	_ =	shalt  }
0x66: {  	_ =	shalt  }
0x67: {  	_ =	shalt  }
0x68: {  	_ =	shalt  }
0x69: {  	_ =	shalt  }
0x6a: {  	_ =	shalt  }
0x6b: {  	_ =	shalt  }
0x6c: {  	_ =	shalt  }
0x6d: {  	_ =	shalt  }
0x6e: {  	_ =	shalt  }
0x6f: {  	_ =	shalt  }
0x70: {  	_ =	shalt  }
0x71: {  	_ =	shalt  }
0x72: {  	_ =	shalt  }
0x73: {  	_ =	shalt  }
0x74: {  	_ =	shalt  }
0x75: {  	_ =	shalt  }
0x76: {  	_ =	shalt  }
0x77: {  	_ =	shalt  }
0x78: {  	_ =	shalt  }
0x79: {  	_ =	shalt  }
0x7a: {  	_ =	shalt  }
0x7b: {  	_ =	shalt  }
0x7c: {  	_ =	shalt  }
0x7d: {  	_ =	shalt  }
0x7e: {  	_ =	shalt  }
0x7f: {  	_ =	shalt  }
0x80: {  	_ =	shalt  }
0x81: {  	_ =	shalt  }
0x82: {  	_ =	shalt  }
0x83: {  	_ =	shalt  }
0x84: {  	_ =	shalt  }
0x85: {  	_ =	shalt  }
0x86: {  	_ =	shalt  }
0x87: {  	_ =	shalt  }
.Lfunc_end0:
.L_simem_size_0:
called_computation.1_lowered:
.L_overlay_start_0:
0x88: {  	s2 =	sld [smem:$0x3FD9]  }
0x89: {  	s3 =	sld [smem:$0x3FFE];
	_ =	sdelay $0x1  }
0x8a: {  	s1 =	srdreg.scid  }
0x8b: {  	s0 =	sand.u32 $0x1, s1  }
0x8c: {  	s16 =	sshll.u32 s0, $0xA;
	s2 =	sadd.s32 s3, s2  }
0x8d: {  	s2 =	sadd.s32 s2, s16  }
0x8e: {  	[smem:$0x3FB5] =	sst s2  }
0x8f: {  	_ = 	snop  }
0x90: {  	(tm) =	ssettm $0x1  }
0x91: {  	s17 =	sld [smem:$0x3FFB];
	_ =	sdelay $0x3  }
0x92: {  	_ =	strace s17  }
0x93: {  	s2 =	sld [smem:$0x3FFC];
	_ =	sdelay $0x3  }
0x94: {  	_ =	strace s2  }
0x95: {  	s2 =	sld [smem:$0x3FFD];
	_ =	sdelay $0x3  }
0x96: {  	_ =	strace s2  }
0x97: {  	_ =	strace $0x8FFFFFFF  }
0x98: {  	s18 =	sld [smem:$0x3FDB];
	_ =	sdelay $0x1  }
0x99: {  	s19 =	simm.s32 $_scs_section_size  }
0x9a: {  	s4 =	simm.s32 $_size__tile_overlayer_lowered;
	s5 =	simm.s32 $_tile_overlayer_lowered  }
0x9b: {  	s22 =	simm.s32 $0x1BFF;
	s21 =	sshll.u32 s5, $0x1;
	s2 =	sadd.s32 s19, s18  }
0x9c: {  	s6 =	simm.s32 $0x0;
	s20 =	sshll.u32 s4, $0x1;
	s4 =	sadd.s32 s21, s2  }
0x9d: {  	[timem:s6], [sflag:s22] =	dma.local [hbm:s4], s20  }
0x9e: {  	_ =	swait.ge [sflag:s22], s20  }
0x9f: {  	s3 =	ssub.s32 $0x0, s20;
	[sflag:s22] =	ssyncset.done $0x0  }
0xa0: {  	[sflag:s22] =	ssyncadd.s32 s3;
	_ =	sdelay $0x1  }
0xa1: {  	s23 =	simm.s32 $0x1B8B  }
0xa2: {  	_ =	swait.ge [sflag:s23], $0x1  }
0xa3: {  	[sflag:s23] =	ssyncset.done $0x0  }
0xa4: {  	s25 =	simm.s32 $0x1B8E;
	s24 =	sld [smem:$0x3FFE];
	[sflag:s23] =	ssyncadd.s32 $0xFFFFFFFF  }
0xa5: {  	s26 =	simm.s32 $execute0_lowered;
	[smem:$0x3FD2] =	sst s25  }
0xa6: {  	s4 =	sshll.u32 s26, $0x1;
	_ =	strace $0x80000049;
	[dreg:$0x1] =	wrdreg $0xFFFFFFFF  }
0xa7: {  	s28 =	simm.s32 $_size_execute0_lowered;
	s2 =	sadd.s32 s2, s4;
	[dreg:$0x0] =	wrdreg $0x0  }
0xa8: {  	s4 =	sshll.u32 s28, $0x1;
	[dreg:$0x2] =	wrdreg s2  }
0xa9: {  	[dreg:$0x3] =	wrdreg s4  }
0xaa: {  	[dreg:$0x4] =	wrdreg $0xC0  }
0xab: {  	_ =	task [dreg:s6], $0x5FFFF  }
0xac: {  	[dreg:$0x1] =	wrdreg $0xFFFFFFFF  }
0xad: {  	[dreg:$0x0] =	wrdreg $0x60  }
0xae: {  	[dreg:$0x2] =	wrdreg s24  }
0xaf: {  	[dreg:$0x3] =	wrdreg $0x48000  }
0xb0: {  	[dreg:$0x4] =	wrdreg $0x9  }
0xb1: {  	_ =	task.clear_ibuf [dreg:s6], $0x5FFFF;
	_ =	strace $0x90000049  }
0xb2: {  	s29 =	simm.s32 $0x9;
	_ =	strace $0x8000004B  }
0xb3: {  	_ =	swait.ge [sflag:s29], $0x1  }
0xb4: {  	[sflag:s29] =	ssyncadd.s32 $0xFFFFFFFF  }
0xb5: {  	_ =	strace $0x9000004B  }
0xb6: {  	_ =	sfence  }
0xb7: {  	s30 =	sld [smem:$0x0];
	_ =	sdelay $0x2  }
0xb8: {  	s31 =	sshll.u32 s1, $0xD;
	s1 =	sshrl.u32 s1, $0x2  }
0xb9: {  	s3 =	sand.u32 $0x4000, s31;
	s1 =	sadd.s32 s1, s30  }
0xba: {  	s0 =	sor.u32 s3, s0;
	s1 =	sshll.u32 s1, $0x11  }
0xbb: {  	s0 =	sor.u32 s1, s0  }
0xbc: {  	s0 =	sadd.s32 $0x8F2B, s0  }
0xbd: {  	[sflag:s0] =	ssyncadd.remote.s32 $0x1  }
0xbe: {  	_ =	sfence.sel $0xFFFF  }
0xbf: {  	[dreg:$0x0] =	wrdreg $0xFFFFFFFF;
	(pc) =	sbr.abs _section_cstart, $3  }
0xc0: {  	[dreg:$0x1] =	wrdreg $0xFFFFFFFF  }
0xc1: {  	_ =	task.clear_ibuf [dreg:s6], $0x2FFFF;
	_ =	strace $0x9FFFFFFF  }
0xc2: {  	(tm) =	ssettm $0x7FFFFFFF  }
0xc3: {  	_ =	shalt  }
tec
execute0_lowered:
.L_overlay_start_1:
0x0: {  	(tag) =	ssettag $0x1  }
0x1: {  	s0 =	rddreg [dreg:$0x0]  }
0x2: {  	s2 =	rddreg [dreg:$0x1]  }
0x3: {  	s4 =	stileid.u32;
	s7 =	srdreg.scid  }
0x4: {  	s3 =	simm.s32 $0x0;
	s6 =	smul.u32 $0x18700, s4;
	s7 =	sand.u32 $0x1, s7  }
0x5: {  	[smem:$0x7FF] =	sst s3;
	s8 =	smul.u32 $0x61C00, s4;
	s10 =	ssub.s32 $0x2, s7  }
0x6: {  	s9 =	sshrl.u32 s6, $0x3;
	s12 =	sshrl.u32 s10, $0x1;
	s6 =	sadd.s32 s6, s2  }
0x7: {  	s8 =	sshrl.u32 s8, $0x2;
	s14 =	ssub.s32 s10, s12;
	s12 =	sshrl.u32 s6, $0x3  }
0x8: {  	_ =	strace $0x8000004A;
	s13 =	sadd.s32 s8, s2;
	[dreg:$0x14] =	wrdreg s12  }
0x9: {  	s11 =	sadd.s32 s9, s0;
	s15 =	sadd.s32 $0x18000, s13;
	[dreg:$0x3] =	wrdreg s13  }
0xa: {  	s16 =	sadd.s32 $0x96600, s11;
	[dreg:$0x4] =	wrdreg s15  }
0xb: {  	s8 =	smax.u32 s14, $0x1;
	[dreg:$0x5] =	wrdreg s16  }
0xc: {  	s17 =	sadd.s32 $0x1000, s13;
	[dreg:$0x6] =	wrdreg s8  }
0xd: {  	s18 =	sadd.s32 $0x2000, s13;
	[dreg:$0x7] =	wrdreg s17  }
0xe: {  	s19 =	sadd.s32 $0x3000, s13;
	[dreg:$0x8] =	wrdreg s18  }
0xf: {  	s20 =	sadd.s32 $0x4000, s13;
	[dreg:$0x9] =	wrdreg s19  }
0x10: {  	s28 =	simm.s32 $0x200;
	s21 =	sadd.s32 $0x5000, s13;
	[dreg:$0xa] =	wrdreg s20  }
0x11: {  	s29 =	simm.s32 $0x280;
	s22 =	sadd.s32 $0x6000, s13;
	[dreg:$0xb] =	wrdreg s21  }
0x12: {  	s30 =	simm.s32 $0x300;
	s23 =	sadd.s32 $0x7000, s13;
	[dreg:$0xc] =	wrdreg s22  }
0x13: {  	s1 =	smul.u32 $0x1880, s4;
	s24 =	sadd.s32 $0x8000, s13;
	[dreg:$0xd] =	wrdreg s23  }
0x14: {  	s4 =	sadd.s32 $0x65800, s0;
	s25 =	sadd.s32 $0x9000, s13;
	[dreg:$0xe] =	wrdreg s24  }
0x15: {  	s5 =	sadd.s32 $0x34A00, s0;
	s26 =	sadd.s32 $0xA000, s13;
	[dreg:$0xf] =	wrdreg s25  }
0x16: {  	s1 =	sadd.s32 s1, s0;
	s10 =	sadd.s32 $0xB000, s13;
	[dreg:$0x10] =	wrdreg s26  }
0x17: {  	s0 =	sadd.s32 $0xC7400, s0;
	s11 =	sadd.s32 $0xC000, s13;
	[dreg:$0x11] =	wrdreg s10  }
0x18: {  	s31 =	simm.s32 $0x380;
	s0 =	sadd.s32 s9, s0;
	[dreg:$0x12] =	wrdreg s11  }
0x19: {  	p0 =	sne.s32 s7, $0x0;
	s14 =	sadd.s32 $0xD000, s13;
	[dreg:$0x13] =	wrdreg s0  }
0x1a: {  	s12 =	simm.s32 $0x400;
	[dreg:$0x15] =	wrdreg s14;
	s15 =	sadd.s32 $0xE000, s13  }
0x1b: {  	s23 =	sadd.s32 $0x1C200, s1;
	s16 =	sadd.s32 $0xF000, s13;
	[dreg:$0x16] =	wrdreg s15  }
0x1c: {  	s24 =	sadd.s32 $0x3A00, s1;
	s17 =	sadd.s32 $0x10000, s13;
	[dreg:$0x17] =	wrdreg s16  }
0x1d: {  	s18 =	sadd.s32 $0x11000, s13;
	s19 =	sadd.s32 $0x12000, s13;
	[dreg:$0x18] =	wrdreg s17  }
0x1e: {  	s20 =	sadd.s32 $0x13000, s13;
	s21 =	sadd.s32 $0x14000, s13;
	[dreg:$0x19] =	wrdreg s18  }
0x1f: {  	s22 =	sadd.s32 $0x15000, s13;
	s25 =	sadd.s32 $0x16000, s13;
	[dreg:$0x1a] =	wrdreg s19  }
0x20: {  	s26 =	sadd.s32 $0x17000, s13;
	s10 =	simm.s32 $0x800;
	[dreg:$0x1b] =	wrdreg s20  }
0x21: {  	s11 =	simm.s32 $0x3;
	s13 =	simm.s32 $0x80;
	[dreg:$0x1c] =	wrdreg s21  }
0x22: {  	s14 =	simm.s32 $0x1800;
	s0 =	simm.s32 $0x600;
	[dreg:$0x1d] =	wrdreg s22  }
.Ltmp0:
0x23: {  	s8 =	simm.s32 $0x680;
	[dreg:$0x1e] =	wrdreg s25;
	(pc) =	sbr.rel .LBB2_1-.Ltmp0, $4  }
0x24: {  	s1 =	simm.s32 $0x780;
	[dreg:$0x1f] =	wrdreg s26;
	s17 =	simm.s32 $0x100  }
0x25: {  	s16 =	simm.s32 $0x2800;
	s18 =	simm.s32 $0x3800;
	s19 =	simm.s32 $0x1  }
0x26: {  	s20 =	simm.s32 $0x480;
	s21 =	simm.s32 $0x500;
	s25 =	simm.s32 $0x580  }
0x27: {  	v0 =	vimm.f32 $0.0e+00;
	s26 =	simm.s32 $0x2;
	s22 =	simm.s32 $0x700;
	s15 =	simm.s32 $0x0  }
.LBB2_15:
0x28: {  	s6 =	sadd.s32 s9, s24;
	[sflag:s26] =	ssyncadd.s32 $0xFFFFF000  }
0x29: {  	[tilespmem:s3], [sflag:$0x3] =	stream.linear.gather [hbm4b:s6+s3], $0x400, $0x38;
	[tilespmem:$0x1CF00] =	vst v63  }
0x2a: {  	_ =	swait.ge [sflag:s11], $0x400  }
0x2b: {  	[sflag:s11] =	ssyncset.done $0x0  }
0x2c: {  	s9 =	sadd.s32 s9, s23;
	[sflag:s11] =	ssyncadd.s32 $0xFFFFFC00  }
0x2d: {  	[tilespmem:s12], [sflag:$0x3] =	stream.linear.gather [hbm4b:s9+s3], $0x400, $0x38;
	[tilespmem:$0x1CF00] =	vst v63  }
0x2e: {  	_ =	swait.ge [sflag:s11], $0x400  }
0x2f: {  	[sflag:s11] =	ssyncset.done $0x0  }
0x30: {  	[sflag:s11] =	ssyncadd.s32 $0xFFFFFC00  }
0x31: {  	[tilespmem:s10], [sflag:$0x1] =	stream.indirect.gather [hbm4b:s5+s13], $0x20, s3, s13, $0xb8;
	[tilespmem:$0x1CF00] =	vst v63  }
0x32: {  	_ = 	snop  }
0x33: {  	[tilespmem:s14], [sflag:$0x1] =	stream.indirect.gather [hbm4b:s5+s13], $0x20, s13, s13, $0xb8;
	[tilespmem:$0x1CF00] =	vst v63  }
0x34: {  	_ = 	snop  }
0x35: {  	[tilespmem:s16], [sflag:$0x1] =	stream.indirect.gather [hbm4b:s5+s13], $0x20, s17, s13, $0xb8;
	[tilespmem:$0x1CF00] =	vst v63  }
0x36: {  	_ = 	snop  }
0x37: {  	[tilespmem:s18], [sflag:$0x1] =	stream.indirect.gather [hbm4b:s5+s13], $0x20, s15, s13, $0xb8;
	[tilespmem:$0x1CF00] =	vst v63  }
0x38: {  	_ =	swait.ge [sflag:s19], $0x1000  }
0x39: {  	[sflag:s19] =	ssyncset.done $0x0  }
0x3a: {  	[sflag:s19] =	ssyncadd.s32 $0xFFFFF000  }
0x3b: {  	_ =	swait.ge [sflag:s19], $0x1000  }
0x3c: {  	[sflag:s19] =	ssyncset.done $0x0  }
0x3d: {  	[sflag:s19] =	ssyncadd.s32 $0xFFFFF000  }
0x3e: {  	_ =	swait.ge [sflag:s19], $0x1000  }
0x3f: {  	[sflag:s19] =	ssyncset.done $0x0  }
0x40: {  	[sflag:s19] =	ssyncadd.s32 $0xFFFFF000  }
0x41: {  	_ =	swait.ge [sflag:s19], $0x1000  }
0x42: {  	[sflag:s19] =	ssyncset.done $0x0  }
0x43: {  	[sflag:s19] =	ssyncadd.s32 $0xFFFFF000  }
0x44: {  	[spmem:s2] =	stream.indirect.scatter.add.f32 [tilespmem:s10], [sflag:$0x2], $0x20, s12, s13, $0xb8;
	[tilespmem:$0x1CF00] =	vst v63  }
0x45: {  	_ = 	snop  }
0x46: {  	[spmem:s2] =	stream.indirect.scatter.add.f32 [tilespmem:s14], [sflag:$0x2], $0x20, s20, s13, $0xb8;
	[tilespmem:$0x1CF00] =	vst v63  }
0x47: {  	_ = 	snop  }
0x48: {  	[spmem:s2] =	stream.indirect.scatter.add.f32 [tilespmem:s16], [sflag:$0x2], $0x20, s21, s13, $0xb8;
	[tilespmem:$0x1CF00] =	vst v63  }
0x49: {  	_ = 	snop  }
0x4a: {  	[spmem:s2] =	stream.indirect.scatter.add.f32 [tilespmem:s18], [sflag:$0x2], $0x20, s25, s13, $0xb8;
	[tilespmem:$0x1CF00] =	vst v63  }
0x4b: {  	_ =	swait.ge [sflag:s26], $0x1000  }
0x4c: {  	[sflag:s26] =	ssyncset.done $0x0  }
0x4d: {  	[sflag:s26] =	ssyncadd.s32 $0xFFFFF000  }
0x4e: {  	_ =	swait.ge [sflag:s26], $0x1000  }
0x4f: {  	[sflag:s26] =	ssyncset.done $0x0  }
0x50: {  	[sflag:s26] =	ssyncadd.s32 $0xFFFFF000  }
0x51: {  	_ =	swait.ge [sflag:s26], $0x1000  }
0x52: {  	[sflag:s26] =	ssyncset.done $0x0  }
0x53: {  	[sflag:s26] =	ssyncadd.s32 $0xFFFFF000  }
0x54: {  	_ =	swait.ge [sflag:s26], $0x1000  }
0x55: {  	[sflag:s26] =	ssyncset.done $0x0  }
0x56: {  	[sflag:s26] =	ssyncadd.s32 $0xFFFFF000  }
0x57: {  	[tilespmem:s10], [sflag:$0x1] =	stream.indirect.gather [hbm4b:s5+s13], $0x20, s28, s13, $0xb8;
	[tilespmem:$0x1CF00] =	vst v63  }
0x58: {  	_ = 	snop  }
0x59: {  	[tilespmem:s14], [sflag:$0x1] =	stream.indirect.gather [hbm4b:s5+s13], $0x20, s29, s13, $0xb8;
	[tilespmem:$0x1CF00] =	vst v63  }
0x5a: {  	_ = 	snop  }
0x5b: {  	[tilespmem:s16], [sflag:$0x1] =	stream.indirect.gather [hbm4b:s5+s13], $0x20, s30, s13, $0xb8;
	[tilespmem:$0x1CF00] =	vst v63  }
0x5c: {  	_ = 	snop  }
0x5d: {  	[tilespmem:s18], [sflag:$0x1] =	stream.indirect.gather [hbm4b:s5+s13], $0x20, s31, s13, $0xb8;
	[tilespmem:$0x1CF00] =	vst v63  }
0x5e: {  	_ =	swait.ge [sflag:s19], $0x1000  }
0x5f: {  	[sflag:s19] =	ssyncset.done $0x0  }
0x60: {  	[sflag:s19] =	ssyncadd.s32 $0xFFFFF000  }
0x61: {  	_ =	swait.ge [sflag:s19], $0x1000  }
0x62: {  	[sflag:s19] =	ssyncset.done $0x0  }
0x63: {  	[sflag:s19] =	ssyncadd.s32 $0xFFFFF000  }
0x64: {  	_ =	swait.ge [sflag:s19], $0x1000  }
0x65: {  	[sflag:s19] =	ssyncset.done $0x0  }
0x66: {  	[sflag:s19] =	ssyncadd.s32 $0xFFFFF000  }
0x67: {  	_ =	swait.ge [sflag:s19], $0x1000  }
0x68: {  	[sflag:s19] =	ssyncset.done $0x0  }
0x69: {  	[sflag:s19] =	ssyncadd.s32 $0xFFFFF000  }
0x6a: {  	[spmem:s2] =	stream.indirect.scatter.add.f32 [tilespmem:s10], [sflag:$0x2], $0x20, s0, s13, $0xb8;
	[tilespmem:$0x1CF00] =	vst v63  }
0x6b: {  	_ = 	snop  }
0x6c: {  	[spmem:s2] =	stream.indirect.scatter.add.f32 [tilespmem:s14], [sflag:$0x2], $0x20, s8, s13, $0xb8;
	[tilespmem:$0x1CF00] =	vst v63  }
0x6d: {  	_ = 	snop  }
0x6e: {  	[spmem:s2] =	stream.indirect.scatter.add.f32 [tilespmem:s16], [sflag:$0x2], $0x20, s22, s13, $0xb8;
	[tilespmem:$0x1CF00] =	vst v63  }
0x6f: {  	_ = 	snop  }
0x70: {  	[spmem:s2] =	stream.indirect.scatter.add.f32 [tilespmem:s18], [sflag:$0x2], $0x20, s1, s13, $0xb8;
	[tilespmem:$0x1CF00] =	vst v63  }
0x71: {  	_ =	swait.ge [sflag:s26], $0x1000  }
0x72: {  	[sflag:s26] =	ssyncset.done $0x0  }
0x73: {  	[sflag:s26] =	ssyncadd.s32 $0xFFFFF000  }
0x74: {  	_ =	swait.ge [sflag:s26], $0x1000  }
0x75: {  	[sflag:s26] =	ssyncset.done $0x0  }
0x76: {  	[sflag:s26] =	ssyncadd.s32 $0xFFFFF000  }
0x77: {  	_ =	swait.ge [sflag:s26], $0x1000  }
0x78: {  	[sflag:s26] =	ssyncset.done $0x0  }
0x79: {  	[sflag:s26] =	ssyncadd.s32 $0xFFFFF000  }
0x7a: {  	_ =	swait.ge [sflag:s26], $0x1000  }
0x7b: {  	[sflag:s26] =	ssyncset.done $0x0  }
0x7c: {  	[sflag:s26] =	ssyncadd.s32 $0xFFFFF000  }
0x7d: {  	[bflag:$0x0] =	sbarrier.arrive $0xFFFF  }
0x7e: {  	s6 =	rddreg [dreg:$0x13]  }
0x7f: {  	s15 =	sld [smem:$0x7FD]  }
.LBB2_16:
0x80: {  	s7 =	stileid.u32  }
0x81: {  	s7 =	sshll.u32 s7, $0x6  }
0x82: {  	s9 =	rddreg [dreg:$0x14];
	s7 =	sor.u32 $0x1C03, s7  }
0x83: {  	[hbm:s6], [sflag:s7] =	dma.local [spmem:s9], $0x30E0  }
0x84: {  	_ =	swait.ge [sflag:s11], $0x30E0  }
0x85: {  	s15 =	sadd.s32 $0x1, s15;
	s9 =	rddreg [dreg:$0x6]  }
0x86: {  	p1 =	sne.s32 s15, s9  }
.Ltmp1:
0x87: {  	_ = 	snop;
	(pc) =	sbr.rel @!p1 .LBB2_17-.Ltmp1, $3  }
0x88: {  	_ =	sdelay $0x1  }
0x89: {  	[sflag:s11] =	ssyncset.done $0x0  }
0x8a: {  	[sflag:s11] =	ssyncadd.s32 $0xFFFFCF20  }
.LBB2_1:
0x8b: {  	[smem:$0x7FD] =	sst s15;
	s6 =	simm.s32 $0x80;
	s9 =	simm.s32 $0x0  }
.LBB2_2:
0x8c: {  	p1 =	sne.s32 s6, $0x3F80;
	[tilespmem:s9+$0x800] =	vst v0;
	s7 =	smov.u32 s6;
	s6 =	sadd.s32 $0x80, s6  }
.Ltmp2:
0x8d: {  	[tilespmem:s9+$0x810] =	vst v0;
	(pc) =	sbr.rel @p1 .LBB2_2-.Ltmp2, $2  }
0x8e: {  	_ =	sdelay $0x2  }
0x8f: {  	s9 =	sshra.s32 s7, $0x2  }
0x90: {  	[tilespmem:s9+$0x800] =	vst v0  }
0x91: {  	s6 =	simm.s32 $0x0;
	[tilespmem:s9+$0x810] =	vst v0;
	s9 =	simm.s32 $0x80;
	s7 =	simm.s32 $0x0  }
.LBB2_4:
0x92: {  	p1 =	sne.s32 s9, $0x3F80;
	[tilespmem:s7+$0x1800] =	vst v0;
	s15 =	smov.u32 s9;
	s9 =	sadd.s32 $0x80, s9  }
.Ltmp3:
0x93: {  	[tilespmem:s7+$0x1810] =	vst v0;
	(pc) =	sbr.rel @p1 .LBB2_4-.Ltmp3, $2  }
0x94: {  	_ =	sdelay $0x2  }
0x95: {  	s7 =	sshra.s32 s15, $0x2  }
0x96: {  	[tilespmem:s7+$0x1800] =	vst v0  }
0x97: {  	[tilespmem:s7+$0x1810] =	vst v0  }
.LBB2_6:
0x98: {  	p1 =	sne.s32 s6, $0x3F80  }
.Ltmp4:
0x99: {  	_ = 	snop;
	(pc) =	sbr.rel @p1 .LBB2_6-.Ltmp4, $4  }
0x9a: {  	_ = 	snop  }
0x9b: {  	s7 =	sshra.s32 s6, $0x2  }
0x9c: {  	[tilespmem:s7+$0x2800] =	vst v0  }
0x9d: {  	s6 =	sadd.s32 $0x80, s6;
	[tilespmem:s7+$0x2810] =	vst v0  }
0x9e: {  	s6 =	simm.s32 $0x80;
	s7 =	simm.s32 $0x0;
	s15 =	simm.s32 $0x180  }
.LBB2_8:
0x9f: {  	p1 =	sne.s32 s6, $0x3F80;
	[tilespmem:s7+$0x3800] =	vst v0;
	s9 =	smov.u32 s6;
	s6 =	sadd.s32 $0x80, s6  }
.Ltmp5:
0xa0: {  	[tilespmem:s7+$0x3810] =	vst v0;
	(pc) =	sbr.rel @p1 .LBB2_8-.Ltmp5, $2  }
0xa1: {  	_ =	sdelay $0x2  }
0xa2: {  	s7 =	sshra.s32 s9, $0x2  }
0xa3: {  	[tilespmem:s7+$0x3800] =	vst v0  }
0xa4: {  	[tilespmem:s7+$0x3810] =	vst v0;
	s6 =	rddreg [dreg:$0x3]  }
0xa5: {  	[spmem:s6] =	stream.linear.scatter [tilespmem:s10], [sflag:$0x3], $0x1000, $0x38;
	[tilespmem:$0x1CF00] =	vst v63  }
0xa6: {  	_ =	swait.ge [sflag:s11], $0x1000  }
0xa7: {  	[sflag:s11] =	ssyncset.done $0x0  }
0xa8: {  	s7 =	rddreg [dreg:$0x7];
	[sflag:s11] =	ssyncadd.s32 $0xFFFFF000  }
0xa9: {  	[spmem:s7] =	stream.linear.scatter [tilespmem:s10], [sflag:$0x3], $0x1000, $0x38;
	[tilespmem:$0x1CF00] =	vst v63  }
0xaa: {  	_ =	swait.ge [sflag:s11], $0x1000  }
0xab: {  	[sflag:s11] =	ssyncset.done $0x0  }
0xac: {  	s9 =	rddreg [dreg:$0x8];
	[sflag:s11] =	ssyncadd.s32 $0xFFFFF000  }
0xad: {  	[spmem:s9] =	stream.linear.scatter [tilespmem:s10], [sflag:$0x3], $0x1000, $0x38;
	[tilespmem:$0x1CF00] =	vst v63  }
0xae: {  	_ =	swait.ge [sflag:s11], $0x1000  }
0xaf: {  	[sflag:s11] =	ssyncset.done $0x0  }
0xb0: {  	s7 =	rddreg [dreg:$0x9];
	[sflag:s11] =	ssyncadd.s32 $0xFFFFF000  }
0xb1: {  	[spmem:s7] =	stream.linear.scatter [tilespmem:s10], [sflag:$0x3], $0x1000, $0x38;
	[tilespmem:$0x1CF00] =	vst v63  }
0xb2: {  	_ =	swait.ge [sflag:s11], $0x1000  }
0xb3: {  	[sflag:s11] =	ssyncset.done $0x0  }
0xb4: {  	s9 =	rddreg [dreg:$0xa];
	[sflag:s11] =	ssyncadd.s32 $0xFFFFF000  }
0xb5: {  	[spmem:s9] =	stream.linear.scatter [tilespmem:s10], [sflag:$0x3], $0x1000, $0x38;
	[tilespmem:$0x1CF00] =	vst v63  }
0xb6: {  	_ =	swait.ge [sflag:s11], $0x1000  }
0xb7: {  	[sflag:s11] =	ssyncset.done $0x0  }
0xb8: {  	s7 =	rddreg [dreg:$0xb];
	[sflag:s11] =	ssyncadd.s32 $0xFFFFF000  }
0xb9: {  	[spmem:s7] =	stream.linear.scatter [tilespmem:s10], [sflag:$0x3], $0x1000, $0x38;
	[tilespmem:$0x1CF00] =	vst v63  }
0xba: {  	_ =	swait.ge [sflag:s11], $0x1000  }
0xbb: {  	[sflag:s11] =	ssyncset.done $0x0  }
0xbc: {  	s9 =	rddreg [dreg:$0xc];
	[sflag:s11] =	ssyncadd.s32 $0xFFFFF000  }
0xbd: {  	[spmem:s9] =	stream.linear.scatter [tilespmem:s10], [sflag:$0x3], $0x1000, $0x38;
	[tilespmem:$0x1CF00] =	vst v63  }
0xbe: {  	_ =	swait.ge [sflag:s11], $0x1000  }
0xbf: {  	[sflag:s11] =	ssyncset.done $0x0  }
0xc0: {  	s7 =	rddreg [dreg:$0xd];
	[sflag:s11] =	ssyncadd.s32 $0xFFFFF000  }
0xc1: {  	[spmem:s7] =	stream.linear.scatter [tilespmem:s10], [sflag:$0x3], $0x1000, $0x38;
	[tilespmem:$0x1CF00] =	vst v63  }
0xc2: {  	_ =	swait.ge [sflag:s11], $0x1000  }
0xc3: {  	[sflag:s11] =	ssyncset.done $0x0  }
0xc4: {  	s9 =	rddreg [dreg:$0xe];
	[sflag:s11] =	ssyncadd.s32 $0xFFFFF000  }
0xc5: {  	[spmem:s9] =	stream.linear.scatter [tilespmem:s10], [sflag:$0x3], $0x1000, $0x38;
	[tilespmem:$0x1CF00] =	vst v63  }
0xc6: {  	_ =	swait.ge [sflag:s11], $0x1000  }
0xc7: {  	[sflag:s11] =	ssyncset.done $0x0  }
0xc8: {  	s7 =	rddreg [dreg:$0xf];
	[sflag:s11] =	ssyncadd.s32 $0xFFFFF000  }
0xc9: {  	[spmem:s7] =	stream.linear.scatter [tilespmem:s10], [sflag:$0x3], $0x1000, $0x38;
	[tilespmem:$0x1CF00] =	vst v63  }
0xca: {  	_ =	swait.ge [sflag:s11], $0x1000  }
0xcb: {  	[sflag:s11] =	ssyncset.done $0x0  }
0xcc: {  	s9 =	rddreg [dreg:$0x10];
	[sflag:s11] =	ssyncadd.s32 $0xFFFFF000  }
0xcd: {  	[spmem:s9] =	stream.linear.scatter [tilespmem:s10], [sflag:$0x3], $0x1000, $0x38;
	[tilespmem:$0x1CF00] =	vst v63  }
0xce: {  	_ =	swait.ge [sflag:s11], $0x1000  }
0xcf: {  	[sflag:s11] =	ssyncset.done $0x0  }
0xd0: {  	s7 =	rddreg [dreg:$0x11];
	[sflag:s11] =	ssyncadd.s32 $0xFFFFF000  }
0xd1: {  	[spmem:s7] =	stream.linear.scatter [tilespmem:s10], [sflag:$0x3], $0x1000, $0x38;
	[tilespmem:$0x1CF00] =	vst v63  }
0xd2: {  	_ =	swait.ge [sflag:s11], $0x1000  }
0xd3: {  	[sflag:s11] =	ssyncset.done $0x0  }
0xd4: {  	s9 =	rddreg [dreg:$0x12];
	[sflag:s11] =	ssyncadd.s32 $0xFFFFF000  }
0xd5: {  	[spmem:s9] =	stream.linear.scatter [tilespmem:s10], [sflag:$0x3], $0x1000, $0x38;
	[tilespmem:$0x1CF00] =	vst v63  }
0xd6: {  	_ =	swait.ge [sflag:s11], $0x1000  }
0xd7: {  	[sflag:s11] =	ssyncset.done $0x0  }
0xd8: {  	s7 =	rddreg [dreg:$0x15];
	[sflag:s11] =	ssyncadd.s32 $0xFFFFF000  }
0xd9: {  	[spmem:s7] =	stream.linear.scatter [tilespmem:s10], [sflag:$0x3], $0x1000, $0x38;
	[tilespmem:$0x1CF00] =	vst v63  }
0xda: {  	_ =	swait.ge [sflag:s11], $0x1000  }
0xdb: {  	[sflag:s11] =	ssyncset.done $0x0  }
0xdc: {  	s9 =	rddreg [dreg:$0x16];
	[sflag:s11] =	ssyncadd.s32 $0xFFFFF000  }
0xdd: {  	[spmem:s9] =	stream.linear.scatter [tilespmem:s10], [sflag:$0x3], $0x1000, $0x38;
	[tilespmem:$0x1CF00] =	vst v63  }
0xde: {  	_ =	swait.ge [sflag:s11], $0x1000  }
0xdf: {  	[sflag:s11] =	ssyncset.done $0x0  }
0xe0: {  	s7 =	rddreg [dreg:$0x17];
	[sflag:s11] =	ssyncadd.s32 $0xFFFFF000  }
0xe1: {  	[spmem:s7] =	stream.linear.scatter [tilespmem:s10], [sflag:$0x3], $0x1000, $0x38;
	[tilespmem:$0x1CF00] =	vst v63  }
0xe2: {  	_ =	swait.ge [sflag:s11], $0x1000  }
0xe3: {  	[sflag:s11] =	ssyncset.done $0x0  }
0xe4: {  	s9 =	rddreg [dreg:$0x18];
	[sflag:s11] =	ssyncadd.s32 $0xFFFFF000  }
0xe5: {  	[spmem:s9] =	stream.linear.scatter [tilespmem:s10], [sflag:$0x3], $0x1000, $0x38;
	[tilespmem:$0x1CF00] =	vst v63  }
0xe6: {  	_ =	swait.ge [sflag:s11], $0x1000  }
0xe7: {  	[sflag:s11] =	ssyncset.done $0x0  }
0xe8: {  	s7 =	rddreg [dreg:$0x19];
	[sflag:s11] =	ssyncadd.s32 $0xFFFFF000  }
0xe9: {  	[spmem:s7] =	stream.linear.scatter [tilespmem:s10], [sflag:$0x3], $0x1000, $0x38;
	[tilespmem:$0x1CF00] =	vst v63  }
0xea: {  	_ =	swait.ge [sflag:s11], $0x1000  }
0xeb: {  	[sflag:s11] =	ssyncset.done $0x0  }
0xec: {  	s9 =	rddreg [dreg:$0x1a];
	[sflag:s11] =	ssyncadd.s32 $0xFFFFF000  }
0xed: {  	[spmem:s9] =	stream.linear.scatter [tilespmem:s10], [sflag:$0x3], $0x1000, $0x38;
	[tilespmem:$0x1CF00] =	vst v63  }
0xee: {  	_ =	swait.ge [sflag:s11], $0x1000  }
0xef: {  	[sflag:s11] =	ssyncset.done $0x0  }
0xf0: {  	s7 =	rddreg [dreg:$0x1b];
	[sflag:s11] =	ssyncadd.s32 $0xFFFFF000  }
0xf1: {  	[spmem:s7] =	stream.linear.scatter [tilespmem:s10], [sflag:$0x3], $0x1000, $0x38;
	[tilespmem:$0x1CF00] =	vst v63  }
0xf2: {  	_ =	swait.ge [sflag:s11], $0x1000  }
0xf3: {  	[sflag:s11] =	ssyncset.done $0x0  }
0xf4: {  	s9 =	rddreg [dreg:$0x1c];
	[sflag:s11] =	ssyncadd.s32 $0xFFFFF000  }
0xf5: {  	[spmem:s9] =	stream.linear.scatter [tilespmem:s10], [sflag:$0x3], $0x1000, $0x38;
	[tilespmem:$0x1CF00] =	vst v63  }
0xf6: {  	_ =	swait.ge [sflag:s11], $0x1000  }
0xf7: {  	[sflag:s11] =	ssyncset.done $0x0  }
0xf8: {  	s7 =	rddreg [dreg:$0x1d];
	[sflag:s11] =	ssyncadd.s32 $0xFFFFF000  }
0xf9: {  	[spmem:s7] =	stream.linear.scatter [tilespmem:s10], [sflag:$0x3], $0x1000, $0x38;
	[tilespmem:$0x1CF00] =	vst v63  }
0xfa: {  	_ =	swait.ge [sflag:s11], $0x1000  }
0xfb: {  	[sflag:s11] =	ssyncset.done $0x0  }
0xfc: {  	s9 =	rddreg [dreg:$0x1e];
	[sflag:s11] =	ssyncadd.s32 $0xFFFFF000  }
0xfd: {  	[spmem:s9] =	stream.linear.scatter [tilespmem:s10], [sflag:$0x3], $0x1000, $0x38;
	[tilespmem:$0x1CF00] =	vst v63  }
0xfe: {  	_ =	swait.ge [sflag:s11], $0x1000  }
0xff: {  	[sflag:s11] =	ssyncset.done $0x0  }
0x100: {  	s7 =	rddreg [dreg:$0x1f];
	[sflag:s11] =	ssyncadd.s32 $0xFFFFF000  }
0x101: {  	[spmem:s7] =	stream.linear.scatter [tilespmem:s10], [sflag:$0x3], $0x1000, $0x38;
	[tilespmem:$0x1CF00] =	vst v63  }
0x102: {  	_ =	swait.ge [sflag:s11], $0x1000  }
0x103: {  	[sflag:s11] =	ssyncset.done $0x0  }
0x104: {  	s9 =	rddreg [dreg:$0x4];
	[sflag:s11] =	ssyncadd.s32 $0xFFFFF000  }
0x105: {  	[spmem:s9] =	stream.linear.scatter [tilespmem:s10], [sflag:$0x3], $0x700, $0x38;
	[tilespmem:$0x1CF00] =	vst v63  }
.Ltmp6:
0x106: {  	_ =	swait.ge [sflag:s11], $0x700;
	(pc) =	sbr.rel @p0 .LBB2_13-.Ltmp6, $4  }
0x107: {  	[sflag:s11] =	ssyncset.done $0x0  }
0x108: {  	[sflag:s11] =	ssyncadd.s32 $0xFFFFF900  }
0x109: {  	[bflag:$0x0] =	sbarrier.arrive $0xFFFF  }
0x10a: {  	s6 =	sadd.s32 $0x0, s24  }
0x10b: {  	[tilespmem:s3], [sflag:$0x3] =	stream.linear.gather [hbm4b:s6+s3], $0x400, $0x38;
	[tilespmem:$0x1CF00] =	vst v63  }
0x10c: {  	_ =	swait.ge [sflag:s11], $0x400  }
0x10d: {  	[sflag:s11] =	ssyncset.done $0x0  }
0x10e: {  	s9 =	sadd.s32 $0x0, s23;
	[sflag:s11] =	ssyncadd.s32 $0xFFFFFC00  }
0x10f: {  	[tilespmem:s12], [sflag:$0x3] =	stream.linear.gather [hbm4b:s9+s3], $0x400, $0x38;
	[tilespmem:$0x1CF00] =	vst v63  }
0x110: {  	_ =	swait.ge [sflag:s11], $0x400  }
0x111: {  	[sflag:s11] =	ssyncset.done $0x0  }
0x112: {  	[sflag:s11] =	ssyncadd.s32 $0xFFFFFC00  }
0x113: {  	[tilespmem:s10], [sflag:$0x1] =	stream.indirect.gather [hbm4b:s4+s13], $0x20, s3, s13, $0xb8;
	[tilespmem:$0x1CF00] =	vst v63  }
0x114: {  	_ = 	snop  }
0x115: {  	[tilespmem:s14], [sflag:$0x1] =	stream.indirect.gather [hbm4b:s4+s13], $0x20, s13, s13, $0xb8;
	[tilespmem:$0x1CF00] =	vst v63  }
0x116: {  	_ = 	snop  }
0x117: {  	[tilespmem:s16], [sflag:$0x1] =	stream.indirect.gather [hbm4b:s4+s13], $0x20, s17, s13, $0xb8;
	[tilespmem:$0x1CF00] =	vst v63  }
0x118: {  	_ = 	snop  }
0x119: {  	[tilespmem:s18], [sflag:$0x1] =	stream.indirect.gather [hbm4b:s4+s13], $0x20, s15, s13, $0xb8;
	[tilespmem:$0x1CF00] =	vst v63  }
0x11a: {  	_ =	swait.ge [sflag:s19], $0x1000  }
0x11b: {  	[sflag:s19] =	ssyncset.done $0x0  }
0x11c: {  	[sflag:s19] =	ssyncadd.s32 $0xFFFFF000  }
0x11d: {  	_ =	swait.ge [sflag:s19], $0x1000  }
0x11e: {  	[sflag:s19] =	ssyncset.done $0x0  }
0x11f: {  	[sflag:s19] =	ssyncadd.s32 $0xFFFFF000  }
0x120: {  	_ =	swait.ge [sflag:s19], $0x1000  }
0x121: {  	[sflag:s19] =	ssyncset.done $0x0  }
0x122: {  	[sflag:s19] =	ssyncadd.s32 $0xFFFFF000  }
0x123: {  	_ =	swait.ge [sflag:s19], $0x1000  }
0x124: {  	[sflag:s19] =	ssyncset.done $0x0  }
0x125: {  	[sflag:s19] =	ssyncadd.s32 $0xFFFFF000  }
0x126: {  	[spmem:s2] =	stream.indirect.scatter.add.f32 [tilespmem:s10], [sflag:$0x2], $0x20, s12, s13, $0xb8;
	[tilespmem:$0x1CF00] =	vst v63  }
0x127: {  	_ = 	snop  }
0x128: {  	[spmem:s2] =	stream.indirect.scatter.add.f32 [tilespmem:s14], [sflag:$0x2], $0x20, s20, s13, $0xb8;
	[tilespmem:$0x1CF00] =	vst v63  }
0x129: {  	_ = 	snop  }
0x12a: {  	[spmem:s2] =	stream.indirect.scatter.add.f32 [tilespmem:s16], [sflag:$0x2], $0x20, s21, s13, $0xb8;
	[tilespmem:$0x1CF00] =	vst v63  }
0x12b: {  	_ = 	snop  }
0x12c: {  	[spmem:s2] =	stream.indirect.scatter.add.f32 [tilespmem:s18], [sflag:$0x2], $0x20, s25, s13, $0xb8;
	[tilespmem:$0x1CF00] =	vst v63  }
0x12d: {  	_ =	swait.ge [sflag:s26], $0x1000  }
0x12e: {  	[sflag:s26] =	ssyncset.done $0x0  }
0x12f: {  	[sflag:s26] =	ssyncadd.s32 $0xFFFFF000  }
0x130: {  	_ =	swait.ge [sflag:s26], $0x1000  }
0x131: {  	[sflag:s26] =	ssyncset.done $0x0  }
0x132: {  	[sflag:s26] =	ssyncadd.s32 $0xFFFFF000  }
0x133: {  	_ =	swait.ge [sflag:s26], $0x1000  }
0x134: {  	[sflag:s26] =	ssyncset.done $0x0  }
0x135: {  	[sflag:s26] =	ssyncadd.s32 $0xFFFFF000  }
0x136: {  	_ =	swait.ge [sflag:s26], $0x1000  }
0x137: {  	[sflag:s26] =	ssyncset.done $0x0  }
0x138: {  	[sflag:s26] =	ssyncadd.s32 $0xFFFFF000  }
0x139: {  	[tilespmem:s10], [sflag:$0x1] =	stream.indirect.gather [hbm4b:s4+s13], $0x20, s28, s13, $0xb8;
	[tilespmem:$0x1CF00] =	vst v63  }
0x13a: {  	_ = 	snop  }
0x13b: {  	[tilespmem:s14], [sflag:$0x1] =	stream.indirect.gather [hbm4b:s4+s13], $0x20, s29, s13, $0xb8;
	[tilespmem:$0x1CF00] =	vst v63  }
0x13c: {  	_ = 	snop  }
0x13d: {  	[tilespmem:s16], [sflag:$0x1] =	stream.indirect.gather [hbm4b:s4+s13], $0x20, s30, s13, $0xb8;
	[tilespmem:$0x1CF00] =	vst v63  }
0x13e: {  	_ = 	snop  }
0x13f: {  	[tilespmem:s18], [sflag:$0x1] =	stream.indirect.gather [hbm4b:s4+s13], $0x20, s31, s13, $0xb8;
	[tilespmem:$0x1CF00] =	vst v63  }
0x140: {  	_ =	swait.ge [sflag:s19], $0x1000  }
0x141: {  	[sflag:s19] =	ssyncset.done $0x0  }
0x142: {  	[sflag:s19] =	ssyncadd.s32 $0xFFFFF000  }
0x143: {  	_ =	swait.ge [sflag:s19], $0x1000  }
0x144: {  	[sflag:s19] =	ssyncset.done $0x0  }
0x145: {  	[sflag:s19] =	ssyncadd.s32 $0xFFFFF000  }
0x146: {  	_ =	swait.ge [sflag:s19], $0x1000  }
0x147: {  	[sflag:s19] =	ssyncset.done $0x0  }
0x148: {  	[sflag:s19] =	ssyncadd.s32 $0xFFFFF000  }
0x149: {  	_ =	swait.ge [sflag:s19], $0x1000  }
0x14a: {  	[sflag:s19] =	ssyncset.done $0x0  }
0x14b: {  	[sflag:s19] =	ssyncadd.s32 $0xFFFFF000  }
0x14c: {  	[spmem:s2] =	stream.indirect.scatter.add.f32 [tilespmem:s10], [sflag:$0x2], $0x20, s0, s13, $0xb8;
	[tilespmem:$0x1CF00] =	vst v63  }
0x14d: {  	_ = 	snop  }
0x14e: {  	[spmem:s2] =	stream.indirect.scatter.add.f32 [tilespmem:s14], [sflag:$0x2], $0x20, s8, s13, $0xb8;
	[tilespmem:$0x1CF00] =	vst v63  }
0x14f: {  	_ = 	snop  }
0x150: {  	[spmem:s2] =	stream.indirect.scatter.add.f32 [tilespmem:s16], [sflag:$0x2], $0x20, s22, s13, $0xb8;
	[tilespmem:$0x1CF00] =	vst v63  }
0x151: {  	_ = 	snop  }
0x152: {  	[spmem:s2] =	stream.indirect.scatter.add.f32 [tilespmem:s18], [sflag:$0x2], $0x20, s1, s13, $0xb8;
	[tilespmem:$0x1CF00] =	vst v63  }
0x153: {  	_ =	swait.ge [sflag:s26], $0x1000  }
0x154: {  	[sflag:s26] =	ssyncset.done $0x0  }
0x155: {  	[sflag:s26] =	ssyncadd.s32 $0xFFFFF000  }
0x156: {  	_ =	swait.ge [sflag:s26], $0x1000  }
0x157: {  	[sflag:s26] =	ssyncset.done $0x0  }
0x158: {  	[sflag:s26] =	ssyncadd.s32 $0xFFFFF000  }
0x159: {  	_ =	swait.ge [sflag:s26], $0x1000  }
0x15a: {  	[sflag:s26] =	ssyncset.done $0x0  }
0x15b: {  	[sflag:s26] =	ssyncadd.s32 $0xFFFFF000  }
0x15c: {  	_ =	swait.ge [sflag:s26], $0x1000  }
0x15d: {  	s6 =	simm.s32 $0x100;
	s9 =	simm.s32 $0x80;
	[sflag:s26] =	ssyncset.done $0x0  }
.LBB2_11:
0x15e: {  	s15 =	sadd.s32 s9, s24  }
0x15f: {  	[sflag:s26] =	ssyncadd.s32 $0xFFFFF000;
	s17 =	smov.u32 s6;
	s7 =	sadd.s32 $0x80, s6  }
0x160: {  	[tilespmem:s3], [sflag:$0x3] =	stream.linear.gather [hbm4b:s15+s3], $0x400, $0x38;
	[tilespmem:$0x1CF00] =	vst v63  }
0x161: {  	s15 =	simm.s32 $0x180  }
0x162: {  	p1 =	sne.s32 s6, $0x1800;
	_ =	swait.ge [sflag:s11], $0x400  }
0x163: {  	s6 =	sadd.s32 s9, s23;
	[sflag:s11] =	ssyncset.done $0x0  }
0x164: {  	s9 =	smov.u32 s17;
	s17 =	simm.s32 $0x100;
	[sflag:s11] =	ssyncadd.s32 $0xFFFFFC00  }
0x165: {  	[tilespmem:s12], [sflag:$0x3] =	stream.linear.gather [hbm4b:s6+s3], $0x400, $0x38;
	[tilespmem:$0x1CF00] =	vst v63  }
0x166: {  	_ =	swait.ge [sflag:s11], $0x400  }
0x167: {  	[sflag:s11] =	ssyncset.done $0x0  }
0x168: {  	[sflag:s11] =	ssyncadd.s32 $0xFFFFFC00  }
0x169: {  	[tilespmem:s10], [sflag:$0x1] =	stream.indirect.gather [hbm4b:s4+s13], $0x20, s3, s13, $0xb8;
	[tilespmem:$0x1CF00] =	vst v63  }
0x16a: {  	_ = 	snop  }
0x16b: {  	[tilespmem:s14], [sflag:$0x1] =	stream.indirect.gather [hbm4b:s4+s13], $0x20, s13, s13, $0xb8;
	[tilespmem:$0x1CF00] =	vst v63  }
0x16c: {  	_ = 	snop  }
0x16d: {  	[tilespmem:s16], [sflag:$0x1] =	stream.indirect.gather [hbm4b:s4+s13], $0x20, s17, s13, $0xb8;
	[tilespmem:$0x1CF00] =	vst v63  }
0x16e: {  	_ = 	snop  }
0x16f: {  	[tilespmem:s18], [sflag:$0x1] =	stream.indirect.gather [hbm4b:s4+s13], $0x20, s15, s13, $0xb8;
	[tilespmem:$0x1CF00] =	vst v63  }
0x170: {  	_ =	swait.ge [sflag:s19], $0x1000  }
0x171: {  	[sflag:s19] =	ssyncset.done $0x0  }
0x172: {  	[sflag:s19] =	ssyncadd.s32 $0xFFFFF000  }
0x173: {  	_ =	swait.ge [sflag:s19], $0x1000  }
0x174: {  	[sflag:s19] =	ssyncset.done $0x0  }
0x175: {  	[sflag:s19] =	ssyncadd.s32 $0xFFFFF000  }
0x176: {  	_ =	swait.ge [sflag:s19], $0x1000  }
0x177: {  	[sflag:s19] =	ssyncset.done $0x0  }
0x178: {  	[sflag:s19] =	ssyncadd.s32 $0xFFFFF000  }
0x179: {  	_ =	swait.ge [sflag:s19], $0x1000  }
0x17a: {  	[sflag:s19] =	ssyncset.done $0x0  }
0x17b: {  	[sflag:s19] =	ssyncadd.s32 $0xFFFFF000  }
0x17c: {  	[spmem:s2] =	stream.indirect.scatter.add.f32 [tilespmem:s10], [sflag:$0x2], $0x20, s12, s13, $0xb8;
	[tilespmem:$0x1CF00] =	vst v63  }
0x17d: {  	_ = 	snop  }
0x17e: {  	[spmem:s2] =	stream.indirect.scatter.add.f32 [tilespmem:s14], [sflag:$0x2], $0x20, s20, s13, $0xb8;
	[tilespmem:$0x1CF00] =	vst v63  }
0x17f: {  	_ = 	snop  }
0x180: {  	[spmem:s2] =	stream.indirect.scatter.add.f32 [tilespmem:s16], [sflag:$0x2], $0x20, s21, s13, $0xb8;
	[tilespmem:$0x1CF00] =	vst v63  }
0x181: {  	_ = 	snop  }
0x182: {  	[spmem:s2] =	stream.indirect.scatter.add.f32 [tilespmem:s18], [sflag:$0x2], $0x20, s25, s13, $0xb8;
	[tilespmem:$0x1CF00] =	vst v63  }
0x183: {  	_ =	swait.ge [sflag:s26], $0x1000  }
0x184: {  	[sflag:s26] =	ssyncset.done $0x0  }
0x185: {  	[sflag:s26] =	ssyncadd.s32 $0xFFFFF000  }
0x186: {  	_ =	swait.ge [sflag:s26], $0x1000  }
0x187: {  	[sflag:s26] =	ssyncset.done $0x0  }
0x188: {  	[sflag:s26] =	ssyncadd.s32 $0xFFFFF000  }
0x189: {  	_ =	swait.ge [sflag:s26], $0x1000  }
0x18a: {  	[sflag:s26] =	ssyncset.done $0x0  }
0x18b: {  	[sflag:s26] =	ssyncadd.s32 $0xFFFFF000  }
0x18c: {  	_ =	swait.ge [sflag:s26], $0x1000  }
0x18d: {  	[sflag:s26] =	ssyncset.done $0x0  }
0x18e: {  	[sflag:s26] =	ssyncadd.s32 $0xFFFFF000  }
0x18f: {  	[tilespmem:s10], [sflag:$0x1] =	stream.indirect.gather [hbm4b:s4+s13], $0x20, s28, s13, $0xb8;
	[tilespmem:$0x1CF00] =	vst v63  }
0x190: {  	_ = 	snop  }
0x191: {  	[tilespmem:s14], [sflag:$0x1] =	stream.indirect.gather [hbm4b:s4+s13], $0x20, s29, s13, $0xb8;
	[tilespmem:$0x1CF00] =	vst v63  }
0x192: {  	_ = 	snop  }
0x193: {  	[tilespmem:s16], [sflag:$0x1] =	stream.indirect.gather [hbm4b:s4+s13], $0x20, s30, s13, $0xb8;
	[tilespmem:$0x1CF00] =	vst v63  }
0x194: {  	_ = 	snop  }
0x195: {  	[tilespmem:s18], [sflag:$0x1] =	stream.indirect.gather [hbm4b:s4+s13], $0x20, s31, s13, $0xb8;
	[tilespmem:$0x1CF00] =	vst v63  }
0x196: {  	_ =	swait.ge [sflag:s19], $0x1000  }
0x197: {  	[sflag:s19] =	ssyncset.done $0x0  }
0x198: {  	[sflag:s19] =	ssyncadd.s32 $0xFFFFF000  }
0x199: {  	_ =	swait.ge [sflag:s19], $0x1000  }
0x19a: {  	[sflag:s19] =	ssyncset.done $0x0  }
0x19b: {  	[sflag:s19] =	ssyncadd.s32 $0xFFFFF000  }
0x19c: {  	_ =	swait.ge [sflag:s19], $0x1000  }
0x19d: {  	[sflag:s19] =	ssyncset.done $0x0  }
0x19e: {  	[sflag:s19] =	ssyncadd.s32 $0xFFFFF000  }
0x19f: {  	_ =	swait.ge [sflag:s19], $0x1000  }
0x1a0: {  	[sflag:s19] =	ssyncset.done $0x0  }
0x1a1: {  	[sflag:s19] =	ssyncadd.s32 $0xFFFFF000  }
0x1a2: {  	[spmem:s2] =	stream.indirect.scatter.add.f32 [tilespmem:s10], [sflag:$0x2], $0x20, s0, s13, $0xb8;
	[tilespmem:$0x1CF00] =	vst v63  }
0x1a3: {  	_ = 	snop  }
0x1a4: {  	[spmem:s2] =	stream.indirect.scatter.add.f32 [tilespmem:s14], [sflag:$0x2], $0x20, s8, s13, $0xb8;
	[tilespmem:$0x1CF00] =	vst v63  }
0x1a5: {  	_ = 	snop  }
0x1a6: {  	[spmem:s2] =	stream.indirect.scatter.add.f32 [tilespmem:s16], [sflag:$0x2], $0x20, s22, s13, $0xb8;
	[tilespmem:$0x1CF00] =	vst v63  }
0x1a7: {  	_ = 	snop  }
0x1a8: {  	[spmem:s2] =	stream.indirect.scatter.add.f32 [tilespmem:s18], [sflag:$0x2], $0x20, s1, s13, $0xb8;
	[tilespmem:$0x1CF00] =	vst v63  }
0x1a9: {  	_ =	swait.ge [sflag:s26], $0x1000  }
0x1aa: {  	[sflag:s26] =	ssyncset.done $0x0  }
0x1ab: {  	[sflag:s26] =	ssyncadd.s32 $0xFFFFF000  }
0x1ac: {  	_ =	swait.ge [sflag:s26], $0x1000  }
0x1ad: {  	[sflag:s26] =	ssyncset.done $0x0  }
0x1ae: {  	[sflag:s26] =	ssyncadd.s32 $0xFFFFF000  }
.Ltmp7:
0x1af: {  	_ =	swait.ge [sflag:s26], $0x1000;
	(pc) =	sbr.rel @p1 .LBB2_11-.Ltmp7, $4  }
0x1b0: {  	[sflag:s26] =	ssyncset.done $0x0  }
0x1b1: {  	[sflag:s26] =	ssyncadd.s32 $0xFFFFF000  }
0x1b2: {  	_ =	swait.ge [sflag:s26], $0x1000  }
0x1b3: {  	s6 =	smov.u32 s7;
	[sflag:s26] =	ssyncset.done $0x0  }
0x1b4: {  	s6 =	sadd.s32 s9, s24;
	[sflag:s26] =	ssyncadd.s32 $0xFFFFF000  }
0x1b5: {  	[tilespmem:s3], [sflag:$0x3] =	stream.linear.gather [hbm4b:s6+s3], $0x400, $0x38;
	[tilespmem:$0x1CF00] =	vst v63  }
0x1b6: {  	_ =	swait.ge [sflag:s11], $0x400  }
0x1b7: {  	[sflag:s11] =	ssyncset.done $0x0  }
0x1b8: {  	s9 =	sadd.s32 s9, s23;
	[sflag:s11] =	ssyncadd.s32 $0xFFFFFC00  }
0x1b9: {  	[tilespmem:s12], [sflag:$0x3] =	stream.linear.gather [hbm4b:s9+s3], $0x400, $0x38;
	[tilespmem:$0x1CF00] =	vst v63  }
0x1ba: {  	_ =	swait.ge [sflag:s11], $0x400  }
0x1bb: {  	[sflag:s11] =	ssyncset.done $0x0  }
0x1bc: {  	[sflag:s11] =	ssyncadd.s32 $0xFFFFFC00  }
0x1bd: {  	[tilespmem:s10], [sflag:$0x1] =	stream.indirect.gather [hbm4b:s4+s13], $0x20, s3, s13, $0xb8;
	[tilespmem:$0x1CF00] =	vst v63  }
0x1be: {  	_ = 	snop  }
0x1bf: {  	[tilespmem:s14], [sflag:$0x1] =	stream.indirect.gather [hbm4b:s4+s13], $0x20, s13, s13, $0xb8;
	[tilespmem:$0x1CF00] =	vst v63  }
0x1c0: {  	_ = 	snop  }
0x1c1: {  	[tilespmem:s16], [sflag:$0x1] =	stream.indirect.gather [hbm4b:s4+s13], $0x20, s17, s13, $0xb8;
	[tilespmem:$0x1CF00] =	vst v63  }
0x1c2: {  	_ = 	snop  }
0x1c3: {  	[tilespmem:s18], [sflag:$0x1] =	stream.indirect.gather [hbm4b:s4+s13], $0x20, s15, s13, $0xb8;
	[tilespmem:$0x1CF00] =	vst v63  }
0x1c4: {  	_ =	swait.ge [sflag:s19], $0x1000  }
0x1c5: {  	[sflag:s19] =	ssyncset.done $0x0  }
0x1c6: {  	[sflag:s19] =	ssyncadd.s32 $0xFFFFF000  }
0x1c7: {  	_ =	swait.ge [sflag:s19], $0x1000  }
0x1c8: {  	[sflag:s19] =	ssyncset.done $0x0  }
0x1c9: {  	[sflag:s19] =	ssyncadd.s32 $0xFFFFF000  }
0x1ca: {  	_ =	swait.ge [sflag:s19], $0x1000  }
0x1cb: {  	[sflag:s19] =	ssyncset.done $0x0  }
0x1cc: {  	[sflag:s19] =	ssyncadd.s32 $0xFFFFF000  }
0x1cd: {  	_ =	swait.ge [sflag:s19], $0x1000  }
0x1ce: {  	[sflag:s19] =	ssyncset.done $0x0  }
0x1cf: {  	[sflag:s19] =	ssyncadd.s32 $0xFFFFF000  }
0x1d0: {  	[spmem:s2] =	stream.indirect.scatter.add.f32 [tilespmem:s10], [sflag:$0x2], $0x20, s12, s13, $0xb8;
	[tilespmem:$0x1CF00] =	vst v63  }
0x1d1: {  	_ = 	snop  }
0x1d2: {  	[spmem:s2] =	stream.indirect.scatter.add.f32 [tilespmem:s14], [sflag:$0x2], $0x20, s20, s13, $0xb8;
	[tilespmem:$0x1CF00] =	vst v63  }
0x1d3: {  	_ = 	snop  }
0x1d4: {  	[spmem:s2] =	stream.indirect.scatter.add.f32 [tilespmem:s16], [sflag:$0x2], $0x20, s21, s13, $0xb8;
	[tilespmem:$0x1CF00] =	vst v63  }
0x1d5: {  	_ = 	snop  }
0x1d6: {  	[spmem:s2] =	stream.indirect.scatter.add.f32 [tilespmem:s18], [sflag:$0x2], $0x20, s25, s13, $0xb8;
	[tilespmem:$0x1CF00] =	vst v63  }
0x1d7: {  	_ =	swait.ge [sflag:s26], $0x1000  }
0x1d8: {  	[sflag:s26] =	ssyncset.done $0x0  }
0x1d9: {  	[sflag:s26] =	ssyncadd.s32 $0xFFFFF000  }
0x1da: {  	_ =	swait.ge [sflag:s26], $0x1000  }
0x1db: {  	[sflag:s26] =	ssyncset.done $0x0  }
0x1dc: {  	[sflag:s26] =	ssyncadd.s32 $0xFFFFF000  }
0x1dd: {  	_ =	swait.ge [sflag:s26], $0x1000  }
0x1de: {  	[sflag:s26] =	ssyncset.done $0x0  }
0x1df: {  	[sflag:s26] =	ssyncadd.s32 $0xFFFFF000  }
0x1e0: {  	_ =	swait.ge [sflag:s26], $0x1000  }
0x1e1: {  	[sflag:s26] =	ssyncset.done $0x0  }
0x1e2: {  	[sflag:s26] =	ssyncadd.s32 $0xFFFFF000  }
0x1e3: {  	[tilespmem:s10], [sflag:$0x1] =	stream.indirect.gather [hbm4b:s4+s13], $0x20, s28, s13, $0xb8;
	[tilespmem:$0x1CF00] =	vst v63  }
0x1e4: {  	_ = 	snop  }
0x1e5: {  	[tilespmem:s14], [sflag:$0x1] =	stream.indirect.gather [hbm4b:s4+s13], $0x20, s29, s13, $0xb8;
	[tilespmem:$0x1CF00] =	vst v63  }
0x1e6: {  	_ = 	snop  }
0x1e7: {  	[tilespmem:s16], [sflag:$0x1] =	stream.indirect.gather [hbm4b:s4+s13], $0x20, s30, s13, $0xb8;
	[tilespmem:$0x1CF00] =	vst v63  }
0x1e8: {  	_ = 	snop  }
0x1e9: {  	[tilespmem:s18], [sflag:$0x1] =	stream.indirect.gather [hbm4b:s4+s13], $0x20, s31, s13, $0xb8;
	[tilespmem:$0x1CF00] =	vst v63  }
0x1ea: {  	_ =	swait.ge [sflag:s19], $0x1000  }
0x1eb: {  	[sflag:s19] =	ssyncset.done $0x0  }
0x1ec: {  	[sflag:s19] =	ssyncadd.s32 $0xFFFFF000  }
0x1ed: {  	_ =	swait.ge [sflag:s19], $0x1000  }
0x1ee: {  	[sflag:s19] =	ssyncset.done $0x0  }
0x1ef: {  	[sflag:s19] =	ssyncadd.s32 $0xFFFFF000  }
0x1f0: {  	_ =	swait.ge [sflag:s19], $0x1000  }
0x1f1: {  	[sflag:s19] =	ssyncset.done $0x0  }
0x1f2: {  	[sflag:s19] =	ssyncadd.s32 $0xFFFFF000  }
0x1f3: {  	_ =	swait.ge [sflag:s19], $0x1000  }
0x1f4: {  	[sflag:s19] =	ssyncset.done $0x0  }
0x1f5: {  	[sflag:s19] =	ssyncadd.s32 $0xFFFFF000  }
0x1f6: {  	[spmem:s2] =	stream.indirect.scatter.add.f32 [tilespmem:s10], [sflag:$0x2], $0x20, s0, s13, $0xb8;
	[tilespmem:$0x1CF00] =	vst v63  }
0x1f7: {  	_ = 	snop  }
0x1f8: {  	[spmem:s2] =	stream.indirect.scatter.add.f32 [tilespmem:s14], [sflag:$0x2], $0x20, s8, s13, $0xb8;
	[tilespmem:$0x1CF00] =	vst v63  }
0x1f9: {  	_ = 	snop  }
0x1fa: {  	[spmem:s2] =	stream.indirect.scatter.add.f32 [tilespmem:s16], [sflag:$0x2], $0x20, s22, s13, $0xb8;
	[tilespmem:$0x1CF00] =	vst v63  }
0x1fb: {  	_ = 	snop  }
0x1fc: {  	[spmem:s2] =	stream.indirect.scatter.add.f32 [tilespmem:s18], [sflag:$0x2], $0x20, s1, s13, $0xb8;
	[tilespmem:$0x1CF00] =	vst v63  }
0x1fd: {  	_ =	swait.ge [sflag:s26], $0x1000  }
0x1fe: {  	[sflag:s26] =	ssyncset.done $0x0  }
0x1ff: {  	[sflag:s26] =	ssyncadd.s32 $0xFFFFF000  }
0x200: {  	_ =	swait.ge [sflag:s26], $0x1000  }
0x201: {  	[sflag:s26] =	ssyncset.done $0x0  }
0x202: {  	[sflag:s26] =	ssyncadd.s32 $0xFFFFF000  }
0x203: {  	_ =	swait.ge [sflag:s26], $0x1000  }
0x204: {  	[sflag:s26] =	ssyncset.done $0x0  }
0x205: {  	[sflag:s26] =	ssyncadd.s32 $0xFFFFF000  }
0x206: {  	_ =	swait.ge [sflag:s26], $0x1000  }
.Ltmp8:
0x207: {  	[sflag:s26] =	ssyncset.done $0x0;
	(pc) =	sbr.rel .LBB2_16-.Ltmp8, $4  }
0x208: {  	[sflag:s26] =	ssyncadd.s32 $0xFFFFF000  }
0x209: {  	[bflag:$0x0] =	sbarrier.arrive $0xFFFF  }
0x20a: {  	s6 =	rddreg [dreg:$0x5]  }
0x20b: {  	s15 =	sld [smem:$0x7FD]  }
.LBB2_13:
0x20c: {  	[tilespmem:s3], [sflag:$0x3] =	stream.linear.gather [hbm4b:s6+s3], $0x400, $0x38;
	[tilespmem:$0x1CF00] =	vst v63  }
0x20d: {  	_ =	swait.ge [sflag:s11], $0x400  }
0x20e: {  	[sflag:s11] =	ssyncset.done $0x0  }
0x20f: {  	s9 =	sadd.s32 $0x0, s23;
	[sflag:s11] =	ssyncadd.s32 $0xFFFFFC00  }
0x210: {  	[tilespmem:s12], [sflag:$0x3] =	stream.linear.gather [hbm4b:s9+s3], $0x400, $0x38;
	[tilespmem:$0x1CF00] =	vst v63  }
0x211: {  	_ =	swait.ge [sflag:s11], $0x400  }
0x212: {  	[sflag:s11] =	ssyncset.done $0x0  }
0x213: {  	[sflag:s11] =	ssyncadd.s32 $0xFFFFFC00  }
0x214: {  	[tilespmem:s10], [sflag:$0x1] =	stream.indirect.gather [hbm4b:s5+s13], $0x20, s3, s13, $0xb8;
	[tilespmem:$0x1CF00] =	vst v63  }
0x215: {  	_ = 	snop  }
0x216: {  	[tilespmem:s14], [sflag:$0x1] =	stream.indirect.gather [hbm4b:s5+s13], $0x20, s13, s13, $0xb8;
	[tilespmem:$0x1CF00] =	vst v63  }
0x217: {  	_ = 	snop  }
0x218: {  	[tilespmem:s16], [sflag:$0x1] =	stream.indirect.gather [hbm4b:s5+s13], $0x20, s17, s13, $0xb8;
	[tilespmem:$0x1CF00] =	vst v63  }
0x219: {  	_ = 	snop  }
0x21a: {  	[tilespmem:s18], [sflag:$0x1] =	stream.indirect.gather [hbm4b:s5+s13], $0x20, s15, s13, $0xb8;
	[tilespmem:$0x1CF00] =	vst v63  }
0x21b: {  	_ =	swait.ge [sflag:s19], $0x1000  }
0x21c: {  	[sflag:s19] =	ssyncset.done $0x0  }
0x21d: {  	[sflag:s19] =	ssyncadd.s32 $0xFFFFF000  }
0x21e: {  	_ =	swait.ge [sflag:s19], $0x1000  }
0x21f: {  	[sflag:s19] =	ssyncset.done $0x0  }
0x220: {  	[sflag:s19] =	ssyncadd.s32 $0xFFFFF000  }
0x221: {  	_ =	swait.ge [sflag:s19], $0x1000  }
0x222: {  	[sflag:s19] =	ssyncset.done $0x0  }
0x223: {  	[sflag:s19] =	ssyncadd.s32 $0xFFFFF000  }
0x224: {  	_ =	swait.ge [sflag:s19], $0x1000  }
0x225: {  	[sflag:s19] =	ssyncset.done $0x0  }
0x226: {  	[sflag:s19] =	ssyncadd.s32 $0xFFFFF000  }
0x227: {  	[spmem:s2] =	stream.indirect.scatter.add.f32 [tilespmem:s10], [sflag:$0x2], $0x20, s12, s13, $0xb8;
	[tilespmem:$0x1CF00] =	vst v63  }
0x228: {  	_ = 	snop  }
0x229: {  	[spmem:s2] =	stream.indirect.scatter.add.f32 [tilespmem:s14], [sflag:$0x2], $0x20, s20, s13, $0xb8;
	[tilespmem:$0x1CF00] =	vst v63  }
0x22a: {  	_ = 	snop  }
0x22b: {  	[spmem:s2] =	stream.indirect.scatter.add.f32 [tilespmem:s16], [sflag:$0x2], $0x20, s21, s13, $0xb8;
	[tilespmem:$0x1CF00] =	vst v63  }
0x22c: {  	_ = 	snop  }
0x22d: {  	[spmem:s2] =	stream.indirect.scatter.add.f32 [tilespmem:s18], [sflag:$0x2], $0x20, s25, s13, $0xb8;
	[tilespmem:$0x1CF00] =	vst v63  }
0x22e: {  	_ =	swait.ge [sflag:s26], $0x1000  }
0x22f: {  	[sflag:s26] =	ssyncset.done $0x0  }
0x230: {  	[sflag:s26] =	ssyncadd.s32 $0xFFFFF000  }
0x231: {  	_ =	swait.ge [sflag:s26], $0x1000  }
0x232: {  	[sflag:s26] =	ssyncset.done $0x0  }
0x233: {  	[sflag:s26] =	ssyncadd.s32 $0xFFFFF000  }
0x234: {  	_ =	swait.ge [sflag:s26], $0x1000  }
0x235: {  	[sflag:s26] =	ssyncset.done $0x0  }
0x236: {  	[sflag:s26] =	ssyncadd.s32 $0xFFFFF000  }
0x237: {  	_ =	swait.ge [sflag:s26], $0x1000  }
0x238: {  	[sflag:s26] =	ssyncset.done $0x0  }
0x239: {  	[sflag:s26] =	ssyncadd.s32 $0xFFFFF000  }
0x23a: {  	[tilespmem:s10], [sflag:$0x1] =	stream.indirect.gather [hbm4b:s5+s13], $0x20, s28, s13, $0xb8;
	[tilespmem:$0x1CF00] =	vst v63  }
0x23b: {  	_ = 	snop  }
0x23c: {  	[tilespmem:s14], [sflag:$0x1] =	stream.indirect.gather [hbm4b:s5+s13], $0x20, s29, s13, $0xb8;
	[tilespmem:$0x1CF00] =	vst v63  }
0x23d: {  	_ = 	snop  }
0x23e: {  	[tilespmem:s16], [sflag:$0x1] =	stream.indirect.gather [hbm4b:s5+s13], $0x20, s30, s13, $0xb8;
	[tilespmem:$0x1CF00] =	vst v63  }
0x23f: {  	_ = 	snop  }
0x240: {  	[tilespmem:s18], [sflag:$0x1] =	stream.indirect.gather [hbm4b:s5+s13], $0x20, s31, s13, $0xb8;
	[tilespmem:$0x1CF00] =	vst v63  }
0x241: {  	_ =	swait.ge [sflag:s19], $0x1000  }
0x242: {  	[sflag:s19] =	ssyncset.done $0x0  }
0x243: {  	[sflag:s19] =	ssyncadd.s32 $0xFFFFF000  }
0x244: {  	_ =	swait.ge [sflag:s19], $0x1000  }
0x245: {  	[sflag:s19] =	ssyncset.done $0x0  }
0x246: {  	[sflag:s19] =	ssyncadd.s32 $0xFFFFF000  }
0x247: {  	_ =	swait.ge [sflag:s19], $0x1000  }
0x248: {  	[sflag:s19] =	ssyncset.done $0x0  }
0x249: {  	[sflag:s19] =	ssyncadd.s32 $0xFFFFF000  }
0x24a: {  	_ =	swait.ge [sflag:s19], $0x1000  }
0x24b: {  	[sflag:s19] =	ssyncset.done $0x0  }
0x24c: {  	[sflag:s19] =	ssyncadd.s32 $0xFFFFF000  }
0x24d: {  	[spmem:s2] =	stream.indirect.scatter.add.f32 [tilespmem:s10], [sflag:$0x2], $0x20, s0, s13, $0xb8;
	[tilespmem:$0x1CF00] =	vst v63  }
0x24e: {  	_ = 	snop  }
0x24f: {  	[spmem:s2] =	stream.indirect.scatter.add.f32 [tilespmem:s14], [sflag:$0x2], $0x20, s8, s13, $0xb8;
	[tilespmem:$0x1CF00] =	vst v63  }
0x250: {  	_ = 	snop  }
0x251: {  	[spmem:s2] =	stream.indirect.scatter.add.f32 [tilespmem:s16], [sflag:$0x2], $0x20, s22, s13, $0xb8;
	[tilespmem:$0x1CF00] =	vst v63  }
0x252: {  	_ = 	snop  }
0x253: {  	[spmem:s2] =	stream.indirect.scatter.add.f32 [tilespmem:s18], [sflag:$0x2], $0x20, s1, s13, $0xb8;
	[tilespmem:$0x1CF00] =	vst v63  }
0x254: {  	_ =	swait.ge [sflag:s26], $0x1000  }
0x255: {  	[sflag:s26] =	ssyncset.done $0x0  }
0x256: {  	[sflag:s26] =	ssyncadd.s32 $0xFFFFF000  }
0x257: {  	_ =	swait.ge [sflag:s26], $0x1000  }
0x258: {  	[sflag:s26] =	ssyncset.done $0x0  }
0x259: {  	[sflag:s26] =	ssyncadd.s32 $0xFFFFF000  }
0x25a: {  	_ =	swait.ge [sflag:s26], $0x1000  }
0x25b: {  	[sflag:s26] =	ssyncset.done $0x0  }
0x25c: {  	[sflag:s26] =	ssyncadd.s32 $0xFFFFF000  }
0x25d: {  	_ =	swait.ge [sflag:s26], $0x1000  }
0x25e: {  	s7 =	simm.s32 $0x100;
	s9 =	simm.s32 $0x80;
	[sflag:s26] =	ssyncset.done $0x0  }
.LBB2_14:
0x25f: {  	s15 =	sadd.s32 s9, s24  }
0x260: {  	[sflag:s26] =	ssyncadd.s32 $0xFFFFF000;
	s17 =	smov.u32 s7;
	s6 =	sadd.s32 $0x80, s7  }
0x261: {  	[tilespmem:s3], [sflag:$0x3] =	stream.linear.gather [hbm4b:s15+s3], $0x400, $0x38;
	[tilespmem:$0x1CF00] =	vst v63  }
0x262: {  	s15 =	simm.s32 $0x180  }
0x263: {  	p1 =	sne.s32 s7, $0x1800;
	_ =	swait.ge [sflag:s11], $0x400  }
0x264: {  	s7 =	sadd.s32 s9, s23;
	[sflag:s11] =	ssyncset.done $0x0  }
0x265: {  	s9 =	smov.u32 s17;
	s17 =	simm.s32 $0x100;
	[sflag:s11] =	ssyncadd.s32 $0xFFFFFC00  }
0x266: {  	[tilespmem:s12], [sflag:$0x3] =	stream.linear.gather [hbm4b:s7+s3], $0x400, $0x38;
	[tilespmem:$0x1CF00] =	vst v63  }
0x267: {  	_ =	swait.ge [sflag:s11], $0x400  }
0x268: {  	[sflag:s11] =	ssyncset.done $0x0  }
0x269: {  	[sflag:s11] =	ssyncadd.s32 $0xFFFFFC00  }
0x26a: {  	[tilespmem:s10], [sflag:$0x1] =	stream.indirect.gather [hbm4b:s5+s13], $0x20, s3, s13, $0xb8;
	[tilespmem:$0x1CF00] =	vst v63  }
0x26b: {  	_ = 	snop  }
0x26c: {  	[tilespmem:s14], [sflag:$0x1] =	stream.indirect.gather [hbm4b:s5+s13], $0x20, s13, s13, $0xb8;
	[tilespmem:$0x1CF00] =	vst v63  }
0x26d: {  	_ = 	snop  }
0x26e: {  	[tilespmem:s16], [sflag:$0x1] =	stream.indirect.gather [hbm4b:s5+s13], $0x20, s17, s13, $0xb8;
	[tilespmem:$0x1CF00] =	vst v63  }
0x26f: {  	_ = 	snop  }
0x270: {  	[tilespmem:s18], [sflag:$0x1] =	stream.indirect.gather [hbm4b:s5+s13], $0x20, s15, s13, $0xb8;
	[tilespmem:$0x1CF00] =	vst v63  }
0x271: {  	_ =	swait.ge [sflag:s19], $0x1000  }
0x272: {  	[sflag:s19] =	ssyncset.done $0x0  }
0x273: {  	[sflag:s19] =	ssyncadd.s32 $0xFFFFF000  }
0x274: {  	_ =	swait.ge [sflag:s19], $0x1000  }
0x275: {  	[sflag:s19] =	ssyncset.done $0x0  }
0x276: {  	[sflag:s19] =	ssyncadd.s32 $0xFFFFF000  }
0x277: {  	_ =	swait.ge [sflag:s19], $0x1000  }
0x278: {  	[sflag:s19] =	ssyncset.done $0x0  }
0x279: {  	[sflag:s19] =	ssyncadd.s32 $0xFFFFF000  }
0x27a: {  	_ =	swait.ge [sflag:s19], $0x1000  }
0x27b: {  	[sflag:s19] =	ssyncset.done $0x0  }
0x27c: {  	[sflag:s19] =	ssyncadd.s32 $0xFFFFF000  }
0x27d: {  	[spmem:s2] =	stream.indirect.scatter.add.f32 [tilespmem:s10], [sflag:$0x2], $0x20, s12, s13, $0xb8;
	[tilespmem:$0x1CF00] =	vst v63  }
0x27e: {  	_ = 	snop  }
0x27f: {  	[spmem:s2] =	stream.indirect.scatter.add.f32 [tilespmem:s14], [sflag:$0x2], $0x20, s20, s13, $0xb8;
	[tilespmem:$0x1CF00] =	vst v63  }
0x280: {  	_ = 	snop  }
0x281: {  	[spmem:s2] =	stream.indirect.scatter.add.f32 [tilespmem:s16], [sflag:$0x2], $0x20, s21, s13, $0xb8;
	[tilespmem:$0x1CF00] =	vst v63  }
0x282: {  	_ = 	snop  }
0x283: {  	[spmem:s2] =	stream.indirect.scatter.add.f32 [tilespmem:s18], [sflag:$0x2], $0x20, s25, s13, $0xb8;
	[tilespmem:$0x1CF00] =	vst v63  }
0x284: {  	_ =	swait.ge [sflag:s26], $0x1000  }
0x285: {  	[sflag:s26] =	ssyncset.done $0x0  }
0x286: {  	[sflag:s26] =	ssyncadd.s32 $0xFFFFF000  }
0x287: {  	_ =	swait.ge [sflag:s26], $0x1000  }
0x288: {  	[sflag:s26] =	ssyncset.done $0x0  }
0x289: {  	[sflag:s26] =	ssyncadd.s32 $0xFFFFF000  }
0x28a: {  	_ =	swait.ge [sflag:s26], $0x1000  }
0x28b: {  	[sflag:s26] =	ssyncset.done $0x0  }
0x28c: {  	[sflag:s26] =	ssyncadd.s32 $0xFFFFF000  }
0x28d: {  	_ =	swait.ge [sflag:s26], $0x1000  }
0x28e: {  	[sflag:s26] =	ssyncset.done $0x0  }
0x28f: {  	[sflag:s26] =	ssyncadd.s32 $0xFFFFF000  }
0x290: {  	[tilespmem:s10], [sflag:$0x1] =	stream.indirect.gather [hbm4b:s5+s13], $0x20, s28, s13, $0xb8;
	[tilespmem:$0x1CF00] =	vst v63  }
0x291: {  	_ = 	snop  }
0x292: {  	[tilespmem:s14], [sflag:$0x1] =	stream.indirect.gather [hbm4b:s5+s13], $0x20, s29, s13, $0xb8;
	[tilespmem:$0x1CF00] =	vst v63  }
0x293: {  	_ = 	snop  }
0x294: {  	[tilespmem:s16], [sflag:$0x1] =	stream.indirect.gather [hbm4b:s5+s13], $0x20, s30, s13, $0xb8;
	[tilespmem:$0x1CF00] =	vst v63  }
0x295: {  	_ = 	snop  }
0x296: {  	[tilespmem:s18], [sflag:$0x1] =	stream.indirect.gather [hbm4b:s5+s13], $0x20, s31, s13, $0xb8;
	[tilespmem:$0x1CF00] =	vst v63  }
0x297: {  	_ =	swait.ge [sflag:s19], $0x1000  }
0x298: {  	[sflag:s19] =	ssyncset.done $0x0  }
0x299: {  	[sflag:s19] =	ssyncadd.s32 $0xFFFFF000  }
0x29a: {  	_ =	swait.ge [sflag:s19], $0x1000  }
0x29b: {  	[sflag:s19] =	ssyncset.done $0x0  }
0x29c: {  	[sflag:s19] =	ssyncadd.s32 $0xFFFFF000  }
0x29d: {  	_ =	swait.ge [sflag:s19], $0x1000  }
0x29e: {  	[sflag:s19] =	ssyncset.done $0x0  }
0x29f: {  	[sflag:s19] =	ssyncadd.s32 $0xFFFFF000  }
0x2a0: {  	_ =	swait.ge [sflag:s19], $0x1000  }
0x2a1: {  	[sflag:s19] =	ssyncset.done $0x0  }
0x2a2: {  	[sflag:s19] =	ssyncadd.s32 $0xFFFFF000  }
0x2a3: {  	[spmem:s2] =	stream.indirect.scatter.add.f32 [tilespmem:s10], [sflag:$0x2], $0x20, s0, s13, $0xb8;
	[tilespmem:$0x1CF00] =	vst v63  }
0x2a4: {  	_ = 	snop  }
0x2a5: {  	[spmem:s2] =	stream.indirect.scatter.add.f32 [tilespmem:s14], [sflag:$0x2], $0x20, s8, s13, $0xb8;
	[tilespmem:$0x1CF00] =	vst v63  }
0x2a6: {  	_ = 	snop  }
0x2a7: {  	[spmem:s2] =	stream.indirect.scatter.add.f32 [tilespmem:s16], [sflag:$0x2], $0x20, s22, s13, $0xb8;
	[tilespmem:$0x1CF00] =	vst v63  }
0x2a8: {  	_ = 	snop  }
0x2a9: {  	[spmem:s2] =	stream.indirect.scatter.add.f32 [tilespmem:s18], [sflag:$0x2], $0x20, s1, s13, $0xb8;
	[tilespmem:$0x1CF00] =	vst v63  }
0x2aa: {  	_ =	swait.ge [sflag:s26], $0x1000  }
0x2ab: {  	[sflag:s26] =	ssyncset.done $0x0  }
0x2ac: {  	[sflag:s26] =	ssyncadd.s32 $0xFFFFF000  }
0x2ad: {  	_ =	swait.ge [sflag:s26], $0x1000  }
0x2ae: {  	[sflag:s26] =	ssyncset.done $0x0  }
0x2af: {  	[sflag:s26] =	ssyncadd.s32 $0xFFFFF000  }
.Ltmp9:
0x2b0: {  	_ =	swait.ge [sflag:s26], $0x1000;
	(pc) =	sbr.rel @p1 .LBB2_14-.Ltmp9, $4  }
0x2b1: {  	[sflag:s26] =	ssyncset.done $0x0  }
0x2b2: {  	[sflag:s26] =	ssyncadd.s32 $0xFFFFF000  }
0x2b3: {  	_ =	swait.ge [sflag:s26], $0x1000  }
0x2b4: {  	s7 =	smov.u32 s6;
	[sflag:s26] =	ssyncset.done $0x0  }
.Ltmp10:
0x2b5: {  	_ = 	snop;
	(pc) =	sbr.rel .LBB2_15-.Ltmp10, $1  }
0x2b6: {  	_ =	sdelay $0x3  }
.LBB2_17:
0x2b7: {  	_ =	sfence.sel $0x180000  }
0x2b8: {  	[bflag:$0x0] =	sbarrier.arrive $0xFFFF  }
0x2b9: {  	_ =	strace $0x9000004A  }
0x2ba: {  	s0 =	stileid.u32;
	[bflag:$0x2] =	sbarrier.arrive $0xFFFF  }
0x2bb: {  	p0 =	sne.s32 s0, $0x0;
	s0 =	rddreg [dreg:$0x2]  }
0x2bc: {  	s0 =	sadd.s32 @!p0 $0x100000, s0  }
0x2bd: {  	[sflag:s0] =	ssyncadd.tile.s32 @!p0 $0x1;
	_ =	shalt  }
.Lfunc_end2:
_tile_overlayer_lowered:
.L_overlay_start_2:
0x2be: {  	(tag) =	ssettag $0x2  }
0x2bf: {  	s0 =	rddreg [dreg:$0x0];
	s2 =	stileid.u32  }
0x2c0: {  	s1 =	rddreg [dreg:$0x1];
	p0 =	sne.s32 s2, $0x0  }
0x2c1: {  	s3 =	rddreg [dreg:$0x2];
	[bflag:$0x3] =	sbarrier.arrive $0xFFFF;
	s2 =	simm.s32 @!p0 $0x1C03  }
0x2c2: {  	[timem:s3], [sflag:s2] =	dma.local @!p0 [hbm:s0], s1  }
0x2c3: {  	s0 =	simm.s32 @!p0 $0x3  }
0x2c4: {  	_ =	swait.ge @!p0 [sflag:s0], s1  }
0x2c5: {  	s1 =	ssub.s32 @!p0 $0x0, s1;
	[sflag:s0] =	ssyncset.done @!p0 $0x0  }
0x2c6: {  	[sflag:s0] =	ssyncadd.s32 @!p0 s1  }
0x2c7: {  	[bflag:$0x3] =	sbarrier.arrive $0xFFFF  }
0x2c8: {  	_ =	shalt  }

// kernel: kernel.14.cloned.1.call-start
scs
__scs_entry_jumppad:
0x0: {  	(pc) =	sbr.rel $0x88, $3  }
0x1: {  	(tag) =	ssettag $0x0;
	lr =	simm.s32 $0x1  }
0x2: {  	[smem:$0x3F8E] =	sst lr;
	_ =	strace $0xD0000000  }
0x3: {  	_ = 	snop  }
0x4: {  	_ = 	snop  }
0x5: {  	_ = 	snop  }
0x6: {  	_ = 	snop  }
0x7: {  	_ = 	snop  }
__scs_overlays_trampoline_lowered:
0x8: {  	[smem:$0x3F9D] =	sst s0  }
0x9: {  	[smem:$0x3F9E] =	sst s1  }
0xa: {  	[smem:$0x3F9F] =	sst s2  }
0xb: {  	[smem:$0x3FA0] =	sst s3  }
0xc: {  	[smem:$0x3FA1] =	sst s4  }
0xd: {  	[smem:$0x3FA2] =	sst s5  }
0xe: {  	[smem:$0x3FA3] =	sst s6  }
0xf: {  	[smem:$0x3FA4] =	sst s7  }
0x10: {  	[smem:$0x3FA5] =	sst s8  }
0x11: {  	[smem:$0x3FA6] =	sst s9;
	s0 =	simm.s32 @!p0 $0x0  }
0x12: {  	s1 =	sld [smem:$0x3F8C];
	s0 =	simm.s32 @p0 $0x1  }
0x13: {  	[smem:$0x3FA7] =	sst s0;
	s0 =	simm.s32 @!p1 $0x0  }
0x14: {  	s2 =	sld [smem:$0x3F8B];
	s0 =	simm.s32 @p1 $0x1  }
0x15: {  	[smem:$0x3FA8] =	sst s0;
	s0 =	simm.s32 @!p2 $0x0  }
0x16: {  	s3 =	sld [smem:$0x3FDB];
	s0 =	simm.s32 @p2 $0x1  }
0x17: {  	s4 =	simm.s32 $0x1BF5;
	[smem:$0x3FAA] =	sst s0  }
0x18: {  	s0 =	sld [smem:$0x3F8D];
	_ =	swait.ge [sflag:s4], $0x0  }
0x19: {  	s7 =	sld [smem:$0x3F8E]  }
0x1a: {  	s8 =	sadd.s32 $0xFFFFE003, lr  }
0x1b: {  	s9 =	sadd.s32 $0xFFFFFEF7, lr;
	s5 =	simm.s32 $0xFFFFFFFF;
	p2 =	slt.u32 s8, $0xFFFFF086  }
0x1c: {  	p1 =	slt.u32 s9, $0xF7A;
	s5 =	simm.s32 @!p2 $0x0  }
0x1d: {  	s5 =	simm.s32 @p1 $0x1;
	p0 =	seq.s32 s7, s2  }
0x1e: {  	s7 =	smul.u32 @!p0 $0xF7A, s2;
	p2 =	seq.s32 @!p0 s5, $0x0  }
0x1f: {  	s9 =	smul.u32 $0xF7A, s1;
	s8 =	simm.s32 @!p0 $0x1BF5;
	p2 =	por !p2, p0  }
0x20: {  	[sflag:s8] =	ssyncset.s32 @!p0 $0xFFFFF086;
	s6 =	sadd.s32 @!p0 s3, s7;
	s7 =	simm.s32 @!p0 $0x108  }
0x21: {  	s3 =	sadd.s32 s3, s9;
	s6 =	sadd.s32 @!p0 $0x88, s6;
	s7 =	simm.s32 @p2 $0x1082  }
0x22: {  	[simem:s7], [sflag:s8] =	dma.local @!p0 [hbm:s6], $0xF7A  }
0x23: {  	s9 =	sor.u32 $0xD0000000, s2;
	s6 =	simm.s32 $0x108;
	_ =	swait.ge @!p0 [sflag:s8], $0x0  }
0x24: {  	s3 =	sadd.s32 $0x88, s3;
	s6 =	simm.s32 @!p1 $0x1082;
	[sflag:s4] =	ssyncset.s32 $0xFFFFF086  }
0x25: {  	[simem:s6], [sflag:s4] =	dma.local [hbm:s3], $0xF7A  }
0x26: {  	[smem:$0x3F8E] =	sst s1;
	(tag) =	ssettag s2;
	_ =	strace s9  }
0x27: {  	s1 =	sld [smem:$0x3F9E]  }
0x28: {  	s2 =	sld [smem:$0x3F9F]  }
0x29: {  	s4 =	sld [smem:$0x3FA1]  }
0x2a: {  	p0 =	seq.s32 s5, $0x0;
	s5 =	sld [smem:$0x3FA2]  }
0x2b: {  	s6 =	sld [smem:$0x3FA3]  }
0x2c: {  	s7 =	sld [smem:$0x3FA4]  }
0x2d: {  	s3 =	simm.s32 $0x108;
	s8 =	sld [smem:$0x3FA5]  }
0x2e: {  	s3 =	simm.s32 @!p0 $0x1082;
	s9 =	sld [smem:$0x3FA6]  }
0x2f: {  	lr =	sadd.s32 s0, s3;
	s0 =	sld [smem:$0x3F9D]  }
0x30: {  	s3 =	sld [smem:$0x3FA0]  }
0x31: {  	[smem:$0x3FA9] =	sst s10  }
0x32: {  	s10 =	sld [smem:$0x3FA7];
	_ =	sdelay $0x3  }
0x33: {  	p0 =	seq.s32 s10, $0x1;
	s10 =	sld [smem:$0x3FA9];
	_ =	sdelay $0x3  }
0x34: {  	[smem:$0x3FA9] =	sst s10  }
0x35: {  	s10 =	sld [smem:$0x3FA8];
	_ =	sdelay $0x3  }
0x36: {  	p1 =	seq.s32 s10, $0x1;
	s10 =	sld [smem:$0x3FA9];
	_ =	sdelay $0x3  }
0x37: {  	[smem:$0x3FA9] =	sst s10  }
0x38: {  	s10 =	sld [smem:$0x3FAA]  }
0x39: {  	_ = 	snop;
	(pc) =	sbr.ind lr, $3  }
0x3a: {  	_ = 	snop  }
0x3b: {  	_ = 	snop  }
0x3c: {  	p2 =	seq.s32 s10, $0x1;
	s10 =	sld [smem:$0x3FA9]  }
0x3d: {  	_ =	shalt  }
0x3e: {  	_ =	shalt  }
0x3f: {  	_ =	shalt  }
0x40: {  	_ =	shalt  }
0x41: {  	_ =	shalt  }
0x42: {  	_ =	shalt  }
0x43: {  	_ =	shalt  }
0x44: {  	_ =	shalt  }
0x45: {  	_ =	shalt  }
0x46: {  	_ =	shalt  }
0x47: {  	_ =	shalt  }
0x48: {  	_ =	shalt  }
0x49: {  	_ =	shalt  }
0x4a: {  	_ =	shalt  }
0x4b: {  	_ =	shalt  }
0x4c: {  	_ =	shalt  }
0x4d: {  	_ =	shalt  }
0x4e: {  	_ =	shalt  }
0x4f: {  	_ =	shalt  }
0x50: {  	_ =	shalt  }
0x51: {  	_ =	shalt  }
0x52: {  	_ =	shalt  }
0x53: {  	_ =	shalt  }
0x54: {  	_ =	shalt  }
0x55: {  	_ =	shalt  }
0x56: {  	_ =	shalt  }
0x57: {  	_ =	shalt  }
0x58: {  	_ =	shalt  }
0x59: {  	_ =	shalt  }
0x5a: {  	_ =	shalt  }
0x5b: {  	_ =	shalt  }
0x5c: {  	_ =	shalt  }
0x5d: {  	_ =	shalt  }
0x5e: {  	_ =	shalt  }
0x5f: {  	_ =	shalt  }
0x60: {  	_ =	shalt  }
0x61: {  	_ =	shalt  }
0x62: {  	_ =	shalt  }
0x63: {  	_ =	shalt  }
0x64: {  	_ =	shalt  }
0x65: {  	_ =	shalt  }
0x66: {  	_ =	shalt  }
0x67: {  	_ =	shalt  }
0x68: {  	_ =	shalt  }
0x69: {  	_ =	shalt  }
0x6a: {  	_ =	shalt  }
0x6b: {  	_ =	shalt  }
0x6c: {  	_ =	shalt  }
0x6d: {  	_ =	shalt  }
0x6e: {  	_ =	shalt  }
0x6f: {  	_ =	shalt  }
0x70: {  	_ =	shalt  }
0x71: {  	_ =	shalt  }
0x72: {  	_ =	shalt  }
0x73: {  	_ =	shalt  }
0x74: {  	_ =	shalt  }
0x75: {  	_ =	shalt  }
0x76: {  	_ =	shalt  }
0x77: {  	_ =	shalt  }
0x78: {  	_ =	shalt  }
0x79: {  	_ =	shalt  }
0x7a: {  	_ =	shalt  }
0x7b: {  	_ =	shalt  }
0x7c: {  	_ =	shalt  }
0x7d: {  	_ =	shalt  }
0x7e: {  	_ =	shalt  }
0x7f: {  	_ =	shalt  }
0x80: {  	_ =	shalt  }
0x81: {  	_ =	shalt  }
0x82: {  	_ =	shalt  }
0x83: {  	_ =	shalt  }
0x84: {  	_ =	shalt  }
0x85: {  	_ =	shalt  }
0x86: {  	_ =	shalt  }
0x87: {  	_ =	shalt  }
.Lfunc_end0:
.L_simem_size_0:
called_computation.2_lowered:
.L_overlay_start_0:
0x88: {  	s2 =	sld [smem:$0x3FD9]  }
0x89: {  	s3 =	sld [smem:$0x3FFE];
	_ =	sdelay $0x1  }
0x8a: {  	s1 =	srdreg.scid  }
0x8b: {  	s0 =	sand.u32 $0x1, s1  }
0x8c: {  	s16 =	sshll.u32 s0, $0xA;
	s2 =	sadd.s32 s3, s2  }
0x8d: {  	s2 =	sadd.s32 s2, s16  }
0x8e: {  	[smem:$0x3FB5] =	sst s2  }
0x8f: {  	_ = 	snop  }
0x90: {  	(tm) =	ssettm $0x1  }
0x91: {  	s17 =	sld [smem:$0x3FFB];
	_ =	sdelay $0x3  }
0x92: {  	_ =	strace s17  }
0x93: {  	s2 =	sld [smem:$0x3FFC];
	_ =	sdelay $0x3  }
0x94: {  	_ =	strace s2  }
0x95: {  	s2 =	sld [smem:$0x3FFD];
	_ =	sdelay $0x3  }
0x96: {  	_ =	strace s2  }
0x97: {  	_ =	strace $0x8FFFFFFF  }
0x98: {  	s18 =	sld [smem:$0x3FDB];
	_ =	sdelay $0x1  }
0x99: {  	s19 =	simm.s32 $_scs_section_size  }
0x9a: {  	s4 =	simm.s32 $_size__tile_overlayer_lowered;
	s5 =	simm.s32 $_tile_overlayer_lowered  }
0x9b: {  	s22 =	simm.s32 $0x1BFF;
	s21 =	sshll.u32 s5, $0x1;
	s2 =	sadd.s32 s19, s18  }
0x9c: {  	s6 =	simm.s32 $0x0;
	s20 =	sshll.u32 s4, $0x1;
	s4 =	sadd.s32 s21, s2  }
0x9d: {  	[timem:s6], [sflag:s22] =	dma.local [hbm:s4], s20  }
0x9e: {  	_ =	swait.ge [sflag:s22], s20  }
0x9f: {  	s3 =	ssub.s32 $0x0, s20;
	[sflag:s22] =	ssyncset.done $0x0  }
0xa0: {  	[sflag:s22] =	ssyncadd.s32 s3;
	_ =	sdelay $0x1  }
0xa1: {  	s23 =	simm.s32 $0x1B8B  }
0xa2: {  	_ =	swait.ge [sflag:s23], $0x1  }
0xa3: {  	[sflag:s23] =	ssyncset.done $0x0  }
0xa4: {  	s25 =	simm.s32 $0x1B8E;
	s24 =	sld [smem:$0x3FFE];
	[sflag:s23] =	ssyncadd.s32 $0xFFFFFFFF  }
0xa5: {  	s26 =	simm.s32 $execute0_lowered;
	[smem:$0x3FD2] =	sst s25  }
0xa6: {  	s4 =	sshll.u32 s26, $0x1;
	_ =	strace $0x8000004C;
	[dreg:$0x1] =	wrdreg $0xFFFFFFFF  }
0xa7: {  	s28 =	simm.s32 $_size_execute0_lowered;
	s2 =	sadd.s32 s2, s4;
	[dreg:$0x0] =	wrdreg $0x0  }
0xa8: {  	s4 =	sshll.u32 s28, $0x1;
	[dreg:$0x2] =	wrdreg s2  }
0xa9: {  	[dreg:$0x3] =	wrdreg s4  }
0xaa: {  	[dreg:$0x4] =	wrdreg $0xC0  }
0xab: {  	_ =	task [dreg:s6], $0x5FFFF  }
0xac: {  	[dreg:$0x1] =	wrdreg $0xFFFFFFFF  }
0xad: {  	[dreg:$0x0] =	wrdreg $0x60  }
0xae: {  	[dreg:$0x2] =	wrdreg s24  }
0xaf: {  	[dreg:$0x3] =	wrdreg $0x48000  }
0xb0: {  	[dreg:$0x4] =	wrdreg $0x9  }
0xb1: {  	_ =	task.clear_ibuf [dreg:s6], $0x5FFFF;
	_ =	strace $0x9000004C  }
0xb2: {  	s29 =	simm.s32 $0x9;
	_ =	strace $0x8000004E  }
0xb3: {  	_ =	swait.ge [sflag:s29], $0x1  }
0xb4: {  	[sflag:s29] =	ssyncadd.s32 $0xFFFFFFFF  }
0xb5: {  	_ =	strace $0x9000004E  }
0xb6: {  	_ =	sfence  }
0xb7: {  	s30 =	sld [smem:$0x0];
	_ =	sdelay $0x2  }
0xb8: {  	s31 =	sshll.u32 s1, $0xD;
	s1 =	sshrl.u32 s1, $0x2  }
0xb9: {  	s3 =	sand.u32 $0x4000, s31;
	s1 =	sadd.s32 s1, s30  }
0xba: {  	s0 =	sor.u32 s3, s0;
	s1 =	sshll.u32 s1, $0x11  }
0xbb: {  	s0 =	sor.u32 s1, s0  }
0xbc: {  	s0 =	sadd.s32 $0x8F2B, s0  }
0xbd: {  	[sflag:s0] =	ssyncadd.remote.s32 $0x1  }
0xbe: {  	_ =	sfence.sel $0xFFFF  }
0xbf: {  	[dreg:$0x0] =	wrdreg $0xFFFFFFFF;
	(pc) =	sbr.abs _section_cstart, $3  }
0xc0: {  	[dreg:$0x1] =	wrdreg $0xFFFFFFFF  }
0xc1: {  	_ =	task.clear_ibuf [dreg:s6], $0x2FFFF;
	_ =	strace $0x9FFFFFFF  }
0xc2: {  	(tm) =	ssettm $0x7FFFFFFF  }
0xc3: {  	_ =	shalt  }
tec
execute0_lowered:
.L_overlay_start_1:
0x0: {  	(tag) =	ssettag $0x1  }
0x1: {  	s0 =	rddreg [dreg:$0x0]  }
0x2: {  	s2 =	rddreg [dreg:$0x1]  }
0x3: {  	s4 =	stileid.u32;
	s7 =	srdreg.scid  }
0x4: {  	s3 =	simm.s32 $0x0;
	s6 =	smul.u32 $0x18700, s4;
	s7 =	sand.u32 $0x1, s7  }
0x5: {  	[smem:$0x7FF] =	sst s3;
	s8 =	smul.u32 $0x61C00, s4;
	s10 =	ssub.s32 $0x2, s7  }
0x6: {  	s9 =	sshrl.u32 s6, $0x3;
	s12 =	sshrl.u32 s10, $0x1;
	s6 =	sadd.s32 s6, s2  }
0x7: {  	s8 =	sshrl.u32 s8, $0x2;
	s14 =	ssub.s32 s10, s12;
	s12 =	sshrl.u32 s6, $0x3  }
0x8: {  	_ =	strace $0x8000004D;
	s13 =	sadd.s32 s8, s2;
	[dreg:$0x14] =	wrdreg s12  }
0x9: {  	s11 =	sadd.s32 s9, s0;
	s15 =	sadd.s32 $0x18000, s13;
	[dreg:$0x3] =	wrdreg s13  }
0xa: {  	s16 =	sadd.s32 $0x159C00, s11;
	[dreg:$0x4] =	wrdreg s15  }
0xb: {  	s8 =	smax.u32 s14, $0x1;
	[dreg:$0x5] =	wrdreg s16  }
0xc: {  	s17 =	sadd.s32 $0x1000, s13;
	[dreg:$0x6] =	wrdreg s8  }
0xd: {  	s18 =	sadd.s32 $0x2000, s13;
	[dreg:$0x7] =	wrdreg s17  }
0xe: {  	s19 =	sadd.s32 $0x3000, s13;
	[dreg:$0x8] =	wrdreg s18  }
0xf: {  	s20 =	sadd.s32 $0x4000, s13;
	[dreg:$0x9] =	wrdreg s19  }
0x10: {  	s28 =	simm.s32 $0x200;
	s21 =	sadd.s32 $0x5000, s13;
	[dreg:$0xa] =	wrdreg s20  }
0x11: {  	s29 =	simm.s32 $0x280;
	s22 =	sadd.s32 $0x6000, s13;
	[dreg:$0xb] =	wrdreg s21  }
0x12: {  	s30 =	simm.s32 $0x300;
	s23 =	sadd.s32 $0x7000, s13;
	[dreg:$0xc] =	wrdreg s22  }
0x13: {  	s1 =	smul.u32 $0x1880, s4;
	s24 =	sadd.s32 $0x8000, s13;
	[dreg:$0xd] =	wrdreg s23  }
0x14: {  	s4 =	sadd.s32 $0x128E00, s0;
	s25 =	sadd.s32 $0x9000, s13;
	[dreg:$0xe] =	wrdreg s24  }
0x15: {  	s5 =	sadd.s32 $0xF8000, s0;
	s26 =	sadd.s32 $0xA000, s13;
	[dreg:$0xf] =	wrdreg s25  }
0x16: {  	s1 =	sadd.s32 s1, s0;
	s10 =	sadd.s32 $0xB000, s13;
	[dreg:$0x10] =	wrdreg s26  }
0x17: {  	s0 =	sadd.s32 $0x18AA00, s0;
	s11 =	sadd.s32 $0xC000, s13;
	[dreg:$0x11] =	wrdreg s10  }
0x18: {  	s31 =	simm.s32 $0x380;
	s0 =	sadd.s32 s9, s0;
	[dreg:$0x12] =	wrdreg s11  }
0x19: {  	p0 =	sne.s32 s7, $0x0;
	s14 =	sadd.s32 $0xD000, s13;
	[dreg:$0x13] =	wrdreg s0  }
0x1a: {  	s12 =	simm.s32 $0x400;
	[dreg:$0x15] =	wrdreg s14;
	s15 =	sadd.s32 $0xE000, s13  }
0x1b: {  	s23 =	sadd.s32 $0x1C200, s1;
	s16 =	sadd.s32 $0xF000, s13;
	[dreg:$0x16] =	wrdreg s15  }
0x1c: {  	s24 =	sadd.s32 $0x3A00, s1;
	s17 =	sadd.s32 $0x10000, s13;
	[dreg:$0x17] =	wrdreg s16  }
0x1d: {  	s18 =	sadd.s32 $0x11000, s13;
	s19 =	sadd.s32 $0x12000, s13;
	[dreg:$0x18] =	wrdreg s17  }
0x1e: {  	s20 =	sadd.s32 $0x13000, s13;
	s21 =	sadd.s32 $0x14000, s13;
	[dreg:$0x19] =	wrdreg s18  }
0x1f: {  	s22 =	sadd.s32 $0x15000, s13;
	s25 =	sadd.s32 $0x16000, s13;
	[dreg:$0x1a] =	wrdreg s19  }
0x20: {  	s26 =	sadd.s32 $0x17000, s13;
	s10 =	simm.s32 $0x800;
	[dreg:$0x1b] =	wrdreg s20  }
0x21: {  	s11 =	simm.s32 $0x3;
	s13 =	simm.s32 $0x80;
	[dreg:$0x1c] =	wrdreg s21  }
0x22: {  	s14 =	simm.s32 $0x1800;
	s0 =	simm.s32 $0x600;
	[dreg:$0x1d] =	wrdreg s22  }
.Ltmp0:
0x23: {  	s8 =	simm.s32 $0x680;
	[dreg:$0x1e] =	wrdreg s25;
	(pc) =	sbr.rel .LBB2_1-.Ltmp0, $4  }
0x24: {  	s1 =	simm.s32 $0x780;
	[dreg:$0x1f] =	wrdreg s26;
	s17 =	simm.s32 $0x100  }
0x25: {  	s16 =	simm.s32 $0x2800;
	s18 =	simm.s32 $0x3800;
	s19 =	simm.s32 $0x1  }
0x26: {  	s20 =	simm.s32 $0x480;
	s21 =	simm.s32 $0x500;
	s25 =	simm.s32 $0x580  }
0x27: {  	v0 =	vimm.f32 $0.0e+00;
	s26 =	simm.s32 $0x2;
	s22 =	simm.s32 $0x700;
	s15 =	simm.s32 $0x0  }
.LBB2_15:
0x28: {  	s6 =	sadd.s32 s9, s24;
	[sflag:s26] =	ssyncadd.s32 $0xFFFFF000  }
0x29: {  	[tilespmem:s3], [sflag:$0x3] =	stream.linear.gather [hbm4b:s6+s3], $0x400, $0x38;
	[tilespmem:$0x1CF00] =	vst v63  }
0x2a: {  	_ =	swait.ge [sflag:s11], $0x400  }
0x2b: {  	[sflag:s11] =	ssyncset.done $0x0  }
0x2c: {  	s9 =	sadd.s32 s9, s23;
	[sflag:s11] =	ssyncadd.s32 $0xFFFFFC00  }
0x2d: {  	[tilespmem:s12], [sflag:$0x3] =	stream.linear.gather [hbm4b:s9+s3], $0x400, $0x38;
	[tilespmem:$0x1CF00] =	vst v63  }
0x2e: {  	_ =	swait.ge [sflag:s11], $0x400  }
0x2f: {  	[sflag:s11] =	ssyncset.done $0x0  }
0x30: {  	[sflag:s11] =	ssyncadd.s32 $0xFFFFFC00  }
0x31: {  	[tilespmem:s10], [sflag:$0x1] =	stream.indirect.gather [hbm4b:s5+s13], $0x20, s3, s13, $0xb8;
	[tilespmem:$0x1CF00] =	vst v63  }
0x32: {  	_ = 	snop  }
0x33: {  	[tilespmem:s14], [sflag:$0x1] =	stream.indirect.gather [hbm4b:s5+s13], $0x20, s13, s13, $0xb8;
	[tilespmem:$0x1CF00] =	vst v63  }
0x34: {  	_ = 	snop  }
0x35: {  	[tilespmem:s16], [sflag:$0x1] =	stream.indirect.gather [hbm4b:s5+s13], $0x20, s17, s13, $0xb8;
	[tilespmem:$0x1CF00] =	vst v63  }
0x36: {  	_ = 	snop  }
0x37: {  	[tilespmem:s18], [sflag:$0x1] =	stream.indirect.gather [hbm4b:s5+s13], $0x20, s15, s13, $0xb8;
	[tilespmem:$0x1CF00] =	vst v63  }
0x38: {  	_ =	swait.ge [sflag:s19], $0x1000  }
0x39: {  	[sflag:s19] =	ssyncset.done $0x0  }
0x3a: {  	[sflag:s19] =	ssyncadd.s32 $0xFFFFF000  }
0x3b: {  	_ =	swait.ge [sflag:s19], $0x1000  }
0x3c: {  	[sflag:s19] =	ssyncset.done $0x0  }
0x3d: {  	[sflag:s19] =	ssyncadd.s32 $0xFFFFF000  }
0x3e: {  	_ =	swait.ge [sflag:s19], $0x1000  }
0x3f: {  	[sflag:s19] =	ssyncset.done $0x0  }
0x40: {  	[sflag:s19] =	ssyncadd.s32 $0xFFFFF000  }
0x41: {  	_ =	swait.ge [sflag:s19], $0x1000  }
0x42: {  	[sflag:s19] =	ssyncset.done $0x0  }
0x43: {  	[sflag:s19] =	ssyncadd.s32 $0xFFFFF000  }
0x44: {  	[spmem:s2] =	stream.indirect.scatter.add.f32 [tilespmem:s10], [sflag:$0x2], $0x20, s12, s13, $0xb8;
	[tilespmem:$0x1CF00] =	vst v63  }
0x45: {  	_ = 	snop  }
0x46: {  	[spmem:s2] =	stream.indirect.scatter.add.f32 [tilespmem:s14], [sflag:$0x2], $0x20, s20, s13, $0xb8;
	[tilespmem:$0x1CF00] =	vst v63  }
0x47: {  	_ = 	snop  }
0x48: {  	[spmem:s2] =	stream.indirect.scatter.add.f32 [tilespmem:s16], [sflag:$0x2], $0x20, s21, s13, $0xb8;
	[tilespmem:$0x1CF00] =	vst v63  }
0x49: {  	_ = 	snop  }
0x4a: {  	[spmem:s2] =	stream.indirect.scatter.add.f32 [tilespmem:s18], [sflag:$0x2], $0x20, s25, s13, $0xb8;
	[tilespmem:$0x1CF00] =	vst v63  }
0x4b: {  	_ =	swait.ge [sflag:s26], $0x1000  }
0x4c: {  	[sflag:s26] =	ssyncset.done $0x0  }
0x4d: {  	[sflag:s26] =	ssyncadd.s32 $0xFFFFF000  }
0x4e: {  	_ =	swait.ge [sflag:s26], $0x1000  }
0x4f: {  	[sflag:s26] =	ssyncset.done $0x0  }
0x50: {  	[sflag:s26] =	ssyncadd.s32 $0xFFFFF000  }
0x51: {  	_ =	swait.ge [sflag:s26], $0x1000  }
0x52: {  	[sflag:s26] =	ssyncset.done $0x0  }
0x53: {  	[sflag:s26] =	ssyncadd.s32 $0xFFFFF000  }
0x54: {  	_ =	swait.ge [sflag:s26], $0x1000  }
0x55: {  	[sflag:s26] =	ssyncset.done $0x0  }
0x56: {  	[sflag:s26] =	ssyncadd.s32 $0xFFFFF000  }
0x57: {  	[tilespmem:s10], [sflag:$0x1] =	stream.indirect.gather [hbm4b:s5+s13], $0x20, s28, s13, $0xb8;
	[tilespmem:$0x1CF00] =	vst v63  }
0x58: {  	_ = 	snop  }
0x59: {  	[tilespmem:s14], [sflag:$0x1] =	stream.indirect.gather [hbm4b:s5+s13], $0x20, s29, s13, $0xb8;
	[tilespmem:$0x1CF00] =	vst v63  }
0x5a: {  	_ = 	snop  }
0x5b: {  	[tilespmem:s16], [sflag:$0x1] =	stream.indirect.gather [hbm4b:s5+s13], $0x20, s30, s13, $0xb8;
	[tilespmem:$0x1CF00] =	vst v63  }
0x5c: {  	_ = 	snop  }
0x5d: {  	[tilespmem:s18], [sflag:$0x1] =	stream.indirect.gather [hbm4b:s5+s13], $0x20, s31, s13, $0xb8;
	[tilespmem:$0x1CF00] =	vst v63  }
0x5e: {  	_ =	swait.ge [sflag:s19], $0x1000  }
0x5f: {  	[sflag:s19] =	ssyncset.done $0x0  }
0x60: {  	[sflag:s19] =	ssyncadd.s32 $0xFFFFF000  }
0x61: {  	_ =	swait.ge [sflag:s19], $0x1000  }
0x62: {  	[sflag:s19] =	ssyncset.done $0x0  }
0x63: {  	[sflag:s19] =	ssyncadd.s32 $0xFFFFF000  }
0x64: {  	_ =	swait.ge [sflag:s19], $0x1000  }
0x65: {  	[sflag:s19] =	ssyncset.done $0x0  }
0x66: {  	[sflag:s19] =	ssyncadd.s32 $0xFFFFF000  }
0x67: {  	_ =	swait.ge [sflag:s19], $0x1000  }
0x68: {  	[sflag:s19] =	ssyncset.done $0x0  }
0x69: {  	[sflag:s19] =	ssyncadd.s32 $0xFFFFF000  }
0x6a: {  	[spmem:s2] =	stream.indirect.scatter.add.f32 [tilespmem:s10], [sflag:$0x2], $0x20, s0, s13, $0xb8;
	[tilespmem:$0x1CF00] =	vst v63  }
0x6b: {  	_ = 	snop  }
0x6c: {  	[spmem:s2] =	stream.indirect.scatter.add.f32 [tilespmem:s14], [sflag:$0x2], $0x20, s8, s13, $0xb8;
	[tilespmem:$0x1CF00] =	vst v63  }
0x6d: {  	_ = 	snop  }
0x6e: {  	[spmem:s2] =	stream.indirect.scatter.add.f32 [tilespmem:s16], [sflag:$0x2], $0x20, s22, s13, $0xb8;
	[tilespmem:$0x1CF00] =	vst v63  }
0x6f: {  	_ = 	snop  }
0x70: {  	[spmem:s2] =	stream.indirect.scatter.add.f32 [tilespmem:s18], [sflag:$0x2], $0x20, s1, s13, $0xb8;
	[tilespmem:$0x1CF00] =	vst v63  }
0x71: {  	_ =	swait.ge [sflag:s26], $0x1000  }
0x72: {  	[sflag:s26] =	ssyncset.done $0x0  }
0x73: {  	[sflag:s26] =	ssyncadd.s32 $0xFFFFF000  }
0x74: {  	_ =	swait.ge [sflag:s26], $0x1000  }
0x75: {  	[sflag:s26] =	ssyncset.done $0x0  }
0x76: {  	[sflag:s26] =	ssyncadd.s32 $0xFFFFF000  }
0x77: {  	_ =	swait.ge [sflag:s26], $0x1000  }
0x78: {  	[sflag:s26] =	ssyncset.done $0x0  }
0x79: {  	[sflag:s26] =	ssyncadd.s32 $0xFFFFF000  }
0x7a: {  	_ =	swait.ge [sflag:s26], $0x1000  }
0x7b: {  	[sflag:s26] =	ssyncset.done $0x0  }
0x7c: {  	[sflag:s26] =	ssyncadd.s32 $0xFFFFF000  }
0x7d: {  	[bflag:$0x0] =	sbarrier.arrive $0xFFFF  }
0x7e: {  	s6 =	rddreg [dreg:$0x13]  }
0x7f: {  	s15 =	sld [smem:$0x7FD]  }
.LBB2_16:
0x80: {  	s7 =	stileid.u32  }
0x81: {  	s7 =	sshll.u32 s7, $0x6  }
0x82: {  	s9 =	rddreg [dreg:$0x14];
	s7 =	sor.u32 $0x1C03, s7  }
0x83: {  	[hbm:s6], [sflag:s7] =	dma.local [spmem:s9], $0x30E0  }
0x84: {  	_ =	swait.ge [sflag:s11], $0x30E0  }
0x85: {  	s15 =	sadd.s32 $0x1, s15;
	s9 =	rddreg [dreg:$0x6]  }
0x86: {  	p1 =	sne.s32 s15, s9  }
.Ltmp1:
0x87: {  	_ = 	snop;
	(pc) =	sbr.rel @!p1 .LBB2_17-.Ltmp1, $3  }
0x88: {  	_ =	sdelay $0x1  }
0x89: {  	[sflag:s11] =	ssyncset.done $0x0  }
0x8a: {  	[sflag:s11] =	ssyncadd.s32 $0xFFFFCF20  }
.LBB2_1:
0x8b: {  	[smem:$0x7FD] =	sst s15;
	s6 =	simm.s32 $0x80;
	s9 =	simm.s32 $0x0  }
.LBB2_2:
0x8c: {  	p1 =	sne.s32 s6, $0x3F80;
	[tilespmem:s9+$0x800] =	vst v0;
	s7 =	smov.u32 s6;
	s6 =	sadd.s32 $0x80, s6  }
.Ltmp2:
0x8d: {  	[tilespmem:s9+$0x810] =	vst v0;
	(pc) =	sbr.rel @p1 .LBB2_2-.Ltmp2, $2  }
0x8e: {  	_ =	sdelay $0x2  }
0x8f: {  	s9 =	sshra.s32 s7, $0x2  }
0x90: {  	[tilespmem:s9+$0x800] =	vst v0  }
0x91: {  	s6 =	simm.s32 $0x0;
	[tilespmem:s9+$0x810] =	vst v0;
	s9 =	simm.s32 $0x80;
	s7 =	simm.s32 $0x0  }
.LBB2_4:
0x92: {  	p1 =	sne.s32 s9, $0x3F80;
	[tilespmem:s7+$0x1800] =	vst v0;
	s15 =	smov.u32 s9;
	s9 =	sadd.s32 $0x80, s9  }
.Ltmp3:
0x93: {  	[tilespmem:s7+$0x1810] =	vst v0;
	(pc) =	sbr.rel @p1 .LBB2_4-.Ltmp3, $2  }
0x94: {  	_ =	sdelay $0x2  }
0x95: {  	s7 =	sshra.s32 s15, $0x2  }
0x96: {  	[tilespmem:s7+$0x1800] =	vst v0  }
0x97: {  	[tilespmem:s7+$0x1810] =	vst v0  }
.LBB2_6:
0x98: {  	p1 =	sne.s32 s6, $0x3F80  }
.Ltmp4:
0x99: {  	_ = 	snop;
	(pc) =	sbr.rel @p1 .LBB2_6-.Ltmp4, $4  }
0x9a: {  	_ = 	snop  }
0x9b: {  	s7 =	sshra.s32 s6, $0x2  }
0x9c: {  	[tilespmem:s7+$0x2800] =	vst v0  }
0x9d: {  	s6 =	sadd.s32 $0x80, s6;
	[tilespmem:s7+$0x2810] =	vst v0  }
0x9e: {  	s6 =	simm.s32 $0x80;
	s7 =	simm.s32 $0x0;
	s15 =	simm.s32 $0x180  }
.LBB2_8:
0x9f: {  	p1 =	sne.s32 s6, $0x3F80;
	[tilespmem:s7+$0x3800] =	vst v0;
	s9 =	smov.u32 s6;
	s6 =	sadd.s32 $0x80, s6  }
.Ltmp5:
0xa0: {  	[tilespmem:s7+$0x3810] =	vst v0;
	(pc) =	sbr.rel @p1 .LBB2_8-.Ltmp5, $2  }
0xa1: {  	_ =	sdelay $0x2  }
0xa2: {  	s7 =	sshra.s32 s9, $0x2  }
0xa3: {  	[tilespmem:s7+$0x3800] =	vst v0  }
0xa4: {  	[tilespmem:s7+$0x3810] =	vst v0;
	s6 =	rddreg [dreg:$0x3]  }
0xa5: {  	[spmem:s6] =	stream.linear.scatter [tilespmem:s10], [sflag:$0x3], $0x1000, $0x38;
	[tilespmem:$0x1CF00] =	vst v63  }
0xa6: {  	_ =	swait.ge [sflag:s11], $0x1000  }
0xa7: {  	[sflag:s11] =	ssyncset.done $0x0  }
0xa8: {  	s7 =	rddreg [dreg:$0x7];
	[sflag:s11] =	ssyncadd.s32 $0xFFFFF000  }
0xa9: {  	[spmem:s7] =	stream.linear.scatter [tilespmem:s10], [sflag:$0x3], $0x1000, $0x38;
	[tilespmem:$0x1CF00] =	vst v63  }
0xaa: {  	_ =	swait.ge [sflag:s11], $0x1000  }
0xab: {  	[sflag:s11] =	ssyncset.done $0x0  }
0xac: {  	s9 =	rddreg [dreg:$0x8];
	[sflag:s11] =	ssyncadd.s32 $0xFFFFF000  }
0xad: {  	[spmem:s9] =	stream.linear.scatter [tilespmem:s10], [sflag:$0x3], $0x1000, $0x38;
	[tilespmem:$0x1CF00] =	vst v63  }
0xae: {  	_ =	swait.ge [sflag:s11], $0x1000  }
0xaf: {  	[sflag:s11] =	ssyncset.done $0x0  }
0xb0: {  	s7 =	rddreg [dreg:$0x9];
	[sflag:s11] =	ssyncadd.s32 $0xFFFFF000  }
0xb1: {  	[spmem:s7] =	stream.linear.scatter [tilespmem:s10], [sflag:$0x3], $0x1000, $0x38;
	[tilespmem:$0x1CF00] =	vst v63  }
0xb2: {  	_ =	swait.ge [sflag:s11], $0x1000  }
0xb3: {  	[sflag:s11] =	ssyncset.done $0x0  }
0xb4: {  	s9 =	rddreg [dreg:$0xa];
	[sflag:s11] =	ssyncadd.s32 $0xFFFFF000  }
0xb5: {  	[spmem:s9] =	stream.linear.scatter [tilespmem:s10], [sflag:$0x3], $0x1000, $0x38;
	[tilespmem:$0x1CF00] =	vst v63  }
0xb6: {  	_ =	swait.ge [sflag:s11], $0x1000  }
0xb7: {  	[sflag:s11] =	ssyncset.done $0x0  }
0xb8: {  	s7 =	rddreg [dreg:$0xb];
	[sflag:s11] =	ssyncadd.s32 $0xFFFFF000  }
0xb9: {  	[spmem:s7] =	stream.linear.scatter [tilespmem:s10], [sflag:$0x3], $0x1000, $0x38;
	[tilespmem:$0x1CF00] =	vst v63  }
0xba: {  	_ =	swait.ge [sflag:s11], $0x1000  }
0xbb: {  	[sflag:s11] =	ssyncset.done $0x0  }
0xbc: {  	s9 =	rddreg [dreg:$0xc];
	[sflag:s11] =	ssyncadd.s32 $0xFFFFF000  }
0xbd: {  	[spmem:s9] =	stream.linear.scatter [tilespmem:s10], [sflag:$0x3], $0x1000, $0x38;
	[tilespmem:$0x1CF00] =	vst v63  }
0xbe: {  	_ =	swait.ge [sflag:s11], $0x1000  }
0xbf: {  	[sflag:s11] =	ssyncset.done $0x0  }
0xc0: {  	s7 =	rddreg [dreg:$0xd];
	[sflag:s11] =	ssyncadd.s32 $0xFFFFF000  }
0xc1: {  	[spmem:s7] =	stream.linear.scatter [tilespmem:s10], [sflag:$0x3], $0x1000, $0x38;
	[tilespmem:$0x1CF00] =	vst v63  }
0xc2: {  	_ =	swait.ge [sflag:s11], $0x1000  }
0xc3: {  	[sflag:s11] =	ssyncset.done $0x0  }
0xc4: {  	s9 =	rddreg [dreg:$0xe];
	[sflag:s11] =	ssyncadd.s32 $0xFFFFF000  }
0xc5: {  	[spmem:s9] =	stream.linear.scatter [tilespmem:s10], [sflag:$0x3], $0x1000, $0x38;
	[tilespmem:$0x1CF00] =	vst v63  }
0xc6: {  	_ =	swait.ge [sflag:s11], $0x1000  }
0xc7: {  	[sflag:s11] =	ssyncset.done $0x0  }
0xc8: {  	s7 =	rddreg [dreg:$0xf];
	[sflag:s11] =	ssyncadd.s32 $0xFFFFF000  }
0xc9: {  	[spmem:s7] =	stream.linear.scatter [tilespmem:s10], [sflag:$0x3], $0x1000, $0x38;
	[tilespmem:$0x1CF00] =	vst v63  }
0xca: {  	_ =	swait.ge [sflag:s11], $0x1000  }
0xcb: {  	[sflag:s11] =	ssyncset.done $0x0  }
0xcc: {  	s9 =	rddreg [dreg:$0x10];
	[sflag:s11] =	ssyncadd.s32 $0xFFFFF000  }
0xcd: {  	[spmem:s9] =	stream.linear.scatter [tilespmem:s10], [sflag:$0x3], $0x1000, $0x38;
	[tilespmem:$0x1CF00] =	vst v63  }
0xce: {  	_ =	swait.ge [sflag:s11], $0x1000  }
0xcf: {  	[sflag:s11] =	ssyncset.done $0x0  }
0xd0: {  	s7 =	rddreg [dreg:$0x11];
	[sflag:s11] =	ssyncadd.s32 $0xFFFFF000  }
0xd1: {  	[spmem:s7] =	stream.linear.scatter [tilespmem:s10], [sflag:$0x3], $0x1000, $0x38;
	[tilespmem:$0x1CF00] =	vst v63  }
0xd2: {  	_ =	swait.ge [sflag:s11], $0x1000  }
0xd3: {  	[sflag:s11] =	ssyncset.done $0x0  }
0xd4: {  	s9 =	rddreg [dreg:$0x12];
	[sflag:s11] =	ssyncadd.s32 $0xFFFFF000  }
0xd5: {  	[spmem:s9] =	stream.linear.scatter [tilespmem:s10], [sflag:$0x3], $0x1000, $0x38;
	[tilespmem:$0x1CF00] =	vst v63  }
0xd6: {  	_ =	swait.ge [sflag:s11], $0x1000  }
0xd7: {  	[sflag:s11] =	ssyncset.done $0x0  }
0xd8: {  	s7 =	rddreg [dreg:$0x15];
	[sflag:s11] =	ssyncadd.s32 $0xFFFFF000  }
0xd9: {  	[spmem:s7] =	stream.linear.scatter [tilespmem:s10], [sflag:$0x3], $0x1000, $0x38;
	[tilespmem:$0x1CF00] =	vst v63  }
0xda: {  	_ =	swait.ge [sflag:s11], $0x1000  }
0xdb: {  	[sflag:s11] =	ssyncset.done $0x0  }
0xdc: {  	s9 =	rddreg [dreg:$0x16];
	[sflag:s11] =	ssyncadd.s32 $0xFFFFF000  }
0xdd: {  	[spmem:s9] =	stream.linear.scatter [tilespmem:s10], [sflag:$0x3], $0x1000, $0x38;
	[tilespmem:$0x1CF00] =	vst v63  }
0xde: {  	_ =	swait.ge [sflag:s11], $0x1000  }
0xdf: {  	[sflag:s11] =	ssyncset.done $0x0  }
0xe0: {  	s7 =	rddreg [dreg:$0x17];
	[sflag:s11] =	ssyncadd.s32 $0xFFFFF000  }
0xe1: {  	[spmem:s7] =	stream.linear.scatter [tilespmem:s10], [sflag:$0x3], $0x1000, $0x38;
	[tilespmem:$0x1CF00] =	vst v63  }
0xe2: {  	_ =	swait.ge [sflag:s11], $0x1000  }
0xe3: {  	[sflag:s11] =	ssyncset.done $0x0  }
0xe4: {  	s9 =	rddreg [dreg:$0x18];
	[sflag:s11] =	ssyncadd.s32 $0xFFFFF000  }
0xe5: {  	[spmem:s9] =	stream.linear.scatter [tilespmem:s10], [sflag:$0x3], $0x1000, $0x38;
	[tilespmem:$0x1CF00] =	vst v63  }
0xe6: {  	_ =	swait.ge [sflag:s11], $0x1000  }
0xe7: {  	[sflag:s11] =	ssyncset.done $0x0  }
0xe8: {  	s7 =	rddreg [dreg:$0x19];
	[sflag:s11] =	ssyncadd.s32 $0xFFFFF000  }
0xe9: {  	[spmem:s7] =	stream.linear.scatter [tilespmem:s10], [sflag:$0x3], $0x1000, $0x38;
	[tilespmem:$0x1CF00] =	vst v63  }
0xea: {  	_ =	swait.ge [sflag:s11], $0x1000  }
0xeb: {  	[sflag:s11] =	ssyncset.done $0x0  }
0xec: {  	s9 =	rddreg [dreg:$0x1a];
	[sflag:s11] =	ssyncadd.s32 $0xFFFFF000  }
0xed: {  	[spmem:s9] =	stream.linear.scatter [tilespmem:s10], [sflag:$0x3], $0x1000, $0x38;
	[tilespmem:$0x1CF00] =	vst v63  }
0xee: {  	_ =	swait.ge [sflag:s11], $0x1000  }
0xef: {  	[sflag:s11] =	ssyncset.done $0x0  }
0xf0: {  	s7 =	rddreg [dreg:$0x1b];
	[sflag:s11] =	ssyncadd.s32 $0xFFFFF000  }
0xf1: {  	[spmem:s7] =	stream.linear.scatter [tilespmem:s10], [sflag:$0x3], $0x1000, $0x38;
	[tilespmem:$0x1CF00] =	vst v63  }
0xf2: {  	_ =	swait.ge [sflag:s11], $0x1000  }
0xf3: {  	[sflag:s11] =	ssyncset.done $0x0  }
0xf4: {  	s9 =	rddreg [dreg:$0x1c];
	[sflag:s11] =	ssyncadd.s32 $0xFFFFF000  }
0xf5: {  	[spmem:s9] =	stream.linear.scatter [tilespmem:s10], [sflag:$0x3], $0x1000, $0x38;
	[tilespmem:$0x1CF00] =	vst v63  }
0xf6: {  	_ =	swait.ge [sflag:s11], $0x1000  }
0xf7: {  	[sflag:s11] =	ssyncset.done $0x0  }
0xf8: {  	s7 =	rddreg [dreg:$0x1d];
	[sflag:s11] =	ssyncadd.s32 $0xFFFFF000  }
0xf9: {  	[spmem:s7] =	stream.linear.scatter [tilespmem:s10], [sflag:$0x3], $0x1000, $0x38;
	[tilespmem:$0x1CF00] =	vst v63  }
0xfa: {  	_ =	swait.ge [sflag:s11], $0x1000  }
0xfb: {  	[sflag:s11] =	ssyncset.done $0x0  }
0xfc: {  	s9 =	rddreg [dreg:$0x1e];
	[sflag:s11] =	ssyncadd.s32 $0xFFFFF000  }
0xfd: {  	[spmem:s9] =	stream.linear.scatter [tilespmem:s10], [sflag:$0x3], $0x1000, $0x38;
	[tilespmem:$0x1CF00] =	vst v63  }
0xfe: {  	_ =	swait.ge [sflag:s11], $0x1000  }
0xff: {  	[sflag:s11] =	ssyncset.done $0x0  }
0x100: {  	s7 =	rddreg [dreg:$0x1f];
	[sflag:s11] =	ssyncadd.s32 $0xFFFFF000  }
0x101: {  	[spmem:s7] =	stream.linear.scatter [tilespmem:s10], [sflag:$0x3], $0x1000, $0x38;
	[tilespmem:$0x1CF00] =	vst v63  }
0x102: {  	_ =	swait.ge [sflag:s11], $0x1000  }
0x103: {  	[sflag:s11] =	ssyncset.done $0x0  }
0x104: {  	s9 =	rddreg [dreg:$0x4];
	[sflag:s11] =	ssyncadd.s32 $0xFFFFF000  }
0x105: {  	[spmem:s9] =	stream.linear.scatter [tilespmem:s10], [sflag:$0x3], $0x700, $0x38;
	[tilespmem:$0x1CF00] =	vst v63  }
.Ltmp6:
0x106: {  	_ =	swait.ge [sflag:s11], $0x700;
	(pc) =	sbr.rel @p0 .LBB2_13-.Ltmp6, $4  }
0x107: {  	[sflag:s11] =	ssyncset.done $0x0  }
0x108: {  	[sflag:s11] =	ssyncadd.s32 $0xFFFFF900  }
0x109: {  	[bflag:$0x0] =	sbarrier.arrive $0xFFFF  }
0x10a: {  	s6 =	sadd.s32 $0x0, s24  }
0x10b: {  	[tilespmem:s3], [sflag:$0x3] =	stream.linear.gather [hbm4b:s6+s3], $0x400, $0x38;
	[tilespmem:$0x1CF00] =	vst v63  }
0x10c: {  	_ =	swait.ge [sflag:s11], $0x400  }
0x10d: {  	[sflag:s11] =	ssyncset.done $0x0  }
0x10e: {  	s9 =	sadd.s32 $0x0, s23;
	[sflag:s11] =	ssyncadd.s32 $0xFFFFFC00  }
0x10f: {  	[tilespmem:s12], [sflag:$0x3] =	stream.linear.gather [hbm4b:s9+s3], $0x400, $0x38;
	[tilespmem:$0x1CF00] =	vst v63  }
0x110: {  	_ =	swait.ge [sflag:s11], $0x400  }
0x111: {  	[sflag:s11] =	ssyncset.done $0x0  }
0x112: {  	[sflag:s11] =	ssyncadd.s32 $0xFFFFFC00  }
0x113: {  	[tilespmem:s10], [sflag:$0x1] =	stream.indirect.gather [hbm4b:s4+s13], $0x20, s3, s13, $0xb8;
	[tilespmem:$0x1CF00] =	vst v63  }
0x114: {  	_ = 	snop  }
0x115: {  	[tilespmem:s14], [sflag:$0x1] =	stream.indirect.gather [hbm4b:s4+s13], $0x20, s13, s13, $0xb8;
	[tilespmem:$0x1CF00] =	vst v63  }
0x116: {  	_ = 	snop  }
0x117: {  	[tilespmem:s16], [sflag:$0x1] =	stream.indirect.gather [hbm4b:s4+s13], $0x20, s17, s13, $0xb8;
	[tilespmem:$0x1CF00] =	vst v63  }
0x118: {  	_ = 	snop  }
0x119: {  	[tilespmem:s18], [sflag:$0x1] =	stream.indirect.gather [hbm4b:s4+s13], $0x20, s15, s13, $0xb8;
	[tilespmem:$0x1CF00] =	vst v63  }
0x11a: {  	_ =	swait.ge [sflag:s19], $0x1000  }
0x11b: {  	[sflag:s19] =	ssyncset.done $0x0  }
0x11c: {  	[sflag:s19] =	ssyncadd.s32 $0xFFFFF000  }
0x11d: {  	_ =	swait.ge [sflag:s19], $0x1000  }
0x11e: {  	[sflag:s19] =	ssyncset.done $0x0  }
0x11f: {  	[sflag:s19] =	ssyncadd.s32 $0xFFFFF000  }
0x120: {  	_ =	swait.ge [sflag:s19], $0x1000  }
0x121: {  	[sflag:s19] =	ssyncset.done $0x0  }
0x122: {  	[sflag:s19] =	ssyncadd.s32 $0xFFFFF000  }
0x123: {  	_ =	swait.ge [sflag:s19], $0x1000  }
0x124: {  	[sflag:s19] =	ssyncset.done $0x0  }
0x125: {  	[sflag:s19] =	ssyncadd.s32 $0xFFFFF000  }
0x126: {  	[spmem:s2] =	stream.indirect.scatter.add.f32 [tilespmem:s10], [sflag:$0x2], $0x20, s12, s13, $0xb8;
	[tilespmem:$0x1CF00] =	vst v63  }
0x127: {  	_ = 	snop  }
0x128: {  	[spmem:s2] =	stream.indirect.scatter.add.f32 [tilespmem:s14], [sflag:$0x2], $0x20, s20, s13, $0xb8;
	[tilespmem:$0x1CF00] =	vst v63  }
0x129: {  	_ = 	snop  }
0x12a: {  	[spmem:s2] =	stream.indirect.scatter.add.f32 [tilespmem:s16], [sflag:$0x2], $0x20, s21, s13, $0xb8;
	[tilespmem:$0x1CF00] =	vst v63  }
0x12b: {  	_ = 	snop  }
0x12c: {  	[spmem:s2] =	stream.indirect.scatter.add.f32 [tilespmem:s18], [sflag:$0x2], $0x20, s25, s13, $0xb8;
	[tilespmem:$0x1CF00] =	vst v63  }
0x12d: {  	_ =	swait.ge [sflag:s26], $0x1000  }
0x12e: {  	[sflag:s26] =	ssyncset.done $0x0  }
0x12f: {  	[sflag:s26] =	ssyncadd.s32 $0xFFFFF000  }
0x130: {  	_ =	swait.ge [sflag:s26], $0x1000  }
0x131: {  	[sflag:s26] =	ssyncset.done $0x0  }
0x132: {  	[sflag:s26] =	ssyncadd.s32 $0xFFFFF000  }
0x133: {  	_ =	swait.ge [sflag:s26], $0x1000  }
0x134: {  	[sflag:s26] =	ssyncset.done $0x0  }
0x135: {  	[sflag:s26] =	ssyncadd.s32 $0xFFFFF000  }
0x136: {  	_ =	swait.ge [sflag:s26], $0x1000  }
0x137: {  	[sflag:s26] =	ssyncset.done $0x0  }
0x138: {  	[sflag:s26] =	ssyncadd.s32 $0xFFFFF000  }
0x139: {  	[tilespmem:s10], [sflag:$0x1] =	stream.indirect.gather [hbm4b:s4+s13], $0x20, s28, s13, $0xb8;
	[tilespmem:$0x1CF00] =	vst v63  }
0x13a: {  	_ = 	snop  }
0x13b: {  	[tilespmem:s14], [sflag:$0x1] =	stream.indirect.gather [hbm4b:s4+s13], $0x20, s29, s13, $0xb8;
	[tilespmem:$0x1CF00] =	vst v63  }
0x13c: {  	_ = 	snop  }
0x13d: {  	[tilespmem:s16], [sflag:$0x1] =	stream.indirect.gather [hbm4b:s4+s13], $0x20, s30, s13, $0xb8;
	[tilespmem:$0x1CF00] =	vst v63  }
0x13e: {  	_ = 	snop  }
0x13f: {  	[tilespmem:s18], [sflag:$0x1] =	stream.indirect.gather [hbm4b:s4+s13], $0x20, s31, s13, $0xb8;
	[tilespmem:$0x1CF00] =	vst v63  }
0x140: {  	_ =	swait.ge [sflag:s19], $0x1000  }
0x141: {  	[sflag:s19] =	ssyncset.done $0x0  }
0x142: {  	[sflag:s19] =	ssyncadd.s32 $0xFFFFF000  }
0x143: {  	_ =	swait.ge [sflag:s19], $0x1000  }
0x144: {  	[sflag:s19] =	ssyncset.done $0x0  }
0x145: {  	[sflag:s19] =	ssyncadd.s32 $0xFFFFF000  }
0x146: {  	_ =	swait.ge [sflag:s19], $0x1000  }
0x147: {  	[sflag:s19] =	ssyncset.done $0x0  }
0x148: {  	[sflag:s19] =	ssyncadd.s32 $0xFFFFF000  }
0x149: {  	_ =	swait.ge [sflag:s19], $0x1000  }
0x14a: {  	[sflag:s19] =	ssyncset.done $0x0  }
0x14b: {  	[sflag:s19] =	ssyncadd.s32 $0xFFFFF000  }
0x14c: {  	[spmem:s2] =	stream.indirect.scatter.add.f32 [tilespmem:s10], [sflag:$0x2], $0x20, s0, s13, $0xb8;
	[tilespmem:$0x1CF00] =	vst v63  }
0x14d: {  	_ = 	snop  }
0x14e: {  	[spmem:s2] =	stream.indirect.scatter.add.f32 [tilespmem:s14], [sflag:$0x2], $0x20, s8, s13, $0xb8;
	[tilespmem:$0x1CF00] =	vst v63  }
0x14f: {  	_ = 	snop  }
0x150: {  	[spmem:s2] =	stream.indirect.scatter.add.f32 [tilespmem:s16], [sflag:$0x2], $0x20, s22, s13, $0xb8;
	[tilespmem:$0x1CF00] =	vst v63  }
0x151: {  	_ = 	snop  }
0x152: {  	[spmem:s2] =	stream.indirect.scatter.add.f32 [tilespmem:s18], [sflag:$0x2], $0x20, s1, s13, $0xb8;
	[tilespmem:$0x1CF00] =	vst v63  }
0x153: {  	_ =	swait.ge [sflag:s26], $0x1000  }
0x154: {  	[sflag:s26] =	ssyncset.done $0x0  }
0x155: {  	[sflag:s26] =	ssyncadd.s32 $0xFFFFF000  }
0x156: {  	_ =	swait.ge [sflag:s26], $0x1000  }
0x157: {  	[sflag:s26] =	ssyncset.done $0x0  }
0x158: {  	[sflag:s26] =	ssyncadd.s32 $0xFFFFF000  }
0x159: {  	_ =	swait.ge [sflag:s26], $0x1000  }
0x15a: {  	[sflag:s26] =	ssyncset.done $0x0  }
0x15b: {  	[sflag:s26] =	ssyncadd.s32 $0xFFFFF000  }
0x15c: {  	_ =	swait.ge [sflag:s26], $0x1000  }
0x15d: {  	s6 =	simm.s32 $0x100;
	s9 =	simm.s32 $0x80;
	[sflag:s26] =	ssyncset.done $0x0  }
.LBB2_11:
0x15e: {  	s15 =	sadd.s32 s9, s24  }
0x15f: {  	[sflag:s26] =	ssyncadd.s32 $0xFFFFF000;
	s17 =	smov.u32 s6;
	s7 =	sadd.s32 $0x80, s6  }
0x160: {  	[tilespmem:s3], [sflag:$0x3] =	stream.linear.gather [hbm4b:s15+s3], $0x400, $0x38;
	[tilespmem:$0x1CF00] =	vst v63  }
0x161: {  	s15 =	simm.s32 $0x180  }
0x162: {  	p1 =	sne.s32 s6, $0x1800;
	_ =	swait.ge [sflag:s11], $0x400  }
0x163: {  	s6 =	sadd.s32 s9, s23;
	[sflag:s11] =	ssyncset.done $0x0  }
0x164: {  	s9 =	smov.u32 s17;
	s17 =	simm.s32 $0x100;
	[sflag:s11] =	ssyncadd.s32 $0xFFFFFC00  }
0x165: {  	[tilespmem:s12], [sflag:$0x3] =	stream.linear.gather [hbm4b:s6+s3], $0x400, $0x38;
	[tilespmem:$0x1CF00] =	vst v63  }
0x166: {  	_ =	swait.ge [sflag:s11], $0x400  }
0x167: {  	[sflag:s11] =	ssyncset.done $0x0  }
0x168: {  	[sflag:s11] =	ssyncadd.s32 $0xFFFFFC00  }
0x169: {  	[tilespmem:s10], [sflag:$0x1] =	stream.indirect.gather [hbm4b:s4+s13], $0x20, s3, s13, $0xb8;
	[tilespmem:$0x1CF00] =	vst v63  }
0x16a: {  	_ = 	snop  }
0x16b: {  	[tilespmem:s14], [sflag:$0x1] =	stream.indirect.gather [hbm4b:s4+s13], $0x20, s13, s13, $0xb8;
	[tilespmem:$0x1CF00] =	vst v63  }
0x16c: {  	_ = 	snop  }
0x16d: {  	[tilespmem:s16], [sflag:$0x1] =	stream.indirect.gather [hbm4b:s4+s13], $0x20, s17, s13, $0xb8;
	[tilespmem:$0x1CF00] =	vst v63  }
0x16e: {  	_ = 	snop  }
0x16f: {  	[tilespmem:s18], [sflag:$0x1] =	stream.indirect.gather [hbm4b:s4+s13], $0x20, s15, s13, $0xb8;
	[tilespmem:$0x1CF00] =	vst v63  }
0x170: {  	_ =	swait.ge [sflag:s19], $0x1000  }
0x171: {  	[sflag:s19] =	ssyncset.done $0x0  }
0x172: {  	[sflag:s19] =	ssyncadd.s32 $0xFFFFF000  }
0x173: {  	_ =	swait.ge [sflag:s19], $0x1000  }
0x174: {  	[sflag:s19] =	ssyncset.done $0x0  }
0x175: {  	[sflag:s19] =	ssyncadd.s32 $0xFFFFF000  }
0x176: {  	_ =	swait.ge [sflag:s19], $0x1000  }
0x177: {  	[sflag:s19] =	ssyncset.done $0x0  }
0x178: {  	[sflag:s19] =	ssyncadd.s32 $0xFFFFF000  }
0x179: {  	_ =	swait.ge [sflag:s19], $0x1000  }
0x17a: {  	[sflag:s19] =	ssyncset.done $0x0  }
0x17b: {  	[sflag:s19] =	ssyncadd.s32 $0xFFFFF000  }
0x17c: {  	[spmem:s2] =	stream.indirect.scatter.add.f32 [tilespmem:s10], [sflag:$0x2], $0x20, s12, s13, $0xb8;
	[tilespmem:$0x1CF00] =	vst v63  }
0x17d: {  	_ = 	snop  }
0x17e: {  	[spmem:s2] =	stream.indirect.scatter.add.f32 [tilespmem:s14], [sflag:$0x2], $0x20, s20, s13, $0xb8;
	[tilespmem:$0x1CF00] =	vst v63  }
0x17f: {  	_ = 	snop  }
0x180: {  	[spmem:s2] =	stream.indirect.scatter.add.f32 [tilespmem:s16], [sflag:$0x2], $0x20, s21, s13, $0xb8;
	[tilespmem:$0x1CF00] =	vst v63  }
0x181: {  	_ = 	snop  }
0x182: {  	[spmem:s2] =	stream.indirect.scatter.add.f32 [tilespmem:s18], [sflag:$0x2], $0x20, s25, s13, $0xb8;
	[tilespmem:$0x1CF00] =	vst v63  }
0x183: {  	_ =	swait.ge [sflag:s26], $0x1000  }
0x184: {  	[sflag:s26] =	ssyncset.done $0x0  }
0x185: {  	[sflag:s26] =	ssyncadd.s32 $0xFFFFF000  }
0x186: {  	_ =	swait.ge [sflag:s26], $0x1000  }
0x187: {  	[sflag:s26] =	ssyncset.done $0x0  }
0x188: {  	[sflag:s26] =	ssyncadd.s32 $0xFFFFF000  }
0x189: {  	_ =	swait.ge [sflag:s26], $0x1000  }
0x18a: {  	[sflag:s26] =	ssyncset.done $0x0  }
0x18b: {  	[sflag:s26] =	ssyncadd.s32 $0xFFFFF000  }
0x18c: {  	_ =	swait.ge [sflag:s26], $0x1000  }
0x18d: {  	[sflag:s26] =	ssyncset.done $0x0  }
0x18e: {  	[sflag:s26] =	ssyncadd.s32 $0xFFFFF000  }
0x18f: {  	[tilespmem:s10], [sflag:$0x1] =	stream.indirect.gather [hbm4b:s4+s13], $0x20, s28, s13, $0xb8;
	[tilespmem:$0x1CF00] =	vst v63  }
0x190: {  	_ = 	snop  }
0x191: {  	[tilespmem:s14], [sflag:$0x1] =	stream.indirect.gather [hbm4b:s4+s13], $0x20, s29, s13, $0xb8;
	[tilespmem:$0x1CF00] =	vst v63  }
0x192: {  	_ = 	snop  }
0x193: {  	[tilespmem:s16], [sflag:$0x1] =	stream.indirect.gather [hbm4b:s4+s13], $0x20, s30, s13, $0xb8;
	[tilespmem:$0x1CF00] =	vst v63  }
0x194: {  	_ = 	snop  }
0x195: {  	[tilespmem:s18], [sflag:$0x1] =	stream.indirect.gather [hbm4b:s4+s13], $0x20, s31, s13, $0xb8;
	[tilespmem:$0x1CF00] =	vst v63  }
0x196: {  	_ =	swait.ge [sflag:s19], $0x1000  }
0x197: {  	[sflag:s19] =	ssyncset.done $0x0  }
0x198: {  	[sflag:s19] =	ssyncadd.s32 $0xFFFFF000  }
0x199: {  	_ =	swait.ge [sflag:s19], $0x1000  }
0x19a: {  	[sflag:s19] =	ssyncset.done $0x0  }
0x19b: {  	[sflag:s19] =	ssyncadd.s32 $0xFFFFF000  }
0x19c: {  	_ =	swait.ge [sflag:s19], $0x1000  }
0x19d: {  	[sflag:s19] =	ssyncset.done $0x0  }
0x19e: {  	[sflag:s19] =	ssyncadd.s32 $0xFFFFF000  }
0x19f: {  	_ =	swait.ge [sflag:s19], $0x1000  }
0x1a0: {  	[sflag:s19] =	ssyncset.done $0x0  }
0x1a1: {  	[sflag:s19] =	ssyncadd.s32 $0xFFFFF000  }
0x1a2: {  	[spmem:s2] =	stream.indirect.scatter.add.f32 [tilespmem:s10], [sflag:$0x2], $0x20, s0, s13, $0xb8;
	[tilespmem:$0x1CF00] =	vst v63  }
0x1a3: {  	_ = 	snop  }
0x1a4: {  	[spmem:s2] =	stream.indirect.scatter.add.f32 [tilespmem:s14], [sflag:$0x2], $0x20, s8, s13, $0xb8;
	[tilespmem:$0x1CF00] =	vst v63  }
0x1a5: {  	_ = 	snop  }
0x1a6: {  	[spmem:s2] =	stream.indirect.scatter.add.f32 [tilespmem:s16], [sflag:$0x2], $0x20, s22, s13, $0xb8;
	[tilespmem:$0x1CF00] =	vst v63  }
0x1a7: {  	_ = 	snop  }
0x1a8: {  	[spmem:s2] =	stream.indirect.scatter.add.f32 [tilespmem:s18], [sflag:$0x2], $0x20, s1, s13, $0xb8;
	[tilespmem:$0x1CF00] =	vst v63  }
0x1a9: {  	_ =	swait.ge [sflag:s26], $0x1000  }
0x1aa: {  	[sflag:s26] =	ssyncset.done $0x0  }
0x1ab: {  	[sflag:s26] =	ssyncadd.s32 $0xFFFFF000  }
0x1ac: {  	_ =	swait.ge [sflag:s26], $0x1000  }
0x1ad: {  	[sflag:s26] =	ssyncset.done $0x0  }
0x1ae: {  	[sflag:s26] =	ssyncadd.s32 $0xFFFFF000  }
.Ltmp7:
0x1af: {  	_ =	swait.ge [sflag:s26], $0x1000;
	(pc) =	sbr.rel @p1 .LBB2_11-.Ltmp7, $4  }
0x1b0: {  	[sflag:s26] =	ssyncset.done $0x0  }
0x1b1: {  	[sflag:s26] =	ssyncadd.s32 $0xFFFFF000  }
0x1b2: {  	_ =	swait.ge [sflag:s26], $0x1000  }
0x1b3: {  	s6 =	smov.u32 s7;
	[sflag:s26] =	ssyncset.done $0x0  }
0x1b4: {  	s6 =	sadd.s32 s9, s24;
	[sflag:s26] =	ssyncadd.s32 $0xFFFFF000  }
0x1b5: {  	[tilespmem:s3], [sflag:$0x3] =	stream.linear.gather [hbm4b:s6+s3], $0x400, $0x38;
	[tilespmem:$0x1CF00] =	vst v63  }
0x1b6: {  	_ =	swait.ge [sflag:s11], $0x400  }
0x1b7: {  	[sflag:s11] =	ssyncset.done $0x0  }
0x1b8: {  	s9 =	sadd.s32 s9, s23;
	[sflag:s11] =	ssyncadd.s32 $0xFFFFFC00  }
0x1b9: {  	[tilespmem:s12], [sflag:$0x3] =	stream.linear.gather [hbm4b:s9+s3], $0x400, $0x38;
	[tilespmem:$0x1CF00] =	vst v63  }
0x1ba: {  	_ =	swait.ge [sflag:s11], $0x400  }
0x1bb: {  	[sflag:s11] =	ssyncset.done $0x0  }
0x1bc: {  	[sflag:s11] =	ssyncadd.s32 $0xFFFFFC00  }
0x1bd: {  	[tilespmem:s10], [sflag:$0x1] =	stream.indirect.gather [hbm4b:s4+s13], $0x20, s3, s13, $0xb8;
	[tilespmem:$0x1CF00] =	vst v63  }
0x1be: {  	_ = 	snop  }
0x1bf: {  	[tilespmem:s14], [sflag:$0x1] =	stream.indirect.gather [hbm4b:s4+s13], $0x20, s13, s13, $0xb8;
	[tilespmem:$0x1CF00] =	vst v63  }
0x1c0: {  	_ = 	snop  }
0x1c1: {  	[tilespmem:s16], [sflag:$0x1] =	stream.indirect.gather [hbm4b:s4+s13], $0x20, s17, s13, $0xb8;
	[tilespmem:$0x1CF00] =	vst v63  }
0x1c2: {  	_ = 	snop  }
0x1c3: {  	[tilespmem:s18], [sflag:$0x1] =	stream.indirect.gather [hbm4b:s4+s13], $0x20, s15, s13, $0xb8;
	[tilespmem:$0x1CF00] =	vst v63  }
0x1c4: {  	_ =	swait.ge [sflag:s19], $0x1000  }
0x1c5: {  	[sflag:s19] =	ssyncset.done $0x0  }
0x1c6: {  	[sflag:s19] =	ssyncadd.s32 $0xFFFFF000  }
0x1c7: {  	_ =	swait.ge [sflag:s19], $0x1000  }
0x1c8: {  	[sflag:s19] =	ssyncset.done $0x0  }
0x1c9: {  	[sflag:s19] =	ssyncadd.s32 $0xFFFFF000  }
0x1ca: {  	_ =	swait.ge [sflag:s19], $0x1000  }
0x1cb: {  	[sflag:s19] =	ssyncset.done $0x0  }
0x1cc: {  	[sflag:s19] =	ssyncadd.s32 $0xFFFFF000  }
0x1cd: {  	_ =	swait.ge [sflag:s19], $0x1000  }
0x1ce: {  	[sflag:s19] =	ssyncset.done $0x0  }
0x1cf: {  	[sflag:s19] =	ssyncadd.s32 $0xFFFFF000  }
0x1d0: {  	[spmem:s2] =	stream.indirect.scatter.add.f32 [tilespmem:s10], [sflag:$0x2], $0x20, s12, s13, $0xb8;
	[tilespmem:$0x1CF00] =	vst v63  }
0x1d1: {  	_ = 	snop  }
0x1d2: {  	[spmem:s2] =	stream.indirect.scatter.add.f32 [tilespmem:s14], [sflag:$0x2], $0x20, s20, s13, $0xb8;
	[tilespmem:$0x1CF00] =	vst v63  }
0x1d3: {  	_ = 	snop  }
0x1d4: {  	[spmem:s2] =	stream.indirect.scatter.add.f32 [tilespmem:s16], [sflag:$0x2], $0x20, s21, s13, $0xb8;
	[tilespmem:$0x1CF00] =	vst v63  }
0x1d5: {  	_ = 	snop  }
0x1d6: {  	[spmem:s2] =	stream.indirect.scatter.add.f32 [tilespmem:s18], [sflag:$0x2], $0x20, s25, s13, $0xb8;
	[tilespmem:$0x1CF00] =	vst v63  }
0x1d7: {  	_ =	swait.ge [sflag:s26], $0x1000  }
0x1d8: {  	[sflag:s26] =	ssyncset.done $0x0  }
0x1d9: {  	[sflag:s26] =	ssyncadd.s32 $0xFFFFF000  }
0x1da: {  	_ =	swait.ge [sflag:s26], $0x1000  }
0x1db: {  	[sflag:s26] =	ssyncset.done $0x0  }
0x1dc: {  	[sflag:s26] =	ssyncadd.s32 $0xFFFFF000  }
0x1dd: {  	_ =	swait.ge [sflag:s26], $0x1000  }
0x1de: {  	[sflag:s26] =	ssyncset.done $0x0  }
0x1df: {  	[sflag:s26] =	ssyncadd.s32 $0xFFFFF000  }
0x1e0: {  	_ =	swait.ge [sflag:s26], $0x1000  }
0x1e1: {  	[sflag:s26] =	ssyncset.done $0x0  }
0x1e2: {  	[sflag:s26] =	ssyncadd.s32 $0xFFFFF000  }
0x1e3: {  	[tilespmem:s10], [sflag:$0x1] =	stream.indirect.gather [hbm4b:s4+s13], $0x20, s28, s13, $0xb8;
	[tilespmem:$0x1CF00] =	vst v63  }
0x1e4: {  	_ = 	snop  }
0x1e5: {  	[tilespmem:s14], [sflag:$0x1] =	stream.indirect.gather [hbm4b:s4+s13], $0x20, s29, s13, $0xb8;
	[tilespmem:$0x1CF00] =	vst v63  }
0x1e6: {  	_ = 	snop  }
0x1e7: {  	[tilespmem:s16], [sflag:$0x1] =	stream.indirect.gather [hbm4b:s4+s13], $0x20, s30, s13, $0xb8;
	[tilespmem:$0x1CF00] =	vst v63  }
0x1e8: {  	_ = 	snop  }
0x1e9: {  	[tilespmem:s18], [sflag:$0x1] =	stream.indirect.gather [hbm4b:s4+s13], $0x20, s31, s13, $0xb8;
	[tilespmem:$0x1CF00] =	vst v63  }
0x1ea: {  	_ =	swait.ge [sflag:s19], $0x1000  }
0x1eb: {  	[sflag:s19] =	ssyncset.done $0x0  }
0x1ec: {  	[sflag:s19] =	ssyncadd.s32 $0xFFFFF000  }
0x1ed: {  	_ =	swait.ge [sflag:s19], $0x1000  }
0x1ee: {  	[sflag:s19] =	ssyncset.done $0x0  }
0x1ef: {  	[sflag:s19] =	ssyncadd.s32 $0xFFFFF000  }
0x1f0: {  	_ =	swait.ge [sflag:s19], $0x1000  }
0x1f1: {  	[sflag:s19] =	ssyncset.done $0x0  }
0x1f2: {  	[sflag:s19] =	ssyncadd.s32 $0xFFFFF000  }
0x1f3: {  	_ =	swait.ge [sflag:s19], $0x1000  }
0x1f4: {  	[sflag:s19] =	ssyncset.done $0x0  }
0x1f5: {  	[sflag:s19] =	ssyncadd.s32 $0xFFFFF000  }
0x1f6: {  	[spmem:s2] =	stream.indirect.scatter.add.f32 [tilespmem:s10], [sflag:$0x2], $0x20, s0, s13, $0xb8;
	[tilespmem:$0x1CF00] =	vst v63  }
0x1f7: {  	_ = 	snop  }
0x1f8: {  	[spmem:s2] =	stream.indirect.scatter.add.f32 [tilespmem:s14], [sflag:$0x2], $0x20, s8, s13, $0xb8;
	[tilespmem:$0x1CF00] =	vst v63  }
0x1f9: {  	_ = 	snop  }
0x1fa: {  	[spmem:s2] =	stream.indirect.scatter.add.f32 [tilespmem:s16], [sflag:$0x2], $0x20, s22, s13, $0xb8;
	[tilespmem:$0x1CF00] =	vst v63  }
0x1fb: {  	_ = 	snop  }
0x1fc: {  	[spmem:s2] =	stream.indirect.scatter.add.f32 [tilespmem:s18], [sflag:$0x2], $0x20, s1, s13, $0xb8;
	[tilespmem:$0x1CF00] =	vst v63  }
0x1fd: {  	_ =	swait.ge [sflag:s26], $0x1000  }
0x1fe: {  	[sflag:s26] =	ssyncset.done $0x0  }
0x1ff: {  	[sflag:s26] =	ssyncadd.s32 $0xFFFFF000  }
0x200: {  	_ =	swait.ge [sflag:s26], $0x1000  }
0x201: {  	[sflag:s26] =	ssyncset.done $0x0  }
0x202: {  	[sflag:s26] =	ssyncadd.s32 $0xFFFFF000  }
0x203: {  	_ =	swait.ge [sflag:s26], $0x1000  }
0x204: {  	[sflag:s26] =	ssyncset.done $0x0  }
0x205: {  	[sflag:s26] =	ssyncadd.s32 $0xFFFFF000  }
0x206: {  	_ =	swait.ge [sflag:s26], $0x1000  }
.Ltmp8:
0x207: {  	[sflag:s26] =	ssyncset.done $0x0;
	(pc) =	sbr.rel .LBB2_16-.Ltmp8, $4  }
0x208: {  	[sflag:s26] =	ssyncadd.s32 $0xFFFFF000  }
0x209: {  	[bflag:$0x0] =	sbarrier.arrive $0xFFFF  }
0x20a: {  	s6 =	rddreg [dreg:$0x5]  }
0x20b: {  	s15 =	sld [smem:$0x7FD]  }
.LBB2_13:
0x20c: {  	[tilespmem:s3], [sflag:$0x3] =	stream.linear.gather [hbm4b:s6+s3], $0x400, $0x38;
	[tilespmem:$0x1CF00] =	vst v63  }
0x20d: {  	_ =	swait.ge [sflag:s11], $0x400  }
0x20e: {  	[sflag:s11] =	ssyncset.done $0x0  }
0x20f: {  	s9 =	sadd.s32 $0x0, s23;
	[sflag:s11] =	ssyncadd.s32 $0xFFFFFC00  }
0x210: {  	[tilespmem:s12], [sflag:$0x3] =	stream.linear.gather [hbm4b:s9+s3], $0x400, $0x38;
	[tilespmem:$0x1CF00] =	vst v63  }
0x211: {  	_ =	swait.ge [sflag:s11], $0x400  }
0x212: {  	[sflag:s11] =	ssyncset.done $0x0  }
0x213: {  	[sflag:s11] =	ssyncadd.s32 $0xFFFFFC00  }
0x214: {  	[tilespmem:s10], [sflag:$0x1] =	stream.indirect.gather [hbm4b:s5+s13], $0x20, s3, s13, $0xb8;
	[tilespmem:$0x1CF00] =	vst v63  }
0x215: {  	_ = 	snop  }
0x216: {  	[tilespmem:s14], [sflag:$0x1] =	stream.indirect.gather [hbm4b:s5+s13], $0x20, s13, s13, $0xb8;
	[tilespmem:$0x1CF00] =	vst v63  }
0x217: {  	_ = 	snop  }
0x218: {  	[tilespmem:s16], [sflag:$0x1] =	stream.indirect.gather [hbm4b:s5+s13], $0x20, s17, s13, $0xb8;
	[tilespmem:$0x1CF00] =	vst v63  }
0x219: {  	_ = 	snop  }
0x21a: {  	[tilespmem:s18], [sflag:$0x1] =	stream.indirect.gather [hbm4b:s5+s13], $0x20, s15, s13, $0xb8;
	[tilespmem:$0x1CF00] =	vst v63  }
0x21b: {  	_ =	swait.ge [sflag:s19], $0x1000  }
0x21c: {  	[sflag:s19] =	ssyncset.done $0x0  }
0x21d: {  	[sflag:s19] =	ssyncadd.s32 $0xFFFFF000  }
0x21e: {  	_ =	swait.ge [sflag:s19], $0x1000  }
0x21f: {  	[sflag:s19] =	ssyncset.done $0x0  }
0x220: {  	[sflag:s19] =	ssyncadd.s32 $0xFFFFF000  }
0x221: {  	_ =	swait.ge [sflag:s19], $0x1000  }
0x222: {  	[sflag:s19] =	ssyncset.done $0x0  }
0x223: {  	[sflag:s19] =	ssyncadd.s32 $0xFFFFF000  }
0x224: {  	_ =	swait.ge [sflag:s19], $0x1000  }
0x225: {  	[sflag:s19] =	ssyncset.done $0x0  }
0x226: {  	[sflag:s19] =	ssyncadd.s32 $0xFFFFF000  }
0x227: {  	[spmem:s2] =	stream.indirect.scatter.add.f32 [tilespmem:s10], [sflag:$0x2], $0x20, s12, s13, $0xb8;
	[tilespmem:$0x1CF00] =	vst v63  }
0x228: {  	_ = 	snop  }
0x229: {  	[spmem:s2] =	stream.indirect.scatter.add.f32 [tilespmem:s14], [sflag:$0x2], $0x20, s20, s13, $0xb8;
	[tilespmem:$0x1CF00] =	vst v63  }
0x22a: {  	_ = 	snop  }
0x22b: {  	[spmem:s2] =	stream.indirect.scatter.add.f32 [tilespmem:s16], [sflag:$0x2], $0x20, s21, s13, $0xb8;
	[tilespmem:$0x1CF00] =	vst v63  }
0x22c: {  	_ = 	snop  }
0x22d: {  	[spmem:s2] =	stream.indirect.scatter.add.f32 [tilespmem:s18], [sflag:$0x2], $0x20, s25, s13, $0xb8;
	[tilespmem:$0x1CF00] =	vst v63  }
0x22e: {  	_ =	swait.ge [sflag:s26], $0x1000  }
0x22f: {  	[sflag:s26] =	ssyncset.done $0x0  }
0x230: {  	[sflag:s26] =	ssyncadd.s32 $0xFFFFF000  }
0x231: {  	_ =	swait.ge [sflag:s26], $0x1000  }
0x232: {  	[sflag:s26] =	ssyncset.done $0x0  }
0x233: {  	[sflag:s26] =	ssyncadd.s32 $0xFFFFF000  }
0x234: {  	_ =	swait.ge [sflag:s26], $0x1000  }
0x235: {  	[sflag:s26] =	ssyncset.done $0x0  }
0x236: {  	[sflag:s26] =	ssyncadd.s32 $0xFFFFF000  }
0x237: {  	_ =	swait.ge [sflag:s26], $0x1000  }
0x238: {  	[sflag:s26] =	ssyncset.done $0x0  }
0x239: {  	[sflag:s26] =	ssyncadd.s32 $0xFFFFF000  }
0x23a: {  	[tilespmem:s10], [sflag:$0x1] =	stream.indirect.gather [hbm4b:s5+s13], $0x20, s28, s13, $0xb8;
	[tilespmem:$0x1CF00] =	vst v63  }
0x23b: {  	_ = 	snop  }
0x23c: {  	[tilespmem:s14], [sflag:$0x1] =	stream.indirect.gather [hbm4b:s5+s13], $0x20, s29, s13, $0xb8;
	[tilespmem:$0x1CF00] =	vst v63  }
0x23d: {  	_ = 	snop  }
0x23e: {  	[tilespmem:s16], [sflag:$0x1] =	stream.indirect.gather [hbm4b:s5+s13], $0x20, s30, s13, $0xb8;
	[tilespmem:$0x1CF00] =	vst v63  }
0x23f: {  	_ = 	snop  }
0x240: {  	[tilespmem:s18], [sflag:$0x1] =	stream.indirect.gather [hbm4b:s5+s13], $0x20, s31, s13, $0xb8;
	[tilespmem:$0x1CF00] =	vst v63  }
0x241: {  	_ =	swait.ge [sflag:s19], $0x1000  }
0x242: {  	[sflag:s19] =	ssyncset.done $0x0  }
0x243: {  	[sflag:s19] =	ssyncadd.s32 $0xFFFFF000  }
0x244: {  	_ =	swait.ge [sflag:s19], $0x1000  }
0x245: {  	[sflag:s19] =	ssyncset.done $0x0  }
0x246: {  	[sflag:s19] =	ssyncadd.s32 $0xFFFFF000  }
0x247: {  	_ =	swait.ge [sflag:s19], $0x1000  }
0x248: {  	[sflag:s19] =	ssyncset.done $0x0  }
0x249: {  	[sflag:s19] =	ssyncadd.s32 $0xFFFFF000  }
0x24a: {  	_ =	swait.ge [sflag:s19], $0x1000  }
0x24b: {  	[sflag:s19] =	ssyncset.done $0x0  }
0x24c: {  	[sflag:s19] =	ssyncadd.s32 $0xFFFFF000  }
0x24d: {  	[spmem:s2] =	stream.indirect.scatter.add.f32 [tilespmem:s10], [sflag:$0x2], $0x20, s0, s13, $0xb8;
	[tilespmem:$0x1CF00] =	vst v63  }
0x24e: {  	_ = 	snop  }
0x24f: {  	[spmem:s2] =	stream.indirect.scatter.add.f32 [tilespmem:s14], [sflag:$0x2], $0x20, s8, s13, $0xb8;
	[tilespmem:$0x1CF00] =	vst v63  }
0x250: {  	_ = 	snop  }
0x251: {  	[spmem:s2] =	stream.indirect.scatter.add.f32 [tilespmem:s16], [sflag:$0x2], $0x20, s22, s13, $0xb8;
	[tilespmem:$0x1CF00] =	vst v63  }
0x252: {  	_ = 	snop  }
0x253: {  	[spmem:s2] =	stream.indirect.scatter.add.f32 [tilespmem:s18], [sflag:$0x2], $0x20, s1, s13, $0xb8;
	[tilespmem:$0x1CF00] =	vst v63  }
0x254: {  	_ =	swait.ge [sflag:s26], $0x1000  }
0x255: {  	[sflag:s26] =	ssyncset.done $0x0  }
0x256: {  	[sflag:s26] =	ssyncadd.s32 $0xFFFFF000  }
0x257: {  	_ =	swait.ge [sflag:s26], $0x1000  }
0x258: {  	[sflag:s26] =	ssyncset.done $0x0  }
0x259: {  	[sflag:s26] =	ssyncadd.s32 $0xFFFFF000  }
0x25a: {  	_ =	swait.ge [sflag:s26], $0x1000  }
0x25b: {  	[sflag:s26] =	ssyncset.done $0x0  }
0x25c: {  	[sflag:s26] =	ssyncadd.s32 $0xFFFFF000  }
0x25d: {  	_ =	swait.ge [sflag:s26], $0x1000  }
0x25e: {  	s7 =	simm.s32 $0x100;
	s9 =	simm.s32 $0x80;
	[sflag:s26] =	ssyncset.done $0x0  }
.LBB2_14:
0x25f: {  	s15 =	sadd.s32 s9, s24  }
0x260: {  	[sflag:s26] =	ssyncadd.s32 $0xFFFFF000;
	s17 =	smov.u32 s7;
	s6 =	sadd.s32 $0x80, s7  }
0x261: {  	[tilespmem:s3], [sflag:$0x3] =	stream.linear.gather [hbm4b:s15+s3], $0x400, $0x38;
	[tilespmem:$0x1CF00] =	vst v63  }
0x262: {  	s15 =	simm.s32 $0x180  }
0x263: {  	p1 =	sne.s32 s7, $0x1800;
	_ =	swait.ge [sflag:s11], $0x400  }
0x264: {  	s7 =	sadd.s32 s9, s23;
	[sflag:s11] =	ssyncset.done $0x0  }
0x265: {  	s9 =	smov.u32 s17;
	s17 =	simm.s32 $0x100;
	[sflag:s11] =	ssyncadd.s32 $0xFFFFFC00  }
0x266: {  	[tilespmem:s12], [sflag:$0x3] =	stream.linear.gather [hbm4b:s7+s3], $0x400, $0x38;
	[tilespmem:$0x1CF00] =	vst v63  }
0x267: {  	_ =	swait.ge [sflag:s11], $0x400  }
0x268: {  	[sflag:s11] =	ssyncset.done $0x0  }
0x269: {  	[sflag:s11] =	ssyncadd.s32 $0xFFFFFC00  }
0x26a: {  	[tilespmem:s10], [sflag:$0x1] =	stream.indirect.gather [hbm4b:s5+s13], $0x20, s3, s13, $0xb8;
	[tilespmem:$0x1CF00] =	vst v63  }
0x26b: {  	_ = 	snop  }
0x26c: {  	[tilespmem:s14], [sflag:$0x1] =	stream.indirect.gather [hbm4b:s5+s13], $0x20, s13, s13, $0xb8;
	[tilespmem:$0x1CF00] =	vst v63  }
0x26d: {  	_ = 	snop  }
0x26e: {  	[tilespmem:s16], [sflag:$0x1] =	stream.indirect.gather [hbm4b:s5+s13], $0x20, s17, s13, $0xb8;
	[tilespmem:$0x1CF00] =	vst v63  }
0x26f: {  	_ = 	snop  }
0x270: {  	[tilespmem:s18], [sflag:$0x1] =	stream.indirect.gather [hbm4b:s5+s13], $0x20, s15, s13, $0xb8;
	[tilespmem:$0x1CF00] =	vst v63  }
0x271: {  	_ =	swait.ge [sflag:s19], $0x1000  }
0x272: {  	[sflag:s19] =	ssyncset.done $0x0  }
0x273: {  	[sflag:s19] =	ssyncadd.s32 $0xFFFFF000  }
0x274: {  	_ =	swait.ge [sflag:s19], $0x1000  }
0x275: {  	[sflag:s19] =	ssyncset.done $0x0  }
0x276: {  	[sflag:s19] =	ssyncadd.s32 $0xFFFFF000  }
0x277: {  	_ =	swait.ge [sflag:s19], $0x1000  }
0x278: {  	[sflag:s19] =	ssyncset.done $0x0  }
0x279: {  	[sflag:s19] =	ssyncadd.s32 $0xFFFFF000  }
0x27a: {  	_ =	swait.ge [sflag:s19], $0x1000  }
0x27b: {  	[sflag:s19] =	ssyncset.done $0x0  }
0x27c: {  	[sflag:s19] =	ssyncadd.s32 $0xFFFFF000  }
0x27d: {  	[spmem:s2] =	stream.indirect.scatter.add.f32 [tilespmem:s10], [sflag:$0x2], $0x20, s12, s13, $0xb8;
	[tilespmem:$0x1CF00] =	vst v63  }
0x27e: {  	_ = 	snop  }
0x27f: {  	[spmem:s2] =	stream.indirect.scatter.add.f32 [tilespmem:s14], [sflag:$0x2], $0x20, s20, s13, $0xb8;
	[tilespmem:$0x1CF00] =	vst v63  }
0x280: {  	_ = 	snop  }
0x281: {  	[spmem:s2] =	stream.indirect.scatter.add.f32 [tilespmem:s16], [sflag:$0x2], $0x20, s21, s13, $0xb8;
	[tilespmem:$0x1CF00] =	vst v63  }
0x282: {  	_ = 	snop  }
0x283: {  	[spmem:s2] =	stream.indirect.scatter.add.f32 [tilespmem:s18], [sflag:$0x2], $0x20, s25, s13, $0xb8;
	[tilespmem:$0x1CF00] =	vst v63  }
0x284: {  	_ =	swait.ge [sflag:s26], $0x1000  }
0x285: {  	[sflag:s26] =	ssyncset.done $0x0  }
0x286: {  	[sflag:s26] =	ssyncadd.s32 $0xFFFFF000  }
0x287: {  	_ =	swait.ge [sflag:s26], $0x1000  }
0x288: {  	[sflag:s26] =	ssyncset.done $0x0  }
0x289: {  	[sflag:s26] =	ssyncadd.s32 $0xFFFFF000  }
0x28a: {  	_ =	swait.ge [sflag:s26], $0x1000  }
0x28b: {  	[sflag:s26] =	ssyncset.done $0x0  }
0x28c: {  	[sflag:s26] =	ssyncadd.s32 $0xFFFFF000  }
0x28d: {  	_ =	swait.ge [sflag:s26], $0x1000  }
0x28e: {  	[sflag:s26] =	ssyncset.done $0x0  }
0x28f: {  	[sflag:s26] =	ssyncadd.s32 $0xFFFFF000  }
0x290: {  	[tilespmem:s10], [sflag:$0x1] =	stream.indirect.gather [hbm4b:s5+s13], $0x20, s28, s13, $0xb8;
	[tilespmem:$0x1CF00] =	vst v63  }
0x291: {  	_ = 	snop  }
0x292: {  	[tilespmem:s14], [sflag:$0x1] =	stream.indirect.gather [hbm4b:s5+s13], $0x20, s29, s13, $0xb8;
	[tilespmem:$0x1CF00] =	vst v63  }
0x293: {  	_ = 	snop  }
0x294: {  	[tilespmem:s16], [sflag:$0x1] =	stream.indirect.gather [hbm4b:s5+s13], $0x20, s30, s13, $0xb8;
	[tilespmem:$0x1CF00] =	vst v63  }
0x295: {  	_ = 	snop  }
0x296: {  	[tilespmem:s18], [sflag:$0x1] =	stream.indirect.gather [hbm4b:s5+s13], $0x20, s31, s13, $0xb8;
	[tilespmem:$0x1CF00] =	vst v63  }
0x297: {  	_ =	swait.ge [sflag:s19], $0x1000  }
0x298: {  	[sflag:s19] =	ssyncset.done $0x0  }
0x299: {  	[sflag:s19] =	ssyncadd.s32 $0xFFFFF000  }
0x29a: {  	_ =	swait.ge [sflag:s19], $0x1000  }
0x29b: {  	[sflag:s19] =	ssyncset.done $0x0  }
0x29c: {  	[sflag:s19] =	ssyncadd.s32 $0xFFFFF000  }
0x29d: {  	_ =	swait.ge [sflag:s19], $0x1000  }
0x29e: {  	[sflag:s19] =	ssyncset.done $0x0  }
0x29f: {  	[sflag:s19] =	ssyncadd.s32 $0xFFFFF000  }
0x2a0: {  	_ =	swait.ge [sflag:s19], $0x1000  }
0x2a1: {  	[sflag:s19] =	ssyncset.done $0x0  }
0x2a2: {  	[sflag:s19] =	ssyncadd.s32 $0xFFFFF000  }
0x2a3: {  	[spmem:s2] =	stream.indirect.scatter.add.f32 [tilespmem:s10], [sflag:$0x2], $0x20, s0, s13, $0xb8;
	[tilespmem:$0x1CF00] =	vst v63  }
0x2a4: {  	_ = 	snop  }
0x2a5: {  	[spmem:s2] =	stream.indirect.scatter.add.f32 [tilespmem:s14], [sflag:$0x2], $0x20, s8, s13, $0xb8;
	[tilespmem:$0x1CF00] =	vst v63  }
0x2a6: {  	_ = 	snop  }
0x2a7: {  	[spmem:s2] =	stream.indirect.scatter.add.f32 [tilespmem:s16], [sflag:$0x2], $0x20, s22, s13, $0xb8;
	[tilespmem:$0x1CF00] =	vst v63  }
0x2a8: {  	_ = 	snop  }
0x2a9: {  	[spmem:s2] =	stream.indirect.scatter.add.f32 [tilespmem:s18], [sflag:$0x2], $0x20, s1, s13, $0xb8;
	[tilespmem:$0x1CF00] =	vst v63  }
0x2aa: {  	_ =	swait.ge [sflag:s26], $0x1000  }
0x2ab: {  	[sflag:s26] =	ssyncset.done $0x0  }
0x2ac: {  	[sflag:s26] =	ssyncadd.s32 $0xFFFFF000  }
0x2ad: {  	_ =	swait.ge [sflag:s26], $0x1000  }
0x2ae: {  	[sflag:s26] =	ssyncset.done $0x0  }
0x2af: {  	[sflag:s26] =	ssyncadd.s32 $0xFFFFF000  }
.Ltmp9:
0x2b0: {  	_ =	swait.ge [sflag:s26], $0x1000;
	(pc) =	sbr.rel @p1 .LBB2_14-.Ltmp9, $4  }
0x2b1: {  	[sflag:s26] =	ssyncset.done $0x0  }
0x2b2: {  	[sflag:s26] =	ssyncadd.s32 $0xFFFFF000  }
0x2b3: {  	_ =	swait.ge [sflag:s26], $0x1000  }
0x2b4: {  	s7 =	smov.u32 s6;
	[sflag:s26] =	ssyncset.done $0x0  }
.Ltmp10:
0x2b5: {  	_ = 	snop;
	(pc) =	sbr.rel .LBB2_15-.Ltmp10, $1  }
0x2b6: {  	_ =	sdelay $0x3  }
.LBB2_17:
0x2b7: {  	_ =	sfence.sel $0x180000  }
0x2b8: {  	[bflag:$0x0] =	sbarrier.arrive $0xFFFF  }
0x2b9: {  	_ =	strace $0x9000004D  }
0x2ba: {  	s0 =	stileid.u32;
	[bflag:$0x2] =	sbarrier.arrive $0xFFFF  }
0x2bb: {  	p0 =	sne.s32 s0, $0x0;
	s0 =	rddreg [dreg:$0x2]  }
0x2bc: {  	s0 =	sadd.s32 @!p0 $0x100000, s0  }
0x2bd: {  	[sflag:s0] =	ssyncadd.tile.s32 @!p0 $0x1;
	_ =	shalt  }
.Lfunc_end2:
_tile_overlayer_lowered:
.L_overlay_start_2:
0x2be: {  	(tag) =	ssettag $0x2  }
0x2bf: {  	s0 =	rddreg [dreg:$0x0];
	s2 =	stileid.u32  }
0x2c0: {  	s1 =	rddreg [dreg:$0x1];
	p0 =	sne.s32 s2, $0x0  }
0x2c1: {  	s3 =	rddreg [dreg:$0x2];
	[bflag:$0x3] =	sbarrier.arrive $0xFFFF;
	s2 =	simm.s32 @!p0 $0x1C03  }
0x2c2: {  	[timem:s3], [sflag:s2] =	dma.local @!p0 [hbm:s0], s1  }
0x2c3: {  	s0 =	simm.s32 @!p0 $0x3  }
0x2c4: {  	_ =	swait.ge @!p0 [sflag:s0], s1  }
0x2c5: {  	s1 =	ssub.s32 @!p0 $0x0, s1;
	[sflag:s0] =	ssyncset.done @!p0 $0x0  }
0x2c6: {  	[sflag:s0] =	ssyncadd.s32 @!p0 s1  }
0x2c7: {  	[bflag:$0x3] =	sbarrier.arrive $0xFFFF  }
0x2c8: {  	_ =	shalt  }

// kernel: kernel.8.cloned.1.call-start
scs
__scs_entry_jumppad:
0x0: {  	(pc) =	sbr.rel $0x88, $3  }
0x1: {  	(tag) =	ssettag $0x0;
	lr =	simm.s32 $0x1  }
0x2: {  	[smem:$0x3F8E] =	sst lr;
	_ =	strace $0xD0000000  }
0x3: {  	_ = 	snop  }
0x4: {  	_ = 	snop  }
0x5: {  	_ = 	snop  }
0x6: {  	_ = 	snop  }
0x7: {  	_ = 	snop  }
__scs_overlays_trampoline_lowered:
0x8: {  	[smem:$0x3F9D] =	sst s0  }
0x9: {  	[smem:$0x3F9E] =	sst s1  }
0xa: {  	[smem:$0x3F9F] =	sst s2  }
0xb: {  	[smem:$0x3FA0] =	sst s3  }
0xc: {  	[smem:$0x3FA1] =	sst s4  }
0xd: {  	[smem:$0x3FA2] =	sst s5  }
0xe: {  	[smem:$0x3FA3] =	sst s6  }
0xf: {  	[smem:$0x3FA4] =	sst s7  }
0x10: {  	[smem:$0x3FA5] =	sst s8  }
0x11: {  	[smem:$0x3FA6] =	sst s9;
	s0 =	simm.s32 @!p0 $0x0  }
0x12: {  	s1 =	sld [smem:$0x3F8C];
	s0 =	simm.s32 @p0 $0x1  }
0x13: {  	[smem:$0x3FA7] =	sst s0;
	s0 =	simm.s32 @!p1 $0x0  }
0x14: {  	s2 =	sld [smem:$0x3F8B];
	s0 =	simm.s32 @p1 $0x1  }
0x15: {  	[smem:$0x3FA8] =	sst s0;
	s0 =	simm.s32 @!p2 $0x0  }
0x16: {  	s3 =	sld [smem:$0x3FDB];
	s0 =	simm.s32 @p2 $0x1  }
0x17: {  	s4 =	simm.s32 $0x1BF5;
	[smem:$0x3FAA] =	sst s0  }
0x18: {  	s0 =	sld [smem:$0x3F8D];
	_ =	swait.ge [sflag:s4], $0x0  }
0x19: {  	s7 =	sld [smem:$0x3F8E]  }
0x1a: {  	s8 =	sadd.s32 $0xFFFFE003, lr  }
0x1b: {  	s9 =	sadd.s32 $0xFFFFFEF7, lr;
	s5 =	simm.s32 $0xFFFFFFFF;
	p2 =	slt.u32 s8, $0xFFFFF086  }
0x1c: {  	p1 =	slt.u32 s9, $0xF7A;
	s5 =	simm.s32 @!p2 $0x0  }
0x1d: {  	s5 =	simm.s32 @p1 $0x1;
	p0 =	seq.s32 s7, s2  }
0x1e: {  	s7 =	smul.u32 @!p0 $0xF7A, s2;
	p2 =	seq.s32 @!p0 s5, $0x0  }
0x1f: {  	s9 =	smul.u32 $0xF7A, s1;
	s8 =	simm.s32 @!p0 $0x1BF5;
	p2 =	por !p2, p0  }
0x20: {  	[sflag:s8] =	ssyncset.s32 @!p0 $0xFFFFF086;
	s6 =	sadd.s32 @!p0 s3, s7;
	s7 =	simm.s32 @!p0 $0x108  }
0x21: {  	s3 =	sadd.s32 s3, s9;
	s6 =	sadd.s32 @!p0 $0x88, s6;
	s7 =	simm.s32 @p2 $0x1082  }
0x22: {  	[simem:s7], [sflag:s8] =	dma.local @!p0 [hbm:s6], $0xF7A  }
0x23: {  	s9 =	sor.u32 $0xD0000000, s2;
	s6 =	simm.s32 $0x108;
	_ =	swait.ge @!p0 [sflag:s8], $0x0  }
0x24: {  	s3 =	sadd.s32 $0x88, s3;
	s6 =	simm.s32 @!p1 $0x1082;
	[sflag:s4] =	ssyncset.s32 $0xFFFFF086  }
0x25: {  	[simem:s6], [sflag:s4] =	dma.local [hbm:s3], $0xF7A  }
0x26: {  	[smem:$0x3F8E] =	sst s1;
	(tag) =	ssettag s2;
	_ =	strace s9  }
0x27: {  	s1 =	sld [smem:$0x3F9E]  }
0x28: {  	s2 =	sld [smem:$0x3F9F]  }
0x29: {  	s4 =	sld [smem:$0x3FA1]  }
0x2a: {  	p0 =	seq.s32 s5, $0x0;
	s5 =	sld [smem:$0x3FA2]  }
0x2b: {  	s6 =	sld [smem:$0x3FA3]  }
0x2c: {  	s7 =	sld [smem:$0x3FA4]  }
0x2d: {  	s3 =	simm.s32 $0x108;
	s8 =	sld [smem:$0x3FA5]  }
0x2e: {  	s3 =	simm.s32 @!p0 $0x1082;
	s9 =	sld [smem:$0x3FA6]  }
0x2f: {  	lr =	sadd.s32 s0, s3;
	s0 =	sld [smem:$0x3F9D]  }
0x30: {  	s3 =	sld [smem:$0x3FA0]  }
0x31: {  	[smem:$0x3FA9] =	sst s10  }
0x32: {  	s10 =	sld [smem:$0x3FA7];
	_ =	sdelay $0x3  }
0x33: {  	p0 =	seq.s32 s10, $0x1;
	s10 =	sld [smem:$0x3FA9];
	_ =	sdelay $0x3  }
0x34: {  	[smem:$0x3FA9] =	sst s10  }
0x35: {  	s10 =	sld [smem:$0x3FA8];
	_ =	sdelay $0x3  }
0x36: {  	p1 =	seq.s32 s10, $0x1;
	s10 =	sld [smem:$0x3FA9];
	_ =	sdelay $0x3  }
0x37: {  	[smem:$0x3FA9] =	sst s10  }
0x38: {  	s10 =	sld [smem:$0x3FAA]  }
0x39: {  	_ = 	snop;
	(pc) =	sbr.ind lr, $3  }
0x3a: {  	_ = 	snop  }
0x3b: {  	_ = 	snop  }
0x3c: {  	p2 =	seq.s32 s10, $0x1;
	s10 =	sld [smem:$0x3FA9]  }
0x3d: {  	_ =	shalt  }
0x3e: {  	_ =	shalt  }
0x3f: {  	_ =	shalt  }
0x40: {  	_ =	shalt  }
0x41: {  	_ =	shalt  }
0x42: {  	_ =	shalt  }
0x43: {  	_ =	shalt  }
0x44: {  	_ =	shalt  }
0x45: {  	_ =	shalt  }
0x46: {  	_ =	shalt  }
0x47: {  	_ =	shalt  }
0x48: {  	_ =	shalt  }
0x49: {  	_ =	shalt  }
0x4a: {  	_ =	shalt  }
0x4b: {  	_ =	shalt  }
0x4c: {  	_ =	shalt  }
0x4d: {  	_ =	shalt  }
0x4e: {  	_ =	shalt  }
0x4f: {  	_ =	shalt  }
0x50: {  	_ =	shalt  }
0x51: {  	_ =	shalt  }
0x52: {  	_ =	shalt  }
0x53: {  	_ =	shalt  }
0x54: {  	_ =	shalt  }
0x55: {  	_ =	shalt  }
0x56: {  	_ =	shalt  }
0x57: {  	_ =	shalt  }
0x58: {  	_ =	shalt  }
0x59: {  	_ =	shalt  }
0x5a: {  	_ =	shalt  }
0x5b: {  	_ =	shalt  }
0x5c: {  	_ =	shalt  }
0x5d: {  	_ =	shalt  }
0x5e: {  	_ =	shalt  }
0x5f: {  	_ =	shalt  }
0x60: {  	_ =	shalt  }
0x61: {  	_ =	shalt  }
0x62: {  	_ =	shalt  }
0x63: {  	_ =	shalt  }
0x64: {  	_ =	shalt  }
0x65: {  	_ =	shalt  }
0x66: {  	_ =	shalt  }
0x67: {  	_ =	shalt  }
0x68: {  	_ =	shalt  }
0x69: {  	_ =	shalt  }
0x6a: {  	_ =	shalt  }
0x6b: {  	_ =	shalt  }
0x6c: {  	_ =	shalt  }
0x6d: {  	_ =	shalt  }
0x6e: {  	_ =	shalt  }
0x6f: {  	_ =	shalt  }
0x70: {  	_ =	shalt  }
0x71: {  	_ =	shalt  }
0x72: {  	_ =	shalt  }
0x73: {  	_ =	shalt  }
0x74: {  	_ =	shalt  }
0x75: {  	_ =	shalt  }
0x76: {  	_ =	shalt  }
0x77: {  	_ =	shalt  }
0x78: {  	_ =	shalt  }
0x79: {  	_ =	shalt  }
0x7a: {  	_ =	shalt  }
0x7b: {  	_ =	shalt  }
0x7c: {  	_ =	shalt  }
0x7d: {  	_ =	shalt  }
0x7e: {  	_ =	shalt  }
0x7f: {  	_ =	shalt  }
0x80: {  	_ =	shalt  }
0x81: {  	_ =	shalt  }
0x82: {  	_ =	shalt  }
0x83: {  	_ =	shalt  }
0x84: {  	_ =	shalt  }
0x85: {  	_ =	shalt  }
0x86: {  	_ =	shalt  }
0x87: {  	_ =	shalt  }
.Lfunc_end0:
.L_simem_size_0:
called_computation_lowered:
.L_overlay_start_0:
0x88: {  	s2 =	sld [smem:$0x3FD9]  }
0x89: {  	s3 =	sld [smem:$0x3FFE];
	_ =	sdelay $0x1  }
0x8a: {  	s1 =	srdreg.scid  }
0x8b: {  	s0 =	sand.u32 $0x1, s1  }
0x8c: {  	s14 =	sshll.u32 s0, $0xA;
	s2 =	sadd.s32 s3, s2  }
0x8d: {  	s2 =	sadd.s32 s2, s14  }
0x8e: {  	[smem:$0x3FB5] =	sst s2  }
0x8f: {  	_ = 	snop  }
0x90: {  	s2 =	sld [smem:$0x3FD0];
	_ =	sdelay $0x2  }
0x91: {  	s15 =	simm.s32 $0xA;
	s4 =	simm.s32 $0x10  }
0x92: {  	[smem:s4], [sflag:s15] =	dma.local [hbm:s2], $0x1  }
0x93: {  	_ =	swait.eq [sflag:s15], $0x1  }
0x94: {  	[sflag:s15] =	ssyncset.done $0x0  }
0x95: {  	[sflag:s15] =	ssyncadd.s32 $0xFFFFFFFF  }
0x96: {  	s16 =	sld [smem:$0x12];
	(tm) =	ssettm $0x1  }
0x97: {  	s17 =	sld [smem:$0x3FFB];
	_ =	sdelay $0x3  }
0x98: {  	_ =	strace s17  }
0x99: {  	s3 =	sld [smem:$0x3FFC];
	_ =	sdelay $0x3  }
0x9a: {  	_ =	strace s3  }
0x9b: {  	s3 =	sld [smem:$0x3FFD];
	_ =	sdelay $0x3  }
0x9c: {  	_ =	strace s3  }
0x9d: {  	_ =	strace $0x8FFFFFFF  }
0x9e: {  	s18 =	sld [smem:$0x3FDB];
	_ =	sdelay $0x1  }
0x9f: {  	s19 =	simm.s32 $_scs_section_size  }
0xa0: {  	s5 =	simm.s32 $_size__tile_overlayer_lowered;
	s6 =	simm.s32 $_tile_overlayer_lowered  }
0xa1: {  	s22 =	simm.s32 $0x1BFF;
	s21 =	sshll.u32 s6, $0x1;
	s3 =	sadd.s32 s19, s18  }
0xa2: {  	s7 =	simm.s32 $0x0;
	s20 =	sshll.u32 s5, $0x1;
	s5 =	sadd.s32 s21, s3  }
0xa3: {  	[timem:s7], [sflag:s22] =	dma.local [hbm:s5], s20  }
0xa4: {  	_ =	swait.ge [sflag:s22], s20  }
0xa5: {  	s4 =	ssub.s32 $0x0, s20;
	[sflag:s22] =	ssyncset.done $0x0  }
0xa6: {  	[sflag:s22] =	ssyncadd.s32 s4;
	_ =	sdelay $0x1  }
0xa7: {  	s23 =	simm.s32 $0x1B8B  }
0xa8: {  	_ =	swait.ge [sflag:s23], $0x1  }
0xa9: {  	[sflag:s23] =	ssyncset.done $0x0  }
0xaa: {  	s25 =	simm.s32 $0x1B8E;
	s24 =	sld [smem:$0x3FFE];
	[sflag:s23] =	ssyncadd.s32 $0xFFFFFFFF  }
0xab: {  	s26 =	simm.s32 $execute0_lowered;
	[smem:$0x3FD2] =	sst s25  }
0xac: {  	s5 =	sshll.u32 s26, $0x1;
	_ =	strace $0x80000046;
	[dreg:$0x1] =	wrdreg $0xFFFFFFFF  }
0xad: {  	s28 =	simm.s32 $_size_execute0_lowered;
	s3 =	sadd.s32 s3, s5;
	[dreg:$0x0] =	wrdreg $0x0  }
0xae: {  	s5 =	sshll.u32 s28, $0x1;
	[dreg:$0x2] =	wrdreg s3  }
0xaf: {  	[dreg:$0x3] =	wrdreg s5  }
0xb0: {  	[dreg:$0x4] =	wrdreg $0xC0  }
0xb1: {  	_ =	task [dreg:s7], $0x5FFFF  }
0xb2: {  	[dreg:$0x1] =	wrdreg $0xFFFFFFFF  }
0xb3: {  	[dreg:$0x0] =	wrdreg $0x60  }
0xb4: {  	[dreg:$0x2] =	wrdreg s24  }
0xb5: {  	[dreg:$0x3] =	wrdreg s16  }
0xb6: {  	[dreg:$0x4] =	wrdreg $0x9  }
0xb7: {  	_ =	task.clear_ibuf [dreg:s7], $0x5FFFF;
	_ =	strace $0x90000046  }
0xb8: {  	s29 =	simm.s32 $0x9;
	_ =	strace $0x80000048  }
0xb9: {  	_ =	swait.ge [sflag:s29], $0x1  }
0xba: {  	[sflag:s29] =	ssyncadd.s32 $0xFFFFFFFF  }
0xbb: {  	_ =	strace $0x90000048  }
0xbc: {  	_ =	sfence  }
0xbd: {  	s30 =	sld [smem:$0x0];
	_ =	sdelay $0x2  }
0xbe: {  	s31 =	sshll.u32 s1, $0xD;
	s1 =	sshrl.u32 s1, $0x2  }
0xbf: {  	s3 =	sand.u32 $0x4000, s31;
	s1 =	sadd.s32 s1, s30  }
0xc0: {  	s0 =	sor.u32 s3, s0;
	s1 =	sshll.u32 s1, $0x11  }
0xc1: {  	s0 =	sor.u32 s1, s0  }
0xc2: {  	s0 =	sadd.s32 $0x8F2B, s0  }
0xc3: {  	[sflag:s0] =	ssyncadd.remote.s32 $0x1  }
0xc4: {  	_ =	sfence.sel $0xFFFF  }
0xc5: {  	[dreg:$0x0] =	wrdreg $0xFFFFFFFF;
	(pc) =	sbr.abs _section_cstart, $3  }
0xc6: {  	[dreg:$0x1] =	wrdreg $0xFFFFFFFF  }
0xc7: {  	_ =	task.clear_ibuf [dreg:s7], $0x2FFFF;
	_ =	strace $0x9FFFFFFF  }
0xc8: {  	(tm) =	ssettm $0x7FFFFFFF  }
0xc9: {  	_ =	shalt  }
tec
execute0_lowered:
.L_overlay_start_1:
0x0: {  	(tag) =	ssettag $0x1  }
0x1: {  	s0 =	srdreg.scid;
	s7 =	rddreg [dreg:$0x0]  }
0x2: {  	s2 =	rddreg [dreg:$0x1];
	s1 =	stileid.u32;
	s3 =	simm.s32 $0x0  }
0x3: {  	s13 =	simm.s32 $0x1;
	s14 =	simm.s32 $0x18700;
	s8 =	sand.u32 $0x1, s0  }
0x4: {  	s15 =	simm.s32 $0x18F00;
	s16 =	simm.s32 $0xC380;
	s4 =	sshll.u32 s8, $0x4  }
0x5: {  	s17 =	simm.s32 $0x0;
	s0 =	rddreg [dreg:$0x2];
	s6 =	sor.u32 s1, s4  }
0x6: {  	[smem:$0x7FF] =	sst s3;
	s5 =	sadd.s32 $0x3A00, s7;
	s4 =	smul.u32 $0x6200, s6  }
0x7: {  	_ =	strace $0x80000047;
	s8 =	ssub.s32 $0x2, s8;
	s9 =	smul.u32 $0x1870, s6  }
0x8: {  	s30 =	sshrl.u32 s8, $0x1;
	s6 =	sadd.s32 $0x1C200, s7;
	s10 =	sshrl.u32 s4, $0x3  }
0x9: {  	s12 =	ssub.s32 s8, s30;
	s11 =	sadd.s32 s9, s7;
	s31 =	sadd.s32 $0xC00, s10  }
0xa: {  	s9 =	sadd.s32 $0x34A00, s11;
	s10 =	sadd.s32 $0x65800, s11;
	s11 =	smax.u32 s12, $0x1  }
0xb: {  	v0 =	vimm.f32 $0.0e+00;
	v1 =	vimm.f32 $1.000000000e+00;
	s12 =	simm.s32 $0x19700;
	s7 =	sadd.s32 s5, s31;
	s8 =	sadd.s32 s6, s31  }
.LBB2_1:
0xc: {  	[tilespmem:s12], [sflag:$0x1] =	stream.linear.gather [hbm4b:s2+s3], $0x80, $0x38;
	[tilespmem:$0x19780] =	vst v63  }
0xd: {  	_ =	swait.ge [sflag:s13], $0x80  }
0xe: {  	[sflag:s13] =	ssyncset.done $0x0  }
0xf: {  	[sflag:s13] =	ssyncadd.s32 $0xFFFFFF80  }
0x10: {  	s18 =	simm.s32 $0x40;
	s19 =	simm.s32 $0x0;
	v2 =	vld [tilespmem:$0x19700]  }
.LBB2_2:
0x11: {  	p0 =	sne.s32 s18, $0x30DC0;
	[tilespmem:s19+$0x0] =	vst v0;
	s20 =	smov.u32 s18;
	s18 =	sadd.s32 $0x40, s18  }
.Ltmp0:
0x12: {  	[tilespmem:s19+$0xC380] =	vst v0;
	(pc) =	sbr.rel @p0 .LBB2_2-.Ltmp0, $2  }
0x13: {  	_ =	sdelay $0x2  }
0x14: {  	s19 =	sshra.s32 s20, $0x2  }
0x15: {  	[tilespmem:s19+$0x0] =	vst v0  }
0x16: {  	s18 =	simm.s32 $0x0;
	[tilespmem:s19+$0xC380] =	vst v0;
	s19 =	simm.s32 $0x0  }
.LBB2_4:
0x17: {  	s20 =	sshll.u32 s19, $0xB  }
0x18: {  	s20 =	sadd.s32 s4, s20  }
0x19: {  	s20 =	sshrl.u32 s20, $0x3  }
0x1a: {  	s21 =	sadd.s32 s5, s20  }
0x1b: {  	[tilespmem:s14], [sflag:$0x1] =	stream.linear.gather [hbm4b:s21+s18], $0x800, $0x38;
	[tilespmem:$0x19780] =	vst v63  }
0x1c: {  	_ =	swait.ge [sflag:s13], $0x800  }
0x1d: {  	[sflag:s13] =	ssyncset.done $0x0  }
0x1e: {  	s20 =	sadd.s32 s6, s20;
	[sflag:s13] =	ssyncadd.s32 $0xFFFFF800  }
0x1f: {  	[tilespmem:s15], [sflag:$0x1] =	stream.linear.gather [hbm4b:s20+s18], $0x800, $0x38;
	[tilespmem:$0x19780] =	vst v63  }
0x20: {  	_ =	swait.ge [sflag:s13], $0x800  }
0x21: {  	[sflag:s13] =	ssyncset.done $0x0  }
0x22: {  	s21 =	simm.s32 $0x0;
	[sflag:s13] =	ssyncadd.s32 $0xFFFFF800  }
0x23: {  	s20 =	simm.s32 $0x40;
	v3 =	vld [tilespmem:s21+$0x18F00]  }
.LBB2_5:
0x24: {  	p0 =	sne.s32 s20, $0x1FC0;
	v4 =	vld [tilespmem:s21+$0x18700];
	_ =	sdelay $0x4  }
.Ltmp1:
0x25: {  	(pc) =	sbr.rel @p0 .LBB2_5-.Ltmp1, $4  }
0x26: {  	vm0 =	veq.s32 v3, v2  }
0x27: {  	[tilespmem:v3+s3+$0x0] =	vst.idx.add.f32.msk $0xffff, v1;
	v3 =	vsel vm0, $0x3F800000, v0  }
0x28: {  	s21 =	sshra.s32 s20, $0x2;
	[tilespmem:v4+s16+$0x0] =	vst.idx.add.f32.msk $0xffff, v3  }
0x29: {  	s20 =	sadd.s32 $0x40, s20;
	v3 =	vld [tilespmem:s21+$0x18F00]  }
0x2a: {  	_ = 	snop  }
0x2b: {  	v4 =	vld [tilespmem:s21+$0x18700];
	_ =	sdelay $0x1  }
0x2c: {  	s19 =	sadd.s32 $0x1, s19  }
0x2d: {  	p0 =	sne.s32 s19, $0xC  }
.Ltmp2:
0x2e: {  	_ = 	snop;
	(pc) =	sbr.rel @p0 .LBB2_4-.Ltmp2, $4  }
0x2f: {  	_ = 	snop  }
0x30: {  	vm0 =	veq.s32 v3, v2  }
0x31: {  	[tilespmem:v3+s3+$0x0] =	vst.idx.add.f32.msk $0xffff, v1;
	v3 =	vsel vm0, $0x3F800000, v0  }
0x32: {  	[tilespmem:v4+s16+$0x0] =	vst.idx.add.f32.msk $0xffff, v3  }
0x33: {  	s18 =	simm.s32 $0x0  }
0x34: {  	[tilespmem:s14], [sflag:$0x1] =	stream.linear.gather [hbm4b:s7+s18], $0x200, $0x38;
	[tilespmem:$0x19780] =	vst v63  }
0x35: {  	_ =	swait.ge [sflag:s13], $0x200  }
0x36: {  	[sflag:s13] =	ssyncset.done $0x0  }
0x37: {  	[sflag:s13] =	ssyncadd.s32 $0xFFFFFE00  }
0x38: {  	[tilespmem:s15], [sflag:$0x1] =	stream.linear.gather [hbm4b:s8+s18], $0x200, $0x38;
	[tilespmem:$0x19780] =	vst v63  }
0x39: {  	_ =	swait.ge [sflag:s13], $0x200  }
0x3a: {  	[sflag:s13] =	ssyncset.done $0x0  }
0x3b: {  	s19 =	simm.s32 $0x0;
	[sflag:s13] =	ssyncadd.s32 $0xFFFFFE00  }
0x3c: {  	s18 =	simm.s32 $0x40;
	v3 =	vld [tilespmem:s19+$0x18F00]  }
.LBB2_8:
0x3d: {  	p0 =	sne.s32 s18, $0x7C0;
	v4 =	vld [tilespmem:s19+$0x18700];
	_ =	sdelay $0x4  }
.Ltmp3:
0x3e: {  	(pc) =	sbr.rel @p0 .LBB2_8-.Ltmp3, $4  }
0x3f: {  	vm0 =	veq.s32 v3, v2  }
0x40: {  	[tilespmem:v3+s3+$0x0] =	vst.idx.add.f32.msk $0xffff, v1;
	v3 =	vsel vm0, $0x3F800000, v0  }
0x41: {  	s19 =	sshra.s32 s18, $0x2;
	[tilespmem:v4+s16+$0x0] =	vst.idx.add.f32.msk $0xffff, v3  }
0x42: {  	s18 =	sadd.s32 $0x40, s18;
	v3 =	vld [tilespmem:s19+$0x18F00]  }
0x43: {  	_ = 	snop  }
0x44: {  	v4 =	vld [tilespmem:s19+$0x18700];
	_ =	sdelay $0x5  }
0x45: {  	vm0 =	veq.s32 v3, v2  }
0x46: {  	[tilespmem:v3+s3+$0x0] =	vst.idx.add.f32.msk $0xffff, v1;
	v2 =	vsel vm0, $0x3F800000, v0  }
0x47: {  	[tilespmem:v4+s16+$0x0] =	vst.idx.add.f32.msk $0xffff, v2  }
0x48: {  	[hbm4b:s9+s3] =	stream.linear.scatter [tilespmem:s3], [sflag:$0x1], $0xC380, $0x38;
	[tilespmem:$0x19780] =	vst v63  }
0x49: {  	s17 =	sadd.s32 $0x1, s17;
	_ =	swait.ge [sflag:s13], $0xC380  }
0x4a: {  	p0 =	sne.s32 s17, s11;
	[sflag:s13] =	ssyncset.done $0x0  }
.Ltmp4:
0x4b: {  	[sflag:s13] =	ssyncadd.s32 $0xFFFF3C80;
	(pc) =	sbr.rel @p0 .LBB2_1-.Ltmp4, $4  }
0x4c: {  	[hbm4b:s10+s3] =	stream.linear.scatter [tilespmem:s16], [sflag:$0x1], $0xC380, $0x38;
	[tilespmem:$0x19780] =	vst v63  }
0x4d: {  	_ =	swait.ge [sflag:s13], $0xC380  }
0x4e: {  	[sflag:s13] =	ssyncset.done $0x0  }
0x4f: {  	[sflag:s13] =	ssyncadd.s32 $0xFFFF3C80  }
0x50: {  	_ =	sfence.sel $0x180000  }
0x51: {  	[bflag:$0x0] =	sbarrier.arrive $0xFFFF  }
0x52: {  	p0 =	sne.s32 s1, $0x0;
	_ =	strace $0x90000047  }
0x53: {  	s0 =	sadd.s32 @!p0 $0x100000, s0;
	[bflag:$0x2] =	sbarrier.arrive $0xFFFF  }
0x54: {  	[sflag:s0] =	ssyncadd.tile.s32 @!p0 $0x1;
	_ =	shalt  }
.Lfunc_end2:
_tile_overlayer_lowered:
.L_overlay_start_2:
0x55: {  	(tag) =	ssettag $0x2  }
0x56: {  	s0 =	rddreg [dreg:$0x0];
	s2 =	stileid.u32  }
0x57: {  	s1 =	rddreg [dreg:$0x1];
	p0 =	sne.s32 s2, $0x0  }
0x58: {  	s3 =	rddreg [dreg:$0x2];
	[bflag:$0x3] =	sbarrier.arrive $0xFFFF;
	s2 =	simm.s32 @!p0 $0x1C01  }
0x59: {  	[timem:s3], [sflag:s2] =	dma.local @!p0 [hbm:s0], s1  }
0x5a: {  	s0 =	simm.s32 @!p0 $0x1  }
0x5b: {  	_ =	swait.ge @!p0 [sflag:s0], s1  }
0x5c: {  	s1 =	ssub.s32 @!p0 $0x0, s1;
	[sflag:s0] =	ssyncset.done @!p0 $0x0  }
0x5d: {  	[sflag:s0] =	ssyncadd.s32 @!p0 s1  }
0x5e: {  	[bflag:$0x3] =	sbarrier.arrive $0xFFFF  }
0x5f: {  	_ =	shalt  }

</sc_bundles>
